<compile_context>
chip_gen: v7x
topology: tpu7x:2x2x1
jax: 0.10.2.dev20260603
libtpu: 0.0.44.dev20260713+nightly
codegen_flags: <defaults>
</compile_context>

<pallas_src>
import functools

import jax
import jax.numpy as jnp
from jax import lax
from jax.experimental import pallas as pl
from jax.experimental.pallas import tpu as pltpu
from jax.experimental.pallas import tpu_sc as plsc

N = 10000
E = 320000
F_IN = 128
H = 256
G = 64
C_OUT = 2
BN_EPS = 1e-5

NBLK = 5
BLK = N // NBLK
K_EDGE = 80
RING = 4
NTILES = 16
N_PAD = 10240
ROWS_PER_TILE = N_PAD // NTILES
HALF = H // 2



def _sc_edge_loop(feat_hbm, eidx_hbm, idxv, rows, acc, isems, gsems, ssems,
                  nchunks):

    def i_start(s, ch):
        pltpu.async_copy(eidx_hbm.at[ch], idxv.at[s], isems[s])

    def i_wait(s):
        pltpu.make_async_copy(eidx_hbm.at[0], idxv.at[s], isems[s]).wait()

    def g_start(s):
        pltpu.async_copy(feat_hbm.at[idxv.at[s, 0]], rows.at[s], gsems[s])

    def g_wait(s):
        pltpu.make_async_copy(feat_hbm.at[idxv.at[0, 0]], rows.at[s],
                              gsems[s]).wait()

    def s_start(s):
        pltpu.async_copy(rows.at[s], acc.at[idxv.at[s, 1]], ssems[s], add=True)

    def s_wait(s):
        pltpu.make_async_copy(rows.at[s], acc.at[idxv.at[0, 1]],
                              ssems[s]).wait()

    def refill(s, c):
        @pl.when(c < nchunks)
        def _():
            i_start(s, c)
            i_wait(s)
            g_start(s)

    assert nchunks >= RING + 1
    for s in range(RING):
        i_start(s, s)
    for s in range(RING):
        i_wait(s)
        g_start(s)

    def body(i, carry):
        ch = RING * i
        for s in range(RING):
            g_wait(s)
            s_start(s)
        for s in range(RING):
            s_wait(s)
            refill(s, ch + RING + s)
        return carry

    lax.fori_loop(0, nchunks // RING, body, 0)
    rem = nchunks % RING
    for s in range(rem):
        g_wait(s)
        s_start(s)
    for s in range(rem):
        s_wait(s)


def _agg_l1(x, eidx4, zrows):
    nchunks = eidx4.shape[1]
    mesh = plsc.VectorSubcoreMesh(core_axis_name="c", subcore_axis_name="s")

    @functools.partial(
        pl.kernel,
        out_type=jax.ShapeDtypeStruct((2, N_PAD, F_IN), jnp.float32),
        mesh=mesh,
        scratch_types=[
            pltpu.VMEM((RING, 2, K_EDGE), jnp.int32),
            pltpu.VMEM((RING, K_EDGE, F_IN), jnp.float32),
            pltpu.VMEM_SHARED((N_PAD, F_IN), jnp.float32),
        ] + [pltpu.SemaphoreType.DMA] * (3 * RING),
    )
    def k(x_hbm, eidx_hbm, z_hbm, out_hbm, idxv, rows, acc, *sems):
        cid = lax.axis_index("c")
        sid = lax.axis_index("s")
        w = cid * NTILES + sid
        pltpu.sync_copy(z_hbm, acc.at[pl.ds(sid * ROWS_PER_TILE, ROWS_PER_TILE)])
        plsc.subcore_barrier()
        _sc_edge_loop(x_hbm, eidx_hbm.at[w], idxv, rows, acc,
                      sems[0:RING], sems[RING:2 * RING], sems[2 * RING:3 * RING], nchunks)
        plsc.subcore_barrier()
        pltpu.sync_copy(
            acc.at[pl.ds(sid * ROWS_PER_TILE, ROWS_PER_TILE)],
            out_hbm.at[cid, pl.ds(sid * ROWS_PER_TILE, ROWS_PER_TILE)])

    return k(x, eidx4, zrows)


def _agg_l23(h, eidx4, zrows):
    nchunks = eidx4.shape[1]
    mesh = plsc.VectorSubcoreMesh(core_axis_name="c", subcore_axis_name="s")

    @functools.partial(
        pl.kernel,
        out_type=jax.ShapeDtypeStruct((2, N_PAD, HALF), jnp.float32),
        mesh=mesh,
        scratch_types=[
            pltpu.VMEM((RING, 2, K_EDGE), jnp.int32),
            pltpu.VMEM((RING, K_EDGE, HALF), jnp.float32),
            pltpu.VMEM_SHARED((N_PAD, HALF), jnp.float32),
        ] + [pltpu.SemaphoreType.DMA] * (3 * RING),
    )
    def k(h_hbm, eidx_hbm, z_hbm, out_hbm, idxv, rows, acc, *sems):
        cid = lax.axis_index("c")
        sid = lax.axis_index("s")
        pltpu.sync_copy(z_hbm, acc.at[pl.ds(sid * ROWS_PER_TILE, ROWS_PER_TILE)])
        plsc.subcore_barrier()
        _sc_edge_loop(h_hbm.at[cid], eidx_hbm.at[sid], idxv, rows, acc,
                      sems[0:RING], sems[RING:2 * RING], sems[2 * RING:3 * RING], nchunks)
        plsc.subcore_barrier()
        pltpu.sync_copy(
            acc.at[pl.ds(sid * ROWS_PER_TILE, ROWS_PER_TILE)],
            out_hbm.at[cid, pl.ds(sid * ROWS_PER_TILE, ROWS_PER_TILE)])

    return k(h, eidx4, zrows)


def _pad_tables(edge_index, nworkers):
    per_worker = E // nworkers
    per_padded = -(-per_worker // K_EDGE) * K_EDGE
    npad = per_padded - per_worker
    e3 = edge_index.reshape(2, nworkers, per_worker)
    if npad:
        pad_dst = N + 16 + (jnp.arange(npad, dtype=jnp.int32) % (N_PAD - N - 64))
        pad = jnp.stack([
            jnp.zeros((npad,), jnp.int32),
            pad_dst,
        ])[:, None, :].repeat(nworkers, axis=1)
        cat = jnp.concatenate([e3, pad], axis=2)
    else:
        cat = e3
    return cat.reshape(2, nworkers, per_padded // K_EDGE,
                       K_EDGE).transpose(1, 2, 0, 3)



def _gin_phase1(y, su_ref, sq_ref, gm_ref, bt_ref, w2_ref, b2_ref, bat_ref,
                h_ref, p_ref, i):
    mu = su_ref[...] * (1.0 / N)
    var = sq_ref[...] * (1.0 / N) - mu * mu
    inv = lax.rsqrt(var + BN_EPS)
    scale = gm_ref[...] * inv
    shift = bt_ref[...] - mu * scale
    z = jnp.maximum(y * scale + shift, 0.0)
    h = jnp.maximum(
        jnp.dot(z, w2_ref[...], preferred_element_type=jnp.float32) + b2_ref[...],
        0.0)
    h_ref[0] = h[:, :HALF]
    h_ref[1] = h[:, HALF:]

    bat = bat_ref[0]
    gids = lax.broadcasted_iota(jnp.int32, (G, BLK), 0)
    oh = jnp.where(gids == bat, 1.0, 0.0)

    @pl.when(i == 0)
    def _():
        p_ref[...] = jnp.zeros_like(p_ref)

    p_ref[0] += jnp.dot(oh, h[:, :HALF], preferred_element_type=jnp.float32)
    p_ref[1] += jnp.dot(oh, h[:, HALF:], preferred_element_type=jnp.float32)


def _accum_stats(y, su_ref, sq_ref, i):
    @pl.when(i == 0)
    def _():
        su_ref[...] = jnp.zeros_like(su_ref)
        sq_ref[...] = jnp.zeros_like(sq_ref)

    su_ref[...] += jnp.sum(y, axis=0, keepdims=True)
    sq_ref[...] += jnp.sum(y * y, axis=0, keepdims=True)


def _gin_l1_body(x_ref, aa_ref, ab_ref, w_ref, b_ref, gm_ref, bt_ref, w2_ref,
                 b2_ref, bat_ref, h_ref, p_ref, y_scr, su_ref, sq_ref):
    p = pl.program_id(0)
    i = pl.program_id(1)

    @pl.when(p == 0)
    def _():
        xin = x_ref[...] + aa_ref[0] + ab_ref[0]
        y = (jnp.dot(xin, w_ref[...], preferred_element_type=jnp.float32)
             + b_ref[...])
        y_scr[pl.ds(i * BLK, BLK), :] = y
        _accum_stats(y, su_ref, sq_ref, i)

    @pl.when(p == 1)
    def _():
        _gin_phase1(y_scr[pl.ds(i * BLK, BLK), :], su_ref, sq_ref, gm_ref,
                    bt_ref, w2_ref, b2_ref, bat_ref, h_ref, p_ref, i)


def _gin_l1(x, agg, c, batch3):
    return pl.pallas_call(
        _gin_l1_body,
        grid=(2, NBLK),
        in_specs=[
            pl.BlockSpec((BLK, F_IN), lambda p, i: (i * (1 - p), 0)),
            pl.BlockSpec((1, BLK, F_IN), lambda p, i: (0, i * (1 - p), 0)),
            pl.BlockSpec((1, BLK, F_IN), lambda p, i: (1, i * (1 - p), 0)),
            pl.BlockSpec((F_IN, H), lambda p, i: (0, 0)),
            pl.BlockSpec((1, H), lambda p, i: (0, 0)),
            pl.BlockSpec((1, H), lambda p, i: (0, 0)),
            pl.BlockSpec((1, H), lambda p, i: (0, 0)),
            pl.BlockSpec((H, H), lambda p, i: (0, 0)),
            pl.BlockSpec((1, H), lambda p, i: (0, 0)),
            pl.BlockSpec((1, 1, BLK), lambda p, i: (i * p, 0, 0)),
        ],
        out_specs=[
            pl.BlockSpec((2, BLK, HALF), lambda p, i: (0, i * p, 0)),
            pl.BlockSpec((2, G, HALF), lambda p, i: (0, 0, 0)),
        ],
        out_shape=[
            jax.ShapeDtypeStruct((2, N_PAD, HALF), jnp.float32),
            jax.ShapeDtypeStruct((2, G, HALF), jnp.float32),
        ],
        scratch_shapes=[
            pltpu.VMEM((N, H), jnp.float32),
            pltpu.VMEM((1, H), jnp.float32),
            pltpu.VMEM((1, H), jnp.float32),
        ],
    )(x, agg, agg, c['W1'], c['b1'].reshape(1, H), c['gamma'].reshape(1, H),
      c['beta'].reshape(1, H), c['W2'], c['b2'].reshape(1, H), batch3)


def _gin_l23_body(xs_ref, as_ref, w_ref, b_ref, gm_ref, bt_ref, w2_ref,
                  b2_ref, bat_ref, h_ref, p_ref, y_scr, su_ref, sq_ref):
    p = pl.program_id(0)
    i = pl.program_id(1)

    @pl.when(p == 0)
    def _():
        lo = xs_ref[0] + as_ref[0]
        hi = xs_ref[1] + as_ref[1]
        y = (jnp.dot(lo, w_ref[:HALF], preferred_element_type=jnp.float32)
             + jnp.dot(hi, w_ref[HALF:], preferred_element_type=jnp.float32)
             + b_ref[...])
        y_scr[pl.ds(i * BLK, BLK), :] = y
        _accum_stats(y, su_ref, sq_ref, i)

    @pl.when(p == 1)
    def _():
        _gin_phase1(y_scr[pl.ds(i * BLK, BLK), :], su_ref, sq_ref, gm_ref,
                    bt_ref, w2_ref, b2_ref, bat_ref, h_ref, p_ref, i)


def _gin_l23(hs, aggs, c, batch3):
    return pl.pallas_call(
        _gin_l23_body,
        grid=(2, NBLK),
        in_specs=[
            pl.BlockSpec((2, BLK, HALF), lambda p, i: (0, i * (1 - p), 0)),
            pl.BlockSpec((2, BLK, HALF), lambda p, i: (0, i * (1 - p), 0)),
            pl.BlockSpec((H, H), lambda p, i: (0, 0)),
            pl.BlockSpec((1, H), lambda p, i: (0, 0)),
            pl.BlockSpec((1, H), lambda p, i: (0, 0)),
            pl.BlockSpec((1, H), lambda p, i: (0, 0)),
            pl.BlockSpec((H, H), lambda p, i: (0, 0)),
            pl.BlockSpec((1, H), lambda p, i: (0, 0)),
            pl.BlockSpec((1, 1, BLK), lambda p, i: (i * p, 0, 0)),
        ],
        out_specs=[
            pl.BlockSpec((2, BLK, HALF), lambda p, i: (0, i * p, 0)),
            pl.BlockSpec((2, G, HALF), lambda p, i: (0, 0, 0)),
        ],
        out_shape=[
            jax.ShapeDtypeStruct((2, N_PAD, HALF), jnp.float32),
            jax.ShapeDtypeStruct((2, G, HALF), jnp.float32),
        ],
        scratch_shapes=[
            pltpu.VMEM((N, H), jnp.float32),
            pltpu.VMEM((1, H), jnp.float32),
            pltpu.VMEM((1, H), jnp.float32),
        ],
    )(hs, aggs, c['W1'], c['b1'].reshape(1, H), c['gamma'].reshape(1, H),
      c['beta'].reshape(1, H), c['W2'], c['b2'].reshape(1, H), batch3)


def _cls_body(p_ref, w1_ref, b1_ref, w2_ref, b2_ref, o_ref):
    acc = jnp.zeros((G, 3 * H), jnp.float32)
    for kk in range(6):
        acc = acc + jnp.dot(p_ref[kk], w1_ref[kk],
                            preferred_element_type=jnp.float32)
    hh = jnp.maximum(acc + b1_ref[...], 0.0)
    lg = jnp.dot(hh, w2_ref[...], preferred_element_type=jnp.float32) + b2_ref[...]
    m = jnp.max(lg, axis=1, keepdims=True)
    lse = m + jnp.log(jnp.sum(jnp.exp(lg - m), axis=1, keepdims=True))
    o_ref[...] = lg - lse


def _classifier(pcat, w1r, b1, w2p, b2p):
    return pl.pallas_call(
        _cls_body,
        grid=(1,),
        in_specs=[
            pl.BlockSpec((6, G, HALF), lambda i: (0, 0, 0)),
            pl.BlockSpec((6, HALF, 3 * H), lambda i: (0, 0, 0)),
            pl.BlockSpec((1, 3 * H), lambda i: (0, 0)),
            pl.BlockSpec((3 * H, 128), lambda i: (0, 0)),
            pl.BlockSpec((1, 128), lambda i: (0, 0)),
        ],
        out_specs=pl.BlockSpec((G, 128), lambda i: (0, 0)),
        out_shape=jax.ShapeDtypeStruct((G, 128), jnp.float32),
    )(pcat, w1r, b1, w2p, b2p)



def kernel(x, edge_index, batch, params):
    eidx32 = _pad_tables(edge_index, 2 * NTILES)
    eidx16 = _pad_tables(edge_index, NTILES)
    zrows = jnp.zeros((ROWS_PER_TILE, HALF), jnp.float32)
    batch3 = batch.reshape(NBLK, 1, BLK)
    c1, c2, c3 = params['c1'], params['c2'], params['c3']

    agg1 = _agg_l1(x, eidx32, zrows)
    h1, p1 = _gin_l1(x, agg1, c1, batch3)

    agg2 = _agg_l23(h1, eidx16, zrows)
    h2, p2 = _gin_l23(h1, agg2, c2, batch3)

    agg3 = _agg_l23(h2, eidx16, zrows)
    h3, p3 = _gin_l23(h2, agg3, c3, batch3)

    pcat = jnp.concatenate([p1, p2, p3], axis=0)
    w1r = params['lin1_W'].reshape(6, HALF, 3 * H)
    b1r = params['lin1_b'].reshape(1, 3 * H)
    w2p = jnp.pad(params['lin2_W'], ((0, 0), (0, 128 - C_OUT)))
    b2p = jnp.concatenate(
        [params['lin2_b'], jnp.full((128 - C_OUT,), -1e9, jnp.float32)]
    ).reshape(1, 128)
    out = _classifier(pcat, w1r, b1r, w2p, b2p)
    return out[:, :C_OUT]

# --- scband reference (transcript-rebuilt; emitter-appended) ---
"""Pipeline reference for scband-gin-10264971838083 (READ-ONLY COPY).

The authoritative reference and input builder live on the scoring server;
editing this copy changes nothing except your own understanding.
"""

import jax, jax.numpy as jnp
import numpy as np

N = 10000
E = 320000
F_IN = 128
H = 256
G = 64
C = 2
BN_EPS = 1e-5


def _linear_params(key, fan_in, fan_out):
    k1, k2 = jax.random.split(key)
    bound = 1.0 / np.sqrt(fan_in)
    W = jax.random.uniform(k1, (fan_in, fan_out), minval=-bound, maxval=bound, dtype=jnp.float32)
    b = jax.random.uniform(k2, (fan_out,), minval=-bound, maxval=bound, dtype=jnp.float32)
    return W, b


def _gin_block_params(key, fan_in, dim_h):
    k1, k2 = jax.random.split(key)
    W1, b1 = _linear_params(k1, fan_in, dim_h)
    W2, b2 = _linear_params(k2, dim_h, dim_h)
    return {
        'W1': W1, 'b1': b1,
        'gamma': jnp.ones((dim_h,), dtype=jnp.float32),
        'beta': jnp.zeros((dim_h,), dtype=jnp.float32),
        'W2': W2, 'b2': b2,
    }


def setup_inputs(seed: int = 0):
    key = jax.random.key(seed)
    ks = jax.random.split(key, 8)
    x = jax.random.normal(ks[0], (N, F_IN), dtype=jnp.float32)
    edge_index = jax.random.randint(ks[1], (2, E), 0, N, dtype=jnp.int32)
    batch = jnp.sort(jax.random.randint(ks[2], (N,), 0, G, dtype=jnp.int32))
    lin1_W, lin1_b = _linear_params(ks[6], 3 * H, 3 * H)
    lin2_W, lin2_b = _linear_params(ks[7], 3 * H, C)
    params = {
        'c1': _gin_block_params(ks[3], F_IN, H),
        'c2': _gin_block_params(ks[4], H, H),
        'c3': _gin_block_params(ks[5], H, H),
        'lin1_W': lin1_W, 'lin1_b': lin1_b,
        'lin2_W': lin2_W, 'lin2_b': lin2_b,
    }
    return {'x': x, 'edge_index': edge_index, 'batch': batch, 'params': params}


def _batch_norm(h, gamma, beta):
    mu = jnp.mean(h, axis=0)
    var = jnp.var(h, axis=0)
    return gamma * (h - mu) / jnp.sqrt(var + BN_EPS) + beta


def _gin_mlp(h, p):
    h = h @ p['W1'] + p['b1']
    h = _batch_norm(h, p['gamma'], p['beta'])
    h = jax.nn.relu(h)
    h = h @ p['W2'] + p['b2']
    return jax.nn.relu(h)


def _gin_conv(x, edge_index, p):
    src = edge_index[0]
    dst = edge_index[1]
    agg = jnp.zeros_like(x).at[dst].add(x[src])
    # eps = 0 (GINConv default): (1 + eps) * x + sum_j x_j
    return _gin_mlp(x + agg, p)


def reference(x, edge_index, batch, params):
    h1 = _gin_conv(x, edge_index, params['c1'])
    h2 = _gin_conv(h1, edge_index, params['c2'])
    h3 = _gin_conv(h2, edge_index, params['c3'])
    p1 = jax.ops.segment_sum(h1, batch, num_segments=G)
    p2 = jax.ops.segment_sum(h2, batch, num_segments=G)
    p3 = jax.ops.segment_sum(h3, batch, num_segments=G)
    h = jnp.concatenate((p1, p2, p3), axis=1)
    h = h @ params['lin1_W'] + params['lin1_b']
    h = jax.nn.relu(h)
    # dropout is identity in eval mode
    h = h @ params['lin2_W'] + params['lin2_b']
    return jax.nn.log_softmax(h, axis=1)

if __name__ == "__main__":
    import jax
    _d = setup_inputs()
    print(jax.jit(kernel)(*tuple(_d.values())))

</pallas_src>

<mosaic_0001>
#map = affine_map<(d0, d1) -> (0, 0, 0)>
#map1 = affine_map<(d0, d1) -> (0, 0, 0, 0)>
#map2 = affine_map<(d0, d1) -> (0, 0)>
module attributes {stable_mosaic.version = 14 : i64} {
  func.func @k(%arg0: i32, %arg1: i32, %arg2: memref<2x10240x128xf32, #tpu.memory_space<hbm>>, %arg3: memref<16x250x2x80xi32, #tpu.memory_space<hbm>>, %arg4: memref<640x128xf32, #tpu.memory_space<hbm>>, %arg5: memref<2x10240x128xf32, #tpu.memory_space<hbm>>, %arg6: memref<4x2x80xi32, #tpu.memory_space<vmem>>, %arg7: memref<4x80x128xf32, #tpu.memory_space<vmem>>, %arg8: memref<10240x128xf32, #tpu.memory_space<vmem_shared>>, %arg9: memref<!tpu.dma_semaphore, #tpu.memory_space<semaphore_mem>>, %arg10: memref<!tpu.dma_semaphore, #tpu.memory_space<semaphore_mem>>, %arg11: memref<!tpu.dma_semaphore, #tpu.memory_space<semaphore_mem>>, %arg12: memref<!tpu.dma_semaphore, #tpu.memory_space<semaphore_mem>>, %arg13: memref<!tpu.dma_semaphore, #tpu.memory_space<semaphore_mem>>, %arg14: memref<!tpu.dma_semaphore, #tpu.memory_space<semaphore_mem>>, %arg15: memref<!tpu.dma_semaphore, #tpu.memory_space<semaphore_mem>>, %arg16: memref<!tpu.dma_semaphore, #tpu.memory_space<semaphore_mem>>, %arg17: memref<!tpu.dma_semaphore, #tpu.memory_space<semaphore_mem>>, %arg18: memref<!tpu.dma_semaphore, #tpu.memory_space<semaphore_mem>>, %arg19: memref<!tpu.dma_semaphore, #tpu.memory_space<semaphore_mem>>, %arg20: memref<!tpu.dma_semaphore, #tpu.memory_space<semaphore_mem>>) attributes {dimension_semantics = [#tpu.dimension_semantics<core_parallel>, #tpu.dimension_semantics<subcore_parallel>], iteration_bounds = array<i64: 2, 16>, scalar_prefetch = 0 : i64, scratch_operands = 15 : i64, tpu.core_type = #tpu.core_type<sc_vector_subcore>, window_params = [{transform_indices = #map}, {transform_indices = #map1}, {transform_indices = #map2}, {transform_indices = #map}]} {
    %mul3A = arith.constant 640 : i32
    %mul3A_0 = arith.muli %arg1, %mul3A : i32
    "tpu.region"() ({
      %run_scoped3A = tpu.sem_alloc : memref<!tpu.dma_semaphore, #tpu.memory_space<semaphore_mem>>
      %dma_start3A_387 = arith.constant 0 : i32
      %dma_start3A_388 = tpu.memref_slice %arg8[%mul3A_0, %dma_start3A_387] : memref<10240x128xf32, #tpu.memory_space<vmem_shared>> -> memref<640x128xf32, #tpu.memory_space<vmem_shared>>
      tpu.enqueue_dma source(%arg4 : memref<640x128xf32, #tpu.memory_space<hbm>>) target(%dma_start3A_388 : memref<640x128xf32, #tpu.memory_space<vmem_shared>>) target_semaphore(%run_scoped3A : memref<!tpu.dma_semaphore, #tpu.memory_space<semaphore_mem>>)
      %dma_wait3A_389 = arith.constant 0 : i32
      %dma_wait3A_390 = tpu.memref_slice %arg8[%mul3A_0, %dma_wait3A_389] : memref<10240x128xf32, #tpu.memory_space<vmem_shared>> -> memref<640x128xf32, #tpu.memory_space<vmem_shared>>
      tpu.wait_dma2 semaphore(%run_scoped3A : memref<!tpu.dma_semaphore, #tpu.memory_space<semaphore_mem>>) src(%arg4 : memref<640x128xf32, #tpu.memory_space<hbm>>) dst(%dma_wait3A_390 : memref<640x128xf32, #tpu.memory_space<vmem_shared>>)
      tpu.yield
    }) : () -> ()
    %barrier3A = arith.constant 0 : index
    tpu.barrier barrier_id(%barrier3A)
    %dma_start3A = arith.constant 0 : i32
    %dma_start3A_1 = arith.constant 0 : i32
    %dma_start3A_2 = arith.constant 0 : i32
    %dma_start3A_3 = arith.constant 0 : i32
    %dma_start3A_4 = tpu.memref_slice %arg6[%dma_start3A_1, %dma_start3A_2, %dma_start3A_3] : memref<4x2x80xi32, #tpu.memory_space<vmem>> -> memref<1x2x80xi32, #tpu.memory_space<vmem>>
    %dma_start3A_5 = tpu.memref_squeeze %dma_start3A_4 : memref<1x2x80xi32, #tpu.memory_space<vmem>> -> memref<2x80xi32, #tpu.memory_space<vmem>>
    %dma_start3A_6 = arith.constant 0 : i32
    %dma_start3A_7 = arith.constant 0 : i32
    %dma_start3A_8 = arith.constant 0 : i32
    %dma_start3A_9 = tpu.memref_slice %arg3[%arg1, %dma_start3A_6, %dma_start3A_7, %dma_start3A_8] : memref<16x250x2x80xi32, #tpu.memory_space<hbm>> -> memref<1x250x2x80xi32, #tpu.memory_space<hbm>>
    %dma_start3A_10 = tpu.memref_squeeze %dma_start3A_9 : memref<1x250x2x80xi32, #tpu.memory_space<hbm>> -> memref<250x2x80xi32, #tpu.memory_space<hbm>>
    %dma_start3A_11 = arith.constant 0 : i32
    %dma_start3A_12 = arith.constant 0 : i32
    %dma_start3A_13 = tpu.memref_slice %dma_start3A_10[%dma_start3A, %dma_start3A_11, %dma_start3A_12] : memref<250x2x80xi32, #tpu.memory_space<hbm>> -> memref<1x2x80xi32, #tpu.memory_space<hbm>>
    %dma_start3A_14 = tpu.memref_squeeze %dma_start3A_13 : memref<1x2x80xi32, #tpu.memory_space<hbm>> -> memref<2x80xi32, #tpu.memory_space<hbm>>
    %dma_start3A_15 = arith.constant 0 : i32
    %dma_start3A_16 = arith.constant 0 : i32
    %dma_start3A_17 = tpu.memref_slice %arg6[%dma_start3A_1, %dma_start3A_15, %dma_start3A_16] : memref<4x2x80xi32, #tpu.memory_space<vmem>> -> memref<1x2x80xi32, #tpu.memory_space<vmem>>
    %dma_start3A_18 = tpu.memref_squeeze %dma_start3A_17 : memref<1x2x80xi32, #tpu.memory_space<vmem>> -> memref<2x80xi32, #tpu.memory_space<vmem>>
    %dma_start3A_19 = arith.constant 0 : i32
    %dma_start3A_20 = arith.constant 0 : i32
    %dma_start3A_21 = arith.constant 0 : i32
    %dma_start3A_22 = tpu.memref_slice %arg3[%arg1, %dma_start3A_19, %dma_start3A_20, %dma_start3A_21] : memref<16x250x2x80xi32, #tpu.memory_space<hbm>> -> memref<1x250x2x80xi32, #tpu.memory_space<hbm>>
    %dma_start3A_23 = tpu.memref_squeeze %dma_start3A_22 : memref<1x250x2x80xi32, #tpu.memory_space<hbm>> -> memref<250x2x80xi32, #tpu.memory_space<hbm>>
    %dma_start3A_24 = arith.constant 0 : i32
    %dma_start3A_25 = arith.constant 0 : i32
    %dma_start3A_26 = tpu.memref_slice %dma_start3A_23[%dma_start3A, %dma_start3A_24, %dma_start3A_25] : memref<250x2x80xi32, #tpu.memory_space<hbm>> -> memref<1x2x80xi32, #tpu.memory_space<hbm>>
    %dma_start3A_27 = tpu.memref_squeeze %dma_start3A_26 : memref<1x2x80xi32, #tpu.memory_space<hbm>> -> memref<2x80xi32, #tpu.memory_space<hbm>>
    tpu.enqueue_dma source(%dma_start3A_27 : memref<2x80xi32, #tpu.memory_space<hbm>>) target(%dma_start3A_18 : memref<2x80xi32, #tpu.memory_space<vmem>>) target_semaphore(%arg9 : memref<!tpu.dma_semaphore, #tpu.memory_space<semaphore_mem>>)
    %dma_start3A_28 = arith.constant 1 : i32
    %dma_start3A_29 = arith.constant 1 : i32
    %dma_start3A_30 = arith.constant 0 : i32
    %dma_start3A_31 = arith.constant 0 : i32
    %dma_start3A_32 = tpu.memref_slice %arg6[%dma_start3A_29, %dma_start3A_30, %dma_start3A_31] : memref<4x2x80xi32, #tpu.memory_space<vmem>> -> memref<1x2x80xi32, #tpu.memory_space<vmem>>
    %dma_start3A_33 = tpu.memref_squeeze %dma_start3A_32 : memref<1x2x80xi32, #tpu.memory_space<vmem>> -> memref<2x80xi32, #tpu.memory_space<vmem>>
    %dma_start3A_34 = arith.constant 0 : i32
    %dma_start3A_35 = arith.constant 0 : i32
    %dma_start3A_36 = arith.constant 0 : i32
    %dma_start3A_37 = tpu.memref_slice %arg3[%arg1, %dma_start3A_34, %dma_start3A_35, %dma_start3A_36] : memref<16x250x2x80xi32, #tpu.memory_space<hbm>> -> memref<1x250x2x80xi32, #tpu.memory_space<hbm>>
    %dma_start3A_38 = tpu.memref_squeeze %dma_start3A_37 : memref<1x250x2x80xi32, #tpu.memory_space<hbm>> -> memref<250x2x80xi32, #tpu.memory_space<hbm>>
    %dma_start3A_39 = arith.constant 0 : i32
    %dma_start3A_40 = arith.constant 0 : i32
    %dma_start3A_41 = tpu.memref_slice %dma_start3A_38[%dma_start3A_28, %dma_start3A_39, %dma_start3A_40] : memref<250x2x80xi32, #tpu.memory_space<hbm>> -> memref<1x2x80xi32, #tpu.memory_space<hbm>>
    %dma_start3A_42 = tpu.memref_squeeze %dma_start3A_41 : memref<1x2x80xi32, #tpu.memory_space<hbm>> -> memref<2x80xi32, #tpu.memory_space<hbm>>
    %dma_start3A_43 = arith.constant 0 : i32
    %dma_start3A_44 = arith.constant 0 : i32
    %dma_start3A_45 = tpu.memref_slice %arg6[%dma_start3A_29, %dma_start3A_43, %dma_start3A_44] : memref<4x2x80xi32, #tpu.memory_space<vmem>> -> memref<1x2x80xi32, #tpu.memory_space<vmem>>
    %dma_start3A_46 = tpu.memref_squeeze %dma_start3A_45 : memref<1x2x80xi32, #tpu.memory_space<vmem>> -> memref<2x80xi32, #tpu.memory_space<vmem>>
    %dma_start3A_47 = arith.constant 0 : i32
    %dma_start3A_48 = arith.constant 0 : i32
    %dma_start3A_49 = arith.constant 0 : i32
    %dma_start3A_50 = tpu.memref_slice %arg3[%arg1, %dma_start3A_47, %dma_start3A_48, %dma_start3A_49] : memref<16x250x2x80xi32, #tpu.memory_space<hbm>> -> memref<1x250x2x80xi32, #tpu.memory_space<hbm>>
    %dma_start3A_51 = tpu.memref_squeeze %dma_start3A_50 : memref<1x250x2x80xi32, #tpu.memory_space<hbm>> -> memref<250x2x80xi32, #tpu.memory_space<hbm>>
    %dma_start3A_52 = arith.constant 0 : i32
    %dma_start3A_53 = arith.constant 0 : i32
    %dma_start3A_54 = tpu.memref_slice %dma_start3A_51[%dma_start3A_28, %dma_start3A_52, %dma_start3A_53] : memref<250x2x80xi32, #tpu.memory_space<hbm>> -> memref<1x2x80xi32, #tpu.memory_space<hbm>>
    %dma_start3A_55 = tpu.memref_squeeze %dma_start3A_54 : memref<1x2x80xi32, #tpu.memory_space<hbm>> -> memref<2x80xi32, #tpu.memory_space<hbm>>
    tpu.enqueue_dma source(%dma_start3A_55 : memref<2x80xi32, #tpu.memory_space<hbm>>) target(%dma_start3A_46 : memref<2x80xi32, #tpu.memory_space<vmem>>) target_semaphore(%arg10 : memref<!tpu.dma_semaphore, #tpu.memory_space<semaphore_mem>>)
    %dma_start3A_56 = arith.constant 2 : i32
    %dma_start3A_57 = arith.constant 2 : i32
    %dma_start3A_58 = arith.constant 0 : i32
    %dma_start3A_59 = arith.constant 0 : i32
    %dma_start3A_60 = tpu.memref_slice %arg6[%dma_start3A_57, %dma_start3A_58, %dma_start3A_59] : memref<4x2x80xi32, #tpu.memory_space<vmem>> -> memref<1x2x80xi32, #tpu.memory_space<vmem>>
    %dma_start3A_61 = tpu.memref_squeeze %dma_start3A_60 : memref<1x2x80xi32, #tpu.memory_space<vmem>> -> memref<2x80xi32, #tpu.memory_space<vmem>>
    %dma_start3A_62 = arith.constant 0 : i32
    %dma_start3A_63 = arith.constant 0 : i32
    %dma_start3A_64 = arith.constant 0 : i32
    %dma_start3A_65 = tpu.memref_slice %arg3[%arg1, %dma_start3A_62, %dma_start3A_63, %dma_start3A_64] : memref<16x250x2x80xi32, #tpu.memory_space<hbm>> -> memref<1x250x2x80xi32, #tpu.memory_space<hbm>>
    %dma_start3A_66 = tpu.memref_squeeze %dma_start3A_65 : memref<1x250x2x80xi32, #tpu.memory_space<hbm>> -> memref<250x2x80xi32, #tpu.memory_space<hbm>>
    %dma_start3A_67 = arith.constant 0 : i32
    %dma_start3A_68 = arith.constant 0 : i32
    %dma_start3A_69 = tpu.memref_slice %dma_start3A_66[%dma_start3A_56, %dma_start3A_67, %dma_start3A_68] : memref<250x2x80xi32, #tpu.memory_space<hbm>> -> memref<1x2x80xi32, #tpu.memory_space<hbm>>
    %dma_start3A_70 = tpu.memref_squeeze %dma_start3A_69 : memref<1x2x80xi32, #tpu.memory_space<hbm>> -> memref<2x80xi32, #tpu.memory_space<hbm>>
    %dma_start3A_71 = arith.constant 0 : i32
    %dma_start3A_72 = arith.constant 0 : i32
    %dma_start3A_73 = tpu.memref_slice %arg6[%dma_start3A_57, %dma_start3A_71, %dma_start3A_72] : memref<4x2x80xi32, #tpu.memory_space<vmem>> -> memref<1x2x80xi32, #tpu.memory_space<vmem>>
    %dma_start3A_74 = tpu.memref_squeeze %dma_start3A_73 : memref<1x2x80xi32, #tpu.memory_space<vmem>> -> memref<2x80xi32, #tpu.memory_space<vmem>>
    %dma_start3A_75 = arith.constant 0 : i32
    %dma_start3A_76 = arith.constant 0 : i32
    %dma_start3A_77 = arith.constant 0 : i32
    %dma_start3A_78 = tpu.memref_slice %arg3[%arg1, %dma_start3A_75, %dma_start3A_76, %dma_start3A_77] : memref<16x250x2x80xi32, #tpu.memory_space<hbm>> -> memref<1x250x2x80xi32, #tpu.memory_space<hbm>>
    %dma_start3A_79 = tpu.memref_squeeze %dma_start3A_78 : memref<1x250x2x80xi32, #tpu.memory_space<hbm>> -> memref<250x2x80xi32, #tpu.memory_space<hbm>>
    %dma_start3A_80 = arith.constant 0 : i32
    %dma_start3A_81 = arith.constant 0 : i32
    %dma_start3A_82 = tpu.memref_slice %dma_start3A_79[%dma_start3A_56, %dma_start3A_80, %dma_start3A_81] : memref<250x2x80xi32, #tpu.memory_space<hbm>> -> memref<1x2x80xi32, #tpu.memory_space<hbm>>
    %dma_start3A_83 = tpu.memref_squeeze %dma_start3A_82 : memref<1x2x80xi32, #tpu.memory_space<hbm>> -> memref<2x80xi32, #tpu.memory_space<hbm>>
    tpu.enqueue_dma source(%dma_start3A_83 : memref<2x80xi32, #tpu.memory_space<hbm>>) target(%dma_start3A_74 : memref<2x80xi32, #tpu.memory_space<vmem>>) target_semaphore(%arg11 : memref<!tpu.dma_semaphore, #tpu.memory_space<semaphore_mem>>)
    %dma_start3A_84 = arith.constant 3 : i32
    %dma_start3A_85 = arith.constant 3 : i32
    %dma_start3A_86 = arith.constant 0 : i32
    %dma_start3A_87 = arith.constant 0 : i32
    %dma_start3A_88 = tpu.memref_slice %arg6[%dma_start3A_85, %dma_start3A_86, %dma_start3A_87] : memref<4x2x80xi32, #tpu.memory_space<vmem>> -> memref<1x2x80xi32, #tpu.memory_space<vmem>>
    %dma_start3A_89 = tpu.memref_squeeze %dma_start3A_88 : memref<1x2x80xi32, #tpu.memory_space<vmem>> -> memref<2x80xi32, #tpu.memory_space<vmem>>
    %dma_start3A_90 = arith.constant 0 : i32
    %dma_start3A_91 = arith.constant 0 : i32
    %dma_start3A_92 = arith.constant 0 : i32
    %dma_start3A_93 = tpu.memref_slice %arg3[%arg1, %dma_start3A_90, %dma_start3A_91, %dma_start3A_92] : memref<16x250x2x80xi32, #tpu.memory_space<hbm>> -> memref<1x250x2x80xi32, #tpu.memory_space<hbm>>
    %dma_start3A_94 = tpu.memref_squeeze %dma_start3A_93 : memref<1x250x2x80xi32, #tpu.memory_space<hbm>> -> memref<250x2x80xi32, #tpu.memory_space<hbm>>
    %dma_start3A_95 = arith.constant 0 : i32
    %dma_start3A_96 = arith.constant 0 : i32
    %dma_start3A_97 = tpu.memref_slice %dma_start3A_94[%dma_start3A_84, %dma_start3A_95, %dma_start3A_96] : memref<250x2x80xi32, #tpu.memory_space<hbm>> -> memref<1x2x80xi32, #tpu.memory_space<hbm>>
    %dma_start3A_98 = tpu.memref_squeeze %dma_start3A_97 : memref<1x2x80xi32, #tpu.memory_space<hbm>> -> memref<2x80xi32, #tpu.memory_space<hbm>>
    %dma_start3A_99 = arith.constant 0 : i32
    %dma_start3A_100 = arith.constant 0 : i32
    %dma_start3A_101 = tpu.memref_slice %arg6[%dma_start3A_85, %dma_start3A_99, %dma_start3A_100] : memref<4x2x80xi32, #tpu.memory_space<vmem>> -> memref<1x2x80xi32, #tpu.memory_space<vmem>>
    %dma_start3A_102 = tpu.memref_squeeze %dma_start3A_101 : memref<1x2x80xi32, #tpu.memory_space<vmem>> -> memref<2x80xi32, #tpu.memory_space<vmem>>
    %dma_start3A_103 = arith.constant 0 : i32
    %dma_start3A_104 = arith.constant 0 : i32
    %dma_start3A_105 = arith.constant 0 : i32
    %dma_start3A_106 = tpu.memref_slice %arg3[%arg1, %dma_start3A_103, %dma_start3A_104, %dma_start3A_105] : memref<16x250x2x80xi32, #tpu.memory_space<hbm>> -> memref<1x250x2x80xi32, #tpu.memory_space<hbm>>
    %dma_start3A_107 = tpu.memref_squeeze %dma_start3A_106 : memref<1x250x2x80xi32, #tpu.memory_space<hbm>> -> memref<250x2x80xi32, #tpu.memory_space<hbm>>
    %dma_start3A_108 = arith.constant 0 : i32
    %dma_start3A_109 = arith.constant 0 : i32
    %dma_start3A_110 = tpu.memref_slice %dma_start3A_107[%dma_start3A_84, %dma_start3A_108, %dma_start3A_109] : memref<250x2x80xi32, #tpu.memory_space<hbm>> -> memref<1x2x80xi32, #tpu.memory_space<hbm>>
    %dma_start3A_111 = tpu.memref_squeeze %dma_start3A_110 : memref<1x2x80xi32, #tpu.memory_space<hbm>> -> memref<2x80xi32, #tpu.memory_space<hbm>>
    tpu.enqueue_dma source(%dma_start3A_111 : memref<2x80xi32, #tpu.memory_space<hbm>>) target(%dma_start3A_102 : memref<2x80xi32, #tpu.memory_space<vmem>>) target_semaphore(%arg12 : memref<!tpu.dma_semaphore, #tpu.memory_space<semaphore_mem>>)
    %dma_wait3A = arith.constant 0 : i32
    %dma_wait3A_112 = arith.constant 0 : i32
    %dma_wait3A_113 = arith.constant 0 : i32
    %dma_wait3A_114 = arith.constant 0 : i32
    %dma_wait3A_115 = tpu.memref_slice %arg6[%dma_wait3A_112, %dma_wait3A_113, %dma_wait3A_114] : memref<4x2x80xi32, #tpu.memory_space<vmem>> -> memref<1x2x80xi32, #tpu.memory_space<vmem>>
    %dma_wait3A_116 = tpu.memref_squeeze %dma_wait3A_115 : memref<1x2x80xi32, #tpu.memory_space<vmem>> -> memref<2x80xi32, #tpu.memory_space<vmem>>
    %dma_wait3A_117 = arith.constant 0 : i32
    %dma_wait3A_118 = arith.constant 0 : i32
    %dma_wait3A_119 = arith.constant 0 : i32
    %dma_wait3A_120 = tpu.memref_slice %arg3[%arg1, %dma_wait3A_117, %dma_wait3A_118, %dma_wait3A_119] : memref<16x250x2x80xi32, #tpu.memory_space<hbm>> -> memref<1x250x2x80xi32, #tpu.memory_space<hbm>>
    %dma_wait3A_121 = tpu.memref_squeeze %dma_wait3A_120 : memref<1x250x2x80xi32, #tpu.memory_space<hbm>> -> memref<250x2x80xi32, #tpu.memory_space<hbm>>
    %dma_wait3A_122 = arith.constant 0 : i32
    %dma_wait3A_123 = arith.constant 0 : i32
    %dma_wait3A_124 = tpu.memref_slice %dma_wait3A_121[%dma_wait3A, %dma_wait3A_122, %dma_wait3A_123] : memref<250x2x80xi32, #tpu.memory_space<hbm>> -> memref<1x2x80xi32, #tpu.memory_space<hbm>>
    %dma_wait3A_125 = tpu.memref_squeeze %dma_wait3A_124 : memref<1x2x80xi32, #tpu.memory_space<hbm>> -> memref<2x80xi32, #tpu.memory_space<hbm>>
    %dma_wait3A_126 = arith.constant 0 : i32
    %dma_wait3A_127 = arith.constant 0 : i32
    %dma_wait3A_128 = tpu.memref_slice %arg6[%dma_wait3A_112, %dma_wait3A_126, %dma_wait3A_127] : memref<4x2x80xi32, #tpu.memory_space<vmem>> -> memref<1x2x80xi32, #tpu.memory_space<vmem>>
    %dma_wait3A_129 = tpu.memref_squeeze %dma_wait3A_128 : memref<1x2x80xi32, #tpu.memory_space<vmem>> -> memref<2x80xi32, #tpu.memory_space<vmem>>
    %dma_wait3A_130 = arith.constant 0 : i32
    %dma_wait3A_131 = arith.constant 0 : i32
    %dma_wait3A_132 = arith.constant 0 : i32
    %dma_wait3A_133 = tpu.memref_slice %arg3[%arg1, %dma_wait3A_130, %dma_wait3A_131, %dma_wait3A_132] : memref<16x250x2x80xi32, #tpu.memory_space<hbm>> -> memref<1x250x2x80xi32, #tpu.memory_space<hbm>>
    %dma_wait3A_134 = tpu.memref_squeeze %dma_wait3A_133 : memref<1x250x2x80xi32, #tpu.memory_space<hbm>> -> memref<250x2x80xi32, #tpu.memory_space<hbm>>
    %dma_wait3A_135 = arith.constant 0 : i32
    %dma_wait3A_136 = arith.constant 0 : i32
    %dma_wait3A_137 = tpu.memref_slice %dma_wait3A_134[%dma_wait3A, %dma_wait3A_135, %dma_wait3A_136] : memref<250x2x80xi32, #tpu.memory_space<hbm>> -> memref<1x2x80xi32, #tpu.memory_space<hbm>>
    %dma_wait3A_138 = tpu.memref_squeeze %dma_wait3A_137 : memref<1x2x80xi32, #tpu.memory_space<hbm>> -> memref<2x80xi32, #tpu.memory_space<hbm>>
    tpu.wait_dma2 semaphore(%arg9 : memref<!tpu.dma_semaphore, #tpu.memory_space<semaphore_mem>>) src(%dma_wait3A_138 : memref<2x80xi32, #tpu.memory_space<hbm>>) dst(%dma_wait3A_129 : memref<2x80xi32, #tpu.memory_space<vmem>>)
    %dma_start3A_139 = arith.constant 0 : i32
    %dma_start3A_140 = arith.constant 0 : i32
    %dma_start3A_141 = arith.constant 0 : i32
    %dma_start3A_142 = arith.constant 0 : i32
    %dma_start3A_143 = arith.constant 0 : i32
    %dma_start3A_144 = tpu.memref_slice %arg7[%dma_start3A_141, %dma_start3A_142, %dma_start3A_143] : memref<4x80x128xf32, #tpu.memory_space<vmem>> -> memref<1x80x128xf32, #tpu.memory_space<vmem>>
    %dma_start3A_145 = tpu.memref_squeeze %dma_start3A_144 : memref<1x80x128xf32, #tpu.memory_space<vmem>> -> memref<80x128xf32, #tpu.memory_space<vmem>>
    %dma_start3A_146 = arith.constant 0 : i32
    %dma_start3A_147 = tpu.memref_slice %arg6[%dma_start3A_139, %dma_start3A_140, %dma_start3A_146] : memref<4x2x80xi32, #tpu.memory_space<vmem>> -> memref<1x1x80xi32, #tpu.memory_space<vmem>>
    %dma_start3A_148 = tpu.memref_squeeze %dma_start3A_147 : memref<1x1x80xi32, #tpu.memory_space<vmem>> -> memref<80xi32, #tpu.memory_space<vmem>>
    %dma_start3A_149 = arith.constant 0 : i32
    %dma_start3A_150 = arith.constant 0 : i32
    %dma_start3A_151 = tpu.memref_slice %arg2[%arg0, %dma_start3A_149, %dma_start3A_150] : memref<2x10240x128xf32, #tpu.memory_space<hbm>> -> memref<1x10240x128xf32, #tpu.memory_space<hbm>>
    %dma_start3A_152 = tpu.memref_squeeze %dma_start3A_151 : memref<1x10240x128xf32, #tpu.memory_space<hbm>> -> memref<10240x128xf32, #tpu.memory_space<hbm>>
    %dma_start3A_153 = arith.constant 0 : i32
    %dma_start3A_154 = arith.constant 0 : i32
    %dma_start3A_155 = tpu.memref_slice %dma_start3A_152[%dma_start3A_153, %dma_start3A_154] : memref<10240x128xf32, #tpu.memory_space<hbm>> -> memref<10240x128xf32, #tpu.memory_space<hbm>>
    tpu.enqueue_indirect_dma source(%dma_start3A_155 : memref<10240x128xf32, #tpu.memory_space<hbm>>) target(%dma_start3A_145 : memref<80x128xf32, #tpu.memory_space<vmem>>) offsets(%dma_start3A_148 : memref<80xi32, #tpu.memory_space<vmem>>) semaphore(%arg13 : memref<!tpu.dma_semaphore, #tpu.memory_space<semaphore_mem>>)
    %dma_wait3A_156 = arith.constant 0 : i32
    %dma_wait3A_157 = arith.constant 1 : i32
    %dma_wait3A_158 = arith.constant 0 : i32
    %dma_wait3A_159 = arith.constant 0 : i32
    %dma_wait3A_160 = tpu.memref_slice %arg6[%dma_wait3A_157, %dma_wait3A_158, %dma_wait3A_159] : memref<4x2x80xi32, #tpu.memory_space<vmem>> -> memref<1x2x80xi32, #tpu.memory_space<vmem>>
    %dma_wait3A_161 = tpu.memref_squeeze %dma_wait3A_160 : memref<1x2x80xi32, #tpu.memory_space<vmem>> -> memref<2x80xi32, #tpu.memory_space<vmem>>
    %dma_wait3A_162 = arith.constant 0 : i32
    %dma_wait3A_163 = arith.constant 0 : i32
    %dma_wait3A_164 = arith.constant 0 : i32
    %dma_wait3A_165 = tpu.memref_slice %arg3[%arg1, %dma_wait3A_162, %dma_wait3A_163, %dma_wait3A_164] : memref<16x250x2x80xi32, #tpu.memory_space<hbm>> -> memref<1x250x2x80xi32, #tpu.memory_space<hbm>>
    %dma_wait3A_166 = tpu.memref_squeeze %dma_wait3A_165 : memref<1x250x2x80xi32, #tpu.memory_space<hbm>> -> memref<250x2x80xi32, #tpu.memory_space<hbm>>
    %dma_wait3A_167 = arith.constant 0 : i32
    %dma_wait3A_168 = arith.constant 0 : i32
    %dma_wait3A_169 = tpu.memref_slice %dma_wait3A_166[%dma_wait3A_156, %dma_wait3A_167, %dma_wait3A_168] : memref<250x2x80xi32, #tpu.memory_space<hbm>> -> memref<1x2x80xi32, #tpu.memory_space<hbm>>
    %dma_wait3A_170 = tpu.memref_squeeze %dma_wait3A_169 : memref<1x2x80xi32, #tpu.memory_space<hbm>> -> memref<2x80xi32, #tpu.memory_space<hbm>>
    %dma_wait3A_171 = arith.constant 0 : i32
    %dma_wait3A_172 = arith.constant 0 : i32
    %dma_wait3A_173 = tpu.memref_slice %arg6[%dma_wait3A_157, %dma_wait3A_171, %dma_wait3A_172] : memref<4x2x80xi32, #tpu.memory_space<vmem>> -> memref<1x2x80xi32, #tpu.memory_space<vmem>>
    %dma_wait3A_174 = tpu.memref_squeeze %dma_wait3A_173 : memref<1x2x80xi32, #tpu.memory_space<vmem>> -> memref<2x80xi32, #tpu.memory_space<vmem>>
    %dma_wait3A_175 = arith.constant 0 : i32
    %dma_wait3A_176 = arith.constant 0 : i32
    %dma_wait3A_177 = arith.constant 0 : i32
    %dma_wait3A_178 = tpu.memref_slice %arg3[%arg1, %dma_wait3A_175, %dma_wait3A_176, %dma_wait3A_177] : memref<16x250x2x80xi32, #tpu.memory_space<hbm>> -> memref<1x250x2x80xi32, #tpu.memory_space<hbm>>
    %dma_wait3A_179 = tpu.memref_squeeze %dma_wait3A_178 : memref<1x250x2x80xi32, #tpu.memory_space<hbm>> -> memref<250x2x80xi32, #tpu.memory_space<hbm>>
    %dma_wait3A_180 = arith.constant 0 : i32
    %dma_wait3A_181 = arith.constant 0 : i32
    %dma_wait3A_182 = tpu.memref_slice %dma_wait3A_179[%dma_wait3A_156, %dma_wait3A_180, %dma_wait3A_181] : memref<250x2x80xi32, #tpu.memory_space<hbm>> -> memref<1x2x80xi32, #tpu.memory_space<hbm>>
    %dma_wait3A_183 = tpu.memref_squeeze %dma_wait3A_182 : memref<1x2x80xi32, #tpu.memory_space<hbm>> -> memref<2x80xi32, #tpu.memory_space<hbm>>
    tpu.wait_dma2 semaphore(%arg10 : memref<!tpu.dma_semaphore, #tpu.memory_space<semaphore_mem>>) src(%dma_wait3A_183 : memref<2x80xi32, #tpu.memory_space<hbm>>) dst(%dma_wait3A_174 : memref<2x80xi32, #tpu.memory_space<vmem>>)
    %dma_start3A_184 = arith.constant 1 : i32
    %dma_start3A_185 = arith.constant 0 : i32
    %dma_start3A_186 = arith.constant 1 : i32
    %dma_start3A_187 = arith.constant 0 : i32
    %dma_start3A_188 = arith.constant 0 : i32
    %dma_start3A_189 = tpu.memref_slice %arg7[%dma_start3A_186, %dma_start3A_187, %dma_start3A_188] : memref<4x80x128xf32, #tpu.memory_space<vmem>> -> memref<1x80x128xf32, #tpu.memory_space<vmem>>
    %dma_start3A_190 = tpu.memref_squeeze %dma_start3A_189 : memref<1x80x128xf32, #tpu.memory_space<vmem>> -> memref<80x128xf32, #tpu.memory_space<vmem>>
    %dma_start3A_191 = arith.constant 0 : i32
    %dma_start3A_192 = tpu.memref_slice %arg6[%dma_start3A_184, %dma_start3A_185, %dma_start3A_191] : memref<4x2x80xi32, #tpu.memory_space<vmem>> -> memref<1x1x80xi32, #tpu.memory_space<vmem>>
    %dma_start3A_193 = tpu.memref_squeeze %dma_start3A_192 : memref<1x1x80xi32, #tpu.memory_space<vmem>> -> memref<80xi32, #tpu.memory_space<vmem>>
    %dma_start3A_194 = arith.constant 0 : i32
    %dma_start3A_195 = arith.constant 0 : i32
    %dma_start3A_196 = tpu.memref_slice %arg2[%arg0, %dma_start3A_194, %dma_start3A_195] : memref<2x10240x128xf32, #tpu.memory_space<hbm>> -> memref<1x10240x128xf32, #tpu.memory_space<hbm>>
    %dma_start3A_197 = tpu.memref_squeeze %dma_start3A_196 : memref<1x10240x128xf32, #tpu.memory_space<hbm>> -> memref<10240x128xf32, #tpu.memory_space<hbm>>
    %dma_start3A_198 = arith.constant 0 : i32
    %dma_start3A_199 = arith.constant 0 : i32
    %dma_start3A_200 = tpu.memref_slice %dma_start3A_197[%dma_start3A_198, %dma_start3A_199] : memref<10240x128xf32, #tpu.memory_space<hbm>> -> memref<10240x128xf32, #tpu.memory_space<hbm>>
    tpu.enqueue_indirect_dma source(%dma_start3A_200 : memref<10240x128xf32, #tpu.memory_space<hbm>>) target(%dma_start3A_190 : memref<80x128xf32, #tpu.memory_space<vmem>>) offsets(%dma_start3A_193 : memref<80xi32, #tpu.memory_space<vmem>>) semaphore(%arg14 : memref<!tpu.dma_semaphore, #tpu.memory_space<semaphore_mem>>)
    %dma_wait3A_201 = arith.constant 0 : i32
    %dma_wait3A_202 = arith.constant 2 : i32
    %dma_wait3A_203 = arith.constant 0 : i32
    %dma_wait3A_204 = arith.constant 0 : i32
    %dma_wait3A_205 = tpu.memref_slice %arg6[%dma_wait3A_202, %dma_wait3A_203, %dma_wait3A_204] : memref<4x2x80xi32, #tpu.memory_space<vmem>> -> memref<1x2x80xi32, #tpu.memory_space<vmem>>
    %dma_wait3A_206 = tpu.memref_squeeze %dma_wait3A_205 : memref<1x2x80xi32, #tpu.memory_space<vmem>> -> memref<2x80xi32, #tpu.memory_space<vmem>>
    %dma_wait3A_207 = arith.constant 0 : i32
    %dma_wait3A_208 = arith.constant 0 : i32
    %dma_wait3A_209 = arith.constant 0 : i32
    %dma_wait3A_210 = tpu.memref_slice %arg3[%arg1, %dma_wait3A_207, %dma_wait3A_208, %dma_wait3A_209] : memref<16x250x2x80xi32, #tpu.memory_space<hbm>> -> memref<1x250x2x80xi32, #tpu.memory_space<hbm>>
    %dma_wait3A_211 = tpu.memref_squeeze %dma_wait3A_210 : memref<1x250x2x80xi32, #tpu.memory_space<hbm>> -> memref<250x2x80xi32, #tpu.memory_space<hbm>>
    %dma_wait3A_212 = arith.constant 0 : i32
    %dma_wait3A_213 = arith.constant 0 : i32
    %dma_wait3A_214 = tpu.memref_slice %dma_wait3A_211[%dma_wait3A_201, %dma_wait3A_212, %dma_wait3A_213] : memref<250x2x80xi32, #tpu.memory_space<hbm>> -> memref<1x2x80xi32, #tpu.memory_space<hbm>>
    %dma_wait3A_215 = tpu.memref_squeeze %dma_wait3A_214 : memref<1x2x80xi32, #tpu.memory_space<hbm>> -> memref<2x80xi32, #tpu.memory_space<hbm>>
    %dma_wait3A_216 = arith.constant 0 : i32
    %dma_wait3A_217 = arith.constant 0 : i32
    %dma_wait3A_218 = tpu.memref_slice %arg6[%dma_wait3A_202, %dma_wait3A_216, %dma_wait3A_217] : memref<4x2x80xi32, #tpu.memory_space<vmem>> -> memref<1x2x80xi32, #tpu.memory_space<vmem>>
    %dma_wait3A_219 = tpu.memref_squeeze %dma_wait3A_218 : memref<1x2x80xi32, #tpu.memory_space<vmem>> -> memref<2x80xi32, #tpu.memory_space<vmem>>
    %dma_wait3A_220 = arith.constant 0 : i32
    %dma_wait3A_221 = arith.constant 0 : i32
    %dma_wait3A_222 = arith.constant 0 : i32
    %dma_wait3A_223 = tpu.memref_slice %arg3[%arg1, %dma_wait3A_220, %dma_wait3A_221, %dma_wait3A_222] : memref<16x250x2x80xi32, #tpu.memory_space<hbm>> -> memref<1x250x2x80xi32, #tpu.memory_space<hbm>>
    %dma_wait3A_224 = tpu.memref_squeeze %dma_wait3A_223 : memref<1x250x2x80xi32, #tpu.memory_space<hbm>> -> memref<250x2x80xi32, #tpu.memory_space<hbm>>
    %dma_wait3A_225 = arith.constant 0 : i32
    %dma_wait3A_226 = arith.constant 0 : i32
    %dma_wait3A_227 = tpu.memref_slice %dma_wait3A_224[%dma_wait3A_201, %dma_wait3A_225, %dma_wait3A_226] : memref<250x2x80xi32, #tpu.memory_space<hbm>> -> memref<1x2x80xi32, #tpu.memory_space<hbm>>
    %dma_wait3A_228 = tpu.memref_squeeze %dma_wait3A_227 : memref<1x2x80xi32, #tpu.memory_space<hbm>> -> memref<2x80xi32, #tpu.memory_space<hbm>>
    tpu.wait_dma2 semaphore(%arg11 : memref<!tpu.dma_semaphore, #tpu.memory_space<semaphore_mem>>) src(%dma_wait3A_228 : memref<2x80xi32, #tpu.memory_space<hbm>>) dst(%dma_wait3A_219 : memref<2x80xi32, #tpu.memory_space<vmem>>)
    %dma_start3A_229 = arith.constant 2 : i32
    %dma_start3A_230 = arith.constant 0 : i32
    %dma_start3A_231 = arith.constant 2 : i32
    %dma_start3A_232 = arith.constant 0 : i32
    %dma_start3A_233 = arith.constant 0 : i32
    %dma_start3A_234 = tpu.memref_slice %arg7[%dma_start3A_231, %dma_start3A_232, %dma_start3A_233] : memref<4x80x128xf32, #tpu.memory_space<vmem>> -> memref<1x80x128xf32, #tpu.memory_space<vmem>>
    %dma_start3A_235 = tpu.memref_squeeze %dma_start3A_234 : memref<1x80x128xf32, #tpu.memory_space<vmem>> -> memref<80x128xf32, #tpu.memory_space<vmem>>
    %dma_start3A_236 = arith.constant 0 : i32
    %dma_start3A_237 = tpu.memref_slice %arg6[%dma_start3A_229, %dma_start3A_230, %dma_start3A_236] : memref<4x2x80xi32, #tpu.memory_space<vmem>> -> memref<1x1x80xi32, #tpu.memory_space<vmem>>
    %dma_start3A_238 = tpu.memref_squeeze %dma_start3A_237 : memref<1x1x80xi32, #tpu.memory_space<vmem>> -> memref<80xi32, #tpu.memory_space<vmem>>
    %dma_start3A_239 = arith.constant 0 : i32
    %dma_start3A_240 = arith.constant 0 : i32
    %dma_start3A_241 = tpu.memref_slice %arg2[%arg0, %dma_start3A_239, %dma_start3A_240] : memref<2x10240x128xf32, #tpu.memory_space<hbm>> -> memref<1x10240x128xf32, #tpu.memory_space<hbm>>
    %dma_start3A_242 = tpu.memref_squeeze %dma_start3A_241 : memref<1x10240x128xf32, #tpu.memory_space<hbm>> -> memref<10240x128xf32, #tpu.memory_space<hbm>>
    %dma_start3A_243 = arith.constant 0 : i32
    %dma_start3A_244 = arith.constant 0 : i32
    %dma_start3A_245 = tpu.memref_slice %dma_start3A_242[%dma_start3A_243, %dma_start3A_244] : memref<10240x128xf32, #tpu.memory_space<hbm>> -> memref<10240x128xf32, #tpu.memory_space<hbm>>
    tpu.enqueue_indirect_dma source(%dma_start3A_245 : memref<10240x128xf32, #tpu.memory_space<hbm>>) target(%dma_start3A_235 : memref<80x128xf32, #tpu.memory_space<vmem>>) offsets(%dma_start3A_238 : memref<80xi32, #tpu.memory_space<vmem>>) semaphore(%arg15 : memref<!tpu.dma_semaphore, #tpu.memory_space<semaphore_mem>>)
    %dma_wait3A_246 = arith.constant 0 : i32
    %dma_wait3A_247 = arith.constant 3 : i32
    %dma_wait3A_248 = arith.constant 0 : i32
    %dma_wait3A_249 = arith.constant 0 : i32
    %dma_wait3A_250 = tpu.memref_slice %arg6[%dma_wait3A_247, %dma_wait3A_248, %dma_wait3A_249] : memref<4x2x80xi32, #tpu.memory_space<vmem>> -> memref<1x2x80xi32, #tpu.memory_space<vmem>>
    %dma_wait3A_251 = tpu.memref_squeeze %dma_wait3A_250 : memref<1x2x80xi32, #tpu.memory_space<vmem>> -> memref<2x80xi32, #tpu.memory_space<vmem>>
    %dma_wait3A_252 = arith.constant 0 : i32
    %dma_wait3A_253 = arith.constant 0 : i32
    %dma_wait3A_254 = arith.constant 0 : i32
    %dma_wait3A_255 = tpu.memref_slice %arg3[%arg1, %dma_wait3A_252, %dma_wait3A_253, %dma_wait3A_254] : memref<16x250x2x80xi32, #tpu.memory_space<hbm>> -> memref<1x250x2x80xi32, #tpu.memory_space<hbm>>
    %dma_wait3A_256 = tpu.memref_squeeze %dma_wait3A_255 : memref<1x250x2x80xi32, #tpu.memory_space<hbm>> -> memref<250x2x80xi32, #tpu.memory_space<hbm>>
    %dma_wait3A_257 = arith.constant 0 : i32
    %dma_wait3A_258 = arith.constant 0 : i32
    %dma_wait3A_259 = tpu.memref_slice %dma_wait3A_256[%dma_wait3A_246, %dma_wait3A_257, %dma_wait3A_258] : memref<250x2x80xi32, #tpu.memory_space<hbm>> -> memref<1x2x80xi32, #tpu.memory_space<hbm>>
    %dma_wait3A_260 = tpu.memref_squeeze %dma_wait3A_259 : memref<1x2x80xi32, #tpu.memory_space<hbm>> -> memref<2x80xi32, #tpu.memory_space<hbm>>
    %dma_wait3A_261 = arith.constant 0 : i32
    %dma_wait3A_262 = arith.constant 0 : i32
    %dma_wait3A_263 = tpu.memref_slice %arg6[%dma_wait3A_247, %dma_wait3A_261, %dma_wait3A_262] : memref<4x2x80xi32, #tpu.memory_space<vmem>> -> memref<1x2x80xi32, #tpu.memory_space<vmem>>
    %dma_wait3A_264 = tpu.memref_squeeze %dma_wait3A_263 : memref<1x2x80xi32, #tpu.memory_space<vmem>> -> memref<2x80xi32, #tpu.memory_space<vmem>>
    %dma_wait3A_265 = arith.constant 0 : i32
    %dma_wait3A_266 = arith.constant 0 : i32
    %dma_wait3A_267 = arith.constant 0 : i32
    %dma_wait3A_268 = tpu.memref_slice %arg3[%arg1, %dma_wait3A_265, %dma_wait3A_266, %dma_wait3A_267] : memref<16x250x2x80xi32, #tpu.memory_space<hbm>> -> memref<1x250x2x80xi32, #tpu.memory_space<hbm>>
    %dma_wait3A_269 = tpu.memref_squeeze %dma_wait3A_268 : memref<1x250x2x80xi32, #tpu.memory_space<hbm>> -> memref<250x2x80xi32, #tpu.memory_space<hbm>>
    %dma_wait3A_270 = arith.constant 0 : i32
    %dma_wait3A_271 = arith.constant 0 : i32
    %dma_wait3A_272 = tpu.memref_slice %dma_wait3A_269[%dma_wait3A_246, %dma_wait3A_270, %dma_wait3A_271] : memref<250x2x80xi32, #tpu.memory_space<hbm>> -> memref<1x2x80xi32, #tpu.memory_space<hbm>>
    %dma_wait3A_273 = tpu.memref_squeeze %dma_wait3A_272 : memref<1x2x80xi32, #tpu.memory_space<hbm>> -> memref<2x80xi32, #tpu.memory_space<hbm>>
    tpu.wait_dma2 semaphore(%arg12 : memref<!tpu.dma_semaphore, #tpu.memory_space<semaphore_mem>>) src(%dma_wait3A_273 : memref<2x80xi32, #tpu.memory_space<hbm>>) dst(%dma_wait3A_264 : memref<2x80xi32, #tpu.memory_space<vmem>>)
    %dma_start3A_274 = arith.constant 3 : i32
    %dma_start3A_275 = arith.constant 0 : i32
    %dma_start3A_276 = arith.constant 3 : i32
    %dma_start3A_277 = arith.constant 0 : i32
    %dma_start3A_278 = arith.constant 0 : i32
    %dma_start3A_279 = tpu.memref_slice %arg7[%dma_start3A_276, %dma_start3A_277, %dma_start3A_278] : memref<4x80x128xf32, #tpu.memory_space<vmem>> -> memref<1x80x128xf32, #tpu.memory_space<vmem>>
    %dma_start3A_280 = tpu.memref_squeeze %dma_start3A_279 : memref<1x80x128xf32, #tpu.memory_space<vmem>> -> memref<80x128xf32, #tpu.memory_space<vmem>>
    %dma_start3A_281 = arith.constant 0 : i32
    %dma_start3A_282 = tpu.memref_slice %arg6[%dma_start3A_274, %dma_start3A_275, %dma_start3A_281] : memref<4x2x80xi32, #tpu.memory_space<vmem>> -> memref<1x1x80xi32, #tpu.memory_space<vmem>>
    %dma_start3A_283 = tpu.memref_squeeze %dma_start3A_282 : memref<1x1x80xi32, #tpu.memory_space<vmem>> -> memref<80xi32, #tpu.memory_space<vmem>>
    %dma_start3A_284 = arith.constant 0 : i32
    %dma_start3A_285 = arith.constant 0 : i32
    %dma_start3A_286 = tpu.memref_slice %arg2[%arg0, %dma_start3A_284, %dma_start3A_285] : memref<2x10240x128xf32, #tpu.memory_space<hbm>> -> memref<1x10240x128xf32, #tpu.memory_space<hbm>>
    %dma_start3A_287 = tpu.memref_squeeze %dma_start3A_286 : memref<1x10240x128xf32, #tpu.memory_space<hbm>> -> memref<10240x128xf32, #tpu.memory_space<hbm>>
    %dma_start3A_288 = arith.constant 0 : i32
    %dma_start3A_289 = arith.constant 0 : i32
    %dma_start3A_290 = tpu.memref_slice %dma_start3A_287[%dma_start3A_288, %dma_start3A_289] : memref<10240x128xf32, #tpu.memory_space<hbm>> -> memref<10240x128xf32, #tpu.memory_space<hbm>>
    tpu.enqueue_indirect_dma source(%dma_start3A_290 : memref<10240x128xf32, #tpu.memory_space<hbm>>) target(%dma_start3A_280 : memref<80x128xf32, #tpu.memory_space<vmem>>) offsets(%dma_start3A_283 : memref<80xi32, #tpu.memory_space<vmem>>) semaphore(%arg16 : memref<!tpu.dma_semaphore, #tpu.memory_space<semaphore_mem>>)
    %scan3A = arith.constant 0 : i32
    %scan3A_291 = arith.constant 0 : i32
    %scan3A_292 = arith.constant 62 : i32
    %scan3A_293 = arith.addi %scan3A_291, %scan3A_292 : i32
    %scan3A_294 = arith.constant 1 : i32
    scf.for %scan3A_387 = %scan3A_291 to %scan3A_293 step %scan3A_294  : i32 {
      %mul3A_388 = arith.constant 4 : i32
      %mul3A_389 = arith.muli %mul3A_388, %scan3A_387 : i32
      %dma_wait3A_390 = arith.constant 0 : i32
      %dma_wait3A_391 = arith.constant 0 : i32
      %dma_wait3A_392 = arith.constant 0 : i32
      %dma_wait3A_393 = arith.constant 0 : i32
      %dma_wait3A_394 = arith.constant 0 : i32
      %dma_wait3A_395 = tpu.memref_slice %arg7[%dma_wait3A_392, %dma_wait3A_393, %dma_wait3A_394] : memref<4x80x128xf32, #tpu.memory_space<vmem>> -> memref<1x80x128xf32, #tpu.memory_space<vmem>>
      %dma_wait3A_396 = tpu.memref_squeeze %dma_wait3A_395 : memref<1x80x128xf32, #tpu.memory_space<vmem>> -> memref<80x128xf32, #tpu.memory_space<vmem>>
      %dma_wait3A_397 = arith.constant 0 : i32
      %dma_wait3A_398 = tpu.memref_slice %arg6[%dma_wait3A_390, %dma_wait3A_391, %dma_wait3A_397] : memref<4x2x80xi32, #tpu.memory_space<vmem>> -> memref<1x1x80xi32, #tpu.memory_space<vmem>>
      %dma_wait3A_399 = tpu.memref_squeeze %dma_wait3A_398 : memref<1x1x80xi32, #tpu.memory_space<vmem>> -> memref<80xi32, #tpu.memory_space<vmem>>
      %dma_wait3A_400 = arith.constant 0 : i32
      %dma_wait3A_401 = arith.constant 0 : i32
      %dma_wait3A_402 = tpu.memref_slice %arg2[%arg0, %dma_wait3A_400, %dma_wait3A_401] : memref<2x10240x128xf32, #tpu.memory_space<hbm>> -> memref<1x10240x128xf32, #tpu.memory_space<hbm>>
      %dma_wait3A_403 = tpu.memref_squeeze %dma_wait3A_402 : memref<1x10240x128xf32, #tpu.memory_space<hbm>> -> memref<10240x128xf32, #tpu.memory_space<hbm>>
      %dma_wait3A_404 = arith.constant 0 : i32
      %dma_wait3A_405 = arith.constant 0 : i32
      %dma_wait3A_406 = tpu.memref_slice %dma_wait3A_403[%dma_wait3A_404, %dma_wait3A_405] : memref<10240x128xf32, #tpu.memory_space<hbm>> -> memref<10240x128xf32, #tpu.memory_space<hbm>>
      tpu.wait_indirect_dma semaphore(%arg13 : memref<!tpu.dma_semaphore, #tpu.memory_space<semaphore_mem>>) src(%dma_wait3A_406 : memref<10240x128xf32, #tpu.memory_space<hbm>>) dst(%dma_wait3A_396 : memref<80x128xf32, #tpu.memory_space<vmem>>)
      %dma_start3A_407 = arith.constant 0 : i32
      %dma_start3A_408 = arith.constant 0 : i32
      %dma_start3A_409 = arith.constant 1 : i32
      %dma_start3A_410 = arith.constant 0 : i32
      %dma_start3A_411 = arith.constant 0 : i32
      %dma_start3A_412 = tpu.memref_slice %arg7[%dma_start3A_407, %dma_start3A_410, %dma_start3A_411] : memref<4x80x128xf32, #tpu.memory_space<vmem>> -> memref<1x80x128xf32, #tpu.memory_space<vmem>>
      %dma_start3A_413 = tpu.memref_squeeze %dma_start3A_412 : memref<1x80x128xf32, #tpu.memory_space<vmem>> -> memref<80x128xf32, #tpu.memory_space<vmem>>
      %dma_start3A_414 = arith.constant 0 : i32
      %dma_start3A_415 = tpu.memref_slice %arg6[%dma_start3A_408, %dma_start3A_409, %dma_start3A_414] : memref<4x2x80xi32, #tpu.memory_space<vmem>> -> memref<1x1x80xi32, #tpu.memory_space<vmem>>
      %dma_start3A_416 = tpu.memref_squeeze %dma_start3A_415 : memref<1x1x80xi32, #tpu.memory_space<vmem>> -> memref<80xi32, #tpu.memory_space<vmem>>
      %dma_start3A_417 = arith.constant 0 : i32
      %dma_start3A_418 = arith.constant 0 : i32
      %dma_start3A_419 = tpu.memref_slice %arg8[%dma_start3A_417, %dma_start3A_418] : memref<10240x128xf32, #tpu.memory_space<vmem_shared>> -> memref<10240x128xf32, #tpu.memory_space<vmem_shared>>
      tpu.enqueue_indirect_dma source(%dma_start3A_413 : memref<80x128xf32, #tpu.memory_space<vmem>>) target(%dma_start3A_419 : memref<10240x128xf32, #tpu.memory_space<vmem_shared>>) offsets(%dma_start3A_416 : memref<80xi32, #tpu.memory_space<vmem>>) semaphore(%arg17 : memref<!tpu.dma_semaphore, #tpu.memory_space<semaphore_mem>>) {add = true}
      %dma_wait3A_420 = arith.constant 0 : i32
      %dma_wait3A_421 = arith.constant 0 : i32
      %dma_wait3A_422 = arith.constant 1 : i32
      %dma_wait3A_423 = arith.constant 0 : i32
      %dma_wait3A_424 = arith.constant 0 : i32
      %dma_wait3A_425 = tpu.memref_slice %arg7[%dma_wait3A_422, %dma_wait3A_423, %dma_wait3A_424] : memref<4x80x128xf32, #tpu.memory_space<vmem>> -> memref<1x80x128xf32, #tpu.memory_space<vmem>>
      %dma_wait3A_426 = tpu.memref_squeeze %dma_wait3A_425 : memref<1x80x128xf32, #tpu.memory_space<vmem>> -> memref<80x128xf32, #tpu.memory_space<vmem>>
      %dma_wait3A_427 = arith.constant 0 : i32
      %dma_wait3A_428 = tpu.memref_slice %arg6[%dma_wait3A_420, %dma_wait3A_421, %dma_wait3A_427] : memref<4x2x80xi32, #tpu.memory_space<vmem>> -> memref<1x1x80xi32, #tpu.memory_space<vmem>>
      %dma_wait3A_429 = tpu.memref_squeeze %dma_wait3A_428 : memref<1x1x80xi32, #tpu.memory_space<vmem>> -> memref<80xi32, #tpu.memory_space<vmem>>
      %dma_wait3A_430 = arith.constant 0 : i32
      %dma_wait3A_431 = arith.constant 0 : i32
      %dma_wait3A_432 = tpu.memref_slice %arg2[%arg0, %dma_wait3A_430, %dma_wait3A_431] : memref<2x10240x128xf32, #tpu.memory_space<hbm>> -> memref<1x10240x128xf32, #tpu.memory_space<hbm>>
      %dma_wait3A_433 = tpu.memref_squeeze %dma_wait3A_432 : memref<1x10240x128xf32, #tpu.memory_space<hbm>> -> memref<10240x128xf32, #tpu.memory_space<hbm>>
      %dma_wait3A_434 = arith.constant 0 : i32
      %dma_wait3A_435 = arith.constant 0 : i32
      %dma_wait3A_436 = tpu.memref_slice %dma_wait3A_433[%dma_wait3A_434, %dma_wait3A_435] : memref<10240x128xf32, #tpu.memory_space<hbm>> -> memref<10240x128xf32, #tpu.memory_space<hbm>>
      tpu.wait_indirect_dma semaphore(%arg14 : memref<!tpu.dma_semaphore, #tpu.memory_space<semaphore_mem>>) src(%dma_wait3A_436 : memref<10240x128xf32, #tpu.memory_space<hbm>>) dst(%dma_wait3A_426 : memref<80x128xf32, #tpu.memory_space<vmem>>)
      %dma_start3A_437 = arith.constant 1 : i32
      %dma_start3A_438 = arith.constant 1 : i32
      %dma_start3A_439 = arith.constant 1 : i32
      %dma_start3A_440 = arith.constant 0 : i32
      %dma_start3A_441 = arith.constant 0 : i32
      %dma_start3A_442 = tpu.memref_slice %arg7[%dma_start3A_437, %dma_start3A_440, %dma_start3A_441] : memref<4x80x128xf32, #tpu.memory_space<vmem>> -> memref<1x80x128xf32, #tpu.memory_space<vmem>>
      %dma_start3A_443 = tpu.memref_squeeze %dma_start3A_442 : memref<1x80x128xf32, #tpu.memory_space<vmem>> -> memref<80x128xf32, #tpu.memory_space<vmem>>
      %dma_start3A_444 = arith.constant 0 : i32
      %dma_start3A_445 = tpu.memref_slice %arg6[%dma_start3A_438, %dma_start3A_439, %dma_start3A_444] : memref<4x2x80xi32, #tpu.memory_space<vmem>> -> memref<1x1x80xi32, #tpu.memory_space<vmem>>
      %dma_start3A_446 = tpu.memref_squeeze %dma_start3A_445 : memref<1x1x80xi32, #tpu.memory_space<vmem>> -> memref<80xi32, #tpu.memory_space<vmem>>
      %dma_start3A_447 = arith.constant 0 : i32
      %dma_start3A_448 = arith.constant 0 : i32
      %dma_start3A_449 = tpu.memref_slice %arg8[%dma_start3A_447, %dma_start3A_448] : memref<10240x128xf32, #tpu.memory_space<vmem_shared>> -> memref<10240x128xf32, #tpu.memory_space<vmem_shared>>
      tpu.enqueue_indirect_dma source(%dma_start3A_443 : memref<80x128xf32, #tpu.memory_space<vmem>>) target(%dma_start3A_449 : memref<10240x128xf32, #tpu.memory_space<vmem_shared>>) offsets(%dma_start3A_446 : memref<80xi32, #tpu.memory_space<vmem>>) semaphore(%arg18 : memref<!tpu.dma_semaphore, #tpu.memory_space<semaphore_mem>>) {add = true}
      %dma_wait3A_450 = arith.constant 0 : i32
      %dma_wait3A_451 = arith.constant 0 : i32
      %dma_wait3A_452 = arith.constant 2 : i32
      %dma_wait3A_453 = arith.constant 0 : i32
      %dma_wait3A_454 = arith.constant 0 : i32
      %dma_wait3A_455 = tpu.memref_slice %arg7[%dma_wait3A_452, %dma_wait3A_453, %dma_wait3A_454] : memref<4x80x128xf32, #tpu.memory_space<vmem>> -> memref<1x80x128xf32, #tpu.memory_space<vmem>>
      %dma_wait3A_456 = tpu.memref_squeeze %dma_wait3A_455 : memref<1x80x128xf32, #tpu.memory_space<vmem>> -> memref<80x128xf32, #tpu.memory_space<vmem>>
      %dma_wait3A_457 = arith.constant 0 : i32
      %dma_wait3A_458 = tpu.memref_slice %arg6[%dma_wait3A_450, %dma_wait3A_451, %dma_wait3A_457] : memref<4x2x80xi32, #tpu.memory_space<vmem>> -> memref<1x1x80xi32, #tpu.memory_space<vmem>>
      %dma_wait3A_459 = tpu.memref_squeeze %dma_wait3A_458 : memref<1x1x80xi32, #tpu.memory_space<vmem>> -> memref<80xi32, #tpu.memory_space<vmem>>
      %dma_wait3A_460 = arith.constant 0 : i32
      %dma_wait3A_461 = arith.constant 0 : i32
      %dma_wait3A_462 = tpu.memref_slice %arg2[%arg0, %dma_wait3A_460, %dma_wait3A_461] : memref<2x10240x128xf32, #tpu.memory_space<hbm>> -> memref<1x10240x128xf32, #tpu.memory_space<hbm>>
      %dma_wait3A_463 = tpu.memref_squeeze %dma_wait3A_462 : memref<1x10240x128xf32, #tpu.memory_space<hbm>> -> memref<10240x128xf32, #tpu.memory_space<hbm>>
      %dma_wait3A_464 = arith.constant 0 : i32
      %dma_wait3A_465 = arith.constant 0 : i32
      %dma_wait3A_466 = tpu.memref_slice %dma_wait3A_463[%dma_wait3A_464, %dma_wait3A_465] : memref<10240x128xf32, #tpu.memory_space<hbm>> -> memref<10240x128xf32, #tpu.memory_space<hbm>>
      tpu.wait_indirect_dma semaphore(%arg15 : memref<!tpu.dma_semaphore, #tpu.memory_space<semaphore_mem>>) src(%dma_wait3A_466 : memref<10240x128xf32, #tpu.memory_space<hbm>>) dst(%dma_wait3A_456 : memref<80x128xf32, #tpu.memory_space<vmem>>)
      %dma_start3A_467 = arith.constant 2 : i32
      %dma_start3A_468 = arith.constant 2 : i32
      %dma_start3A_469 = arith.constant 1 : i32
      %dma_start3A_470 = arith.constant 0 : i32
      %dma_start3A_471 = arith.constant 0 : i32
      %dma_start3A_472 = tpu.memref_slice %arg7[%dma_start3A_467, %dma_start3A_470, %dma_start3A_471] : memref<4x80x128xf32, #tpu.memory_space<vmem>> -> memref<1x80x128xf32, #tpu.memory_space<vmem>>
      %dma_start3A_473 = tpu.memref_squeeze %dma_start3A_472 : memref<1x80x128xf32, #tpu.memory_space<vmem>> -> memref<80x128xf32, #tpu.memory_space<vmem>>
      %dma_start3A_474 = arith.constant 0 : i32
      %dma_start3A_475 = tpu.memref_slice %arg6[%dma_start3A_468, %dma_start3A_469, %dma_start3A_474] : memref<4x2x80xi32, #tpu.memory_space<vmem>> -> memref<1x1x80xi32, #tpu.memory_space<vmem>>
      %dma_start3A_476 = tpu.memref_squeeze %dma_start3A_475 : memref<1x1x80xi32, #tpu.memory_space<vmem>> -> memref<80xi32, #tpu.memory_space<vmem>>
      %dma_start3A_477 = arith.constant 0 : i32
      %dma_start3A_478 = arith.constant 0 : i32
      %dma_start3A_479 = tpu.memref_slice %arg8[%dma_start3A_477, %dma_start3A_478] : memref<10240x128xf32, #tpu.memory_space<vmem_shared>> -> memref<10240x128xf32, #tpu.memory_space<vmem_shared>>
      tpu.enqueue_indirect_dma source(%dma_start3A_473 : memref<80x128xf32, #tpu.memory_space<vmem>>) target(%dma_start3A_479 : memref<10240x128xf32, #tpu.memory_space<vmem_shared>>) offsets(%dma_start3A_476 : memref<80xi32, #tpu.memory_space<vmem>>) semaphore(%arg19 : memref<!tpu.dma_semaphore, #tpu.memory_space<semaphore_mem>>) {add = true}
      %dma_wait3A_480 = arith.constant 0 : i32
      %dma_wait3A_481 = arith.constant 0 : i32
      %dma_wait3A_482 = arith.constant 3 : i32
      %dma_wait3A_483 = arith.constant 0 : i32
      %dma_wait3A_484 = arith.constant 0 : i32
      %dma_wait3A_485 = tpu.memref_slice %arg7[%dma_wait3A_482, %dma_wait3A_483, %dma_wait3A_484] : memref<4x80x128xf32, #tpu.memory_space<vmem>> -> memref<1x80x128xf32, #tpu.memory_space<vmem>>
      %dma_wait3A_486 = tpu.memref_squeeze %dma_wait3A_485 : memref<1x80x128xf32, #tpu.memory_space<vmem>> -> memref<80x128xf32, #tpu.memory_space<vmem>>
      %dma_wait3A_487 = arith.constant 0 : i32
      %dma_wait3A_488 = tpu.memref_slice %arg6[%dma_wait3A_480, %dma_wait3A_481, %dma_wait3A_487] : memref<4x2x80xi32, #tpu.memory_space<vmem>> -> memref<1x1x80xi32, #tpu.memory_space<vmem>>
      %dma_wait3A_489 = tpu.memref_squeeze %dma_wait3A_488 : memref<1x1x80xi32, #tpu.memory_space<vmem>> -> memref<80xi32, #tpu.memory_space<vmem>>
      %dma_wait3A_490 = arith.constant 0 : i32
      %dma_wait3A_491 = arith.constant 0 : i32
      %dma_wait3A_492 = tpu.memref_slice %arg2[%arg0, %dma_wait3A_490, %dma_wait3A_491] : memref<2x10240x128xf32, #tpu.memory_space<hbm>> -> memref<1x10240x128xf32, #tpu.memory_space<hbm>>
      %dma_wait3A_493 = tpu.memref_squeeze %dma_wait3A_492 : memref<1x10240x128xf32, #tpu.memory_space<hbm>> -> memref<10240x128xf32, #tpu.memory_space<hbm>>
      %dma_wait3A_494 = arith.constant 0 : i32
      %dma_wait3A_495 = arith.constant 0 : i32
      %dma_wait3A_496 = tpu.memref_slice %dma_wait3A_493[%dma_wait3A_494, %dma_wait3A_495] : memref<10240x128xf32, #tpu.memory_space<hbm>> -> memref<10240x128xf32, #tpu.memory_space<hbm>>
      tpu.wait_indirect_dma semaphore(%arg16 : memref<!tpu.dma_semaphore, #tpu.memory_space<semaphore_mem>>) src(%dma_wait3A_496 : memref<10240x128xf32, #tpu.memory_space<hbm>>) dst(%dma_wait3A_486 : memref<80x128xf32, #tpu.memory_space<vmem>>)
      %dma_start3A_497 = arith.constant 3 : i32
      %dma_start3A_498 = arith.constant 3 : i32
      %dma_start3A_499 = arith.constant 1 : i32
      %dma_start3A_500 = arith.constant 0 : i32
      %dma_start3A_501 = arith.constant 0 : i32
      %dma_start3A_502 = tpu.memref_slice %arg7[%dma_start3A_497, %dma_start3A_500, %dma_start3A_501] : memref<4x80x128xf32, #tpu.memory_space<vmem>> -> memref<1x80x128xf32, #tpu.memory_space<vmem>>
      %dma_start3A_503 = tpu.memref_squeeze %dma_start3A_502 : memref<1x80x128xf32, #tpu.memory_space<vmem>> -> memref<80x128xf32, #tpu.memory_space<vmem>>
      %dma_start3A_504 = arith.constant 0 : i32
      %dma_start3A_505 = tpu.memref_slice %arg6[%dma_start3A_498, %dma_start3A_499, %dma_start3A_504] : memref<4x2x80xi32, #tpu.memory_space<vmem>> -> memref<1x1x80xi32, #tpu.memory_space<vmem>>
      %dma_start3A_506 = tpu.memref_squeeze %dma_start3A_505 : memref<1x1x80xi32, #tpu.memory_space<vmem>> -> memref<80xi32, #tpu.memory_space<vmem>>
      %dma_start3A_507 = arith.constant 0 : i32
      %dma_start3A_508 = arith.constant 0 : i32
      %dma_start3A_509 = tpu.memref_slice %arg8[%dma_start3A_507, %dma_start3A_508] : memref<10240x128xf32, #tpu.memory_space<vmem_shared>> -> memref<10240x128xf32, #tpu.memory_space<vmem_shared>>
      tpu.enqueue_indirect_dma source(%dma_start3A_503 : memref<80x128xf32, #tpu.memory_space<vmem>>) target(%dma_start3A_509 : memref<10240x128xf32, #tpu.memory_space<vmem_shared>>) offsets(%dma_start3A_506 : memref<80xi32, #tpu.memory_space<vmem>>) semaphore(%arg20 : memref<!tpu.dma_semaphore, #tpu.memory_space<semaphore_mem>>) {add = true}
      %dma_wait3A_510 = arith.constant 0 : i32
      %dma_wait3A_511 = arith.constant 0 : i32
      %dma_wait3A_512 = arith.constant 1 : i32
      %dma_wait3A_513 = arith.constant 0 : i32
      %dma_wait3A_514 = arith.constant 0 : i32
      %dma_wait3A_515 = tpu.memref_slice %arg7[%dma_wait3A_510, %dma_wait3A_513, %dma_wait3A_514] : memref<4x80x128xf32, #tpu.memory_space<vmem>> -> memref<1x80x128xf32, #tpu.memory_space<vmem>>
      %dma_wait3A_516 = tpu.memref_squeeze %dma_wait3A_515 : memref<1x80x128xf32, #tpu.memory_space<vmem>> -> memref<80x128xf32, #tpu.memory_space<vmem>>
      %dma_wait3A_517 = arith.constant 0 : i32
      %dma_wait3A_518 = tpu.memref_slice %arg6[%dma_wait3A_511, %dma_wait3A_512, %dma_wait3A_517] : memref<4x2x80xi32, #tpu.memory_space<vmem>> -> memref<1x1x80xi32, #tpu.memory_space<vmem>>
      %dma_wait3A_519 = tpu.memref_squeeze %dma_wait3A_518 : memref<1x1x80xi32, #tpu.memory_space<vmem>> -> memref<80xi32, #tpu.memory_space<vmem>>
      %dma_wait3A_520 = arith.constant 0 : i32
      %dma_wait3A_521 = arith.constant 0 : i32
      %dma_wait3A_522 = tpu.memref_slice %arg8[%dma_wait3A_520, %dma_wait3A_521] : memref<10240x128xf32, #tpu.memory_space<vmem_shared>> -> memref<10240x128xf32, #tpu.memory_space<vmem_shared>>
      tpu.wait_indirect_dma semaphore(%arg17 : memref<!tpu.dma_semaphore, #tpu.memory_space<semaphore_mem>>) src(%dma_wait3A_516 : memref<80x128xf32, #tpu.memory_space<vmem>>) dst(%dma_wait3A_522 : memref<10240x128xf32, #tpu.memory_space<vmem_shared>>)
      %add3A = arith.constant 4 : i32
      %add3A_523 = arith.addi %mul3A_389, %add3A : i32
      %add3A_524 = arith.constant 0 : i32
      %add3A_525 = arith.addi %add3A_523, %add3A_524 : i32
      %lt3A = arith.constant 250 : i32
      %lt3A_526 = arith.cmpi slt, %add3A_525, %lt3A : i32
      %convert_element_type3A = arith.extui %lt3A_526 : i1 to i32
      %cond3A = arith.constant 0 : i32
      %cond3A_527 = arith.cmpi ne, %convert_element_type3A, %cond3A : i32
      scf.if %cond3A_527 {
        %dma_start3A_594 = arith.constant 0 : i32
        %dma_start3A_595 = arith.constant 0 : i32
        %dma_start3A_596 = arith.constant 0 : i32
        %dma_start3A_597 = tpu.memref_slice %arg6[%dma_start3A_594, %dma_start3A_595, %dma_start3A_596] : memref<4x2x80xi32, #tpu.memory_space<vmem>> -> memref<1x2x80xi32, #tpu.memory_space<vmem>>
        %dma_start3A_598 = tpu.memref_squeeze %dma_start3A_597 : memref<1x2x80xi32, #tpu.memory_space<vmem>> -> memref<2x80xi32, #tpu.memory_space<vmem>>
        %dma_start3A_599 = arith.constant 0 : i32
        %dma_start3A_600 = arith.constant 0 : i32
        %dma_start3A_601 = arith.constant 0 : i32
        %dma_start3A_602 = tpu.memref_slice %arg3[%arg1, %dma_start3A_599, %dma_start3A_600, %dma_start3A_601] : memref<16x250x2x80xi32, #tpu.memory_space<hbm>> -> memref<1x250x2x80xi32, #tpu.memory_space<hbm>>
        %dma_start3A_603 = tpu.memref_squeeze %dma_start3A_602 : memref<1x250x2x80xi32, #tpu.memory_space<hbm>> -> memref<250x2x80xi32, #tpu.memory_space<hbm>>
        %dma_start3A_604 = arith.constant 0 : i32
        %dma_start3A_605 = arith.constant 0 : i32
        %dma_start3A_606 = tpu.memref_slice %dma_start3A_603[%add3A_525, %dma_start3A_604, %dma_start3A_605] : memref<250x2x80xi32, #tpu.memory_space<hbm>> -> memref<1x2x80xi32, #tpu.memory_space<hbm>>
        %dma_start3A_607 = tpu.memref_squeeze %dma_start3A_606 : memref<1x2x80xi32, #tpu.memory_space<hbm>> -> memref<2x80xi32, #tpu.memory_space<hbm>>
        %dma_start3A_608 = arith.constant 0 : i32
        %dma_start3A_609 = arith.constant 0 : i32
        %dma_start3A_610 = tpu.memref_slice %arg6[%dma_start3A_594, %dma_start3A_608, %dma_start3A_609] : memref<4x2x80xi32, #tpu.memory_space<vmem>> -> memref<1x2x80xi32, #tpu.memory_space<vmem>>
        %dma_start3A_611 = tpu.memref_squeeze %dma_start3A_610 : memref<1x2x80xi32, #tpu.memory_space<vmem>> -> memref<2x80xi32, #tpu.memory_space<vmem>>
        %dma_start3A_612 = arith.constant 0 : i32
        %dma_start3A_613 = arith.constant 0 : i32
        %dma_start3A_614 = arith.constant 0 : i32
        %dma_start3A_615 = tpu.memref_slice %arg3[%arg1, %dma_start3A_612, %dma_start3A_613, %dma_start3A_614] : memref<16x250x2x80xi32, #tpu.memory_space<hbm>> -> memref<1x250x2x80xi32, #tpu.memory_space<hbm>>
        %dma_start3A_616 = tpu.memref_squeeze %dma_start3A_615 : memref<1x250x2x80xi32, #tpu.memory_space<hbm>> -> memref<250x2x80xi32, #tpu.memory_space<hbm>>
        %dma_start3A_617 = arith.constant 0 : i32
        %dma_start3A_618 = arith.constant 0 : i32
        %dma_start3A_619 = tpu.memref_slice %dma_start3A_616[%add3A_525, %dma_start3A_617, %dma_start3A_618] : memref<250x2x80xi32, #tpu.memory_space<hbm>> -> memref<1x2x80xi32, #tpu.memory_space<hbm>>
        %dma_start3A_620 = tpu.memref_squeeze %dma_start3A_619 : memref<1x2x80xi32, #tpu.memory_space<hbm>> -> memref<2x80xi32, #tpu.memory_space<hbm>>
        tpu.enqueue_dma source(%dma_start3A_620 : memref<2x80xi32, #tpu.memory_space<hbm>>) target(%dma_start3A_611 : memref<2x80xi32, #tpu.memory_space<vmem>>) target_semaphore(%arg9 : memref<!tpu.dma_semaphore, #tpu.memory_space<semaphore_mem>>)
        %dma_wait3A_621 = arith.constant 0 : i32
        %dma_wait3A_622 = arith.constant 0 : i32
        %dma_wait3A_623 = arith.constant 0 : i32
        %dma_wait3A_624 = arith.constant 0 : i32
        %dma_wait3A_625 = tpu.memref_slice %arg6[%dma_wait3A_622, %dma_wait3A_623, %dma_wait3A_624] : memref<4x2x80xi32, #tpu.memory_space<vmem>> -> memref<1x2x80xi32, #tpu.memory_space<vmem>>
        %dma_wait3A_626 = tpu.memref_squeeze %dma_wait3A_625 : memref<1x2x80xi32, #tpu.memory_space<vmem>> -> memref<2x80xi32, #tpu.memory_space<vmem>>
        %dma_wait3A_627 = arith.constant 0 : i32
        %dma_wait3A_628 = arith.constant 0 : i32
        %dma_wait3A_629 = arith.constant 0 : i32
        %dma_wait3A_630 = tpu.memref_slice %arg3[%arg1, %dma_wait3A_627, %dma_wait3A_628, %dma_wait3A_629] : memref<16x250x2x80xi32, #tpu.memory_space<hbm>> -> memref<1x250x2x80xi32, #tpu.memory_space<hbm>>
        %dma_wait3A_631 = tpu.memref_squeeze %dma_wait3A_630 : memref<1x250x2x80xi32, #tpu.memory_space<hbm>> -> memref<250x2x80xi32, #tpu.memory_space<hbm>>
        %dma_wait3A_632 = arith.constant 0 : i32
        %dma_wait3A_633 = arith.constant 0 : i32
        %dma_wait3A_634 = tpu.memref_slice %dma_wait3A_631[%dma_wait3A_621, %dma_wait3A_632, %dma_wait3A_633] : memref<250x2x80xi32, #tpu.memory_space<hbm>> -> memref<1x2x80xi32, #tpu.memory_space<hbm>>
        %dma_wait3A_635 = tpu.memref_squeeze %dma_wait3A_634 : memref<1x2x80xi32, #tpu.memory_space<hbm>> -> memref<2x80xi32, #tpu.memory_space<hbm>>
        %dma_wait3A_636 = arith.constant 0 : i32
        %dma_wait3A_637 = arith.constant 0 : i32
        %dma_wait3A_638 = tpu.memref_slice %arg6[%dma_wait3A_622, %dma_wait3A_636, %dma_wait3A_637] : memref<4x2x80xi32, #tpu.memory_space<vmem>> -> memref<1x2x80xi32, #tpu.memory_space<vmem>>
        %dma_wait3A_639 = tpu.memref_squeeze %dma_wait3A_638 : memref<1x2x80xi32, #tpu.memory_space<vmem>> -> memref<2x80xi32, #tpu.memory_space<vmem>>
        %dma_wait3A_640 = arith.constant 0 : i32
        %dma_wait3A_641 = arith.constant 0 : i32
        %dma_wait3A_642 = arith.constant 0 : i32
        %dma_wait3A_643 = tpu.memref_slice %arg3[%arg1, %dma_wait3A_640, %dma_wait3A_641, %dma_wait3A_642] : memref<16x250x2x80xi32, #tpu.memory_space<hbm>> -> memref<1x250x2x80xi32, #tpu.memory_space<hbm>>
        %dma_wait3A_644 = tpu.memref_squeeze %dma_wait3A_643 : memref<1x250x2x80xi32, #tpu.memory_space<hbm>> -> memref<250x2x80xi32, #tpu.memory_space<hbm>>
        %dma_wait3A_645 = arith.constant 0 : i32
        %dma_wait3A_646 = arith.constant 0 : i32
        %dma_wait3A_647 = tpu.memref_slice %dma_wait3A_644[%dma_wait3A_621, %dma_wait3A_645, %dma_wait3A_646] : memref<250x2x80xi32, #tpu.memory_space<hbm>> -> memref<1x2x80xi32, #tpu.memory_space<hbm>>
        %dma_wait3A_648 = tpu.memref_squeeze %dma_wait3A_647 : memref<1x2x80xi32, #tpu.memory_space<hbm>> -> memref<2x80xi32, #tpu.memory_space<hbm>>
        tpu.wait_dma2 semaphore(%arg9 : memref<!tpu.dma_semaphore, #tpu.memory_space<semaphore_mem>>) src(%dma_wait3A_648 : memref<2x80xi32, #tpu.memory_space<hbm>>) dst(%dma_wait3A_639 : memref<2x80xi32, #tpu.memory_space<vmem>>)
        %dma_start3A_649 = arith.constant 0 : i32
        %dma_start3A_650 = arith.constant 0 : i32
        %dma_start3A_651 = arith.constant 0 : i32
        %dma_start3A_652 = arith.constant 0 : i32
        %dma_start3A_653 = arith.constant 0 : i32
        %dma_start3A_654 = tpu.memref_slice %arg7[%dma_start3A_651, %dma_start3A_652, %dma_start3A_653] : memref<4x80x128xf32, #tpu.memory_space<vmem>> -> memref<1x80x128xf32, #tpu.memory_space<vmem>>
        %dma_start3A_655 = tpu.memref_squeeze %dma_start3A_654 : memref<1x80x128xf32, #tpu.memory_space<vmem>> -> memref<80x128xf32, #tpu.memory_space<vmem>>
        %dma_start3A_656 = arith.constant 0 : i32
        %dma_start3A_657 = tpu.memref_slice %arg6[%dma_start3A_649, %dma_start3A_650, %dma_start3A_656] : memref<4x2x80xi32, #tpu.memory_space<vmem>> -> memref<1x1x80xi32, #tpu.memory_space<vmem>>
        %dma_start3A_658 = tpu.memref_squeeze %dma_start3A_657 : memref<1x1x80xi32, #tpu.memory_space<vmem>> -> memref<80xi32, #tpu.memory_space<vmem>>
        %dma_start3A_659 = arith.constant 0 : i32
        %dma_start3A_660 = arith.constant 0 : i32
        %dma_start3A_661 = tpu.memref_slice %arg2[%arg0, %dma_start3A_659, %dma_start3A_660] : memref<2x10240x128xf32, #tpu.memory_space<hbm>> -> memref<1x10240x128xf32, #tpu.memory_space<hbm>>
        %dma_start3A_662 = tpu.memref_squeeze %dma_start3A_661 : memref<1x10240x128xf32, #tpu.memory_space<hbm>> -> memref<10240x128xf32, #tpu.memory_space<hbm>>
        %dma_start3A_663 = arith.constant 0 : i32
        %dma_start3A_664 = arith.constant 0 : i32
        %dma_start3A_665 = tpu.memref_slice %dma_start3A_662[%dma_start3A_663, %dma_start3A_664] : memref<10240x128xf32, #tpu.memory_space<hbm>> -> memref<10240x128xf32, #tpu.memory_space<hbm>>
        tpu.enqueue_indirect_dma source(%dma_start3A_665 : memref<10240x128xf32, #tpu.memory_space<hbm>>) target(%dma_start3A_655 : memref<80x128xf32, #tpu.memory_space<vmem>>) offsets(%dma_start3A_658 : memref<80xi32, #tpu.memory_space<vmem>>) semaphore(%arg13 : memref<!tpu.dma_semaphore, #tpu.memory_space<semaphore_mem>>)
      } else {
      }
      %dma_wait3A_528 = arith.constant 1 : i32
      %dma_wait3A_529 = arith.constant 0 : i32
      %dma_wait3A_530 = arith.constant 1 : i32
      %dma_wait3A_531 = arith.constant 0 : i32
      %dma_wait3A_532 = arith.constant 0 : i32
      %dma_wait3A_533 = tpu.memref_slice %arg7[%dma_wait3A_528, %dma_wait3A_531, %dma_wait3A_532] : memref<4x80x128xf32, #tpu.memory_space<vmem>> -> memref<1x80x128xf32, #tpu.memory_space<vmem>>
      %dma_wait3A_534 = tpu.memref_squeeze %dma_wait3A_533 : memref<1x80x128xf32, #tpu.memory_space<vmem>> -> memref<80x128xf32, #tpu.memory_space<vmem>>
      %dma_wait3A_535 = arith.constant 0 : i32
      %dma_wait3A_536 = tpu.memref_slice %arg6[%dma_wait3A_529, %dma_wait3A_530, %dma_wait3A_535] : memref<4x2x80xi32, #tpu.memory_space<vmem>> -> memref<1x1x80xi32, #tpu.memory_space<vmem>>
      %dma_wait3A_537 = tpu.memref_squeeze %dma_wait3A_536 : memref<1x1x80xi32, #tpu.memory_space<vmem>> -> memref<80xi32, #tpu.memory_space<vmem>>
      %dma_wait3A_538 = arith.constant 0 : i32
      %dma_wait3A_539 = arith.constant 0 : i32
      %dma_wait3A_540 = tpu.memref_slice %arg8[%dma_wait3A_538, %dma_wait3A_539] : memref<10240x128xf32, #tpu.memory_space<vmem_shared>> -> memref<10240x128xf32, #tpu.memory_space<vmem_shared>>
      tpu.wait_indirect_dma semaphore(%arg18 : memref<!tpu.dma_semaphore, #tpu.memory_space<semaphore_mem>>) src(%dma_wait3A_534 : memref<80x128xf32, #tpu.memory_space<vmem>>) dst(%dma_wait3A_540 : memref<10240x128xf32, #tpu.memory_space<vmem_shared>>)
      %add3A_541 = arith.constant 4 : i32
      %add3A_542 = arith.addi %mul3A_389, %add3A_541 : i32
      %add3A_543 = arith.constant 1 : i32
      %add3A_544 = arith.addi %add3A_542, %add3A_543 : i32
      %lt3A_545 = arith.constant 250 : i32
      %lt3A_546 = arith.cmpi slt, %add3A_544, %lt3A_545 : i32
      %convert_element_type3A_547 = arith.extui %lt3A_546 : i1 to i32
      %cond3A_548 = arith.constant 0 : i32
      %cond3A_549 = arith.cmpi ne, %convert_element_type3A_547, %cond3A_548 : i32
      scf.if %cond3A_549 {
        %dma_start3A_594 = arith.constant 1 : i32
        %dma_start3A_595 = arith.constant 0 : i32
        %dma_start3A_596 = arith.constant 0 : i32
        %dma_start3A_597 = tpu.memref_slice %arg6[%dma_start3A_594, %dma_start3A_595, %dma_start3A_596] : memref<4x2x80xi32, #tpu.memory_space<vmem>> -> memref<1x2x80xi32, #tpu.memory_space<vmem>>
        %dma_start3A_598 = tpu.memref_squeeze %dma_start3A_597 : memref<1x2x80xi32, #tpu.memory_space<vmem>> -> memref<2x80xi32, #tpu.memory_space<vmem>>
        %dma_start3A_599 = arith.constant 0 : i32
        %dma_start3A_600 = arith.constant 0 : i32
        %dma_start3A_601 = arith.constant 0 : i32
        %dma_start3A_602 = tpu.memref_slice %arg3[%arg1, %dma_start3A_599, %dma_start3A_600, %dma_start3A_601] : memref<16x250x2x80xi32, #tpu.memory_space<hbm>> -> memref<1x250x2x80xi32, #tpu.memory_space<hbm>>
        %dma_start3A_603 = tpu.memref_squeeze %dma_start3A_602 : memref<1x250x2x80xi32, #tpu.memory_space<hbm>> -> memref<250x2x80xi32, #tpu.memory_space<hbm>>
        %dma_start3A_604 = arith.constant 0 : i32
        %dma_start3A_605 = arith.constant 0 : i32
        %dma_start3A_606 = tpu.memref_slice %dma_start3A_603[%add3A_544, %dma_start3A_604, %dma_start3A_605] : memref<250x2x80xi32, #tpu.memory_space<hbm>> -> memref<1x2x80xi32, #tpu.memory_space<hbm>>
        %dma_start3A_607 = tpu.memref_squeeze %dma_start3A_606 : memref<1x2x80xi32, #tpu.memory_space<hbm>> -> memref<2x80xi32, #tpu.memory_space<hbm>>
        %dma_start3A_608 = arith.constant 0 : i32
        %dma_start3A_609 = arith.constant 0 : i32
        %dma_start3A_610 = tpu.memref_slice %arg6[%dma_start3A_594, %dma_start3A_608, %dma_start3A_609] : memref<4x2x80xi32, #tpu.memory_space<vmem>> -> memref<1x2x80xi32, #tpu.memory_space<vmem>>
        %dma_start3A_611 = tpu.memref_squeeze %dma_start3A_610 : memref<1x2x80xi32, #tpu.memory_space<vmem>> -> memref<2x80xi32, #tpu.memory_space<vmem>>
        %dma_start3A_612 = arith.constant 0 : i32
        %dma_start3A_613 = arith.constant 0 : i32
        %dma_start3A_614 = arith.constant 0 : i32
        %dma_start3A_615 = tpu.memref_slice %arg3[%arg1, %dma_start3A_612, %dma_start3A_613, %dma_start3A_614] : memref<16x250x2x80xi32, #tpu.memory_space<hbm>> -> memref<1x250x2x80xi32, #tpu.memory_space<hbm>>
        %dma_start3A_616 = tpu.memref_squeeze %dma_start3A_615 : memref<1x250x2x80xi32, #tpu.memory_space<hbm>> -> memref<250x2x80xi32, #tpu.memory_space<hbm>>
        %dma_start3A_617 = arith.constant 0 : i32
        %dma_start3A_618 = arith.constant 0 : i32
        %dma_start3A_619 = tpu.memref_slice %dma_start3A_616[%add3A_544, %dma_start3A_617, %dma_start3A_618] : memref<250x2x80xi32, #tpu.memory_space<hbm>> -> memref<1x2x80xi32, #tpu.memory_space<hbm>>
        %dma_start3A_620 = tpu.memref_squeeze %dma_start3A_619 : memref<1x2x80xi32, #tpu.memory_space<hbm>> -> memref<2x80xi32, #tpu.memory_space<hbm>>
        tpu.enqueue_dma source(%dma_start3A_620 : memref<2x80xi32, #tpu.memory_space<hbm>>) target(%dma_start3A_611 : memref<2x80xi32, #tpu.memory_space<vmem>>) target_semaphore(%arg10 : memref<!tpu.dma_semaphore, #tpu.memory_space<semaphore_mem>>)
        %dma_wait3A_621 = arith.constant 0 : i32
        %dma_wait3A_622 = arith.constant 1 : i32
        %dma_wait3A_623 = arith.constant 0 : i32
        %dma_wait3A_624 = arith.constant 0 : i32
        %dma_wait3A_625 = tpu.memref_slice %arg6[%dma_wait3A_622, %dma_wait3A_623, %dma_wait3A_624] : memref<4x2x80xi32, #tpu.memory_space<vmem>> -> memref<1x2x80xi32, #tpu.memory_space<vmem>>
        %dma_wait3A_626 = tpu.memref_squeeze %dma_wait3A_625 : memref<1x2x80xi32, #tpu.memory_space<vmem>> -> memref<2x80xi32, #tpu.memory_space<vmem>>
        %dma_wait3A_627 = arith.constant 0 : i32
        %dma_wait3A_628 = arith.constant 0 : i32
        %dma_wait3A_629 = arith.constant 0 : i32
        %dma_wait3A_630 = tpu.memref_slice %arg3[%arg1, %dma_wait3A_627, %dma_wait3A_628, %dma_wait3A_629] : memref<16x250x2x80xi32, #tpu.memory_space<hbm>> -> memref<1x250x2x80xi32, #tpu.memory_space<hbm>>
        %dma_wait3A_631 = tpu.memref_squeeze %dma_wait3A_630 : memref<1x250x2x80xi32, #tpu.memory_space<hbm>> -> memref<250x2x80xi32, #tpu.memory_space<hbm>>
        %dma_wait3A_632 = arith.constant 0 : i32
        %dma_wait3A_633 = arith.constant 0 : i32
        %dma_wait3A_634 = tpu.memref_slice %dma_wait3A_631[%dma_wait3A_621, %dma_wait3A_632, %dma_wait3A_633] : memref<250x2x80xi32, #tpu.memory_space<hbm>> -> memref<1x2x80xi32, #tpu.memory_space<hbm>>
        %dma_wait3A_635 = tpu.memref_squeeze %dma_wait3A_634 : memref<1x2x80xi32, #tpu.memory_space<hbm>> -> memref<2x80xi32, #tpu.memory_space<hbm>>
        %dma_wait3A_636 = arith.constant 0 : i32
        %dma_wait3A_637 = arith.constant 0 : i32
        %dma_wait3A_638 = tpu.memref_slice %arg6[%dma_wait3A_622, %dma_wait3A_636, %dma_wait3A_637] : memref<4x2x80xi32, #tpu.memory_space<vmem>> -> memref<1x2x80xi32, #tpu.memory_space<vmem>>
        %dma_wait3A_639 = tpu.memref_squeeze %dma_wait3A_638 : memref<1x2x80xi32, #tpu.memory_space<vmem>> -> memref<2x80xi32, #tpu.memory_space<vmem>>
        %dma_wait3A_640 = arith.constant 0 : i32
        %dma_wait3A_641 = arith.constant 0 : i32
        %dma_wait3A_642 = arith.constant 0 : i32
        %dma_wait3A_643 = tpu.memref_slice %arg3[%arg1, %dma_wait3A_640, %dma_wait3A_641, %dma_wait3A_642] : memref<16x250x2x80xi32, #tpu.memory_space<hbm>> -> memref<1x250x2x80xi32, #tpu.memory_space<hbm>>
        %dma_wait3A_644 = tpu.memref_squeeze %dma_wait3A_643 : memref<1x250x2x80xi32, #tpu.memory_space<hbm>> -> memref<250x2x80xi32, #tpu.memory_space<hbm>>
        %dma_wait3A_645 = arith.constant 0 : i32
        %dma_wait3A_646 = arith.constant 0 : i32
        %dma_wait3A_647 = tpu.memref_slice %dma_wait3A_644[%dma_wait3A_621, %dma_wait3A_645, %dma_wait3A_646] : memref<250x2x80xi32, #tpu.memory_space<hbm>> -> memref<1x2x80xi32, #tpu.memory_space<hbm>>
        %dma_wait3A_648 = tpu.memref_squeeze %dma_wait3A_647 : memref<1x2x80xi32, #tpu.memory_space<hbm>> -> memref<2x80xi32, #tpu.memory_space<hbm>>
        tpu.wait_dma2 semaphore(%arg10 : memref<!tpu.dma_semaphore, #tpu.memory_space<semaphore_mem>>) src(%dma_wait3A_648 : memref<2x80xi32, #tpu.memory_space<hbm>>) dst(%dma_wait3A_639 : memref<2x80xi32, #tpu.memory_space<vmem>>)
        %dma_start3A_649 = arith.constant 1 : i32
        %dma_start3A_650 = arith.constant 0 : i32
        %dma_start3A_651 = arith.constant 1 : i32
        %dma_start3A_652 = arith.constant 0 : i32
        %dma_start3A_653 = arith.constant 0 : i32
        %dma_start3A_654 = tpu.memref_slice %arg7[%dma_start3A_651, %dma_start3A_652, %dma_start3A_653] : memref<4x80x128xf32, #tpu.memory_space<vmem>> -> memref<1x80x128xf32, #tpu.memory_space<vmem>>
        %dma_start3A_655 = tpu.memref_squeeze %dma_start3A_654 : memref<1x80x128xf32, #tpu.memory_space<vmem>> -> memref<80x128xf32, #tpu.memory_space<vmem>>
        %dma_start3A_656 = arith.constant 0 : i32
        %dma_start3A_657 = tpu.memref_slice %arg6[%dma_start3A_649, %dma_start3A_650, %dma_start3A_656] : memref<4x2x80xi32, #tpu.memory_space<vmem>> -> memref<1x1x80xi32, #tpu.memory_space<vmem>>
        %dma_start3A_658 = tpu.memref_squeeze %dma_start3A_657 : memref<1x1x80xi32, #tpu.memory_space<vmem>> -> memref<80xi32, #tpu.memory_space<vmem>>
        %dma_start3A_659 = arith.constant 0 : i32
        %dma_start3A_660 = arith.constant 0 : i32
        %dma_start3A_661 = tpu.memref_slice %arg2[%arg0, %dma_start3A_659, %dma_start3A_660] : memref<2x10240x128xf32, #tpu.memory_space<hbm>> -> memref<1x10240x128xf32, #tpu.memory_space<hbm>>
        %dma_start3A_662 = tpu.memref_squeeze %dma_start3A_661 : memref<1x10240x128xf32, #tpu.memory_space<hbm>> -> memref<10240x128xf32, #tpu.memory_space<hbm>>
        %dma_start3A_663 = arith.constant 0 : i32
        %dma_start3A_664 = arith.constant 0 : i32
        %dma_start3A_665 = tpu.memref_slice %dma_start3A_662[%dma_start3A_663, %dma_start3A_664] : memref<10240x128xf32, #tpu.memory_space<hbm>> -> memref<10240x128xf32, #tpu.memory_space<hbm>>
        tpu.enqueue_indirect_dma source(%dma_start3A_665 : memref<10240x128xf32, #tpu.memory_space<hbm>>) target(%dma_start3A_655 : memref<80x128xf32, #tpu.memory_space<vmem>>) offsets(%dma_start3A_658 : memref<80xi32, #tpu.memory_space<vmem>>) semaphore(%arg14 : memref<!tpu.dma_semaphore, #tpu.memory_space<semaphore_mem>>)
      } else {
      }
      %dma_wait3A_550 = arith.constant 2 : i32
      %dma_wait3A_551 = arith.constant 0 : i32
      %dma_wait3A_552 = arith.constant 1 : i32
      %dma_wait3A_553 = arith.constant 0 : i32
      %dma_wait3A_554 = arith.constant 0 : i32
      %dma_wait3A_555 = tpu.memref_slice %arg7[%dma_wait3A_550, %dma_wait3A_553, %dma_wait3A_554] : memref<4x80x128xf32, #tpu.memory_space<vmem>> -> memref<1x80x128xf32, #tpu.memory_space<vmem>>
      %dma_wait3A_556 = tpu.memref_squeeze %dma_wait3A_555 : memref<1x80x128xf32, #tpu.memory_space<vmem>> -> memref<80x128xf32, #tpu.memory_space<vmem>>
      %dma_wait3A_557 = arith.constant 0 : i32
      %dma_wait3A_558 = tpu.memref_slice %arg6[%dma_wait3A_551, %dma_wait3A_552, %dma_wait3A_557] : memref<4x2x80xi32, #tpu.memory_space<vmem>> -> memref<1x1x80xi32, #tpu.memory_space<vmem>>
      %dma_wait3A_559 = tpu.memref_squeeze %dma_wait3A_558 : memref<1x1x80xi32, #tpu.memory_space<vmem>> -> memref<80xi32, #tpu.memory_space<vmem>>
      %dma_wait3A_560 = arith.constant 0 : i32
      %dma_wait3A_561 = arith.constant 0 : i32
      %dma_wait3A_562 = tpu.memref_slice %arg8[%dma_wait3A_560, %dma_wait3A_561] : memref<10240x128xf32, #tpu.memory_space<vmem_shared>> -> memref<10240x128xf32, #tpu.memory_space<vmem_shared>>
      tpu.wait_indirect_dma semaphore(%arg19 : memref<!tpu.dma_semaphore, #tpu.memory_space<semaphore_mem>>) src(%dma_wait3A_556 : memref<80x128xf32, #tpu.memory_space<vmem>>) dst(%dma_wait3A_562 : memref<10240x128xf32, #tpu.memory_space<vmem_shared>>)
      %add3A_563 = arith.constant 4 : i32
      %add3A_564 = arith.addi %mul3A_389, %add3A_563 : i32
      %add3A_565 = arith.constant 2 : i32
      %add3A_566 = arith.addi %add3A_564, %add3A_565 : i32
      %lt3A_567 = arith.constant 250 : i32
      %lt3A_568 = arith.cmpi slt, %add3A_566, %lt3A_567 : i32
      %convert_element_type3A_569 = arith.extui %lt3A_568 : i1 to i32
      %cond3A_570 = arith.constant 0 : i32
      %cond3A_571 = arith.cmpi ne, %convert_element_type3A_569, %cond3A_570 : i32
      scf.if %cond3A_571 {
        %dma_start3A_594 = arith.constant 2 : i32
        %dma_start3A_595 = arith.constant 0 : i32
        %dma_start3A_596 = arith.constant 0 : i32
        %dma_start3A_597 = tpu.memref_slice %arg6[%dma_start3A_594, %dma_start3A_595, %dma_start3A_596] : memref<4x2x80xi32, #tpu.memory_space<vmem>> -> memref<1x2x80xi32, #tpu.memory_space<vmem>>
        %dma_start3A_598 = tpu.memref_squeeze %dma_start3A_597 : memref<1x2x80xi32, #tpu.memory_space<vmem>> -> memref<2x80xi32, #tpu.memory_space<vmem>>
        %dma_start3A_599 = arith.constant 0 : i32
        %dma_start3A_600 = arith.constant 0 : i32
        %dma_start3A_601 = arith.constant 0 : i32
        %dma_start3A_602 = tpu.memref_slice %arg3[%arg1, %dma_start3A_599, %dma_start3A_600, %dma_start3A_601] : memref<16x250x2x80xi32, #tpu.memory_space<hbm>> -> memref<1x250x2x80xi32, #tpu.memory_space<hbm>>
        %dma_start3A_603 = tpu.memref_squeeze %dma_start3A_602 : memref<1x250x2x80xi32, #tpu.memory_space<hbm>> -> memref<250x2x80xi32, #tpu.memory_space<hbm>>
        %dma_start3A_604 = arith.constant 0 : i32
        %dma_start3A_605 = arith.constant 0 : i32
        %dma_start3A_606 = tpu.memref_slice %dma_start3A_603[%add3A_566, %dma_start3A_604, %dma_start3A_605] : memref<250x2x80xi32, #tpu.memory_space<hbm>> -> memref<1x2x80xi32, #tpu.memory_space<hbm>>
        %dma_start3A_607 = tpu.memref_squeeze %dma_start3A_606 : memref<1x2x80xi32, #tpu.memory_space<hbm>> -> memref<2x80xi32, #tpu.memory_space<hbm>>
        %dma_start3A_608 = arith.constant 0 : i32
        %dma_start3A_609 = arith.constant 0 : i32
        %dma_start3A_610 = tpu.memref_slice %arg6[%dma_start3A_594, %dma_start3A_608, %dma_start3A_609] : memref<4x2x80xi32, #tpu.memory_space<vmem>> -> memref<1x2x80xi32, #tpu.memory_space<vmem>>
        %dma_start3A_611 = tpu.memref_squeeze %dma_start3A_610 : memref<1x2x80xi32, #tpu.memory_space<vmem>> -> memref<2x80xi32, #tpu.memory_space<vmem>>
        %dma_start3A_612 = arith.constant 0 : i32
        %dma_start3A_613 = arith.constant 0 : i32
        %dma_start3A_614 = arith.constant 0 : i32
        %dma_start3A_615 = tpu.memref_slice %arg3[%arg1, %dma_start3A_612, %dma_start3A_613, %dma_start3A_614] : memref<16x250x2x80xi32, #tpu.memory_space<hbm>> -> memref<1x250x2x80xi32, #tpu.memory_space<hbm>>
        %dma_start3A_616 = tpu.memref_squeeze %dma_start3A_615 : memref<1x250x2x80xi32, #tpu.memory_space<hbm>> -> memref<250x2x80xi32, #tpu.memory_space<hbm>>
        %dma_start3A_617 = arith.constant 0 : i32
        %dma_start3A_618 = arith.constant 0 : i32
        %dma_start3A_619 = tpu.memref_slice %dma_start3A_616[%add3A_566, %dma_start3A_617, %dma_start3A_618] : memref<250x2x80xi32, #tpu.memory_space<hbm>> -> memref<1x2x80xi32, #tpu.memory_space<hbm>>
        %dma_start3A_620 = tpu.memref_squeeze %dma_start3A_619 : memref<1x2x80xi32, #tpu.memory_space<hbm>> -> memref<2x80xi32, #tpu.memory_space<hbm>>
        tpu.enqueue_dma source(%dma_start3A_620 : memref<2x80xi32, #tpu.memory_space<hbm>>) target(%dma_start3A_611 : memref<2x80xi32, #tpu.memory_space<vmem>>) target_semaphore(%arg11 : memref<!tpu.dma_semaphore, #tpu.memory_space<semaphore_mem>>)
        %dma_wait3A_621 = arith.constant 0 : i32
        %dma_wait3A_622 = arith.constant 2 : i32
        %dma_wait3A_623 = arith.constant 0 : i32
        %dma_wait3A_624 = arith.constant 0 : i32
        %dma_wait3A_625 = tpu.memref_slice %arg6[%dma_wait3A_622, %dma_wait3A_623, %dma_wait3A_624] : memref<4x2x80xi32, #tpu.memory_space<vmem>> -> memref<1x2x80xi32, #tpu.memory_space<vmem>>
        %dma_wait3A_626 = tpu.memref_squeeze %dma_wait3A_625 : memref<1x2x80xi32, #tpu.memory_space<vmem>> -> memref<2x80xi32, #tpu.memory_space<vmem>>
        %dma_wait3A_627 = arith.constant 0 : i32
        %dma_wait3A_628 = arith.constant 0 : i32
        %dma_wait3A_629 = arith.constant 0 : i32
        %dma_wait3A_630 = tpu.memref_slice %arg3[%arg1, %dma_wait3A_627, %dma_wait3A_628, %dma_wait3A_629] : memref<16x250x2x80xi32, #tpu.memory_space<hbm>> -> memref<1x250x2x80xi32, #tpu.memory_space<hbm>>
        %dma_wait3A_631 = tpu.memref_squeeze %dma_wait3A_630 : memref<1x250x2x80xi32, #tpu.memory_space<hbm>> -> memref<250x2x80xi32, #tpu.memory_space<hbm>>
        %dma_wait3A_632 = arith.constant 0 : i32
        %dma_wait3A_633 = arith.constant 0 : i32
        %dma_wait3A_634 = tpu.memref_slice %dma_wait3A_631[%dma_wait3A_621, %dma_wait3A_632, %dma_wait3A_633] : memref<250x2x80xi32, #tpu.memory_space<hbm>> -> memref<1x2x80xi32, #tpu.memory_space<hbm>>
        %dma_wait3A_635 = tpu.memref_squeeze %dma_wait3A_634 : memref<1x2x80xi32, #tpu.memory_space<hbm>> -> memref<2x80xi32, #tpu.memory_space<hbm>>
        %dma_wait3A_636 = arith.constant 0 : i32
        %dma_wait3A_637 = arith.constant 0 : i32
        %dma_wait3A_638 = tpu.memref_slice %arg6[%dma_wait3A_622, %dma_wait3A_636, %dma_wait3A_637] : memref<4x2x80xi32, #tpu.memory_space<vmem>> -> memref<1x2x80xi32, #tpu.memory_space<vmem>>
        %dma_wait3A_639 = tpu.memref_squeeze %dma_wait3A_638 : memref<1x2x80xi32, #tpu.memory_space<vmem>> -> memref<2x80xi32, #tpu.memory_space<vmem>>
        %dma_wait3A_640 = arith.constant 0 : i32
        %dma_wait3A_641 = arith.constant 0 : i32
        %dma_wait3A_642 = arith.constant 0 : i32
        %dma_wait3A_643 = tpu.memref_slice %arg3[%arg1, %dma_wait3A_640, %dma_wait3A_641, %dma_wait3A_642] : memref<16x250x2x80xi32, #tpu.memory_space<hbm>> -> memref<1x250x2x80xi32, #tpu.memory_space<hbm>>
        %dma_wait3A_644 = tpu.memref_squeeze %dma_wait3A_643 : memref<1x250x2x80xi32, #tpu.memory_space<hbm>> -> memref<250x2x80xi32, #tpu.memory_space<hbm>>
        %dma_wait3A_645 = arith.constant 0 : i32
        %dma_wait3A_646 = arith.constant 0 : i32
        %dma_wait3A_647 = tpu.memref_slice %dma_wait3A_644[%dma_wait3A_621, %dma_wait3A_645, %dma_wait3A_646] : memref<250x2x80xi32, #tpu.memory_space<hbm>> -> memref<1x2x80xi32, #tpu.memory_space<hbm>>
        %dma_wait3A_648 = tpu.memref_squeeze %dma_wait3A_647 : memref<1x2x80xi32, #tpu.memory_space<hbm>> -> memref<2x80xi32, #tpu.memory_space<hbm>>
        tpu.wait_dma2 semaphore(%arg11 : memref<!tpu.dma_semaphore, #tpu.memory_space<semaphore_mem>>) src(%dma_wait3A_648 : memref<2x80xi32, #tpu.memory_space<hbm>>) dst(%dma_wait3A_639 : memref<2x80xi32, #tpu.memory_space<vmem>>)
        %dma_start3A_649 = arith.constant 2 : i32
        %dma_start3A_650 = arith.constant 0 : i32
        %dma_start3A_651 = arith.constant 2 : i32
        %dma_start3A_652 = arith.constant 0 : i32
        %dma_start3A_653 = arith.constant 0 : i32
        %dma_start3A_654 = tpu.memref_slice %arg7[%dma_start3A_651, %dma_start3A_652, %dma_start3A_653] : memref<4x80x128xf32, #tpu.memory_space<vmem>> -> memref<1x80x128xf32, #tpu.memory_space<vmem>>
        %dma_start3A_655 = tpu.memref_squeeze %dma_start3A_654 : memref<1x80x128xf32, #tpu.memory_space<vmem>> -> memref<80x128xf32, #tpu.memory_space<vmem>>
        %dma_start3A_656 = arith.constant 0 : i32
        %dma_start3A_657 = tpu.memref_slice %arg6[%dma_start3A_649, %dma_start3A_650, %dma_start3A_656] : memref<4x2x80xi32, #tpu.memory_space<vmem>> -> memref<1x1x80xi32, #tpu.memory_space<vmem>>
        %dma_start3A_658 = tpu.memref_squeeze %dma_start3A_657 : memref<1x1x80xi32, #tpu.memory_space<vmem>> -> memref<80xi32, #tpu.memory_space<vmem>>
        %dma_start3A_659 = arith.constant 0 : i32
        %dma_start3A_660 = arith.constant 0 : i32
        %dma_start3A_661 = tpu.memref_slice %arg2[%arg0, %dma_start3A_659, %dma_start3A_660] : memref<2x10240x128xf32, #tpu.memory_space<hbm>> -> memref<1x10240x128xf32, #tpu.memory_space<hbm>>
        %dma_start3A_662 = tpu.memref_squeeze %dma_start3A_661 : memref<1x10240x128xf32, #tpu.memory_space<hbm>> -> memref<10240x128xf32, #tpu.memory_space<hbm>>
        %dma_start3A_663 = arith.constant 0 : i32
        %dma_start3A_664 = arith.constant 0 : i32
        %dma_start3A_665 = tpu.memref_slice %dma_start3A_662[%dma_start3A_663, %dma_start3A_664] : memref<10240x128xf32, #tpu.memory_space<hbm>> -> memref<10240x128xf32, #tpu.memory_space<hbm>>
        tpu.enqueue_indirect_dma source(%dma_start3A_665 : memref<10240x128xf32, #tpu.memory_space<hbm>>) target(%dma_start3A_655 : memref<80x128xf32, #tpu.memory_space<vmem>>) offsets(%dma_start3A_658 : memref<80xi32, #tpu.memory_space<vmem>>) semaphore(%arg15 : memref<!tpu.dma_semaphore, #tpu.memory_space<semaphore_mem>>)
      } else {
      }
      %dma_wait3A_572 = arith.constant 3 : i32
      %dma_wait3A_573 = arith.constant 0 : i32
      %dma_wait3A_574 = arith.constant 1 : i32
      %dma_wait3A_575 = arith.constant 0 : i32
      %dma_wait3A_576 = arith.constant 0 : i32
      %dma_wait3A_577 = tpu.memref_slice %arg7[%dma_wait3A_572, %dma_wait3A_575, %dma_wait3A_576] : memref<4x80x128xf32, #tpu.memory_space<vmem>> -> memref<1x80x128xf32, #tpu.memory_space<vmem>>
      %dma_wait3A_578 = tpu.memref_squeeze %dma_wait3A_577 : memref<1x80x128xf32, #tpu.memory_space<vmem>> -> memref<80x128xf32, #tpu.memory_space<vmem>>
      %dma_wait3A_579 = arith.constant 0 : i32
      %dma_wait3A_580 = tpu.memref_slice %arg6[%dma_wait3A_573, %dma_wait3A_574, %dma_wait3A_579] : memref<4x2x80xi32, #tpu.memory_space<vmem>> -> memref<1x1x80xi32, #tpu.memory_space<vmem>>
      %dma_wait3A_581 = tpu.memref_squeeze %dma_wait3A_580 : memref<1x1x80xi32, #tpu.memory_space<vmem>> -> memref<80xi32, #tpu.memory_space<vmem>>
      %dma_wait3A_582 = arith.constant 0 : i32
      %dma_wait3A_583 = arith.constant 0 : i32
      %dma_wait3A_584 = tpu.memref_slice %arg8[%dma_wait3A_582, %dma_wait3A_583] : memref<10240x128xf32, #tpu.memory_space<vmem_shared>> -> memref<10240x128xf32, #tpu.memory_space<vmem_shared>>
      tpu.wait_indirect_dma semaphore(%arg20 : memref<!tpu.dma_semaphore, #tpu.memory_space<semaphore_mem>>) src(%dma_wait3A_578 : memref<80x128xf32, #tpu.memory_space<vmem>>) dst(%dma_wait3A_584 : memref<10240x128xf32, #tpu.memory_space<vmem_shared>>)
      %add3A_585 = arith.constant 4 : i32
      %add3A_586 = arith.addi %mul3A_389, %add3A_585 : i32
      %add3A_587 = arith.constant 3 : i32
      %add3A_588 = arith.addi %add3A_586, %add3A_587 : i32
      %lt3A_589 = arith.constant 250 : i32
      %lt3A_590 = arith.cmpi slt, %add3A_588, %lt3A_589 : i32
      %convert_element_type3A_591 = arith.extui %lt3A_590 : i1 to i32
      %cond3A_592 = arith.constant 0 : i32
      %cond3A_593 = arith.cmpi ne, %convert_element_type3A_591, %cond3A_592 : i32
      scf.if %cond3A_593 {
        %dma_start3A_594 = arith.constant 3 : i32
        %dma_start3A_595 = arith.constant 0 : i32
        %dma_start3A_596 = arith.constant 0 : i32
        %dma_start3A_597 = tpu.memref_slice %arg6[%dma_start3A_594, %dma_start3A_595, %dma_start3A_596] : memref<4x2x80xi32, #tpu.memory_space<vmem>> -> memref<1x2x80xi32, #tpu.memory_space<vmem>>
        %dma_start3A_598 = tpu.memref_squeeze %dma_start3A_597 : memref<1x2x80xi32, #tpu.memory_space<vmem>> -> memref<2x80xi32, #tpu.memory_space<vmem>>
        %dma_start3A_599 = arith.constant 0 : i32
        %dma_start3A_600 = arith.constant 0 : i32
        %dma_start3A_601 = arith.constant 0 : i32
        %dma_start3A_602 = tpu.memref_slice %arg3[%arg1, %dma_start3A_599, %dma_start3A_600, %dma_start3A_601] : memref<16x250x2x80xi32, #tpu.memory_space<hbm>> -> memref<1x250x2x80xi32, #tpu.memory_space<hbm>>
        %dma_start3A_603 = tpu.memref_squeeze %dma_start3A_602 : memref<1x250x2x80xi32, #tpu.memory_space<hbm>> -> memref<250x2x80xi32, #tpu.memory_space<hbm>>
        %dma_start3A_604 = arith.constant 0 : i32
        %dma_start3A_605 = arith.constant 0 : i32
        %dma_start3A_606 = tpu.memref_slice %dma_start3A_603[%add3A_588, %dma_start3A_604, %dma_start3A_605] : memref<250x2x80xi32, #tpu.memory_space<hbm>> -> memref<1x2x80xi32, #tpu.memory_space<hbm>>
        %dma_start3A_607 = tpu.memref_squeeze %dma_start3A_606 : memref<1x2x80xi32, #tpu.memory_space<hbm>> -> memref<2x80xi32, #tpu.memory_space<hbm>>
        %dma_start3A_608 = arith.constant 0 : i32
        %dma_start3A_609 = arith.constant 0 : i32
        %dma_start3A_610 = tpu.memref_slice %arg6[%dma_start3A_594, %dma_start3A_608, %dma_start3A_609] : memref<4x2x80xi32, #tpu.memory_space<vmem>> -> memref<1x2x80xi32, #tpu.memory_space<vmem>>
        %dma_start3A_611 = tpu.memref_squeeze %dma_start3A_610 : memref<1x2x80xi32, #tpu.memory_space<vmem>> -> memref<2x80xi32, #tpu.memory_space<vmem>>
        %dma_start3A_612 = arith.constant 0 : i32
        %dma_start3A_613 = arith.constant 0 : i32
        %dma_start3A_614 = arith.constant 0 : i32
        %dma_start3A_615 = tpu.memref_slice %arg3[%arg1, %dma_start3A_612, %dma_start3A_613, %dma_start3A_614] : memref<16x250x2x80xi32, #tpu.memory_space<hbm>> -> memref<1x250x2x80xi32, #tpu.memory_space<hbm>>
        %dma_start3A_616 = tpu.memref_squeeze %dma_start3A_615 : memref<1x250x2x80xi32, #tpu.memory_space<hbm>> -> memref<250x2x80xi32, #tpu.memory_space<hbm>>
        %dma_start3A_617 = arith.constant 0 : i32
        %dma_start3A_618 = arith.constant 0 : i32
        %dma_start3A_619 = tpu.memref_slice %dma_start3A_616[%add3A_588, %dma_start3A_617, %dma_start3A_618] : memref<250x2x80xi32, #tpu.memory_space<hbm>> -> memref<1x2x80xi32, #tpu.memory_space<hbm>>
        %dma_start3A_620 = tpu.memref_squeeze %dma_start3A_619 : memref<1x2x80xi32, #tpu.memory_space<hbm>> -> memref<2x80xi32, #tpu.memory_space<hbm>>
        tpu.enqueue_dma source(%dma_start3A_620 : memref<2x80xi32, #tpu.memory_space<hbm>>) target(%dma_start3A_611 : memref<2x80xi32, #tpu.memory_space<vmem>>) target_semaphore(%arg12 : memref<!tpu.dma_semaphore, #tpu.memory_space<semaphore_mem>>)
        %dma_wait3A_621 = arith.constant 0 : i32
        %dma_wait3A_622 = arith.constant 3 : i32
        %dma_wait3A_623 = arith.constant 0 : i32
        %dma_wait3A_624 = arith.constant 0 : i32
        %dma_wait3A_625 = tpu.memref_slice %arg6[%dma_wait3A_622, %dma_wait3A_623, %dma_wait3A_624] : memref<4x2x80xi32, #tpu.memory_space<vmem>> -> memref<1x2x80xi32, #tpu.memory_space<vmem>>
        %dma_wait3A_626 = tpu.memref_squeeze %dma_wait3A_625 : memref<1x2x80xi32, #tpu.memory_space<vmem>> -> memref<2x80xi32, #tpu.memory_space<vmem>>
        %dma_wait3A_627 = arith.constant 0 : i32
        %dma_wait3A_628 = arith.constant 0 : i32
        %dma_wait3A_629 = arith.constant 0 : i32
        %dma_wait3A_630 = tpu.memref_slice %arg3[%arg1, %dma_wait3A_627, %dma_wait3A_628, %dma_wait3A_629] : memref<16x250x2x80xi32, #tpu.memory_space<hbm>> -> memref<1x250x2x80xi32, #tpu.memory_space<hbm>>
        %dma_wait3A_631 = tpu.memref_squeeze %dma_wait3A_630 : memref<1x250x2x80xi32, #tpu.memory_space<hbm>> -> memref<250x2x80xi32, #tpu.memory_space<hbm>>
        %dma_wait3A_632 = arith.constant 0 : i32
        %dma_wait3A_633 = arith.constant 0 : i32
        %dma_wait3A_634 = tpu.memref_slice %dma_wait3A_631[%dma_wait3A_621, %dma_wait3A_632, %dma_wait3A_633] : memref<250x2x80xi32, #tpu.memory_space<hbm>> -> memref<1x2x80xi32, #tpu.memory_space<hbm>>
        %dma_wait3A_635 = tpu.memref_squeeze %dma_wait3A_634 : memref<1x2x80xi32, #tpu.memory_space<hbm>> -> memref<2x80xi32, #tpu.memory_space<hbm>>
        %dma_wait3A_636 = arith.constant 0 : i32
        %dma_wait3A_637 = arith.constant 0 : i32
        %dma_wait3A_638 = tpu.memref_slice %arg6[%dma_wait3A_622, %dma_wait3A_636, %dma_wait3A_637] : memref<4x2x80xi32, #tpu.memory_space<vmem>> -> memref<1x2x80xi32, #tpu.memory_space<vmem>>
        %dma_wait3A_639 = tpu.memref_squeeze %dma_wait3A_638 : memref<1x2x80xi32, #tpu.memory_space<vmem>> -> memref<2x80xi32, #tpu.memory_space<vmem>>
        %dma_wait3A_640 = arith.constant 0 : i32
        %dma_wait3A_641 = arith.constant 0 : i32
        %dma_wait3A_642 = arith.constant 0 : i32
        %dma_wait3A_643 = tpu.memref_slice %arg3[%arg1, %dma_wait3A_640, %dma_wait3A_641, %dma_wait3A_642] : memref<16x250x2x80xi32, #tpu.memory_space<hbm>> -> memref<1x250x2x80xi32, #tpu.memory_space<hbm>>
        %dma_wait3A_644 = tpu.memref_squeeze %dma_wait3A_643 : memref<1x250x2x80xi32, #tpu.memory_space<hbm>> -> memref<250x2x80xi32, #tpu.memory_space<hbm>>
        %dma_wait3A_645 = arith.constant 0 : i32
        %dma_wait3A_646 = arith.constant 0 : i32
        %dma_wait3A_647 = tpu.memref_slice %dma_wait3A_644[%dma_wait3A_621, %dma_wait3A_645, %dma_wait3A_646] : memref<250x2x80xi32, #tpu.memory_space<hbm>> -> memref<1x2x80xi32, #tpu.memory_space<hbm>>
        %dma_wait3A_648 = tpu.memref_squeeze %dma_wait3A_647 : memref<1x2x80xi32, #tpu.memory_space<hbm>> -> memref<2x80xi32, #tpu.memory_space<hbm>>
        tpu.wait_dma2 semaphore(%arg12 : memref<!tpu.dma_semaphore, #tpu.memory_space<semaphore_mem>>) src(%dma_wait3A_648 : memref<2x80xi32, #tpu.memory_space<hbm>>) dst(%dma_wait3A_639 : memref<2x80xi32, #tpu.memory_space<vmem>>)
        %dma_start3A_649 = arith.constant 3 : i32
        %dma_start3A_650 = arith.constant 0 : i32
        %dma_start3A_651 = arith.constant 3 : i32
        %dma_start3A_652 = arith.constant 0 : i32
        %dma_start3A_653 = arith.constant 0 : i32
        %dma_start3A_654 = tpu.memref_slice %arg7[%dma_start3A_651, %dma_start3A_652, %dma_start3A_653] : memref<4x80x128xf32, #tpu.memory_space<vmem>> -> memref<1x80x128xf32, #tpu.memory_space<vmem>>
        %dma_start3A_655 = tpu.memref_squeeze %dma_start3A_654 : memref<1x80x128xf32, #tpu.memory_space<vmem>> -> memref<80x128xf32, #tpu.memory_space<vmem>>
        %dma_start3A_656 = arith.constant 0 : i32
        %dma_start3A_657 = tpu.memref_slice %arg6[%dma_start3A_649, %dma_start3A_650, %dma_start3A_656] : memref<4x2x80xi32, #tpu.memory_space<vmem>> -> memref<1x1x80xi32, #tpu.memory_space<vmem>>
        %dma_start3A_658 = tpu.memref_squeeze %dma_start3A_657 : memref<1x1x80xi32, #tpu.memory_space<vmem>> -> memref<80xi32, #tpu.memory_space<vmem>>
        %dma_start3A_659 = arith.constant 0 : i32
        %dma_start3A_660 = arith.constant 0 : i32
        %dma_start3A_661 = tpu.memref_slice %arg2[%arg0, %dma_start3A_659, %dma_start3A_660] : memref<2x10240x128xf32, #tpu.memory_space<hbm>> -> memref<1x10240x128xf32, #tpu.memory_space<hbm>>
        %dma_start3A_662 = tpu.memref_squeeze %dma_start3A_661 : memref<1x10240x128xf32, #tpu.memory_space<hbm>> -> memref<10240x128xf32, #tpu.memory_space<hbm>>
        %dma_start3A_663 = arith.constant 0 : i32
        %dma_start3A_664 = arith.constant 0 : i32
        %dma_start3A_665 = tpu.memref_slice %dma_start3A_662[%dma_start3A_663, %dma_start3A_664] : memref<10240x128xf32, #tpu.memory_space<hbm>> -> memref<10240x128xf32, #tpu.memory_space<hbm>>
        tpu.enqueue_indirect_dma source(%dma_start3A_665 : memref<10240x128xf32, #tpu.memory_space<hbm>>) target(%dma_start3A_655 : memref<80x128xf32, #tpu.memory_space<vmem>>) offsets(%dma_start3A_658 : memref<80xi32, #tpu.memory_space<vmem>>) semaphore(%arg16 : memref<!tpu.dma_semaphore, #tpu.memory_space<semaphore_mem>>)
      } else {
      }
    }
    %scan3A_295 = arith.constant 62 : i32
    %dma_wait3A_296 = arith.constant 0 : i32
    %dma_wait3A_297 = arith.constant 0 : i32
    %dma_wait3A_298 = arith.constant 0 : i32
    %dma_wait3A_299 = arith.constant 0 : i32
    %dma_wait3A_300 = arith.constant 0 : i32
    %dma_wait3A_301 = tpu.memref_slice %arg7[%dma_wait3A_298, %dma_wait3A_299, %dma_wait3A_300] : memref<4x80x128xf32, #tpu.memory_space<vmem>> -> memref<1x80x128xf32, #tpu.memory_space<vmem>>
    %dma_wait3A_302 = tpu.memref_squeeze %dma_wait3A_301 : memref<1x80x128xf32, #tpu.memory_space<vmem>> -> memref<80x128xf32, #tpu.memory_space<vmem>>
    %dma_wait3A_303 = arith.constant 0 : i32
    %dma_wait3A_304 = tpu.memref_slice %arg6[%dma_wait3A_296, %dma_wait3A_297, %dma_wait3A_303] : memref<4x2x80xi32, #tpu.memory_space<vmem>> -> memref<1x1x80xi32, #tpu.memory_space<vmem>>
    %dma_wait3A_305 = tpu.memref_squeeze %dma_wait3A_304 : memref<1x1x80xi32, #tpu.memory_space<vmem>> -> memref<80xi32, #tpu.memory_space<vmem>>
    %dma_wait3A_306 = arith.constant 0 : i32
    %dma_wait3A_307 = arith.constant 0 : i32
    %dma_wait3A_308 = tpu.memref_slice %arg2[%arg0, %dma_wait3A_306, %dma_wait3A_307] : memref<2x10240x128xf32, #tpu.memory_space<hbm>> -> memref<1x10240x128xf32, #tpu.memory_space<hbm>>
    %dma_wait3A_309 = tpu.memref_squeeze %dma_wait3A_308 : memref<1x10240x128xf32, #tpu.memory_space<hbm>> -> memref<10240x128xf32, #tpu.memory_space<hbm>>
    %dma_wait3A_310 = arith.constant 0 : i32
    %dma_wait3A_311 = arith.constant 0 : i32
    %dma_wait3A_312 = tpu.memref_slice %dma_wait3A_309[%dma_wait3A_310, %dma_wait3A_311] : memref<10240x128xf32, #tpu.memory_space<hbm>> -> memref<10240x128xf32, #tpu.memory_space<hbm>>
    tpu.wait_indirect_dma semaphore(%arg13 : memref<!tpu.dma_semaphore, #tpu.memory_space<semaphore_mem>>) src(%dma_wait3A_312 : memref<10240x128xf32, #tpu.memory_space<hbm>>) dst(%dma_wait3A_302 : memref<80x128xf32, #tpu.memory_space<vmem>>)
    %dma_start3A_313 = arith.constant 0 : i32
    %dma_start3A_314 = arith.constant 0 : i32
    %dma_start3A_315 = arith.constant 1 : i32
    %dma_start3A_316 = arith.constant 0 : i32
    %dma_start3A_317 = arith.constant 0 : i32
    %dma_start3A_318 = tpu.memref_slice %arg7[%dma_start3A_313, %dma_start3A_316, %dma_start3A_317] : memref<4x80x128xf32, #tpu.memory_space<vmem>> -> memref<1x80x128xf32, #tpu.memory_space<vmem>>
    %dma_start3A_319 = tpu.memref_squeeze %dma_start3A_318 : memref<1x80x128xf32, #tpu.memory_space<vmem>> -> memref<80x128xf32, #tpu.memory_space<vmem>>
    %dma_start3A_320 = arith.constant 0 : i32
    %dma_start3A_321 = tpu.memref_slice %arg6[%dma_start3A_314, %dma_start3A_315, %dma_start3A_320] : memref<4x2x80xi32, #tpu.memory_space<vmem>> -> memref<1x1x80xi32, #tpu.memory_space<vmem>>
    %dma_start3A_322 = tpu.memref_squeeze %dma_start3A_321 : memref<1x1x80xi32, #tpu.memory_space<vmem>> -> memref<80xi32, #tpu.memory_space<vmem>>
    %dma_start3A_323 = arith.constant 0 : i32
    %dma_start3A_324 = arith.constant 0 : i32
    %dma_start3A_325 = tpu.memref_slice %arg8[%dma_start3A_323, %dma_start3A_324] : memref<10240x128xf32, #tpu.memory_space<vmem_shared>> -> memref<10240x128xf32, #tpu.memory_space<vmem_shared>>
    tpu.enqueue_indirect_dma source(%dma_start3A_319 : memref<80x128xf32, #tpu.memory_space<vmem>>) target(%dma_start3A_325 : memref<10240x128xf32, #tpu.memory_space<vmem_shared>>) offsets(%dma_start3A_322 : memref<80xi32, #tpu.memory_space<vmem>>) semaphore(%arg17 : memref<!tpu.dma_semaphore, #tpu.memory_space<semaphore_mem>>) {add = true}
    %dma_wait3A_326 = arith.constant 0 : i32
    %dma_wait3A_327 = arith.constant 0 : i32
    %dma_wait3A_328 = arith.constant 1 : i32
    %dma_wait3A_329 = arith.constant 0 : i32
    %dma_wait3A_330 = arith.constant 0 : i32
    %dma_wait3A_331 = tpu.memref_slice %arg7[%dma_wait3A_328, %dma_wait3A_329, %dma_wait3A_330] : memref<4x80x128xf32, #tpu.memory_space<vmem>> -> memref<1x80x128xf32, #tpu.memory_space<vmem>>
    %dma_wait3A_332 = tpu.memref_squeeze %dma_wait3A_331 : memref<1x80x128xf32, #tpu.memory_space<vmem>> -> memref<80x128xf32, #tpu.memory_space<vmem>>
    %dma_wait3A_333 = arith.constant 0 : i32
    %dma_wait3A_334 = tpu.memref_slice %arg6[%dma_wait3A_326, %dma_wait3A_327, %dma_wait3A_333] : memref<4x2x80xi32, #tpu.memory_space<vmem>> -> memref<1x1x80xi32, #tpu.memory_space<vmem>>
    %dma_wait3A_335 = tpu.memref_squeeze %dma_wait3A_334 : memref<1x1x80xi32, #tpu.memory_space<vmem>> -> memref<80xi32, #tpu.memory_space<vmem>>
    %dma_wait3A_336 = arith.constant 0 : i32
    %dma_wait3A_337 = arith.constant 0 : i32
    %dma_wait3A_338 = tpu.memref_slice %arg2[%arg0, %dma_wait3A_336, %dma_wait3A_337] : memref<2x10240x128xf32, #tpu.memory_space<hbm>> -> memref<1x10240x128xf32, #tpu.memory_space<hbm>>
    %dma_wait3A_339 = tpu.memref_squeeze %dma_wait3A_338 : memref<1x10240x128xf32, #tpu.memory_space<hbm>> -> memref<10240x128xf32, #tpu.memory_space<hbm>>
    %dma_wait3A_340 = arith.constant 0 : i32
    %dma_wait3A_341 = arith.constant 0 : i32
    %dma_wait3A_342 = tpu.memref_slice %dma_wait3A_339[%dma_wait3A_340, %dma_wait3A_341] : memref<10240x128xf32, #tpu.memory_space<hbm>> -> memref<10240x128xf32, #tpu.memory_space<hbm>>
    tpu.wait_indirect_dma semaphore(%arg14 : memref<!tpu.dma_semaphore, #tpu.memory_space<semaphore_mem>>) src(%dma_wait3A_342 : memref<10240x128xf32, #tpu.memory_space<hbm>>) dst(%dma_wait3A_332 : memref<80x128xf32, #tpu.memory_space<vmem>>)
    %dma_start3A_343 = arith.constant 1 : i32
    %dma_start3A_344 = arith.constant 1 : i32
    %dma_start3A_345 = arith.constant 1 : i32
    %dma_start3A_346 = arith.constant 0 : i32
    %dma_start3A_347 = arith.constant 0 : i32
    %dma_start3A_348 = tpu.memref_slice %arg7[%dma_start3A_343, %dma_start3A_346, %dma_start3A_347] : memref<4x80x128xf32, #tpu.memory_space<vmem>> -> memref<1x80x128xf32, #tpu.memory_space<vmem>>
    %dma_start3A_349 = tpu.memref_squeeze %dma_start3A_348 : memref<1x80x128xf32, #tpu.memory_space<vmem>> -> memref<80x128xf32, #tpu.memory_space<vmem>>
    %dma_start3A_350 = arith.constant 0 : i32
    %dma_start3A_351 = tpu.memref_slice %arg6[%dma_start3A_344, %dma_start3A_345, %dma_start3A_350] : memref<4x2x80xi32, #tpu.memory_space<vmem>> -> memref<1x1x80xi32, #tpu.memory_space<vmem>>
    %dma_start3A_352 = tpu.memref_squeeze %dma_start3A_351 : memref<1x1x80xi32, #tpu.memory_space<vmem>> -> memref<80xi32, #tpu.memory_space<vmem>>
    %dma_start3A_353 = arith.constant 0 : i32
    %dma_start3A_354 = arith.constant 0 : i32
    %dma_start3A_355 = tpu.memref_slice %arg8[%dma_start3A_353, %dma_start3A_354] : memref<10240x128xf32, #tpu.memory_space<vmem_shared>> -> memref<10240x128xf32, #tpu.memory_space<vmem_shared>>
    tpu.enqueue_indirect_dma source(%dma_start3A_349 : memref<80x128xf32, #tpu.memory_space<vmem>>) target(%dma_start3A_355 : memref<10240x128xf32, #tpu.memory_space<vmem_shared>>) offsets(%dma_start3A_352 : memref<80xi32, #tpu.memory_space<vmem>>) semaphore(%arg18 : memref<!tpu.dma_semaphore, #tpu.memory_space<semaphore_mem>>) {add = true}
    %dma_wait3A_356 = arith.constant 0 : i32
    %dma_wait3A_357 = arith.constant 0 : i32
    %dma_wait3A_358 = arith.constant 1 : i32
    %dma_wait3A_359 = arith.constant 0 : i32
    %dma_wait3A_360 = arith.constant 0 : i32
    %dma_wait3A_361 = tpu.memref_slice %arg7[%dma_wait3A_356, %dma_wait3A_359, %dma_wait3A_360] : memref<4x80x128xf32, #tpu.memory_space<vmem>> -> memref<1x80x128xf32, #tpu.memory_space<vmem>>
    %dma_wait3A_362 = tpu.memref_squeeze %dma_wait3A_361 : memref<1x80x128xf32, #tpu.memory_space<vmem>> -> memref<80x128xf32, #tpu.memory_space<vmem>>
    %dma_wait3A_363 = arith.constant 0 : i32
    %dma_wait3A_364 = tpu.memref_slice %arg6[%dma_wait3A_357, %dma_wait3A_358, %dma_wait3A_363] : memref<4x2x80xi32, #tpu.memory_space<vmem>> -> memref<1x1x80xi32, #tpu.memory_space<vmem>>
    %dma_wait3A_365 = tpu.memref_squeeze %dma_wait3A_364 : memref<1x1x80xi32, #tpu.memory_space<vmem>> -> memref<80xi32, #tpu.memory_space<vmem>>
    %dma_wait3A_366 = arith.constant 0 : i32
    %dma_wait3A_367 = arith.constant 0 : i32
    %dma_wait3A_368 = tpu.memref_slice %arg8[%dma_wait3A_366, %dma_wait3A_367] : memref<10240x128xf32, #tpu.memory_space<vmem_shared>> -> memref<10240x128xf32, #tpu.memory_space<vmem_shared>>
    tpu.wait_indirect_dma semaphore(%arg17 : memref<!tpu.dma_semaphore, #tpu.memory_space<semaphore_mem>>) src(%dma_wait3A_362 : memref<80x128xf32, #tpu.memory_space<vmem>>) dst(%dma_wait3A_368 : memref<10240x128xf32, #tpu.memory_space<vmem_shared>>)
    %dma_wait3A_369 = arith.constant 1 : i32
    %dma_wait3A_370 = arith.constant 0 : i32
    %dma_wait3A_371 = arith.constant 1 : i32
    %dma_wait3A_372 = arith.constant 0 : i32
    %dma_wait3A_373 = arith.constant 0 : i32
    %dma_wait3A_374 = tpu.memref_slice %arg7[%dma_wait3A_369, %dma_wait3A_372, %dma_wait3A_373] : memref<4x80x128xf32, #tpu.memory_space<vmem>> -> memref<1x80x128xf32, #tpu.memory_space<vmem>>
    %dma_wait3A_375 = tpu.memref_squeeze %dma_wait3A_374 : memref<1x80x128xf32, #tpu.memory_space<vmem>> -> memref<80x128xf32, #tpu.memory_space<vmem>>
    %dma_wait3A_376 = arith.constant 0 : i32
    %dma_wait3A_377 = tpu.memref_slice %arg6[%dma_wait3A_370, %dma_wait3A_371, %dma_wait3A_376] : memref<4x2x80xi32, #tpu.memory_space<vmem>> -> memref<1x1x80xi32, #tpu.memory_space<vmem>>
    %dma_wait3A_378 = tpu.memref_squeeze %dma_wait3A_377 : memref<1x1x80xi32, #tpu.memory_space<vmem>> -> memref<80xi32, #tpu.memory_space<vmem>>
    %dma_wait3A_379 = arith.constant 0 : i32
    %dma_wait3A_380 = arith.constant 0 : i32
    %dma_wait3A_381 = tpu.memref_slice %arg8[%dma_wait3A_379, %dma_wait3A_380] : memref<10240x128xf32, #tpu.memory_space<vmem_shared>> -> memref<10240x128xf32, #tpu.memory_space<vmem_shared>>
    tpu.wait_indirect_dma semaphore(%arg18 : memref<!tpu.dma_semaphore, #tpu.memory_space<semaphore_mem>>) src(%dma_wait3A_375 : memref<80x128xf32, #tpu.memory_space<vmem>>) dst(%dma_wait3A_381 : memref<10240x128xf32, #tpu.memory_space<vmem_shared>>)
    %barrier3A_382 = arith.constant 0 : index
    tpu.barrier barrier_id(%barrier3A_382)
    %mul3A_383 = arith.constant 640 : i32
    %mul3A_384 = arith.muli %arg1, %mul3A_383 : i32
    %mul3A_385 = arith.constant 640 : i32
    %mul3A_386 = arith.muli %arg1, %mul3A_385 : i32
    "tpu.region"() ({
      %run_scoped3A = tpu.sem_alloc : memref<!tpu.dma_semaphore, #tpu.memory_space<semaphore_mem>>
      %dma_start3A_387 = arith.constant 0 : i32
      %dma_start3A_388 = tpu.memref_slice %arg5[%arg0, %mul3A_386, %dma_start3A_387] : memref<2x10240x128xf32, #tpu.memory_space<hbm>> -> memref<1x640x128xf32, #tpu.memory_space<hbm>>
      %dma_start3A_389 = tpu.memref_squeeze %dma_start3A_388 : memref<1x640x128xf32, #tpu.memory_space<hbm>> -> memref<640x128xf32, #tpu.memory_space<hbm>>
      %dma_start3A_390 = arith.constant 0 : i32
      %dma_start3A_391 = tpu.memref_slice %arg8[%mul3A_384, %dma_start3A_390] : memref<10240x128xf32, #tpu.memory_space<vmem_shared>> -> memref<640x128xf32, #tpu.memory_space<vmem_shared>>
      tpu.enqueue_dma source(%dma_start3A_391 : memref<640x128xf32, #tpu.memory_space<vmem_shared>>) target(%dma_start3A_389 : memref<640x128xf32, #tpu.memory_space<hbm>>) target_semaphore(%run_scoped3A : memref<!tpu.dma_semaphore, #tpu.memory_space<semaphore_mem>>)
      %dma_wait3A_392 = arith.constant 0 : i32
      %dma_wait3A_393 = tpu.memref_slice %arg5[%arg0, %mul3A_386, %dma_wait3A_392] : memref<2x10240x128xf32, #tpu.memory_space<hbm>> -> memref<1x640x128xf32, #tpu.memory_space<hbm>>
      %dma_wait3A_394 = tpu.memref_squeeze %dma_wait3A_393 : memref<1x640x128xf32, #tpu.memory_space<hbm>> -> memref<640x128xf32, #tpu.memory_space<hbm>>
      %dma_wait3A_395 = arith.constant 0 : i32
      %dma_wait3A_396 = tpu.memref_slice %arg8[%mul3A_384, %dma_wait3A_395] : memref<10240x128xf32, #tpu.memory_space<vmem_shared>> -> memref<640x128xf32, #tpu.memory_space<vmem_shared>>
      tpu.wait_dma2 semaphore(%run_scoped3A : memref<!tpu.dma_semaphore, #tpu.memory_space<semaphore_mem>>) src(%dma_wait3A_396 : memref<640x128xf32, #tpu.memory_space<vmem_shared>>) dst(%dma_wait3A_394 : memref<640x128xf32, #tpu.memory_space<hbm>>)
      tpu.yield
    }) : () -> ()
    return
  }
}

#map = affine_map<(d0, d1) -> (0, 0)>
#map1 = affine_map<(d0, d1) -> (0, 0, 0, 0)>
#map2 = affine_map<(d0, d1) -> (0, 0, 0)>
module attributes {stable_mosaic.version = 14 : i64} {
  func.func @k(%arg0: i32, %arg1: i32, %arg2: memref<10000x128xf32, #tpu.memory_space<hbm>>, %arg3: memref<32x125x2x80xi32, #tpu.memory_space<hbm>>, %arg4: memref<640x128xf32, #tpu.memory_space<hbm>>, %arg5: memref<2x10240x128xf32, #tpu.memory_space<hbm>>, %arg6: memref<4x2x80xi32, #tpu.memory_space<vmem>>, %arg7: memref<4x80x128xf32, #tpu.memory_space<vmem>>, %arg8: memref<10240x128xf32, #tpu.memory_space<vmem_shared>>, %arg9: memref<!tpu.dma_semaphore, #tpu.memory_space<semaphore_mem>>, %arg10: memref<!tpu.dma_semaphore, #tpu.memory_space<semaphore_mem>>, %arg11: memref<!tpu.dma_semaphore, #tpu.memory_space<semaphore_mem>>, %arg12: memref<!tpu.dma_semaphore, #tpu.memory_space<semaphore_mem>>, %arg13: memref<!tpu.dma_semaphore, #tpu.memory_space<semaphore_mem>>, %arg14: memref<!tpu.dma_semaphore, #tpu.memory_space<semaphore_mem>>, %arg15: memref<!tpu.dma_semaphore, #tpu.memory_space<semaphore_mem>>, %arg16: memref<!tpu.dma_semaphore, #tpu.memory_space<semaphore_mem>>, %arg17: memref<!tpu.dma_semaphore, #tpu.memory_space<semaphore_mem>>, %arg18: memref<!tpu.dma_semaphore, #tpu.memory_space<semaphore_mem>>, %arg19: memref<!tpu.dma_semaphore, #tpu.memory_space<semaphore_mem>>, %arg20: memref<!tpu.dma_semaphore, #tpu.memory_space<semaphore_mem>>) attributes {dimension_semantics = [#tpu.dimension_semantics<core_parallel>, #tpu.dimension_semantics<subcore_parallel>], iteration_bounds = array<i64: 2, 16>, scalar_prefetch = 0 : i64, scratch_operands = 15 : i64, tpu.core_type = #tpu.core_type<sc_vector_subcore>, window_params = [{transform_indices = #map}, {transform_indices = #map1}, {transform_indices = #map}, {transform_indices = #map2}]} {
    %mul3A = arith.constant 16 : i32
    %mul3A_0 = arith.muli %arg0, %mul3A : i32
    %add3A = arith.addi %mul3A_0, %arg1 : i32
    %mul3A_1 = arith.constant 640 : i32
    %mul3A_2 = arith.muli %arg1, %mul3A_1 : i32
    "tpu.region"() ({
      %run_scoped3A = tpu.sem_alloc : memref<!tpu.dma_semaphore, #tpu.memory_space<semaphore_mem>>
      %dma_start3A_326 = arith.constant 0 : i32
      %dma_start3A_327 = tpu.memref_slice %arg8[%mul3A_2, %dma_start3A_326] : memref<10240x128xf32, #tpu.memory_space<vmem_shared>> -> memref<640x128xf32, #tpu.memory_space<vmem_shared>>
      tpu.enqueue_dma source(%arg4 : memref<640x128xf32, #tpu.memory_space<hbm>>) target(%dma_start3A_327 : memref<640x128xf32, #tpu.memory_space<vmem_shared>>) target_semaphore(%run_scoped3A : memref<!tpu.dma_semaphore, #tpu.memory_space<semaphore_mem>>)
      %dma_wait3A_328 = arith.constant 0 : i32
      %dma_wait3A_329 = tpu.memref_slice %arg8[%mul3A_2, %dma_wait3A_328] : memref<10240x128xf32, #tpu.memory_space<vmem_shared>> -> memref<640x128xf32, #tpu.memory_space<vmem_shared>>
      tpu.wait_dma2 semaphore(%run_scoped3A : memref<!tpu.dma_semaphore, #tpu.memory_space<semaphore_mem>>) src(%arg4 : memref<640x128xf32, #tpu.memory_space<hbm>>) dst(%dma_wait3A_329 : memref<640x128xf32, #tpu.memory_space<vmem_shared>>)
      tpu.yield
    }) : () -> ()
    %barrier3A = arith.constant 0 : index
    tpu.barrier barrier_id(%barrier3A)
    %dma_start3A = arith.constant 0 : i32
    %dma_start3A_3 = arith.constant 0 : i32
    %dma_start3A_4 = arith.constant 0 : i32
    %dma_start3A_5 = arith.constant 0 : i32
    %dma_start3A_6 = tpu.memref_slice %arg6[%dma_start3A_3, %dma_start3A_4, %dma_start3A_5] : memref<4x2x80xi32, #tpu.memory_space<vmem>> -> memref<1x2x80xi32, #tpu.memory_space<vmem>>
    %dma_start3A_7 = tpu.memref_squeeze %dma_start3A_6 : memref<1x2x80xi32, #tpu.memory_space<vmem>> -> memref<2x80xi32, #tpu.memory_space<vmem>>
    %dma_start3A_8 = arith.constant 0 : i32
    %dma_start3A_9 = arith.constant 0 : i32
    %dma_start3A_10 = arith.constant 0 : i32
    %dma_start3A_11 = tpu.memref_slice %arg3[%add3A, %dma_start3A_8, %dma_start3A_9, %dma_start3A_10] : memref<32x125x2x80xi32, #tpu.memory_space<hbm>> -> memref<1x125x2x80xi32, #tpu.memory_space<hbm>>
    %dma_start3A_12 = tpu.memref_squeeze %dma_start3A_11 : memref<1x125x2x80xi32, #tpu.memory_space<hbm>> -> memref<125x2x80xi32, #tpu.memory_space<hbm>>
    %dma_start3A_13 = arith.constant 0 : i32
    %dma_start3A_14 = arith.constant 0 : i32
    %dma_start3A_15 = tpu.memref_slice %dma_start3A_12[%dma_start3A, %dma_start3A_13, %dma_start3A_14] : memref<125x2x80xi32, #tpu.memory_space<hbm>> -> memref<1x2x80xi32, #tpu.memory_space<hbm>>
    %dma_start3A_16 = tpu.memref_squeeze %dma_start3A_15 : memref<1x2x80xi32, #tpu.memory_space<hbm>> -> memref<2x80xi32, #tpu.memory_space<hbm>>
    %dma_start3A_17 = arith.constant 0 : i32
    %dma_start3A_18 = arith.constant 0 : i32
    %dma_start3A_19 = tpu.memref_slice %arg6[%dma_start3A_3, %dma_start3A_17, %dma_start3A_18] : memref<4x2x80xi32, #tpu.memory_space<vmem>> -> memref<1x2x80xi32, #tpu.memory_space<vmem>>
    %dma_start3A_20 = tpu.memref_squeeze %dma_start3A_19 : memref<1x2x80xi32, #tpu.memory_space<vmem>> -> memref<2x80xi32, #tpu.memory_space<vmem>>
    %dma_start3A_21 = arith.constant 0 : i32
    %dma_start3A_22 = arith.constant 0 : i32
    %dma_start3A_23 = arith.constant 0 : i32
    %dma_start3A_24 = tpu.memref_slice %arg3[%add3A, %dma_start3A_21, %dma_start3A_22, %dma_start3A_23] : memref<32x125x2x80xi32, #tpu.memory_space<hbm>> -> memref<1x125x2x80xi32, #tpu.memory_space<hbm>>
    %dma_start3A_25 = tpu.memref_squeeze %dma_start3A_24 : memref<1x125x2x80xi32, #tpu.memory_space<hbm>> -> memref<125x2x80xi32, #tpu.memory_space<hbm>>
    %dma_start3A_26 = arith.constant 0 : i32
    %dma_start3A_27 = arith.constant 0 : i32
    %dma_start3A_28 = tpu.memref_slice %dma_start3A_25[%dma_start3A, %dma_start3A_26, %dma_start3A_27] : memref<125x2x80xi32, #tpu.memory_space<hbm>> -> memref<1x2x80xi32, #tpu.memory_space<hbm>>
    %dma_start3A_29 = tpu.memref_squeeze %dma_start3A_28 : memref<1x2x80xi32, #tpu.memory_space<hbm>> -> memref<2x80xi32, #tpu.memory_space<hbm>>
    tpu.enqueue_dma source(%dma_start3A_29 : memref<2x80xi32, #tpu.memory_space<hbm>>) target(%dma_start3A_20 : memref<2x80xi32, #tpu.memory_space<vmem>>) target_semaphore(%arg9 : memref<!tpu.dma_semaphore, #tpu.memory_space<semaphore_mem>>)
    %dma_start3A_30 = arith.constant 1 : i32
    %dma_start3A_31 = arith.constant 1 : i32
    %dma_start3A_32 = arith.constant 0 : i32
    %dma_start3A_33 = arith.constant 0 : i32
    %dma_start3A_34 = tpu.memref_slice %arg6[%dma_start3A_31, %dma_start3A_32, %dma_start3A_33] : memref<4x2x80xi32, #tpu.memory_space<vmem>> -> memref<1x2x80xi32, #tpu.memory_space<vmem>>
    %dma_start3A_35 = tpu.memref_squeeze %dma_start3A_34 : memref<1x2x80xi32, #tpu.memory_space<vmem>> -> memref<2x80xi32, #tpu.memory_space<vmem>>
    %dma_start3A_36 = arith.constant 0 : i32
    %dma_start3A_37 = arith.constant 0 : i32
    %dma_start3A_38 = arith.constant 0 : i32
    %dma_start3A_39 = tpu.memref_slice %arg3[%add3A, %dma_start3A_36, %dma_start3A_37, %dma_start3A_38] : memref<32x125x2x80xi32, #tpu.memory_space<hbm>> -> memref<1x125x2x80xi32, #tpu.memory_space<hbm>>
    %dma_start3A_40 = tpu.memref_squeeze %dma_start3A_39 : memref<1x125x2x80xi32, #tpu.memory_space<hbm>> -> memref<125x2x80xi32, #tpu.memory_space<hbm>>
    %dma_start3A_41 = arith.constant 0 : i32
    %dma_start3A_42 = arith.constant 0 : i32
    %dma_start3A_43 = tpu.memref_slice %dma_start3A_40[%dma_start3A_30, %dma_start3A_41, %dma_start3A_42] : memref<125x2x80xi32, #tpu.memory_space<hbm>> -> memref<1x2x80xi32, #tpu.memory_space<hbm>>
    %dma_start3A_44 = tpu.memref_squeeze %dma_start3A_43 : memref<1x2x80xi32, #tpu.memory_space<hbm>> -> memref<2x80xi32, #tpu.memory_space<hbm>>
    %dma_start3A_45 = arith.constant 0 : i32
    %dma_start3A_46 = arith.constant 0 : i32
    %dma_start3A_47 = tpu.memref_slice %arg6[%dma_start3A_31, %dma_start3A_45, %dma_start3A_46] : memref<4x2x80xi32, #tpu.memory_space<vmem>> -> memref<1x2x80xi32, #tpu.memory_space<vmem>>
    %dma_start3A_48 = tpu.memref_squeeze %dma_start3A_47 : memref<1x2x80xi32, #tpu.memory_space<vmem>> -> memref<2x80xi32, #tpu.memory_space<vmem>>
    %dma_start3A_49 = arith.constant 0 : i32
    %dma_start3A_50 = arith.constant 0 : i32
    %dma_start3A_51 = arith.constant 0 : i32
    %dma_start3A_52 = tpu.memref_slice %arg3[%add3A, %dma_start3A_49, %dma_start3A_50, %dma_start3A_51] : memref<32x125x2x80xi32, #tpu.memory_space<hbm>> -> memref<1x125x2x80xi32, #tpu.memory_space<hbm>>
    %dma_start3A_53 = tpu.memref_squeeze %dma_start3A_52 : memref<1x125x2x80xi32, #tpu.memory_space<hbm>> -> memref<125x2x80xi32, #tpu.memory_space<hbm>>
    %dma_start3A_54 = arith.constant 0 : i32
    %dma_start3A_55 = arith.constant 0 : i32
    %dma_start3A_56 = tpu.memref_slice %dma_start3A_53[%dma_start3A_30, %dma_start3A_54, %dma_start3A_55] : memref<125x2x80xi32, #tpu.memory_space<hbm>> -> memref<1x2x80xi32, #tpu.memory_space<hbm>>
    %dma_start3A_57 = tpu.memref_squeeze %dma_start3A_56 : memref<1x2x80xi32, #tpu.memory_space<hbm>> -> memref<2x80xi32, #tpu.memory_space<hbm>>
    tpu.enqueue_dma source(%dma_start3A_57 : memref<2x80xi32, #tpu.memory_space<hbm>>) target(%dma_start3A_48 : memref<2x80xi32, #tpu.memory_space<vmem>>) target_semaphore(%arg10 : memref<!tpu.dma_semaphore, #tpu.memory_space<semaphore_mem>>)
    %dma_start3A_58 = arith.constant 2 : i32
    %dma_start3A_59 = arith.constant 2 : i32
    %dma_start3A_60 = arith.constant 0 : i32
    %dma_start3A_61 = arith.constant 0 : i32
    %dma_start3A_62 = tpu.memref_slice %arg6[%dma_start3A_59, %dma_start3A_60, %dma_start3A_61] : memref<4x2x80xi32, #tpu.memory_space<vmem>> -> memref<1x2x80xi32, #tpu.memory_space<vmem>>
    %dma_start3A_63 = tpu.memref_squeeze %dma_start3A_62 : memref<1x2x80xi32, #tpu.memory_space<vmem>> -> memref<2x80xi32, #tpu.memory_space<vmem>>
    %dma_start3A_64 = arith.constant 0 : i32
    %dma_start3A_65 = arith.constant 0 : i32
    %dma_start3A_66 = arith.constant 0 : i32
    %dma_start3A_67 = tpu.memref_slice %arg3[%add3A, %dma_start3A_64, %dma_start3A_65, %dma_start3A_66] : memref<32x125x2x80xi32, #tpu.memory_space<hbm>> -> memref<1x125x2x80xi32, #tpu.memory_space<hbm>>
    %dma_start3A_68 = tpu.memref_squeeze %dma_start3A_67 : memref<1x125x2x80xi32, #tpu.memory_space<hbm>> -> memref<125x2x80xi32, #tpu.memory_space<hbm>>
    %dma_start3A_69 = arith.constant 0 : i32
    %dma_start3A_70 = arith.constant 0 : i32
    %dma_start3A_71 = tpu.memref_slice %dma_start3A_68[%dma_start3A_58, %dma_start3A_69, %dma_start3A_70] : memref<125x2x80xi32, #tpu.memory_space<hbm>> -> memref<1x2x80xi32, #tpu.memory_space<hbm>>
    %dma_start3A_72 = tpu.memref_squeeze %dma_start3A_71 : memref<1x2x80xi32, #tpu.memory_space<hbm>> -> memref<2x80xi32, #tpu.memory_space<hbm>>
    %dma_start3A_73 = arith.constant 0 : i32
    %dma_start3A_74 = arith.constant 0 : i32
    %dma_start3A_75 = tpu.memref_slice %arg6[%dma_start3A_59, %dma_start3A_73, %dma_start3A_74] : memref<4x2x80xi32, #tpu.memory_space<vmem>> -> memref<1x2x80xi32, #tpu.memory_space<vmem>>
    %dma_start3A_76 = tpu.memref_squeeze %dma_start3A_75 : memref<1x2x80xi32, #tpu.memory_space<vmem>> -> memref<2x80xi32, #tpu.memory_space<vmem>>
    %dma_start3A_77 = arith.constant 0 : i32
    %dma_start3A_78 = arith.constant 0 : i32
    %dma_start3A_79 = arith.constant 0 : i32
    %dma_start3A_80 = tpu.memref_slice %arg3[%add3A, %dma_start3A_77, %dma_start3A_78, %dma_start3A_79] : memref<32x125x2x80xi32, #tpu.memory_space<hbm>> -> memref<1x125x2x80xi32, #tpu.memory_space<hbm>>
    %dma_start3A_81 = tpu.memref_squeeze %dma_start3A_80 : memref<1x125x2x80xi32, #tpu.memory_space<hbm>> -> memref<125x2x80xi32, #tpu.memory_space<hbm>>
    %dma_start3A_82 = arith.constant 0 : i32
    %dma_start3A_83 = arith.constant 0 : i32
    %dma_start3A_84 = tpu.memref_slice %dma_start3A_81[%dma_start3A_58, %dma_start3A_82, %dma_start3A_83] : memref<125x2x80xi32, #tpu.memory_space<hbm>> -> memref<1x2x80xi32, #tpu.memory_space<hbm>>
    %dma_start3A_85 = tpu.memref_squeeze %dma_start3A_84 : memref<1x2x80xi32, #tpu.memory_space<hbm>> -> memref<2x80xi32, #tpu.memory_space<hbm>>
    tpu.enqueue_dma source(%dma_start3A_85 : memref<2x80xi32, #tpu.memory_space<hbm>>) target(%dma_start3A_76 : memref<2x80xi32, #tpu.memory_space<vmem>>) target_semaphore(%arg11 : memref<!tpu.dma_semaphore, #tpu.memory_space<semaphore_mem>>)
    %dma_start3A_86 = arith.constant 3 : i32
    %dma_start3A_87 = arith.constant 3 : i32
    %dma_start3A_88 = arith.constant 0 : i32
    %dma_start3A_89 = arith.constant 0 : i32
    %dma_start3A_90 = tpu.memref_slice %arg6[%dma_start3A_87, %dma_start3A_88, %dma_start3A_89] : memref<4x2x80xi32, #tpu.memory_space<vmem>> -> memref<1x2x80xi32, #tpu.memory_space<vmem>>
    %dma_start3A_91 = tpu.memref_squeeze %dma_start3A_90 : memref<1x2x80xi32, #tpu.memory_space<vmem>> -> memref<2x80xi32, #tpu.memory_space<vmem>>
    %dma_start3A_92 = arith.constant 0 : i32
    %dma_start3A_93 = arith.constant 0 : i32
    %dma_start3A_94 = arith.constant 0 : i32
    %dma_start3A_95 = tpu.memref_slice %arg3[%add3A, %dma_start3A_92, %dma_start3A_93, %dma_start3A_94] : memref<32x125x2x80xi32, #tpu.memory_space<hbm>> -> memref<1x125x2x80xi32, #tpu.memory_space<hbm>>
    %dma_start3A_96 = tpu.memref_squeeze %dma_start3A_95 : memref<1x125x2x80xi32, #tpu.memory_space<hbm>> -> memref<125x2x80xi32, #tpu.memory_space<hbm>>
    %dma_start3A_97 = arith.constant 0 : i32
    %dma_start3A_98 = arith.constant 0 : i32
    %dma_start3A_99 = tpu.memref_slice %dma_start3A_96[%dma_start3A_86, %dma_start3A_97, %dma_start3A_98] : memref<125x2x80xi32, #tpu.memory_space<hbm>> -> memref<1x2x80xi32, #tpu.memory_space<hbm>>
    %dma_start3A_100 = tpu.memref_squeeze %dma_start3A_99 : memref<1x2x80xi32, #tpu.memory_space<hbm>> -> memref<2x80xi32, #tpu.memory_space<hbm>>
    %dma_start3A_101 = arith.constant 0 : i32
    %dma_start3A_102 = arith.constant 0 : i32
    %dma_start3A_103 = tpu.memref_slice %arg6[%dma_start3A_87, %dma_start3A_101, %dma_start3A_102] : memref<4x2x80xi32, #tpu.memory_space<vmem>> -> memref<1x2x80xi32, #tpu.memory_space<vmem>>
    %dma_start3A_104 = tpu.memref_squeeze %dma_start3A_103 : memref<1x2x80xi32, #tpu.memory_space<vmem>> -> memref<2x80xi32, #tpu.memory_space<vmem>>
    %dma_start3A_105 = arith.constant 0 : i32
    %dma_start3A_106 = arith.constant 0 : i32
    %dma_start3A_107 = arith.constant 0 : i32
    %dma_start3A_108 = tpu.memref_slice %arg3[%add3A, %dma_start3A_105, %dma_start3A_106, %dma_start3A_107] : memref<32x125x2x80xi32, #tpu.memory_space<hbm>> -> memref<1x125x2x80xi32, #tpu.memory_space<hbm>>
    %dma_start3A_109 = tpu.memref_squeeze %dma_start3A_108 : memref<1x125x2x80xi32, #tpu.memory_space<hbm>> -> memref<125x2x80xi32, #tpu.memory_space<hbm>>
    %dma_start3A_110 = arith.constant 0 : i32
    %dma_start3A_111 = arith.constant 0 : i32
    %dma_start3A_112 = tpu.memref_slice %dma_start3A_109[%dma_start3A_86, %dma_start3A_110, %dma_start3A_111] : memref<125x2x80xi32, #tpu.memory_space<hbm>> -> memref<1x2x80xi32, #tpu.memory_space<hbm>>
    %dma_start3A_113 = tpu.memref_squeeze %dma_start3A_112 : memref<1x2x80xi32, #tpu.memory_space<hbm>> -> memref<2x80xi32, #tpu.memory_space<hbm>>
    tpu.enqueue_dma source(%dma_start3A_113 : memref<2x80xi32, #tpu.memory_space<hbm>>) target(%dma_start3A_104 : memref<2x80xi32, #tpu.memory_space<vmem>>) target_semaphore(%arg12 : memref<!tpu.dma_semaphore, #tpu.memory_space<semaphore_mem>>)
    %dma_wait3A = arith.constant 0 : i32
    %dma_wait3A_114 = arith.constant 0 : i32
    %dma_wait3A_115 = arith.constant 0 : i32
    %dma_wait3A_116 = arith.constant 0 : i32
    %dma_wait3A_117 = tpu.memref_slice %arg6[%dma_wait3A_114, %dma_wait3A_115, %dma_wait3A_116] : memref<4x2x80xi32, #tpu.memory_space<vmem>> -> memref<1x2x80xi32, #tpu.memory_space<vmem>>
    %dma_wait3A_118 = tpu.memref_squeeze %dma_wait3A_117 : memref<1x2x80xi32, #tpu.memory_space<vmem>> -> memref<2x80xi32, #tpu.memory_space<vmem>>
    %dma_wait3A_119 = arith.constant 0 : i32
    %dma_wait3A_120 = arith.constant 0 : i32
    %dma_wait3A_121 = arith.constant 0 : i32
    %dma_wait3A_122 = tpu.memref_slice %arg3[%add3A, %dma_wait3A_119, %dma_wait3A_120, %dma_wait3A_121] : memref<32x125x2x80xi32, #tpu.memory_space<hbm>> -> memref<1x125x2x80xi32, #tpu.memory_space<hbm>>
    %dma_wait3A_123 = tpu.memref_squeeze %dma_wait3A_122 : memref<1x125x2x80xi32, #tpu.memory_space<hbm>> -> memref<125x2x80xi32, #tpu.memory_space<hbm>>
    %dma_wait3A_124 = arith.constant 0 : i32
    %dma_wait3A_125 = arith.constant 0 : i32
    %dma_wait3A_126 = tpu.memref_slice %dma_wait3A_123[%dma_wait3A, %dma_wait3A_124, %dma_wait3A_125] : memref<125x2x80xi32, #tpu.memory_space<hbm>> -> memref<1x2x80xi32, #tpu.memory_space<hbm>>
    %dma_wait3A_127 = tpu.memref_squeeze %dma_wait3A_126 : memref<1x2x80xi32, #tpu.memory_space<hbm>> -> memref<2x80xi32, #tpu.memory_space<hbm>>
    %dma_wait3A_128 = arith.constant 0 : i32
    %dma_wait3A_129 = arith.constant 0 : i32
    %dma_wait3A_130 = tpu.memref_slice %arg6[%dma_wait3A_114, %dma_wait3A_128, %dma_wait3A_129] : memref<4x2x80xi32, #tpu.memory_space<vmem>> -> memref<1x2x80xi32, #tpu.memory_space<vmem>>
    %dma_wait3A_131 = tpu.memref_squeeze %dma_wait3A_130 : memref<1x2x80xi32, #tpu.memory_space<vmem>> -> memref<2x80xi32, #tpu.memory_space<vmem>>
    %dma_wait3A_132 = arith.constant 0 : i32
    %dma_wait3A_133 = arith.constant 0 : i32
    %dma_wait3A_134 = arith.constant 0 : i32
    %dma_wait3A_135 = tpu.memref_slice %arg3[%add3A, %dma_wait3A_132, %dma_wait3A_133, %dma_wait3A_134] : memref<32x125x2x80xi32, #tpu.memory_space<hbm>> -> memref<1x125x2x80xi32, #tpu.memory_space<hbm>>
    %dma_wait3A_136 = tpu.memref_squeeze %dma_wait3A_135 : memref<1x125x2x80xi32, #tpu.memory_space<hbm>> -> memref<125x2x80xi32, #tpu.memory_space<hbm>>
    %dma_wait3A_137 = arith.constant 0 : i32
    %dma_wait3A_138 = arith.constant 0 : i32
    %dma_wait3A_139 = tpu.memref_slice %dma_wait3A_136[%dma_wait3A, %dma_wait3A_137, %dma_wait3A_138] : memref<125x2x80xi32, #tpu.memory_space<hbm>> -> memref<1x2x80xi32, #tpu.memory_space<hbm>>
    %dma_wait3A_140 = tpu.memref_squeeze %dma_wait3A_139 : memref<1x2x80xi32, #tpu.memory_space<hbm>> -> memref<2x80xi32, #tpu.memory_space<hbm>>
    tpu.wait_dma2 semaphore(%arg9 : memref<!tpu.dma_semaphore, #tpu.memory_space<semaphore_mem>>) src(%dma_wait3A_140 : memref<2x80xi32, #tpu.memory_space<hbm>>) dst(%dma_wait3A_131 : memref<2x80xi32, #tpu.memory_space<vmem>>)
    %dma_start3A_141 = arith.constant 0 : i32
    %dma_start3A_142 = arith.constant 0 : i32
    %dma_start3A_143 = arith.constant 0 : i32
    %dma_start3A_144 = arith.constant 0 : i32
    %dma_start3A_145 = arith.constant 0 : i32
    %dma_start3A_146 = tpu.memref_slice %arg7[%dma_start3A_143, %dma_start3A_144, %dma_start3A_145] : memref<4x80x128xf32, #tpu.memory_space<vmem>> -> memref<1x80x128xf32, #tpu.memory_space<vmem>>
    %dma_start3A_147 = tpu.memref_squeeze %dma_start3A_146 : memref<1x80x128xf32, #tpu.memory_space<vmem>> -> memref<80x128xf32, #tpu.memory_space<vmem>>
    %dma_start3A_148 = arith.constant 0 : i32
    %dma_start3A_149 = tpu.memref_slice %arg6[%dma_start3A_141, %dma_start3A_142, %dma_start3A_148] : memref<4x2x80xi32, #tpu.memory_space<vmem>> -> memref<1x1x80xi32, #tpu.memory_space<vmem>>
    %dma_start3A_150 = tpu.memref_squeeze %dma_start3A_149 : memref<1x1x80xi32, #tpu.memory_space<vmem>> -> memref<80xi32, #tpu.memory_space<vmem>>
    %dma_start3A_151 = arith.constant 0 : i32
    %dma_start3A_152 = arith.constant 0 : i32
    %dma_start3A_153 = tpu.memref_slice %arg2[%dma_start3A_151, %dma_start3A_152] : memref<10000x128xf32, #tpu.memory_space<hbm>> -> memref<10000x128xf32, #tpu.memory_space<hbm>>
    tpu.enqueue_indirect_dma source(%dma_start3A_153 : memref<10000x128xf32, #tpu.memory_space<hbm>>) target(%dma_start3A_147 : memref<80x128xf32, #tpu.memory_space<vmem>>) offsets(%dma_start3A_150 : memref<80xi32, #tpu.memory_space<vmem>>) semaphore(%arg13 : memref<!tpu.dma_semaphore, #tpu.memory_space<semaphore_mem>>)
    %dma_wait3A_154 = arith.constant 0 : i32
    %dma_wait3A_155 = arith.constant 1 : i32
    %dma_wait3A_156 = arith.constant 0 : i32
    %dma_wait3A_157 = arith.constant 0 : i32
    %dma_wait3A_158 = tpu.memref_slice %arg6[%dma_wait3A_155, %dma_wait3A_156, %dma_wait3A_157] : memref<4x2x80xi32, #tpu.memory_space<vmem>> -> memref<1x2x80xi32, #tpu.memory_space<vmem>>
    %dma_wait3A_159 = tpu.memref_squeeze %dma_wait3A_158 : memref<1x2x80xi32, #tpu.memory_space<vmem>> -> memref<2x80xi32, #tpu.memory_space<vmem>>
    %dma_wait3A_160 = arith.constant 0 : i32
    %dma_wait3A_161 = arith.constant 0 : i32
    %dma_wait3A_162 = arith.constant 0 : i32
    %dma_wait3A_163 = tpu.memref_slice %arg3[%add3A, %dma_wait3A_160, %dma_wait3A_161, %dma_wait3A_162] : memref<32x125x2x80xi32, #tpu.memory_space<hbm>> -> memref<1x125x2x80xi32, #tpu.memory_space<hbm>>
    %dma_wait3A_164 = tpu.memref_squeeze %dma_wait3A_163 : memref<1x125x2x80xi32, #tpu.memory_space<hbm>> -> memref<125x2x80xi32, #tpu.memory_space<hbm>>
    %dma_wait3A_165 = arith.constant 0 : i32
    %dma_wait3A_166 = arith.constant 0 : i32
    %dma_wait3A_167 = tpu.memref_slice %dma_wait3A_164[%dma_wait3A_154, %dma_wait3A_165, %dma_wait3A_166] : memref<125x2x80xi32, #tpu.memory_space<hbm>> -> memref<1x2x80xi32, #tpu.memory_space<hbm>>
    %dma_wait3A_168 = tpu.memref_squeeze %dma_wait3A_167 : memref<1x2x80xi32, #tpu.memory_space<hbm>> -> memref<2x80xi32, #tpu.memory_space<hbm>>
    %dma_wait3A_169 = arith.constant 0 : i32
    %dma_wait3A_170 = arith.constant 0 : i32
    %dma_wait3A_171 = tpu.memref_slice %arg6[%dma_wait3A_155, %dma_wait3A_169, %dma_wait3A_170] : memref<4x2x80xi32, #tpu.memory_space<vmem>> -> memref<1x2x80xi32, #tpu.memory_space<vmem>>
    %dma_wait3A_172 = tpu.memref_squeeze %dma_wait3A_171 : memref<1x2x80xi32, #tpu.memory_space<vmem>> -> memref<2x80xi32, #tpu.memory_space<vmem>>
    %dma_wait3A_173 = arith.constant 0 : i32
    %dma_wait3A_174 = arith.constant 0 : i32
    %dma_wait3A_175 = arith.constant 0 : i32
    %dma_wait3A_176 = tpu.memref_slice %arg3[%add3A, %dma_wait3A_173, %dma_wait3A_174, %dma_wait3A_175] : memref<32x125x2x80xi32, #tpu.memory_space<hbm>> -> memref<1x125x2x80xi32, #tpu.memory_space<hbm>>
    %dma_wait3A_177 = tpu.memref_squeeze %dma_wait3A_176 : memref<1x125x2x80xi32, #tpu.memory_space<hbm>> -> memref<125x2x80xi32, #tpu.memory_space<hbm>>
    %dma_wait3A_178 = arith.constant 0 : i32
    %dma_wait3A_179 = arith.constant 0 : i32
    %dma_wait3A_180 = tpu.memref_slice %dma_wait3A_177[%dma_wait3A_154, %dma_wait3A_178, %dma_wait3A_179] : memref<125x2x80xi32, #tpu.memory_space<hbm>> -> memref<1x2x80xi32, #tpu.memory_space<hbm>>
    %dma_wait3A_181 = tpu.memref_squeeze %dma_wait3A_180 : memref<1x2x80xi32, #tpu.memory_space<hbm>> -> memref<2x80xi32, #tpu.memory_space<hbm>>
    tpu.wait_dma2 semaphore(%arg10 : memref<!tpu.dma_semaphore, #tpu.memory_space<semaphore_mem>>) src(%dma_wait3A_181 : memref<2x80xi32, #tpu.memory_space<hbm>>) dst(%dma_wait3A_172 : memref<2x80xi32, #tpu.memory_space<vmem>>)
    %dma_start3A_182 = arith.constant 1 : i32
    %dma_start3A_183 = arith.constant 0 : i32
    %dma_start3A_184 = arith.constant 1 : i32
    %dma_start3A_185 = arith.constant 0 : i32
    %dma_start3A_186 = arith.constant 0 : i32
    %dma_start3A_187 = tpu.memref_slice %arg7[%dma_start3A_184, %dma_start3A_185, %dma_start3A_186] : memref<4x80x128xf32, #tpu.memory_space<vmem>> -> memref<1x80x128xf32, #tpu.memory_space<vmem>>
    %dma_start3A_188 = tpu.memref_squeeze %dma_start3A_187 : memref<1x80x128xf32, #tpu.memory_space<vmem>> -> memref<80x128xf32, #tpu.memory_space<vmem>>
    %dma_start3A_189 = arith.constant 0 : i32
    %dma_start3A_190 = tpu.memref_slice %arg6[%dma_start3A_182, %dma_start3A_183, %dma_start3A_189] : memref<4x2x80xi32, #tpu.memory_space<vmem>> -> memref<1x1x80xi32, #tpu.memory_space<vmem>>
    %dma_start3A_191 = tpu.memref_squeeze %dma_start3A_190 : memref<1x1x80xi32, #tpu.memory_space<vmem>> -> memref<80xi32, #tpu.memory_space<vmem>>
    %dma_start3A_192 = arith.constant 0 : i32
    %dma_start3A_193 = arith.constant 0 : i32
    %dma_start3A_194 = tpu.memref_slice %arg2[%dma_start3A_192, %dma_start3A_193] : memref<10000x128xf32, #tpu.memory_space<hbm>> -> memref<10000x128xf32, #tpu.memory_space<hbm>>
    tpu.enqueue_indirect_dma source(%dma_start3A_194 : memref<10000x128xf32, #tpu.memory_space<hbm>>) target(%dma_start3A_188 : memref<80x128xf32, #tpu.memory_space<vmem>>) offsets(%dma_start3A_191 : memref<80xi32, #tpu.memory_space<vmem>>) semaphore(%arg14 : memref<!tpu.dma_semaphore, #tpu.memory_space<semaphore_mem>>)
    %dma_wait3A_195 = arith.constant 0 : i32
    %dma_wait3A_196 = arith.constant 2 : i32
    %dma_wait3A_197 = arith.constant 0 : i32
    %dma_wait3A_198 = arith.constant 0 : i32
    %dma_wait3A_199 = tpu.memref_slice %arg6[%dma_wait3A_196, %dma_wait3A_197, %dma_wait3A_198] : memref<4x2x80xi32, #tpu.memory_space<vmem>> -> memref<1x2x80xi32, #tpu.memory_space<vmem>>
    %dma_wait3A_200 = tpu.memref_squeeze %dma_wait3A_199 : memref<1x2x80xi32, #tpu.memory_space<vmem>> -> memref<2x80xi32, #tpu.memory_space<vmem>>
    %dma_wait3A_201 = arith.constant 0 : i32
    %dma_wait3A_202 = arith.constant 0 : i32
    %dma_wait3A_203 = arith.constant 0 : i32
    %dma_wait3A_204 = tpu.memref_slice %arg3[%add3A, %dma_wait3A_201, %dma_wait3A_202, %dma_wait3A_203] : memref<32x125x2x80xi32, #tpu.memory_space<hbm>> -> memref<1x125x2x80xi32, #tpu.memory_space<hbm>>
    %dma_wait3A_205 = tpu.memref_squeeze %dma_wait3A_204 : memref<1x125x2x80xi32, #tpu.memory_space<hbm>> -> memref<125x2x80xi32, #tpu.memory_space<hbm>>
    %dma_wait3A_206 = arith.constant 0 : i32
    %dma_wait3A_207 = arith.constant 0 : i32
    %dma_wait3A_208 = tpu.memref_slice %dma_wait3A_205[%dma_wait3A_195, %dma_wait3A_206, %dma_wait3A_207] : memref<125x2x80xi32, #tpu.memory_space<hbm>> -> memref<1x2x80xi32, #tpu.memory_space<hbm>>
    %dma_wait3A_209 = tpu.memref_squeeze %dma_wait3A_208 : memref<1x2x80xi32, #tpu.memory_space<hbm>> -> memref<2x80xi32, #tpu.memory_space<hbm>>
    %dma_wait3A_210 = arith.constant 0 : i32
    %dma_wait3A_211 = arith.constant 0 : i32
    %dma_wait3A_212 = tpu.memref_slice %arg6[%dma_wait3A_196, %dma_wait3A_210, %dma_wait3A_211] : memref<4x2x80xi32, #tpu.memory_space<vmem>> -> memref<1x2x80xi32, #tpu.memory_space<vmem>>
    %dma_wait3A_213 = tpu.memref_squeeze %dma_wait3A_212 : memref<1x2x80xi32, #tpu.memory_space<vmem>> -> memref<2x80xi32, #tpu.memory_space<vmem>>
    %dma_wait3A_214 = arith.constant 0 : i32
    %dma_wait3A_215 = arith.constant 0 : i32
    %dma_wait3A_216 = arith.constant 0 : i32
    %dma_wait3A_217 = tpu.memref_slice %arg3[%add3A, %dma_wait3A_214, %dma_wait3A_215, %dma_wait3A_216] : memref<32x125x2x80xi32, #tpu.memory_space<hbm>> -> memref<1x125x2x80xi32, #tpu.memory_space<hbm>>
    %dma_wait3A_218 = tpu.memref_squeeze %dma_wait3A_217 : memref<1x125x2x80xi32, #tpu.memory_space<hbm>> -> memref<125x2x80xi32, #tpu.memory_space<hbm>>
    %dma_wait3A_219 = arith.constant 0 : i32
    %dma_wait3A_220 = arith.constant 0 : i32
    %dma_wait3A_221 = tpu.memref_slice %dma_wait3A_218[%dma_wait3A_195, %dma_wait3A_219, %dma_wait3A_220] : memref<125x2x80xi32, #tpu.memory_space<hbm>> -> memref<1x2x80xi32, #tpu.memory_space<hbm>>
    %dma_wait3A_222 = tpu.memref_squeeze %dma_wait3A_221 : memref<1x2x80xi32, #tpu.memory_space<hbm>> -> memref<2x80xi32, #tpu.memory_space<hbm>>
    tpu.wait_dma2 semaphore(%arg11 : memref<!tpu.dma_semaphore, #tpu.memory_space<semaphore_mem>>) src(%dma_wait3A_222 : memref<2x80xi32, #tpu.memory_space<hbm>>) dst(%dma_wait3A_213 : memref<2x80xi32, #tpu.memory_space<vmem>>)
    %dma_start3A_223 = arith.constant 2 : i32
    %dma_start3A_224 = arith.constant 0 : i32
    %dma_start3A_225 = arith.constant 2 : i32
    %dma_start3A_226 = arith.constant 0 : i32
    %dma_start3A_227 = arith.constant 0 : i32
    %dma_start3A_228 = tpu.memref_slice %arg7[%dma_start3A_225, %dma_start3A_226, %dma_start3A_227] : memref<4x80x128xf32, #tpu.memory_space<vmem>> -> memref<1x80x128xf32, #tpu.memory_space<vmem>>
    %dma_start3A_229 = tpu.memref_squeeze %dma_start3A_228 : memref<1x80x128xf32, #tpu.memory_space<vmem>> -> memref<80x128xf32, #tpu.memory_space<vmem>>
    %dma_start3A_230 = arith.constant 0 : i32
    %dma_start3A_231 = tpu.memref_slice %arg6[%dma_start3A_223, %dma_start3A_224, %dma_start3A_230] : memref<4x2x80xi32, #tpu.memory_space<vmem>> -> memref<1x1x80xi32, #tpu.memory_space<vmem>>
    %dma_start3A_232 = tpu.memref_squeeze %dma_start3A_231 : memref<1x1x80xi32, #tpu.memory_space<vmem>> -> memref<80xi32, #tpu.memory_space<vmem>>
    %dma_start3A_233 = arith.constant 0 : i32
    %dma_start3A_234 = arith.constant 0 : i32
    %dma_start3A_235 = tpu.memref_slice %arg2[%dma_start3A_233, %dma_start3A_234] : memref<10000x128xf32, #tpu.memory_space<hbm>> -> memref<10000x128xf32, #tpu.memory_space<hbm>>
    tpu.enqueue_indirect_dma source(%dma_start3A_235 : memref<10000x128xf32, #tpu.memory_space<hbm>>) target(%dma_start3A_229 : memref<80x128xf32, #tpu.memory_space<vmem>>) offsets(%dma_start3A_232 : memref<80xi32, #tpu.memory_space<vmem>>) semaphore(%arg15 : memref<!tpu.dma_semaphore, #tpu.memory_space<semaphore_mem>>)
    %dma_wait3A_236 = arith.constant 0 : i32
    %dma_wait3A_237 = arith.constant 3 : i32
    %dma_wait3A_238 = arith.constant 0 : i32
    %dma_wait3A_239 = arith.constant 0 : i32
    %dma_wait3A_240 = tpu.memref_slice %arg6[%dma_wait3A_237, %dma_wait3A_238, %dma_wait3A_239] : memref<4x2x80xi32, #tpu.memory_space<vmem>> -> memref<1x2x80xi32, #tpu.memory_space<vmem>>
    %dma_wait3A_241 = tpu.memref_squeeze %dma_wait3A_240 : memref<1x2x80xi32, #tpu.memory_space<vmem>> -> memref<2x80xi32, #tpu.memory_space<vmem>>
    %dma_wait3A_242 = arith.constant 0 : i32
    %dma_wait3A_243 = arith.constant 0 : i32
    %dma_wait3A_244 = arith.constant 0 : i32
    %dma_wait3A_245 = tpu.memref_slice %arg3[%add3A, %dma_wait3A_242, %dma_wait3A_243, %dma_wait3A_244] : memref<32x125x2x80xi32, #tpu.memory_space<hbm>> -> memref<1x125x2x80xi32, #tpu.memory_space<hbm>>
    %dma_wait3A_246 = tpu.memref_squeeze %dma_wait3A_245 : memref<1x125x2x80xi32, #tpu.memory_space<hbm>> -> memref<125x2x80xi32, #tpu.memory_space<hbm>>
    %dma_wait3A_247 = arith.constant 0 : i32
    %dma_wait3A_248 = arith.constant 0 : i32
    %dma_wait3A_249 = tpu.memref_slice %dma_wait3A_246[%dma_wait3A_236, %dma_wait3A_247, %dma_wait3A_248] : memref<125x2x80xi32, #tpu.memory_space<hbm>> -> memref<1x2x80xi32, #tpu.memory_space<hbm>>
    %dma_wait3A_250 = tpu.memref_squeeze %dma_wait3A_249 : memref<1x2x80xi32, #tpu.memory_space<hbm>> -> memref<2x80xi32, #tpu.memory_space<hbm>>
    %dma_wait3A_251 = arith.constant 0 : i32
    %dma_wait3A_252 = arith.constant 0 : i32
    %dma_wait3A_253 = tpu.memref_slice %arg6[%dma_wait3A_237, %dma_wait3A_251, %dma_wait3A_252] : memref<4x2x80xi32, #tpu.memory_space<vmem>> -> memref<1x2x80xi32, #tpu.memory_space<vmem>>
    %dma_wait3A_254 = tpu.memref_squeeze %dma_wait3A_253 : memref<1x2x80xi32, #tpu.memory_space<vmem>> -> memref<2x80xi32, #tpu.memory_space<vmem>>
    %dma_wait3A_255 = arith.constant 0 : i32
    %dma_wait3A_256 = arith.constant 0 : i32
    %dma_wait3A_257 = arith.constant 0 : i32
    %dma_wait3A_258 = tpu.memref_slice %arg3[%add3A, %dma_wait3A_255, %dma_wait3A_256, %dma_wait3A_257] : memref<32x125x2x80xi32, #tpu.memory_space<hbm>> -> memref<1x125x2x80xi32, #tpu.memory_space<hbm>>
    %dma_wait3A_259 = tpu.memref_squeeze %dma_wait3A_258 : memref<1x125x2x80xi32, #tpu.memory_space<hbm>> -> memref<125x2x80xi32, #tpu.memory_space<hbm>>
    %dma_wait3A_260 = arith.constant 0 : i32
    %dma_wait3A_261 = arith.constant 0 : i32
    %dma_wait3A_262 = tpu.memref_slice %dma_wait3A_259[%dma_wait3A_236, %dma_wait3A_260, %dma_wait3A_261] : memref<125x2x80xi32, #tpu.memory_space<hbm>> -> memref<1x2x80xi32, #tpu.memory_space<hbm>>
    %dma_wait3A_263 = tpu.memref_squeeze %dma_wait3A_262 : memref<1x2x80xi32, #tpu.memory_space<hbm>> -> memref<2x80xi32, #tpu.memory_space<hbm>>
    tpu.wait_dma2 semaphore(%arg12 : memref<!tpu.dma_semaphore, #tpu.memory_space<semaphore_mem>>) src(%dma_wait3A_263 : memref<2x80xi32, #tpu.memory_space<hbm>>) dst(%dma_wait3A_254 : memref<2x80xi32, #tpu.memory_space<vmem>>)
    %dma_start3A_264 = arith.constant 3 : i32
    %dma_start3A_265 = arith.constant 0 : i32
    %dma_start3A_266 = arith.constant 3 : i32
    %dma_start3A_267 = arith.constant 0 : i32
    %dma_start3A_268 = arith.constant 0 : i32
    %dma_start3A_269 = tpu.memref_slice %arg7[%dma_start3A_266, %dma_start3A_267, %dma_start3A_268] : memref<4x80x128xf32, #tpu.memory_space<vmem>> -> memref<1x80x128xf32, #tpu.memory_space<vmem>>
    %dma_start3A_270 = tpu.memref_squeeze %dma_start3A_269 : memref<1x80x128xf32, #tpu.memory_space<vmem>> -> memref<80x128xf32, #tpu.memory_space<vmem>>
    %dma_start3A_271 = arith.constant 0 : i32
    %dma_start3A_272 = tpu.memref_slice %arg6[%dma_start3A_264, %dma_start3A_265, %dma_start3A_271] : memref<4x2x80xi32, #tpu.memory_space<vmem>> -> memref<1x1x80xi32, #tpu.memory_space<vmem>>
    %dma_start3A_273 = tpu.memref_squeeze %dma_start3A_272 : memref<1x1x80xi32, #tpu.memory_space<vmem>> -> memref<80xi32, #tpu.memory_space<vmem>>
    %dma_start3A_274 = arith.constant 0 : i32
    %dma_start3A_275 = arith.constant 0 : i32
    %dma_start3A_276 = tpu.memref_slice %arg2[%dma_start3A_274, %dma_start3A_275] : memref<10000x128xf32, #tpu.memory_space<hbm>> -> memref<10000x128xf32, #tpu.memory_space<hbm>>
    tpu.enqueue_indirect_dma source(%dma_start3A_276 : memref<10000x128xf32, #tpu.memory_space<hbm>>) target(%dma_start3A_270 : memref<80x128xf32, #tpu.memory_space<vmem>>) offsets(%dma_start3A_273 : memref<80xi32, #tpu.memory_space<vmem>>) semaphore(%arg16 : memref<!tpu.dma_semaphore, #tpu.memory_space<semaphore_mem>>)
    %scan3A = arith.constant 0 : i32
    %scan3A_277 = arith.constant 0 : i32
    %scan3A_278 = arith.constant 31 : i32
    %scan3A_279 = arith.addi %scan3A_277, %scan3A_278 : i32
    %scan3A_280 = arith.constant 1 : i32
    scf.for %scan3A_326 = %scan3A_277 to %scan3A_279 step %scan3A_280  : i32 {
      %mul3A_327 = arith.constant 4 : i32
      %mul3A_328 = arith.muli %mul3A_327, %scan3A_326 : i32
      %dma_wait3A_329 = arith.constant 0 : i32
      %dma_wait3A_330 = arith.constant 0 : i32
      %dma_wait3A_331 = arith.constant 0 : i32
      %dma_wait3A_332 = arith.constant 0 : i32
      %dma_wait3A_333 = arith.constant 0 : i32
      %dma_wait3A_334 = tpu.memref_slice %arg7[%dma_wait3A_331, %dma_wait3A_332, %dma_wait3A_333] : memref<4x80x128xf32, #tpu.memory_space<vmem>> -> memref<1x80x128xf32, #tpu.memory_space<vmem>>
      %dma_wait3A_335 = tpu.memref_squeeze %dma_wait3A_334 : memref<1x80x128xf32, #tpu.memory_space<vmem>> -> memref<80x128xf32, #tpu.memory_space<vmem>>
      %dma_wait3A_336 = arith.constant 0 : i32
      %dma_wait3A_337 = tpu.memref_slice %arg6[%dma_wait3A_329, %dma_wait3A_330, %dma_wait3A_336] : memref<4x2x80xi32, #tpu.memory_space<vmem>> -> memref<1x1x80xi32, #tpu.memory_space<vmem>>
      %dma_wait3A_338 = tpu.memref_squeeze %dma_wait3A_337 : memref<1x1x80xi32, #tpu.memory_space<vmem>> -> memref<80xi32, #tpu.memory_space<vmem>>
      %dma_wait3A_339 = arith.constant 0 : i32
      %dma_wait3A_340 = arith.constant 0 : i32
      %dma_wait3A_341 = tpu.memref_slice %arg2[%dma_wait3A_339, %dma_wait3A_340] : memref<10000x128xf32, #tpu.memory_space<hbm>> -> memref<10000x128xf32, #tpu.memory_space<hbm>>
      tpu.wait_indirect_dma semaphore(%arg13 : memref<!tpu.dma_semaphore, #tpu.memory_space<semaphore_mem>>) src(%dma_wait3A_341 : memref<10000x128xf32, #tpu.memory_space<hbm>>) dst(%dma_wait3A_335 : memref<80x128xf32, #tpu.memory_space<vmem>>)
      %dma_start3A_342 = arith.constant 0 : i32
      %dma_start3A_343 = arith.constant 0 : i32
      %dma_start3A_344 = arith.constant 1 : i32
      %dma_start3A_345 = arith.constant 0 : i32
      %dma_start3A_346 = arith.constant 0 : i32
      %dma_start3A_347 = tpu.memref_slice %arg7[%dma_start3A_342, %dma_start3A_345, %dma_start3A_346] : memref<4x80x128xf32, #tpu.memory_space<vmem>> -> memref<1x80x128xf32, #tpu.memory_space<vmem>>
      %dma_start3A_348 = tpu.memref_squeeze %dma_start3A_347 : memref<1x80x128xf32, #tpu.memory_space<vmem>> -> memref<80x128xf32, #tpu.memory_space<vmem>>
      %dma_start3A_349 = arith.constant 0 : i32
      %dma_start3A_350 = tpu.memref_slice %arg6[%dma_start3A_343, %dma_start3A_344, %dma_start3A_349] : memref<4x2x80xi32, #tpu.memory_space<vmem>> -> memref<1x1x80xi32, #tpu.memory_space<vmem>>
      %dma_start3A_351 = tpu.memref_squeeze %dma_start3A_350 : memref<1x1x80xi32, #tpu.memory_space<vmem>> -> memref<80xi32, #tpu.memory_space<vmem>>
      %dma_start3A_352 = arith.constant 0 : i32
      %dma_start3A_353 = arith.constant 0 : i32
      %dma_start3A_354 = tpu.memref_slice %arg8[%dma_start3A_352, %dma_start3A_353] : memref<10240x128xf32, #tpu.memory_space<vmem_shared>> -> memref<10240x128xf32, #tpu.memory_space<vmem_shared>>
      tpu.enqueue_indirect_dma source(%dma_start3A_348 : memref<80x128xf32, #tpu.memory_space<vmem>>) target(%dma_start3A_354 : memref<10240x128xf32, #tpu.memory_space<vmem_shared>>) offsets(%dma_start3A_351 : memref<80xi32, #tpu.memory_space<vmem>>) semaphore(%arg17 : memref<!tpu.dma_semaphore, #tpu.memory_space<semaphore_mem>>) {add = true}
      %dma_wait3A_355 = arith.constant 0 : i32
      %dma_wait3A_356 = arith.constant 0 : i32
      %dma_wait3A_357 = arith.constant 1 : i32
      %dma_wait3A_358 = arith.constant 0 : i32
      %dma_wait3A_359 = arith.constant 0 : i32
      %dma_wait3A_360 = tpu.memref_slice %arg7[%dma_wait3A_357, %dma_wait3A_358, %dma_wait3A_359] : memref<4x80x128xf32, #tpu.memory_space<vmem>> -> memref<1x80x128xf32, #tpu.memory_space<vmem>>
      %dma_wait3A_361 = tpu.memref_squeeze %dma_wait3A_360 : memref<1x80x128xf32, #tpu.memory_space<vmem>> -> memref<80x128xf32, #tpu.memory_space<vmem>>
      %dma_wait3A_362 = arith.constant 0 : i32
      %dma_wait3A_363 = tpu.memref_slice %arg6[%dma_wait3A_355, %dma_wait3A_356, %dma_wait3A_362] : memref<4x2x80xi32, #tpu.memory_space<vmem>> -> memref<1x1x80xi32, #tpu.memory_space<vmem>>
      %dma_wait3A_364 = tpu.memref_squeeze %dma_wait3A_363 : memref<1x1x80xi32, #tpu.memory_space<vmem>> -> memref<80xi32, #tpu.memory_space<vmem>>
      %dma_wait3A_365 = arith.constant 0 : i32
      %dma_wait3A_366 = arith.constant 0 : i32
      %dma_wait3A_367 = tpu.memref_slice %arg2[%dma_wait3A_365, %dma_wait3A_366] : memref<10000x128xf32, #tpu.memory_space<hbm>> -> memref<10000x128xf32, #tpu.memory_space<hbm>>
      tpu.wait_indirect_dma semaphore(%arg14 : memref<!tpu.dma_semaphore, #tpu.memory_space<semaphore_mem>>) src(%dma_wait3A_367 : memref<10000x128xf32, #tpu.memory_space<hbm>>) dst(%dma_wait3A_361 : memref<80x128xf32, #tpu.memory_space<vmem>>)
      %dma_start3A_368 = arith.constant 1 : i32
      %dma_start3A_369 = arith.constant 1 : i32
      %dma_start3A_370 = arith.constant 1 : i32
      %dma_start3A_371 = arith.constant 0 : i32
      %dma_start3A_372 = arith.constant 0 : i32
      %dma_start3A_373 = tpu.memref_slice %arg7[%dma_start3A_368, %dma_start3A_371, %dma_start3A_372] : memref<4x80x128xf32, #tpu.memory_space<vmem>> -> memref<1x80x128xf32, #tpu.memory_space<vmem>>
      %dma_start3A_374 = tpu.memref_squeeze %dma_start3A_373 : memref<1x80x128xf32, #tpu.memory_space<vmem>> -> memref<80x128xf32, #tpu.memory_space<vmem>>
      %dma_start3A_375 = arith.constant 0 : i32
      %dma_start3A_376 = tpu.memref_slice %arg6[%dma_start3A_369, %dma_start3A_370, %dma_start3A_375] : memref<4x2x80xi32, #tpu.memory_space<vmem>> -> memref<1x1x80xi32, #tpu.memory_space<vmem>>
      %dma_start3A_377 = tpu.memref_squeeze %dma_start3A_376 : memref<1x1x80xi32, #tpu.memory_space<vmem>> -> memref<80xi32, #tpu.memory_space<vmem>>
      %dma_start3A_378 = arith.constant 0 : i32
      %dma_start3A_379 = arith.constant 0 : i32
      %dma_start3A_380 = tpu.memref_slice %arg8[%dma_start3A_378, %dma_start3A_379] : memref<10240x128xf32, #tpu.memory_space<vmem_shared>> -> memref<10240x128xf32, #tpu.memory_space<vmem_shared>>
      tpu.enqueue_indirect_dma source(%dma_start3A_374 : memref<80x128xf32, #tpu.memory_space<vmem>>) target(%dma_start3A_380 : memref<10240x128xf32, #tpu.memory_space<vmem_shared>>) offsets(%dma_start3A_377 : memref<80xi32, #tpu.memory_space<vmem>>) semaphore(%arg18 : memref<!tpu.dma_semaphore, #tpu.memory_space<semaphore_mem>>) {add = true}
      %dma_wait3A_381 = arith.constant 0 : i32
      %dma_wait3A_382 = arith.constant 0 : i32
      %dma_wait3A_383 = arith.constant 2 : i32
      %dma_wait3A_384 = arith.constant 0 : i32
      %dma_wait3A_385 = arith.constant 0 : i32
      %dma_wait3A_386 = tpu.memref_slice %arg7[%dma_wait3A_383, %dma_wait3A_384, %dma_wait3A_385] : memref<4x80x128xf32, #tpu.memory_space<vmem>> -> memref<1x80x128xf32, #tpu.memory_space<vmem>>
      %dma_wait3A_387 = tpu.memref_squeeze %dma_wait3A_386 : memref<1x80x128xf32, #tpu.memory_space<vmem>> -> memref<80x128xf32, #tpu.memory_space<vmem>>
      %dma_wait3A_388 = arith.constant 0 : i32
      %dma_wait3A_389 = tpu.memref_slice %arg6[%dma_wait3A_381, %dma_wait3A_382, %dma_wait3A_388] : memref<4x2x80xi32, #tpu.memory_space<vmem>> -> memref<1x1x80xi32, #tpu.memory_space<vmem>>
      %dma_wait3A_390 = tpu.memref_squeeze %dma_wait3A_389 : memref<1x1x80xi32, #tpu.memory_space<vmem>> -> memref<80xi32, #tpu.memory_space<vmem>>
      %dma_wait3A_391 = arith.constant 0 : i32
      %dma_wait3A_392 = arith.constant 0 : i32
      %dma_wait3A_393 = tpu.memref_slice %arg2[%dma_wait3A_391, %dma_wait3A_392] : memref<10000x128xf32, #tpu.memory_space<hbm>> -> memref<10000x128xf32, #tpu.memory_space<hbm>>
      tpu.wait_indirect_dma semaphore(%arg15 : memref<!tpu.dma_semaphore, #tpu.memory_space<semaphore_mem>>) src(%dma_wait3A_393 : memref<10000x128xf32, #tpu.memory_space<hbm>>) dst(%dma_wait3A_387 : memref<80x128xf32, #tpu.memory_space<vmem>>)
      %dma_start3A_394 = arith.constant 2 : i32
      %dma_start3A_395 = arith.constant 2 : i32
      %dma_start3A_396 = arith.constant 1 : i32
      %dma_start3A_397 = arith.constant 0 : i32
      %dma_start3A_398 = arith.constant 0 : i32
      %dma_start3A_399 = tpu.memref_slice %arg7[%dma_start3A_394, %dma_start3A_397, %dma_start3A_398] : memref<4x80x128xf32, #tpu.memory_space<vmem>> -> memref<1x80x128xf32, #tpu.memory_space<vmem>>
      %dma_start3A_400 = tpu.memref_squeeze %dma_start3A_399 : memref<1x80x128xf32, #tpu.memory_space<vmem>> -> memref<80x128xf32, #tpu.memory_space<vmem>>
      %dma_start3A_401 = arith.constant 0 : i32
      %dma_start3A_402 = tpu.memref_slice %arg6[%dma_start3A_395, %dma_start3A_396, %dma_start3A_401] : memref<4x2x80xi32, #tpu.memory_space<vmem>> -> memref<1x1x80xi32, #tpu.memory_space<vmem>>
      %dma_start3A_403 = tpu.memref_squeeze %dma_start3A_402 : memref<1x1x80xi32, #tpu.memory_space<vmem>> -> memref<80xi32, #tpu.memory_space<vmem>>
      %dma_start3A_404 = arith.constant 0 : i32
      %dma_start3A_405 = arith.constant 0 : i32
      %dma_start3A_406 = tpu.memref_slice %arg8[%dma_start3A_404, %dma_start3A_405] : memref<10240x128xf32, #tpu.memory_space<vmem_shared>> -> memref<10240x128xf32, #tpu.memory_space<vmem_shared>>
      tpu.enqueue_indirect_dma source(%dma_start3A_400 : memref<80x128xf32, #tpu.memory_space<vmem>>) target(%dma_start3A_406 : memref<10240x128xf32, #tpu.memory_space<vmem_shared>>) offsets(%dma_start3A_403 : memref<80xi32, #tpu.memory_space<vmem>>) semaphore(%arg19 : memref<!tpu.dma_semaphore, #tpu.memory_space<semaphore_mem>>) {add = true}
      %dma_wait3A_407 = arith.constant 0 : i32
      %dma_wait3A_408 = arith.constant 0 : i32
      %dma_wait3A_409 = arith.constant 3 : i32
      %dma_wait3A_410 = arith.constant 0 : i32
      %dma_wait3A_411 = arith.constant 0 : i32
      %dma_wait3A_412 = tpu.memref_slice %arg7[%dma_wait3A_409, %dma_wait3A_410, %dma_wait3A_411] : memref<4x80x128xf32, #tpu.memory_space<vmem>> -> memref<1x80x128xf32, #tpu.memory_space<vmem>>
      %dma_wait3A_413 = tpu.memref_squeeze %dma_wait3A_412 : memref<1x80x128xf32, #tpu.memory_space<vmem>> -> memref<80x128xf32, #tpu.memory_space<vmem>>
      %dma_wait3A_414 = arith.constant 0 : i32
      %dma_wait3A_415 = tpu.memref_slice %arg6[%dma_wait3A_407, %dma_wait3A_408, %dma_wait3A_414] : memref<4x2x80xi32, #tpu.memory_space<vmem>> -> memref<1x1x80xi32, #tpu.memory_space<vmem>>
      %dma_wait3A_416 = tpu.memref_squeeze %dma_wait3A_415 : memref<1x1x80xi32, #tpu.memory_space<vmem>> -> memref<80xi32, #tpu.memory_space<vmem>>
      %dma_wait3A_417 = arith.constant 0 : i32
      %dma_wait3A_418 = arith.constant 0 : i32
      %dma_wait3A_419 = tpu.memref_slice %arg2[%dma_wait3A_417, %dma_wait3A_418] : memref<10000x128xf32, #tpu.memory_space<hbm>> -> memref<10000x128xf32, #tpu.memory_space<hbm>>
      tpu.wait_indirect_dma semaphore(%arg16 : memref<!tpu.dma_semaphore, #tpu.memory_space<semaphore_mem>>) src(%dma_wait3A_419 : memref<10000x128xf32, #tpu.memory_space<hbm>>) dst(%dma_wait3A_413 : memref<80x128xf32, #tpu.memory_space<vmem>>)
      %dma_start3A_420 = arith.constant 3 : i32
      %dma_start3A_421 = arith.constant 3 : i32
      %dma_start3A_422 = arith.constant 1 : i32
      %dma_start3A_423 = arith.constant 0 : i32
      %dma_start3A_424 = arith.constant 0 : i32
      %dma_start3A_425 = tpu.memref_slice %arg7[%dma_start3A_420, %dma_start3A_423, %dma_start3A_424] : memref<4x80x128xf32, #tpu.memory_space<vmem>> -> memref<1x80x128xf32, #tpu.memory_space<vmem>>
      %dma_start3A_426 = tpu.memref_squeeze %dma_start3A_425 : memref<1x80x128xf32, #tpu.memory_space<vmem>> -> memref<80x128xf32, #tpu.memory_space<vmem>>
      %dma_start3A_427 = arith.constant 0 : i32
      %dma_start3A_428 = tpu.memref_slice %arg6[%dma_start3A_421, %dma_start3A_422, %dma_start3A_427] : memref<4x2x80xi32, #tpu.memory_space<vmem>> -> memref<1x1x80xi32, #tpu.memory_space<vmem>>
      %dma_start3A_429 = tpu.memref_squeeze %dma_start3A_428 : memref<1x1x80xi32, #tpu.memory_space<vmem>> -> memref<80xi32, #tpu.memory_space<vmem>>
      %dma_start3A_430 = arith.constant 0 : i32
      %dma_start3A_431 = arith.constant 0 : i32
      %dma_start3A_432 = tpu.memref_slice %arg8[%dma_start3A_430, %dma_start3A_431] : memref<10240x128xf32, #tpu.memory_space<vmem_shared>> -> memref<10240x128xf32, #tpu.memory_space<vmem_shared>>
      tpu.enqueue_indirect_dma source(%dma_start3A_426 : memref<80x128xf32, #tpu.memory_space<vmem>>) target(%dma_start3A_432 : memref<10240x128xf32, #tpu.memory_space<vmem_shared>>) offsets(%dma_start3A_429 : memref<80xi32, #tpu.memory_space<vmem>>) semaphore(%arg20 : memref<!tpu.dma_semaphore, #tpu.memory_space<semaphore_mem>>) {add = true}
      %dma_wait3A_433 = arith.constant 0 : i32
      %dma_wait3A_434 = arith.constant 0 : i32
      %dma_wait3A_435 = arith.constant 1 : i32
      %dma_wait3A_436 = arith.constant 0 : i32
      %dma_wait3A_437 = arith.constant 0 : i32
      %dma_wait3A_438 = tpu.memref_slice %arg7[%dma_wait3A_433, %dma_wait3A_436, %dma_wait3A_437] : memref<4x80x128xf32, #tpu.memory_space<vmem>> -> memref<1x80x128xf32, #tpu.memory_space<vmem>>
      %dma_wait3A_439 = tpu.memref_squeeze %dma_wait3A_438 : memref<1x80x128xf32, #tpu.memory_space<vmem>> -> memref<80x128xf32, #tpu.memory_space<vmem>>
      %dma_wait3A_440 = arith.constant 0 : i32
      %dma_wait3A_441 = tpu.memref_slice %arg6[%dma_wait3A_434, %dma_wait3A_435, %dma_wait3A_440] : memref<4x2x80xi32, #tpu.memory_space<vmem>> -> memref<1x1x80xi32, #tpu.memory_space<vmem>>
      %dma_wait3A_442 = tpu.memref_squeeze %dma_wait3A_441 : memref<1x1x80xi32, #tpu.memory_space<vmem>> -> memref<80xi32, #tpu.memory_space<vmem>>
      %dma_wait3A_443 = arith.constant 0 : i32
      %dma_wait3A_444 = arith.constant 0 : i32
      %dma_wait3A_445 = tpu.memref_slice %arg8[%dma_wait3A_443, %dma_wait3A_444] : memref<10240x128xf32, #tpu.memory_space<vmem_shared>> -> memref<10240x128xf32, #tpu.memory_space<vmem_shared>>
      tpu.wait_indirect_dma semaphore(%arg17 : memref<!tpu.dma_semaphore, #tpu.memory_space<semaphore_mem>>) src(%dma_wait3A_439 : memref<80x128xf32, #tpu.memory_space<vmem>>) dst(%dma_wait3A_445 : memref<10240x128xf32, #tpu.memory_space<vmem_shared>>)
      %add3A_446 = arith.constant 4 : i32
      %add3A_447 = arith.addi %mul3A_328, %add3A_446 : i32
      %add3A_448 = arith.constant 0 : i32
      %add3A_449 = arith.addi %add3A_447, %add3A_448 : i32
      %lt3A = arith.constant 125 : i32
      %lt3A_450 = arith.cmpi slt, %add3A_449, %lt3A : i32
      %convert_element_type3A = arith.extui %lt3A_450 : i1 to i32
      %cond3A = arith.constant 0 : i32
      %cond3A_451 = arith.cmpi ne, %convert_element_type3A, %cond3A : i32
      scf.if %cond3A_451 {
        %dma_start3A_518 = arith.constant 0 : i32
        %dma_start3A_519 = arith.constant 0 : i32
        %dma_start3A_520 = arith.constant 0 : i32
        %dma_start3A_521 = tpu.memref_slice %arg6[%dma_start3A_518, %dma_start3A_519, %dma_start3A_520] : memref<4x2x80xi32, #tpu.memory_space<vmem>> -> memref<1x2x80xi32, #tpu.memory_space<vmem>>
        %dma_start3A_522 = tpu.memref_squeeze %dma_start3A_521 : memref<1x2x80xi32, #tpu.memory_space<vmem>> -> memref<2x80xi32, #tpu.memory_space<vmem>>
        %dma_start3A_523 = arith.constant 0 : i32
        %dma_start3A_524 = arith.constant 0 : i32
        %dma_start3A_525 = arith.constant 0 : i32
        %dma_start3A_526 = tpu.memref_slice %arg3[%add3A, %dma_start3A_523, %dma_start3A_524, %dma_start3A_525] : memref<32x125x2x80xi32, #tpu.memory_space<hbm>> -> memref<1x125x2x80xi32, #tpu.memory_space<hbm>>
        %dma_start3A_527 = tpu.memref_squeeze %dma_start3A_526 : memref<1x125x2x80xi32, #tpu.memory_space<hbm>> -> memref<125x2x80xi32, #tpu.memory_space<hbm>>
        %dma_start3A_528 = arith.constant 0 : i32
        %dma_start3A_529 = arith.constant 0 : i32
        %dma_start3A_530 = tpu.memref_slice %dma_start3A_527[%add3A_449, %dma_start3A_528, %dma_start3A_529] : memref<125x2x80xi32, #tpu.memory_space<hbm>> -> memref<1x2x80xi32, #tpu.memory_space<hbm>>
        %dma_start3A_531 = tpu.memref_squeeze %dma_start3A_530 : memref<1x2x80xi32, #tpu.memory_space<hbm>> -> memref<2x80xi32, #tpu.memory_space<hbm>>
        %dma_start3A_532 = arith.constant 0 : i32
        %dma_start3A_533 = arith.constant 0 : i32
        %dma_start3A_534 = tpu.memref_slice %arg6[%dma_start3A_518, %dma_start3A_532, %dma_start3A_533] : memref<4x2x80xi32, #tpu.memory_space<vmem>> -> memref<1x2x80xi32, #tpu.memory_space<vmem>>
        %dma_start3A_535 = tpu.memref_squeeze %dma_start3A_534 : memref<1x2x80xi32, #tpu.memory_space<vmem>> -> memref<2x80xi32, #tpu.memory_space<vmem>>
        %dma_start3A_536 = arith.constant 0 : i32
        %dma_start3A_537 = arith.constant 0 : i32
        %dma_start3A_538 = arith.constant 0 : i32
        %dma_start3A_539 = tpu.memref_slice %arg3[%add3A, %dma_start3A_536, %dma_start3A_537, %dma_start3A_538] : memref<32x125x2x80xi32, #tpu.memory_space<hbm>> -> memref<1x125x2x80xi32, #tpu.memory_space<hbm>>
        %dma_start3A_540 = tpu.memref_squeeze %dma_start3A_539 : memref<1x125x2x80xi32, #tpu.memory_space<hbm>> -> memref<125x2x80xi32, #tpu.memory_space<hbm>>
        %dma_start3A_541 = arith.constant 0 : i32
        %dma_start3A_542 = arith.constant 0 : i32
        %dma_start3A_543 = tpu.memref_slice %dma_start3A_540[%add3A_449, %dma_start3A_541, %dma_start3A_542] : memref<125x2x80xi32, #tpu.memory_space<hbm>> -> memref<1x2x80xi32, #tpu.memory_space<hbm>>
        %dma_start3A_544 = tpu.memref_squeeze %dma_start3A_543 : memref<1x2x80xi32, #tpu.memory_space<hbm>> -> memref<2x80xi32, #tpu.memory_space<hbm>>
        tpu.enqueue_dma source(%dma_start3A_544 : memref<2x80xi32, #tpu.memory_space<hbm>>) target(%dma_start3A_535 : memref<2x80xi32, #tpu.memory_space<vmem>>) target_semaphore(%arg9 : memref<!tpu.dma_semaphore, #tpu.memory_space<semaphore_mem>>)
        %dma_wait3A_545 = arith.constant 0 : i32
        %dma_wait3A_546 = arith.constant 0 : i32
        %dma_wait3A_547 = arith.constant 0 : i32
        %dma_wait3A_548 = arith.constant 0 : i32
        %dma_wait3A_549 = tpu.memref_slice %arg6[%dma_wait3A_546, %dma_wait3A_547, %dma_wait3A_548] : memref<4x2x80xi32, #tpu.memory_space<vmem>> -> memref<1x2x80xi32, #tpu.memory_space<vmem>>
        %dma_wait3A_550 = tpu.memref_squeeze %dma_wait3A_549 : memref<1x2x80xi32, #tpu.memory_space<vmem>> -> memref<2x80xi32, #tpu.memory_space<vmem>>
        %dma_wait3A_551 = arith.constant 0 : i32
        %dma_wait3A_552 = arith.constant 0 : i32
        %dma_wait3A_553 = arith.constant 0 : i32
        %dma_wait3A_554 = tpu.memref_slice %arg3[%add3A, %dma_wait3A_551, %dma_wait3A_552, %dma_wait3A_553] : memref<32x125x2x80xi32, #tpu.memory_space<hbm>> -> memref<1x125x2x80xi32, #tpu.memory_space<hbm>>
        %dma_wait3A_555 = tpu.memref_squeeze %dma_wait3A_554 : memref<1x125x2x80xi32, #tpu.memory_space<hbm>> -> memref<125x2x80xi32, #tpu.memory_space<hbm>>
        %dma_wait3A_556 = arith.constant 0 : i32
        %dma_wait3A_557 = arith.constant 0 : i32
        %dma_wait3A_558 = tpu.memref_slice %dma_wait3A_555[%dma_wait3A_545, %dma_wait3A_556, %dma_wait3A_557] : memref<125x2x80xi32, #tpu.memory_space<hbm>> -> memref<1x2x80xi32, #tpu.memory_space<hbm>>
        %dma_wait3A_559 = tpu.memref_squeeze %dma_wait3A_558 : memref<1x2x80xi32, #tpu.memory_space<hbm>> -> memref<2x80xi32, #tpu.memory_space<hbm>>
        %dma_wait3A_560 = arith.constant 0 : i32
        %dma_wait3A_561 = arith.constant 0 : i32
        %dma_wait3A_562 = tpu.memref_slice %arg6[%dma_wait3A_546, %dma_wait3A_560, %dma_wait3A_561] : memref<4x2x80xi32, #tpu.memory_space<vmem>> -> memref<1x2x80xi32, #tpu.memory_space<vmem>>
        %dma_wait3A_563 = tpu.memref_squeeze %dma_wait3A_562 : memref<1x2x80xi32, #tpu.memory_space<vmem>> -> memref<2x80xi32, #tpu.memory_space<vmem>>
        %dma_wait3A_564 = arith.constant 0 : i32
        %dma_wait3A_565 = arith.constant 0 : i32
        %dma_wait3A_566 = arith.constant 0 : i32
        %dma_wait3A_567 = tpu.memref_slice %arg3[%add3A, %dma_wait3A_564, %dma_wait3A_565, %dma_wait3A_566] : memref<32x125x2x80xi32, #tpu.memory_space<hbm>> -> memref<1x125x2x80xi32, #tpu.memory_space<hbm>>
        %dma_wait3A_568 = tpu.memref_squeeze %dma_wait3A_567 : memref<1x125x2x80xi32, #tpu.memory_space<hbm>> -> memref<125x2x80xi32, #tpu.memory_space<hbm>>
        %dma_wait3A_569 = arith.constant 0 : i32
        %dma_wait3A_570 = arith.constant 0 : i32
        %dma_wait3A_571 = tpu.memref_slice %dma_wait3A_568[%dma_wait3A_545, %dma_wait3A_569, %dma_wait3A_570] : memref<125x2x80xi32, #tpu.memory_space<hbm>> -> memref<1x2x80xi32, #tpu.memory_space<hbm>>
        %dma_wait3A_572 = tpu.memref_squeeze %dma_wait3A_571 : memref<1x2x80xi32, #tpu.memory_space<hbm>> -> memref<2x80xi32, #tpu.memory_space<hbm>>
        tpu.wait_dma2 semaphore(%arg9 : memref<!tpu.dma_semaphore, #tpu.memory_space<semaphore_mem>>) src(%dma_wait3A_572 : memref<2x80xi32, #tpu.memory_space<hbm>>) dst(%dma_wait3A_563 : memref<2x80xi32, #tpu.memory_space<vmem>>)
        %dma_start3A_573 = arith.constant 0 : i32
        %dma_start3A_574 = arith.constant 0 : i32
        %dma_start3A_575 = arith.constant 0 : i32
        %dma_start3A_576 = arith.constant 0 : i32
        %dma_start3A_577 = arith.constant 0 : i32
        %dma_start3A_578 = tpu.memref_slice %arg7[%dma_start3A_575, %dma_start3A_576, %dma_start3A_577] : memref<4x80x128xf32, #tpu.memory_space<vmem>> -> memref<1x80x128xf32, #tpu.memory_space<vmem>>
        %dma_start3A_579 = tpu.memref_squeeze %dma_start3A_578 : memref<1x80x128xf32, #tpu.memory_space<vmem>> -> memref<80x128xf32, #tpu.memory_space<vmem>>
        %dma_start3A_580 = arith.constant 0 : i32
        %dma_start3A_581 = tpu.memref_slice %arg6[%dma_start3A_573, %dma_start3A_574, %dma_start3A_580] : memref<4x2x80xi32, #tpu.memory_space<vmem>> -> memref<1x1x80xi32, #tpu.memory_space<vmem>>
        %dma_start3A_582 = tpu.memref_squeeze %dma_start3A_581 : memref<1x1x80xi32, #tpu.memory_space<vmem>> -> memref<80xi32, #tpu.memory_space<vmem>>
        %dma_start3A_583 = arith.constant 0 : i32
        %dma_start3A_584 = arith.constant 0 : i32
        %dma_start3A_585 = tpu.memref_slice %arg2[%dma_start3A_583, %dma_start3A_584] : memref<10000x128xf32, #tpu.memory_space<hbm>> -> memref<10000x128xf32, #tpu.memory_space<hbm>>
        tpu.enqueue_indirect_dma source(%dma_start3A_585 : memref<10000x128xf32, #tpu.memory_space<hbm>>) target(%dma_start3A_579 : memref<80x128xf32, #tpu.memory_space<vmem>>) offsets(%dma_start3A_582 : memref<80xi32, #tpu.memory_space<vmem>>) semaphore(%arg13 : memref<!tpu.dma_semaphore, #tpu.memory_space<semaphore_mem>>)
      } else {
      }
      %dma_wait3A_452 = arith.constant 1 : i32
      %dma_wait3A_453 = arith.constant 0 : i32
      %dma_wait3A_454 = arith.constant 1 : i32
      %dma_wait3A_455 = arith.constant 0 : i32
      %dma_wait3A_456 = arith.constant 0 : i32
      %dma_wait3A_457 = tpu.memref_slice %arg7[%dma_wait3A_452, %dma_wait3A_455, %dma_wait3A_456] : memref<4x80x128xf32, #tpu.memory_space<vmem>> -> memref<1x80x128xf32, #tpu.memory_space<vmem>>
      %dma_wait3A_458 = tpu.memref_squeeze %dma_wait3A_457 : memref<1x80x128xf32, #tpu.memory_space<vmem>> -> memref<80x128xf32, #tpu.memory_space<vmem>>
      %dma_wait3A_459 = arith.constant 0 : i32
      %dma_wait3A_460 = tpu.memref_slice %arg6[%dma_wait3A_453, %dma_wait3A_454, %dma_wait3A_459] : memref<4x2x80xi32, #tpu.memory_space<vmem>> -> memref<1x1x80xi32, #tpu.memory_space<vmem>>
      %dma_wait3A_461 = tpu.memref_squeeze %dma_wait3A_460 : memref<1x1x80xi32, #tpu.memory_space<vmem>> -> memref<80xi32, #tpu.memory_space<vmem>>
      %dma_wait3A_462 = arith.constant 0 : i32
      %dma_wait3A_463 = arith.constant 0 : i32
      %dma_wait3A_464 = tpu.memref_slice %arg8[%dma_wait3A_462, %dma_wait3A_463] : memref<10240x128xf32, #tpu.memory_space<vmem_shared>> -> memref<10240x128xf32, #tpu.memory_space<vmem_shared>>
      tpu.wait_indirect_dma semaphore(%arg18 : memref<!tpu.dma_semaphore, #tpu.memory_space<semaphore_mem>>) src(%dma_wait3A_458 : memref<80x128xf32, #tpu.memory_space<vmem>>) dst(%dma_wait3A_464 : memref<10240x128xf32, #tpu.memory_space<vmem_shared>>)
      %add3A_465 = arith.constant 4 : i32
      %add3A_466 = arith.addi %mul3A_328, %add3A_465 : i32
      %add3A_467 = arith.constant 1 : i32
      %add3A_468 = arith.addi %add3A_466, %add3A_467 : i32
      %lt3A_469 = arith.constant 125 : i32
      %lt3A_470 = arith.cmpi slt, %add3A_468, %lt3A_469 : i32
      %convert_element_type3A_471 = arith.extui %lt3A_470 : i1 to i32
      %cond3A_472 = arith.constant 0 : i32
      %cond3A_473 = arith.cmpi ne, %convert_element_type3A_471, %cond3A_472 : i32
      scf.if %cond3A_473 {
        %dma_start3A_518 = arith.constant 1 : i32
        %dma_start3A_519 = arith.constant 0 : i32
        %dma_start3A_520 = arith.constant 0 : i32
        %dma_start3A_521 = tpu.memref_slice %arg6[%dma_start3A_518, %dma_start3A_519, %dma_start3A_520] : memref<4x2x80xi32, #tpu.memory_space<vmem>> -> memref<1x2x80xi32, #tpu.memory_space<vmem>>
        %dma_start3A_522 = tpu.memref_squeeze %dma_start3A_521 : memref<1x2x80xi32, #tpu.memory_space<vmem>> -> memref<2x80xi32, #tpu.memory_space<vmem>>
        %dma_start3A_523 = arith.constant 0 : i32
        %dma_start3A_524 = arith.constant 0 : i32
        %dma_start3A_525 = arith.constant 0 : i32
        %dma_start3A_526 = tpu.memref_slice %arg3[%add3A, %dma_start3A_523, %dma_start3A_524, %dma_start3A_525] : memref<32x125x2x80xi32, #tpu.memory_space<hbm>> -> memref<1x125x2x80xi32, #tpu.memory_space<hbm>>
        %dma_start3A_527 = tpu.memref_squeeze %dma_start3A_526 : memref<1x125x2x80xi32, #tpu.memory_space<hbm>> -> memref<125x2x80xi32, #tpu.memory_space<hbm>>
        %dma_start3A_528 = arith.constant 0 : i32
        %dma_start3A_529 = arith.constant 0 : i32
        %dma_start3A_530 = tpu.memref_slice %dma_start3A_527[%add3A_468, %dma_start3A_528, %dma_start3A_529] : memref<125x2x80xi32, #tpu.memory_space<hbm>> -> memref<1x2x80xi32, #tpu.memory_space<hbm>>
        %dma_start3A_531 = tpu.memref_squeeze %dma_start3A_530 : memref<1x2x80xi32, #tpu.memory_space<hbm>> -> memref<2x80xi32, #tpu.memory_space<hbm>>
        %dma_start3A_532 = arith.constant 0 : i32
        %dma_start3A_533 = arith.constant 0 : i32
        %dma_start3A_534 = tpu.memref_slice %arg6[%dma_start3A_518, %dma_start3A_532, %dma_start3A_533] : memref<4x2x80xi32, #tpu.memory_space<vmem>> -> memref<1x2x80xi32, #tpu.memory_space<vmem>>
        %dma_start3A_535 = tpu.memref_squeeze %dma_start3A_534 : memref<1x2x80xi32, #tpu.memory_space<vmem>> -> memref<2x80xi32, #tpu.memory_space<vmem>>
        %dma_start3A_536 = arith.constant 0 : i32
        %dma_start3A_537 = arith.constant 0 : i32
        %dma_start3A_538 = arith.constant 0 : i32
        %dma_start3A_539 = tpu.memref_slice %arg3[%add3A, %dma_start3A_536, %dma_start3A_537, %dma_start3A_538] : memref<32x125x2x80xi32, #tpu.memory_space<hbm>> -> memref<1x125x2x80xi32, #tpu.memory_space<hbm>>
        %dma_start3A_540 = tpu.memref_squeeze %dma_start3A_539 : memref<1x125x2x80xi32, #tpu.memory_space<hbm>> -> memref<125x2x80xi32, #tpu.memory_space<hbm>>
        %dma_start3A_541 = arith.constant 0 : i32
        %dma_start3A_542 = arith.constant 0 : i32
        %dma_start3A_543 = tpu.memref_slice %dma_start3A_540[%add3A_468, %dma_start3A_541, %dma_start3A_542] : memref<125x2x80xi32, #tpu.memory_space<hbm>> -> memref<1x2x80xi32, #tpu.memory_space<hbm>>
        %dma_start3A_544 = tpu.memref_squeeze %dma_start3A_543 : memref<1x2x80xi32, #tpu.memory_space<hbm>> -> memref<2x80xi32, #tpu.memory_space<hbm>>
        tpu.enqueue_dma source(%dma_start3A_544 : memref<2x80xi32, #tpu.memory_space<hbm>>) target(%dma_start3A_535 : memref<2x80xi32, #tpu.memory_space<vmem>>) target_semaphore(%arg10 : memref<!tpu.dma_semaphore, #tpu.memory_space<semaphore_mem>>)
        %dma_wait3A_545 = arith.constant 0 : i32
        %dma_wait3A_546 = arith.constant 1 : i32
        %dma_wait3A_547 = arith.constant 0 : i32
        %dma_wait3A_548 = arith.constant 0 : i32
        %dma_wait3A_549 = tpu.memref_slice %arg6[%dma_wait3A_546, %dma_wait3A_547, %dma_wait3A_548] : memref<4x2x80xi32, #tpu.memory_space<vmem>> -> memref<1x2x80xi32, #tpu.memory_space<vmem>>
        %dma_wait3A_550 = tpu.memref_squeeze %dma_wait3A_549 : memref<1x2x80xi32, #tpu.memory_space<vmem>> -> memref<2x80xi32, #tpu.memory_space<vmem>>
        %dma_wait3A_551 = arith.constant 0 : i32
        %dma_wait3A_552 = arith.constant 0 : i32
        %dma_wait3A_553 = arith.constant 0 : i32
        %dma_wait3A_554 = tpu.memref_slice %arg3[%add3A, %dma_wait3A_551, %dma_wait3A_552, %dma_wait3A_553] : memref<32x125x2x80xi32, #tpu.memory_space<hbm>> -> memref<1x125x2x80xi32, #tpu.memory_space<hbm>>
        %dma_wait3A_555 = tpu.memref_squeeze %dma_wait3A_554 : memref<1x125x2x80xi32, #tpu.memory_space<hbm>> -> memref<125x2x80xi32, #tpu.memory_space<hbm>>
        %dma_wait3A_556 = arith.constant 0 : i32
        %dma_wait3A_557 = arith.constant 0 : i32
        %dma_wait3A_558 = tpu.memref_slice %dma_wait3A_555[%dma_wait3A_545, %dma_wait3A_556, %dma_wait3A_557] : memref<125x2x80xi32, #tpu.memory_space<hbm>> -> memref<1x2x80xi32, #tpu.memory_space<hbm>>
        %dma_wait3A_559 = tpu.memref_squeeze %dma_wait3A_558 : memref<1x2x80xi32, #tpu.memory_space<hbm>> -> memref<2x80xi32, #tpu.memory_space<hbm>>
        %dma_wait3A_560 = arith.constant 0 : i32
        %dma_wait3A_561 = arith.constant 0 : i32
        %dma_wait3A_562 = tpu.memref_slice %arg6[%dma_wait3A_546, %dma_wait3A_560, %dma_wait3A_561] : memref<4x2x80xi32, #tpu.memory_space<vmem>> -> memref<1x2x80xi32, #tpu.memory_space<vmem>>
        %dma_wait3A_563 = tpu.memref_squeeze %dma_wait3A_562 : memref<1x2x80xi32, #tpu.memory_space<vmem>> -> memref<2x80xi32, #tpu.memory_space<vmem>>
        %dma_wait3A_564 = arith.constant 0 : i32
        %dma_wait3A_565 = arith.constant 0 : i32
        %dma_wait3A_566 = arith.constant 0 : i32
        %dma_wait3A_567 = tpu.memref_slice %arg3[%add3A, %dma_wait3A_564, %dma_wait3A_565, %dma_wait3A_566] : memref<32x125x2x80xi32, #tpu.memory_space<hbm>> -> memref<1x125x2x80xi32, #tpu.memory_space<hbm>>
        %dma_wait3A_568 = tpu.memref_squeeze %dma_wait3A_567 : memref<1x125x2x80xi32, #tpu.memory_space<hbm>> -> memref<125x2x80xi32, #tpu.memory_space<hbm>>
        %dma_wait3A_569 = arith.constant 0 : i32
        %dma_wait3A_570 = arith.constant 0 : i32
        %dma_wait3A_571 = tpu.memref_slice %dma_wait3A_568[%dma_wait3A_545, %dma_wait3A_569, %dma_wait3A_570] : memref<125x2x80xi32, #tpu.memory_space<hbm>> -> memref<1x2x80xi32, #tpu.memory_space<hbm>>
        %dma_wait3A_572 = tpu.memref_squeeze %dma_wait3A_571 : memref<1x2x80xi32, #tpu.memory_space<hbm>> -> memref<2x80xi32, #tpu.memory_space<hbm>>
        tpu.wait_dma2 semaphore(%arg10 : memref<!tpu.dma_semaphore, #tpu.memory_space<semaphore_mem>>) src(%dma_wait3A_572 : memref<2x80xi32, #tpu.memory_space<hbm>>) dst(%dma_wait3A_563 : memref<2x80xi32, #tpu.memory_space<vmem>>)
        %dma_start3A_573 = arith.constant 1 : i32
        %dma_start3A_574 = arith.constant 0 : i32
        %dma_start3A_575 = arith.constant 1 : i32
        %dma_start3A_576 = arith.constant 0 : i32
        %dma_start3A_577 = arith.constant 0 : i32
        %dma_start3A_578 = tpu.memref_slice %arg7[%dma_start3A_575, %dma_start3A_576, %dma_start3A_577] : memref<4x80x128xf32, #tpu.memory_space<vmem>> -> memref<1x80x128xf32, #tpu.memory_space<vmem>>
        %dma_start3A_579 = tpu.memref_squeeze %dma_start3A_578 : memref<1x80x128xf32, #tpu.memory_space<vmem>> -> memref<80x128xf32, #tpu.memory_space<vmem>>
        %dma_start3A_580 = arith.constant 0 : i32
        %dma_start3A_581 = tpu.memref_slice %arg6[%dma_start3A_573, %dma_start3A_574, %dma_start3A_580] : memref<4x2x80xi32, #tpu.memory_space<vmem>> -> memref<1x1x80xi32, #tpu.memory_space<vmem>>
        %dma_start3A_582 = tpu.memref_squeeze %dma_start3A_581 : memref<1x1x80xi32, #tpu.memory_space<vmem>> -> memref<80xi32, #tpu.memory_space<vmem>>
        %dma_start3A_583 = arith.constant 0 : i32
        %dma_start3A_584 = arith.constant 0 : i32
        %dma_start3A_585 = tpu.memref_slice %arg2[%dma_start3A_583, %dma_start3A_584] : memref<10000x128xf32, #tpu.memory_space<hbm>> -> memref<10000x128xf32, #tpu.memory_space<hbm>>
        tpu.enqueue_indirect_dma source(%dma_start3A_585 : memref<10000x128xf32, #tpu.memory_space<hbm>>) target(%dma_start3A_579 : memref<80x128xf32, #tpu.memory_space<vmem>>) offsets(%dma_start3A_582 : memref<80xi32, #tpu.memory_space<vmem>>) semaphore(%arg14 : memref<!tpu.dma_semaphore, #tpu.memory_space<semaphore_mem>>)
      } else {
      }
      %dma_wait3A_474 = arith.constant 2 : i32
      %dma_wait3A_475 = arith.constant 0 : i32
      %dma_wait3A_476 = arith.constant 1 : i32
      %dma_wait3A_477 = arith.constant 0 : i32
      %dma_wait3A_478 = arith.constant 0 : i32
      %dma_wait3A_479 = tpu.memref_slice %arg7[%dma_wait3A_474, %dma_wait3A_477, %dma_wait3A_478] : memref<4x80x128xf32, #tpu.memory_space<vmem>> -> memref<1x80x128xf32, #tpu.memory_space<vmem>>
      %dma_wait3A_480 = tpu.memref_squeeze %dma_wait3A_479 : memref<1x80x128xf32, #tpu.memory_space<vmem>> -> memref<80x128xf32, #tpu.memory_space<vmem>>
      %dma_wait3A_481 = arith.constant 0 : i32
      %dma_wait3A_482 = tpu.memref_slice %arg6[%dma_wait3A_475, %dma_wait3A_476, %dma_wait3A_481] : memref<4x2x80xi32, #tpu.memory_space<vmem>> -> memref<1x1x80xi32, #tpu.memory_space<vmem>>
      %dma_wait3A_483 = tpu.memref_squeeze %dma_wait3A_482 : memref<1x1x80xi32, #tpu.memory_space<vmem>> -> memref<80xi32, #tpu.memory_space<vmem>>
      %dma_wait3A_484 = arith.constant 0 : i32
      %dma_wait3A_485 = arith.constant 0 : i32
      %dma_wait3A_486 = tpu.memref_slice %arg8[%dma_wait3A_484, %dma_wait3A_485] : memref<10240x128xf32, #tpu.memory_space<vmem_shared>> -> memref<10240x128xf32, #tpu.memory_space<vmem_shared>>
      tpu.wait_indirect_dma semaphore(%arg19 : memref<!tpu.dma_semaphore, #tpu.memory_space<semaphore_mem>>) src(%dma_wait3A_480 : memref<80x128xf32, #tpu.memory_space<vmem>>) dst(%dma_wait3A_486 : memref<10240x128xf32, #tpu.memory_space<vmem_shared>>)
      %add3A_487 = arith.constant 4 : i32
      %add3A_488 = arith.addi %mul3A_328, %add3A_487 : i32
      %add3A_489 = arith.constant 2 : i32
      %add3A_490 = arith.addi %add3A_488, %add3A_489 : i32
      %lt3A_491 = arith.constant 125 : i32
      %lt3A_492 = arith.cmpi slt, %add3A_490, %lt3A_491 : i32
      %convert_element_type3A_493 = arith.extui %lt3A_492 : i1 to i32
      %cond3A_494 = arith.constant 0 : i32
      %cond3A_495 = arith.cmpi ne, %convert_element_type3A_493, %cond3A_494 : i32
      scf.if %cond3A_495 {
        %dma_start3A_518 = arith.constant 2 : i32
        %dma_start3A_519 = arith.constant 0 : i32
        %dma_start3A_520 = arith.constant 0 : i32
        %dma_start3A_521 = tpu.memref_slice %arg6[%dma_start3A_518, %dma_start3A_519, %dma_start3A_520] : memref<4x2x80xi32, #tpu.memory_space<vmem>> -> memref<1x2x80xi32, #tpu.memory_space<vmem>>
        %dma_start3A_522 = tpu.memref_squeeze %dma_start3A_521 : memref<1x2x80xi32, #tpu.memory_space<vmem>> -> memref<2x80xi32, #tpu.memory_space<vmem>>
        %dma_start3A_523 = arith.constant 0 : i32
        %dma_start3A_524 = arith.constant 0 : i32
        %dma_start3A_525 = arith.constant 0 : i32
        %dma_start3A_526 = tpu.memref_slice %arg3[%add3A, %dma_start3A_523, %dma_start3A_524, %dma_start3A_525] : memref<32x125x2x80xi32, #tpu.memory_space<hbm>> -> memref<1x125x2x80xi32, #tpu.memory_space<hbm>>
        %dma_start3A_527 = tpu.memref_squeeze %dma_start3A_526 : memref<1x125x2x80xi32, #tpu.memory_space<hbm>> -> memref<125x2x80xi32, #tpu.memory_space<hbm>>
        %dma_start3A_528 = arith.constant 0 : i32
        %dma_start3A_529 = arith.constant 0 : i32
        %dma_start3A_530 = tpu.memref_slice %dma_start3A_527[%add3A_490, %dma_start3A_528, %dma_start3A_529] : memref<125x2x80xi32, #tpu.memory_space<hbm>> -> memref<1x2x80xi32, #tpu.memory_space<hbm>>
        %dma_start3A_531 = tpu.memref_squeeze %dma_start3A_530 : memref<1x2x80xi32, #tpu.memory_space<hbm>> -> memref<2x80xi32, #tpu.memory_space<hbm>>
        %dma_start3A_532 = arith.constant 0 : i32
        %dma_start3A_533 = arith.constant 0 : i32
        %dma_start3A_534 = tpu.memref_slice %arg6[%dma_start3A_518, %dma_start3A_532, %dma_start3A_533] : memref<4x2x80xi32, #tpu.memory_space<vmem>> -> memref<1x2x80xi32, #tpu.memory_space<vmem>>
        %dma_start3A_535 = tpu.memref_squeeze %dma_start3A_534 : memref<1x2x80xi32, #tpu.memory_space<vmem>> -> memref<2x80xi32, #tpu.memory_space<vmem>>
        %dma_start3A_536 = arith.constant 0 : i32
        %dma_start3A_537 = arith.constant 0 : i32
        %dma_start3A_538 = arith.constant 0 : i32
        %dma_start3A_539 = tpu.memref_slice %arg3[%add3A, %dma_start3A_536, %dma_start3A_537, %dma_start3A_538] : memref<32x125x2x80xi32, #tpu.memory_space<hbm>> -> memref<1x125x2x80xi32, #tpu.memory_space<hbm>>
        %dma_start3A_540 = tpu.memref_squeeze %dma_start3A_539 : memref<1x125x2x80xi32, #tpu.memory_space<hbm>> -> memref<125x2x80xi32, #tpu.memory_space<hbm>>
        %dma_start3A_541 = arith.constant 0 : i32
        %dma_start3A_542 = arith.constant 0 : i32
        %dma_start3A_543 = tpu.memref_slice %dma_start3A_540[%add3A_490, %dma_start3A_541, %dma_start3A_542] : memref<125x2x80xi32, #tpu.memory_space<hbm>> -> memref<1x2x80xi32, #tpu.memory_space<hbm>>
        %dma_start3A_544 = tpu.memref_squeeze %dma_start3A_543 : memref<1x2x80xi32, #tpu.memory_space<hbm>> -> memref<2x80xi32, #tpu.memory_space<hbm>>
        tpu.enqueue_dma source(%dma_start3A_544 : memref<2x80xi32, #tpu.memory_space<hbm>>) target(%dma_start3A_535 : memref<2x80xi32, #tpu.memory_space<vmem>>) target_semaphore(%arg11 : memref<!tpu.dma_semaphore, #tpu.memory_space<semaphore_mem>>)
        %dma_wait3A_545 = arith.constant 0 : i32
        %dma_wait3A_546 = arith.constant 2 : i32
        %dma_wait3A_547 = arith.constant 0 : i32
        %dma_wait3A_548 = arith.constant 0 : i32
        %dma_wait3A_549 = tpu.memref_slice %arg6[%dma_wait3A_546, %dma_wait3A_547, %dma_wait3A_548] : memref<4x2x80xi32, #tpu.memory_space<vmem>> -> memref<1x2x80xi32, #tpu.memory_space<vmem>>
        %dma_wait3A_550 = tpu.memref_squeeze %dma_wait3A_549 : memref<1x2x80xi32, #tpu.memory_space<vmem>> -> memref<2x80xi32, #tpu.memory_space<vmem>>
        %dma_wait3A_551 = arith.constant 0 : i32
        %dma_wait3A_552 = arith.constant 0 : i32
        %dma_wait3A_553 = arith.constant 0 : i32
        %dma_wait3A_554 = tpu.memref_slice %arg3[%add3A, %dma_wait3A_551, %dma_wait3A_552, %dma_wait3A_553] : memref<32x125x2x80xi32, #tpu.memory_space<hbm>> -> memref<1x125x2x80xi32, #tpu.memory_space<hbm>>
        %dma_wait3A_555 = tpu.memref_squeeze %dma_wait3A_554 : memref<1x125x2x80xi32, #tpu.memory_space<hbm>> -> memref<125x2x80xi32, #tpu.memory_space<hbm>>
        %dma_wait3A_556 = arith.constant 0 : i32
        %dma_wait3A_557 = arith.constant 0 : i32
        %dma_wait3A_558 = tpu.memref_slice %dma_wait3A_555[%dma_wait3A_545, %dma_wait3A_556, %dma_wait3A_557] : memref<125x2x80xi32, #tpu.memory_space<hbm>> -> memref<1x2x80xi32, #tpu.memory_space<hbm>>
        %dma_wait3A_559 = tpu.memref_squeeze %dma_wait3A_558 : memref<1x2x80xi32, #tpu.memory_space<hbm>> -> memref<2x80xi32, #tpu.memory_space<hbm>>
        %dma_wait3A_560 = arith.constant 0 : i32
        %dma_wait3A_561 = arith.constant 0 : i32
        %dma_wait3A_562 = tpu.memref_slice %arg6[%dma_wait3A_546, %dma_wait3A_560, %dma_wait3A_561] : memref<4x2x80xi32, #tpu.memory_space<vmem>> -> memref<1x2x80xi32, #tpu.memory_space<vmem>>
        %dma_wait3A_563 = tpu.memref_squeeze %dma_wait3A_562 : memref<1x2x80xi32, #tpu.memory_space<vmem>> -> memref<2x80xi32, #tpu.memory_space<vmem>>
        %dma_wait3A_564 = arith.constant 0 : i32
        %dma_wait3A_565 = arith.constant 0 : i32
        %dma_wait3A_566 = arith.constant 0 : i32
        %dma_wait3A_567 = tpu.memref_slice %arg3[%add3A, %dma_wait3A_564, %dma_wait3A_565, %dma_wait3A_566] : memref<32x125x2x80xi32, #tpu.memory_space<hbm>> -> memref<1x125x2x80xi32, #tpu.memory_space<hbm>>
        %dma_wait3A_568 = tpu.memref_squeeze %dma_wait3A_567 : memref<1x125x2x80xi32, #tpu.memory_space<hbm>> -> memref<125x2x80xi32, #tpu.memory_space<hbm>>
        %dma_wait3A_569 = arith.constant 0 : i32
        %dma_wait3A_570 = arith.constant 0 : i32
        %dma_wait3A_571 = tpu.memref_slice %dma_wait3A_568[%dma_wait3A_545, %dma_wait3A_569, %dma_wait3A_570] : memref<125x2x80xi32, #tpu.memory_space<hbm>> -> memref<1x2x80xi32, #tpu.memory_space<hbm>>
        %dma_wait3A_572 = tpu.memref_squeeze %dma_wait3A_571 : memref<1x2x80xi32, #tpu.memory_space<hbm>> -> memref<2x80xi32, #tpu.memory_space<hbm>>
        tpu.wait_dma2 semaphore(%arg11 : memref<!tpu.dma_semaphore, #tpu.memory_space<semaphore_mem>>) src(%dma_wait3A_572 : memref<2x80xi32, #tpu.memory_space<hbm>>) dst(%dma_wait3A_563 : memref<2x80xi32, #tpu.memory_space<vmem>>)
        %dma_start3A_573 = arith.constant 2 : i32
        %dma_start3A_574 = arith.constant 0 : i32
        %dma_start3A_575 = arith.constant 2 : i32
        %dma_start3A_576 = arith.constant 0 : i32
        %dma_start3A_577 = arith.constant 0 : i32
        %dma_start3A_578 = tpu.memref_slice %arg7[%dma_start3A_575, %dma_start3A_576, %dma_start3A_577] : memref<4x80x128xf32, #tpu.memory_space<vmem>> -> memref<1x80x128xf32, #tpu.memory_space<vmem>>
        %dma_start3A_579 = tpu.memref_squeeze %dma_start3A_578 : memref<1x80x128xf32, #tpu.memory_space<vmem>> -> memref<80x128xf32, #tpu.memory_space<vmem>>
        %dma_start3A_580 = arith.constant 0 : i32
        %dma_start3A_581 = tpu.memref_slice %arg6[%dma_start3A_573, %dma_start3A_574, %dma_start3A_580] : memref<4x2x80xi32, #tpu.memory_space<vmem>> -> memref<1x1x80xi32, #tpu.memory_space<vmem>>
        %dma_start3A_582 = tpu.memref_squeeze %dma_start3A_581 : memref<1x1x80xi32, #tpu.memory_space<vmem>> -> memref<80xi32, #tpu.memory_space<vmem>>
        %dma_start3A_583 = arith.constant 0 : i32
        %dma_start3A_584 = arith.constant 0 : i32
        %dma_start3A_585 = tpu.memref_slice %arg2[%dma_start3A_583, %dma_start3A_584] : memref<10000x128xf32, #tpu.memory_space<hbm>> -> memref<10000x128xf32, #tpu.memory_space<hbm>>
        tpu.enqueue_indirect_dma source(%dma_start3A_585 : memref<10000x128xf32, #tpu.memory_space<hbm>>) target(%dma_start3A_579 : memref<80x128xf32, #tpu.memory_space<vmem>>) offsets(%dma_start3A_582 : memref<80xi32, #tpu.memory_space<vmem>>) semaphore(%arg15 : memref<!tpu.dma_semaphore, #tpu.memory_space<semaphore_mem>>)
      } else {
      }
      %dma_wait3A_496 = arith.constant 3 : i32
      %dma_wait3A_497 = arith.constant 0 : i32
      %dma_wait3A_498 = arith.constant 1 : i32
      %dma_wait3A_499 = arith.constant 0 : i32
      %dma_wait3A_500 = arith.constant 0 : i32
      %dma_wait3A_501 = tpu.memref_slice %arg7[%dma_wait3A_496, %dma_wait3A_499, %dma_wait3A_500] : memref<4x80x128xf32, #tpu.memory_space<vmem>> -> memref<1x80x128xf32, #tpu.memory_space<vmem>>
      %dma_wait3A_502 = tpu.memref_squeeze %dma_wait3A_501 : memref<1x80x128xf32, #tpu.memory_space<vmem>> -> memref<80x128xf32, #tpu.memory_space<vmem>>
      %dma_wait3A_503 = arith.constant 0 : i32
      %dma_wait3A_504 = tpu.memref_slice %arg6[%dma_wait3A_497, %dma_wait3A_498, %dma_wait3A_503] : memref<4x2x80xi32, #tpu.memory_space<vmem>> -> memref<1x1x80xi32, #tpu.memory_space<vmem>>
      %dma_wait3A_505 = tpu.memref_squeeze %dma_wait3A_504 : memref<1x1x80xi32, #tpu.memory_space<vmem>> -> memref<80xi32, #tpu.memory_space<vmem>>
      %dma_wait3A_506 = arith.constant 0 : i32
      %dma_wait3A_507 = arith.constant 0 : i32
      %dma_wait3A_508 = tpu.memref_slice %arg8[%dma_wait3A_506, %dma_wait3A_507] : memref<10240x128xf32, #tpu.memory_space<vmem_shared>> -> memref<10240x128xf32, #tpu.memory_space<vmem_shared>>
      tpu.wait_indirect_dma semaphore(%arg20 : memref<!tpu.dma_semaphore, #tpu.memory_space<semaphore_mem>>) src(%dma_wait3A_502 : memref<80x128xf32, #tpu.memory_space<vmem>>) dst(%dma_wait3A_508 : memref<10240x128xf32, #tpu.memory_space<vmem_shared>>)
      %add3A_509 = arith.constant 4 : i32
      %add3A_510 = arith.addi %mul3A_328, %add3A_509 : i32
      %add3A_511 = arith.constant 3 : i32
      %add3A_512 = arith.addi %add3A_510, %add3A_511 : i32
      %lt3A_513 = arith.constant 125 : i32
      %lt3A_514 = arith.cmpi slt, %add3A_512, %lt3A_513 : i32
      %convert_element_type3A_515 = arith.extui %lt3A_514 : i1 to i32
      %cond3A_516 = arith.constant 0 : i32
      %cond3A_517 = arith.cmpi ne, %convert_element_type3A_515, %cond3A_516 : i32
      scf.if %cond3A_517 {
        %dma_start3A_518 = arith.constant 3 : i32
        %dma_start3A_519 = arith.constant 0 : i32
        %dma_start3A_520 = arith.constant 0 : i32
        %dma_start3A_521 = tpu.memref_slice %arg6[%dma_start3A_518, %dma_start3A_519, %dma_start3A_520] : memref<4x2x80xi32, #tpu.memory_space<vmem>> -> memref<1x2x80xi32, #tpu.memory_space<vmem>>
        %dma_start3A_522 = tpu.memref_squeeze %dma_start3A_521 : memref<1x2x80xi32, #tpu.memory_space<vmem>> -> memref<2x80xi32, #tpu.memory_space<vmem>>
        %dma_start3A_523 = arith.constant 0 : i32
        %dma_start3A_524 = arith.constant 0 : i32
        %dma_start3A_525 = arith.constant 0 : i32
        %dma_start3A_526 = tpu.memref_slice %arg3[%add3A, %dma_start3A_523, %dma_start3A_524, %dma_start3A_525] : memref<32x125x2x80xi32, #tpu.memory_space<hbm>> -> memref<1x125x2x80xi32, #tpu.memory_space<hbm>>
        %dma_start3A_527 = tpu.memref_squeeze %dma_start3A_526 : memref<1x125x2x80xi32, #tpu.memory_space<hbm>> -> memref<125x2x80xi32, #tpu.memory_space<hbm>>
        %dma_start3A_528 = arith.constant 0 : i32
        %dma_start3A_529 = arith.constant 0 : i32
        %dma_start3A_530 = tpu.memref_slice %dma_start3A_527[%add3A_512, %dma_start3A_528, %dma_start3A_529] : memref<125x2x80xi32, #tpu.memory_space<hbm>> -> memref<1x2x80xi32, #tpu.memory_space<hbm>>
        %dma_start3A_531 = tpu.memref_squeeze %dma_start3A_530 : memref<1x2x80xi32, #tpu.memory_space<hbm>> -> memref<2x80xi32, #tpu.memory_space<hbm>>
        %dma_start3A_532 = arith.constant 0 : i32
        %dma_start3A_533 = arith.constant 0 : i32
        %dma_start3A_534 = tpu.memref_slice %arg6[%dma_start3A_518, %dma_start3A_532, %dma_start3A_533] : memref<4x2x80xi32, #tpu.memory_space<vmem>> -> memref<1x2x80xi32, #tpu.memory_space<vmem>>
        %dma_start3A_535 = tpu.memref_squeeze %dma_start3A_534 : memref<1x2x80xi32, #tpu.memory_space<vmem>> -> memref<2x80xi32, #tpu.memory_space<vmem>>
        %dma_start3A_536 = arith.constant 0 : i32
        %dma_start3A_537 = arith.constant 0 : i32
        %dma_start3A_538 = arith.constant 0 : i32
        %dma_start3A_539 = tpu.memref_slice %arg3[%add3A, %dma_start3A_536, %dma_start3A_537, %dma_start3A_538] : memref<32x125x2x80xi32, #tpu.memory_space<hbm>> -> memref<1x125x2x80xi32, #tpu.memory_space<hbm>>
        %dma_start3A_540 = tpu.memref_squeeze %dma_start3A_539 : memref<1x125x2x80xi32, #tpu.memory_space<hbm>> -> memref<125x2x80xi32, #tpu.memory_space<hbm>>
        %dma_start3A_541 = arith.constant 0 : i32
        %dma_start3A_542 = arith.constant 0 : i32
        %dma_start3A_543 = tpu.memref_slice %dma_start3A_540[%add3A_512, %dma_start3A_541, %dma_start3A_542] : memref<125x2x80xi32, #tpu.memory_space<hbm>> -> memref<1x2x80xi32, #tpu.memory_space<hbm>>
        %dma_start3A_544 = tpu.memref_squeeze %dma_start3A_543 : memref<1x2x80xi32, #tpu.memory_space<hbm>> -> memref<2x80xi32, #tpu.memory_space<hbm>>
        tpu.enqueue_dma source(%dma_start3A_544 : memref<2x80xi32, #tpu.memory_space<hbm>>) target(%dma_start3A_535 : memref<2x80xi32, #tpu.memory_space<vmem>>) target_semaphore(%arg12 : memref<!tpu.dma_semaphore, #tpu.memory_space<semaphore_mem>>)
        %dma_wait3A_545 = arith.constant 0 : i32
        %dma_wait3A_546 = arith.constant 3 : i32
        %dma_wait3A_547 = arith.constant 0 : i32
        %dma_wait3A_548 = arith.constant 0 : i32
        %dma_wait3A_549 = tpu.memref_slice %arg6[%dma_wait3A_546, %dma_wait3A_547, %dma_wait3A_548] : memref<4x2x80xi32, #tpu.memory_space<vmem>> -> memref<1x2x80xi32, #tpu.memory_space<vmem>>
        %dma_wait3A_550 = tpu.memref_squeeze %dma_wait3A_549 : memref<1x2x80xi32, #tpu.memory_space<vmem>> -> memref<2x80xi32, #tpu.memory_space<vmem>>
        %dma_wait3A_551 = arith.constant 0 : i32
        %dma_wait3A_552 = arith.constant 0 : i32
        %dma_wait3A_553 = arith.constant 0 : i32
        %dma_wait3A_554 = tpu.memref_slice %arg3[%add3A, %dma_wait3A_551, %dma_wait3A_552, %dma_wait3A_553] : memref<32x125x2x80xi32, #tpu.memory_space<hbm>> -> memref<1x125x2x80xi32, #tpu.memory_space<hbm>>
        %dma_wait3A_555 = tpu.memref_squeeze %dma_wait3A_554 : memref<1x125x2x80xi32, #tpu.memory_space<hbm>> -> memref<125x2x80xi32, #tpu.memory_space<hbm>>
        %dma_wait3A_556 = arith.constant 0 : i32
        %dma_wait3A_557 = arith.constant 0 : i32
        %dma_wait3A_558 = tpu.memref_slice %dma_wait3A_555[%dma_wait3A_545, %dma_wait3A_556, %dma_wait3A_557] : memref<125x2x80xi32, #tpu.memory_space<hbm>> -> memref<1x2x80xi32, #tpu.memory_space<hbm>>
        %dma_wait3A_559 = tpu.memref_squeeze %dma_wait3A_558 : memref<1x2x80xi32, #tpu.memory_space<hbm>> -> memref<2x80xi32, #tpu.memory_space<hbm>>
        %dma_wait3A_560 = arith.constant 0 : i32
        %dma_wait3A_561 = arith.constant 0 : i32
        %dma_wait3A_562 = tpu.memref_slice %arg6[%dma_wait3A_546, %dma_wait3A_560, %dma_wait3A_561] : memref<4x2x80xi32, #tpu.memory_space<vmem>> -> memref<1x2x80xi32, #tpu.memory_space<vmem>>
        %dma_wait3A_563 = tpu.memref_squeeze %dma_wait3A_562 : memref<1x2x80xi32, #tpu.memory_space<vmem>> -> memref<2x80xi32, #tpu.memory_space<vmem>>
        %dma_wait3A_564 = arith.constant 0 : i32
        %dma_wait3A_565 = arith.constant 0 : i32
        %dma_wait3A_566 = arith.constant 0 : i32
        %dma_wait3A_567 = tpu.memref_slice %arg3[%add3A, %dma_wait3A_564, %dma_wait3A_565, %dma_wait3A_566] : memref<32x125x2x80xi32, #tpu.memory_space<hbm>> -> memref<1x125x2x80xi32, #tpu.memory_space<hbm>>
        %dma_wait3A_568 = tpu.memref_squeeze %dma_wait3A_567 : memref<1x125x2x80xi32, #tpu.memory_space<hbm>> -> memref<125x2x80xi32, #tpu.memory_space<hbm>>
        %dma_wait3A_569 = arith.constant 0 : i32
        %dma_wait3A_570 = arith.constant 0 : i32
        %dma_wait3A_571 = tpu.memref_slice %dma_wait3A_568[%dma_wait3A_545, %dma_wait3A_569, %dma_wait3A_570] : memref<125x2x80xi32, #tpu.memory_space<hbm>> -> memref<1x2x80xi32, #tpu.memory_space<hbm>>
        %dma_wait3A_572 = tpu.memref_squeeze %dma_wait3A_571 : memref<1x2x80xi32, #tpu.memory_space<hbm>> -> memref<2x80xi32, #tpu.memory_space<hbm>>
        tpu.wait_dma2 semaphore(%arg12 : memref<!tpu.dma_semaphore, #tpu.memory_space<semaphore_mem>>) src(%dma_wait3A_572 : memref<2x80xi32, #tpu.memory_space<hbm>>) dst(%dma_wait3A_563 : memref<2x80xi32, #tpu.memory_space<vmem>>)
        %dma_start3A_573 = arith.constant 3 : i32
        %dma_start3A_574 = arith.constant 0 : i32
        %dma_start3A_575 = arith.constant 3 : i32
        %dma_start3A_576 = arith.constant 0 : i32
        %dma_start3A_577 = arith.constant 0 : i32
        %dma_start3A_578 = tpu.memref_slice %arg7[%dma_start3A_575, %dma_start3A_576, %dma_start3A_577] : memref<4x80x128xf32, #tpu.memory_space<vmem>> -> memref<1x80x128xf32, #tpu.memory_space<vmem>>
        %dma_start3A_579 = tpu.memref_squeeze %dma_start3A_578 : memref<1x80x128xf32, #tpu.memory_space<vmem>> -> memref<80x128xf32, #tpu.memory_space<vmem>>
        %dma_start3A_580 = arith.constant 0 : i32
        %dma_start3A_581 = tpu.memref_slice %arg6[%dma_start3A_573, %dma_start3A_574, %dma_start3A_580] : memref<4x2x80xi32, #tpu.memory_space<vmem>> -> memref<1x1x80xi32, #tpu.memory_space<vmem>>
        %dma_start3A_582 = tpu.memref_squeeze %dma_start3A_581 : memref<1x1x80xi32, #tpu.memory_space<vmem>> -> memref<80xi32, #tpu.memory_space<vmem>>
        %dma_start3A_583 = arith.constant 0 : i32
        %dma_start3A_584 = arith.constant 0 : i32
        %dma_start3A_585 = tpu.memref_slice %arg2[%dma_start3A_583, %dma_start3A_584] : memref<10000x128xf32, #tpu.memory_space<hbm>> -> memref<10000x128xf32, #tpu.memory_space<hbm>>
        tpu.enqueue_indirect_dma source(%dma_start3A_585 : memref<10000x128xf32, #tpu.memory_space<hbm>>) target(%dma_start3A_579 : memref<80x128xf32, #tpu.memory_space<vmem>>) offsets(%dma_start3A_582 : memref<80xi32, #tpu.memory_space<vmem>>) semaphore(%arg16 : memref<!tpu.dma_semaphore, #tpu.memory_space<semaphore_mem>>)
      } else {
      }
    }
    %scan3A_281 = arith.constant 31 : i32
    %dma_wait3A_282 = arith.constant 0 : i32
    %dma_wait3A_283 = arith.constant 0 : i32
    %dma_wait3A_284 = arith.constant 0 : i32
    %dma_wait3A_285 = arith.constant 0 : i32
    %dma_wait3A_286 = arith.constant 0 : i32
    %dma_wait3A_287 = tpu.memref_slice %arg7[%dma_wait3A_284, %dma_wait3A_285, %dma_wait3A_286] : memref<4x80x128xf32, #tpu.memory_space<vmem>> -> memref<1x80x128xf32, #tpu.memory_space<vmem>>
    %dma_wait3A_288 = tpu.memref_squeeze %dma_wait3A_287 : memref<1x80x128xf32, #tpu.memory_space<vmem>> -> memref<80x128xf32, #tpu.memory_space<vmem>>
    %dma_wait3A_289 = arith.constant 0 : i32
    %dma_wait3A_290 = tpu.memref_slice %arg6[%dma_wait3A_282, %dma_wait3A_283, %dma_wait3A_289] : memref<4x2x80xi32, #tpu.memory_space<vmem>> -> memref<1x1x80xi32, #tpu.memory_space<vmem>>
    %dma_wait3A_291 = tpu.memref_squeeze %dma_wait3A_290 : memref<1x1x80xi32, #tpu.memory_space<vmem>> -> memref<80xi32, #tpu.memory_space<vmem>>
    %dma_wait3A_292 = arith.constant 0 : i32
    %dma_wait3A_293 = arith.constant 0 : i32
    %dma_wait3A_294 = tpu.memref_slice %arg2[%dma_wait3A_292, %dma_wait3A_293] : memref<10000x128xf32, #tpu.memory_space<hbm>> -> memref<10000x128xf32, #tpu.memory_space<hbm>>
    tpu.wait_indirect_dma semaphore(%arg13 : memref<!tpu.dma_semaphore, #tpu.memory_space<semaphore_mem>>) src(%dma_wait3A_294 : memref<10000x128xf32, #tpu.memory_space<hbm>>) dst(%dma_wait3A_288 : memref<80x128xf32, #tpu.memory_space<vmem>>)
    %dma_start3A_295 = arith.constant 0 : i32
    %dma_start3A_296 = arith.constant 0 : i32
    %dma_start3A_297 = arith.constant 1 : i32
    %dma_start3A_298 = arith.constant 0 : i32
    %dma_start3A_299 = arith.constant 0 : i32
    %dma_start3A_300 = tpu.memref_slice %arg7[%dma_start3A_295, %dma_start3A_298, %dma_start3A_299] : memref<4x80x128xf32, #tpu.memory_space<vmem>> -> memref<1x80x128xf32, #tpu.memory_space<vmem>>
    %dma_start3A_301 = tpu.memref_squeeze %dma_start3A_300 : memref<1x80x128xf32, #tpu.memory_space<vmem>> -> memref<80x128xf32, #tpu.memory_space<vmem>>
    %dma_start3A_302 = arith.constant 0 : i32
    %dma_start3A_303 = tpu.memref_slice %arg6[%dma_start3A_296, %dma_start3A_297, %dma_start3A_302] : memref<4x2x80xi32, #tpu.memory_space<vmem>> -> memref<1x1x80xi32, #tpu.memory_space<vmem>>
    %dma_start3A_304 = tpu.memref_squeeze %dma_start3A_303 : memref<1x1x80xi32, #tpu.memory_space<vmem>> -> memref<80xi32, #tpu.memory_space<vmem>>
    %dma_start3A_305 = arith.constant 0 : i32
    %dma_start3A_306 = arith.constant 0 : i32
    %dma_start3A_307 = tpu.memref_slice %arg8[%dma_start3A_305, %dma_start3A_306] : memref<10240x128xf32, #tpu.memory_space<vmem_shared>> -> memref<10240x128xf32, #tpu.memory_space<vmem_shared>>
    tpu.enqueue_indirect_dma source(%dma_start3A_301 : memref<80x128xf32, #tpu.memory_space<vmem>>) target(%dma_start3A_307 : memref<10240x128xf32, #tpu.memory_space<vmem_shared>>) offsets(%dma_start3A_304 : memref<80xi32, #tpu.memory_space<vmem>>) semaphore(%arg17 : memref<!tpu.dma_semaphore, #tpu.memory_space<semaphore_mem>>) {add = true}
    %dma_wait3A_308 = arith.constant 0 : i32
    %dma_wait3A_309 = arith.constant 0 : i32
    %dma_wait3A_310 = arith.constant 1 : i32
    %dma_wait3A_311 = arith.constant 0 : i32
    %dma_wait3A_312 = arith.constant 0 : i32
    %dma_wait3A_313 = tpu.memref_slice %arg7[%dma_wait3A_308, %dma_wait3A_311, %dma_wait3A_312] : memref<4x80x128xf32, #tpu.memory_space<vmem>> -> memref<1x80x128xf32, #tpu.memory_space<vmem>>
    %dma_wait3A_314 = tpu.memref_squeeze %dma_wait3A_313 : memref<1x80x128xf32, #tpu.memory_space<vmem>> -> memref<80x128xf32, #tpu.memory_space<vmem>>
    %dma_wait3A_315 = arith.constant 0 : i32
    %dma_wait3A_316 = tpu.memref_slice %arg6[%dma_wait3A_309, %dma_wait3A_310, %dma_wait3A_315] : memref<4x2x80xi32, #tpu.memory_space<vmem>> -> memref<1x1x80xi32, #tpu.memory_space<vmem>>
    %dma_wait3A_317 = tpu.memref_squeeze %dma_wait3A_316 : memref<1x1x80xi32, #tpu.memory_space<vmem>> -> memref<80xi32, #tpu.memory_space<vmem>>
    %dma_wait3A_318 = arith.constant 0 : i32
    %dma_wait3A_319 = arith.constant 0 : i32
    %dma_wait3A_320 = tpu.memref_slice %arg8[%dma_wait3A_318, %dma_wait3A_319] : memref<10240x128xf32, #tpu.memory_space<vmem_shared>> -> memref<10240x128xf32, #tpu.memory_space<vmem_shared>>
    tpu.wait_indirect_dma semaphore(%arg17 : memref<!tpu.dma_semaphore, #tpu.memory_space<semaphore_mem>>) src(%dma_wait3A_314 : memref<80x128xf32, #tpu.memory_space<vmem>>) dst(%dma_wait3A_320 : memref<10240x128xf32, #tpu.memory_space<vmem_shared>>)
    %barrier3A_321 = arith.constant 0 : index
    tpu.barrier barrier_id(%barrier3A_321)
    %mul3A_322 = arith.constant 640 : i32
    %mul3A_323 = arith.muli %arg1, %mul3A_322 : i32
    %mul3A_324 = arith.constant 640 : i32
    %mul3A_325 = arith.muli %arg1, %mul3A_324 : i32
    "tpu.region"() ({
      %run_scoped3A = tpu.sem_alloc : memref<!tpu.dma_semaphore, #tpu.memory_space<semaphore_mem>>
      %dma_start3A_326 = arith.constant 0 : i32
      %dma_start3A_327 = tpu.memref_slice %arg5[%arg0, %mul3A_325, %dma_start3A_326] : memref<2x10240x128xf32, #tpu.memory_space<hbm>> -> memref<1x640x128xf32, #tpu.memory_space<hbm>>
      %dma_start3A_328 = tpu.memref_squeeze %dma_start3A_327 : memref<1x640x128xf32, #tpu.memory_space<hbm>> -> memref<640x128xf32, #tpu.memory_space<hbm>>
      %dma_start3A_329 = arith.constant 0 : i32
      %dma_start3A_330 = tpu.memref_slice %arg8[%mul3A_323, %dma_start3A_329] : memref<10240x128xf32, #tpu.memory_space<vmem_shared>> -> memref<640x128xf32, #tpu.memory_space<vmem_shared>>
      tpu.enqueue_dma source(%dma_start3A_330 : memref<640x128xf32, #tpu.memory_space<vmem_shared>>) target(%dma_start3A_328 : memref<640x128xf32, #tpu.memory_space<hbm>>) target_semaphore(%run_scoped3A : memref<!tpu.dma_semaphore, #tpu.memory_space<semaphore_mem>>)
      %dma_wait3A_331 = arith.constant 0 : i32
      %dma_wait3A_332 = tpu.memref_slice %arg5[%arg0, %mul3A_325, %dma_wait3A_331] : memref<2x10240x128xf32, #tpu.memory_space<hbm>> -> memref<1x640x128xf32, #tpu.memory_space<hbm>>
      %dma_wait3A_333 = tpu.memref_squeeze %dma_wait3A_332 : memref<1x640x128xf32, #tpu.memory_space<hbm>> -> memref<640x128xf32, #tpu.memory_space<hbm>>
      %dma_wait3A_334 = arith.constant 0 : i32
      %dma_wait3A_335 = tpu.memref_slice %arg8[%mul3A_323, %dma_wait3A_334] : memref<10240x128xf32, #tpu.memory_space<vmem_shared>> -> memref<640x128xf32, #tpu.memory_space<vmem_shared>>
      tpu.wait_dma2 semaphore(%run_scoped3A : memref<!tpu.dma_semaphore, #tpu.memory_space<semaphore_mem>>) src(%dma_wait3A_335 : memref<640x128xf32, #tpu.memory_space<vmem_shared>>) dst(%dma_wait3A_333 : memref<640x128xf32, #tpu.memory_space<hbm>>)
      tpu.yield
    }) : () -> ()
    return
  }
}

#map = affine_map<(d0, d1) -> (0, 0, 0)>
#map1 = affine_map<(d0, d1) -> (0, 0, 0, 0)>
#map2 = affine_map<(d0, d1) -> (0, 0)>
module attributes {stable_mosaic.version = 14 : i64} {
  func.func @k(%arg0: i32, %arg1: i32, %arg2: memref<2x10240x128xf32, #tpu.memory_space<hbm>>, %arg3: memref<16x250x2x80xi32, #tpu.memory_space<hbm>>, %arg4: memref<640x128xf32, #tpu.memory_space<hbm>>, %arg5: memref<2x10240x128xf32, #tpu.memory_space<hbm>>, %arg6: memref<4x2x80xi32, #tpu.memory_space<vmem>>, %arg7: memref<4x80x128xf32, #tpu.memory_space<vmem>>, %arg8: memref<10240x128xf32, #tpu.memory_space<vmem_shared>>, %arg9: memref<!tpu.dma_semaphore, #tpu.memory_space<semaphore_mem>>, %arg10: memref<!tpu.dma_semaphore, #tpu.memory_space<semaphore_mem>>, %arg11: memref<!tpu.dma_semaphore, #tpu.memory_space<semaphore_mem>>, %arg12: memref<!tpu.dma_semaphore, #tpu.memory_space<semaphore_mem>>, %arg13: memref<!tpu.dma_semaphore, #tpu.memory_space<semaphore_mem>>, %arg14: memref<!tpu.dma_semaphore, #tpu.memory_space<semaphore_mem>>, %arg15: memref<!tpu.dma_semaphore, #tpu.memory_space<semaphore_mem>>, %arg16: memref<!tpu.dma_semaphore, #tpu.memory_space<semaphore_mem>>, %arg17: memref<!tpu.dma_semaphore, #tpu.memory_space<semaphore_mem>>, %arg18: memref<!tpu.dma_semaphore, #tpu.memory_space<semaphore_mem>>, %arg19: memref<!tpu.dma_semaphore, #tpu.memory_space<semaphore_mem>>, %arg20: memref<!tpu.dma_semaphore, #tpu.memory_space<semaphore_mem>>) attributes {dimension_semantics = [#tpu.dimension_semantics<core_parallel>, #tpu.dimension_semantics<subcore_parallel>], iteration_bounds = array<i64: 2, 16>, scalar_prefetch = 0 : i64, scratch_operands = 15 : i64, tpu.core_type = #tpu.core_type<sc_vector_subcore>, window_params = [{transform_indices = #map}, {transform_indices = #map1}, {transform_indices = #map2}, {transform_indices = #map}]} {
    %mul3A = arith.constant 640 : i32
    %mul3A_0 = arith.muli %arg1, %mul3A : i32
    "tpu.region"() ({
      %run_scoped3A = tpu.sem_alloc : memref<!tpu.dma_semaphore, #tpu.memory_space<semaphore_mem>>
      %dma_start3A_387 = arith.constant 0 : i32
      %dma_start3A_388 = tpu.memref_slice %arg8[%mul3A_0, %dma_start3A_387] : memref<10240x128xf32, #tpu.memory_space<vmem_shared>> -> memref<640x128xf32, #tpu.memory_space<vmem_shared>>
      tpu.enqueue_dma source(%arg4 : memref<640x128xf32, #tpu.memory_space<hbm>>) target(%dma_start3A_388 : memref<640x128xf32, #tpu.memory_space<vmem_shared>>) target_semaphore(%run_scoped3A : memref<!tpu.dma_semaphore, #tpu.memory_space<semaphore_mem>>)
      %dma_wait3A_389 = arith.constant 0 : i32
      %dma_wait3A_390 = tpu.memref_slice %arg8[%mul3A_0, %dma_wait3A_389] : memref<10240x128xf32, #tpu.memory_space<vmem_shared>> -> memref<640x128xf32, #tpu.memory_space<vmem_shared>>
      tpu.wait_dma2 semaphore(%run_scoped3A : memref<!tpu.dma_semaphore, #tpu.memory_space<semaphore_mem>>) src(%arg4 : memref<640x128xf32, #tpu.memory_space<hbm>>) dst(%dma_wait3A_390 : memref<640x128xf32, #tpu.memory_space<vmem_shared>>)
      tpu.yield
    }) : () -> ()
    %barrier3A = arith.constant 0 : index
    tpu.barrier barrier_id(%barrier3A)
    %dma_start3A = arith.constant 0 : i32
    %dma_start3A_1 = arith.constant 0 : i32
    %dma_start3A_2 = arith.constant 0 : i32
    %dma_start3A_3 = arith.constant 0 : i32
    %dma_start3A_4 = tpu.memref_slice %arg6[%dma_start3A_1, %dma_start3A_2, %dma_start3A_3] : memref<4x2x80xi32, #tpu.memory_space<vmem>> -> memref<1x2x80xi32, #tpu.memory_space<vmem>>
    %dma_start3A_5 = tpu.memref_squeeze %dma_start3A_4 : memref<1x2x80xi32, #tpu.memory_space<vmem>> -> memref<2x80xi32, #tpu.memory_space<vmem>>
    %dma_start3A_6 = arith.constant 0 : i32
    %dma_start3A_7 = arith.constant 0 : i32
    %dma_start3A_8 = arith.constant 0 : i32
    %dma_start3A_9 = tpu.memref_slice %arg3[%arg1, %dma_start3A_6, %dma_start3A_7, %dma_start3A_8] : memref<16x250x2x80xi32, #tpu.memory_space<hbm>> -> memref<1x250x2x80xi32, #tpu.memory_space<hbm>>
    %dma_start3A_10 = tpu.memref_squeeze %dma_start3A_9 : memref<1x250x2x80xi32, #tpu.memory_space<hbm>> -> memref<250x2x80xi32, #tpu.memory_space<hbm>>
    %dma_start3A_11 = arith.constant 0 : i32
    %dma_start3A_12 = arith.constant 0 : i32
    %dma_start3A_13 = tpu.memref_slice %dma_start3A_10[%dma_start3A, %dma_start3A_11, %dma_start3A_12] : memref<250x2x80xi32, #tpu.memory_space<hbm>> -> memref<1x2x80xi32, #tpu.memory_space<hbm>>
    %dma_start3A_14 = tpu.memref_squeeze %dma_start3A_13 : memref<1x2x80xi32, #tpu.memory_space<hbm>> -> memref<2x80xi32, #tpu.memory_space<hbm>>
    %dma_start3A_15 = arith.constant 0 : i32
    %dma_start3A_16 = arith.constant 0 : i32
    %dma_start3A_17 = tpu.memref_slice %arg6[%dma_start3A_1, %dma_start3A_15, %dma_start3A_16] : memref<4x2x80xi32, #tpu.memory_space<vmem>> -> memref<1x2x80xi32, #tpu.memory_space<vmem>>
    %dma_start3A_18 = tpu.memref_squeeze %dma_start3A_17 : memref<1x2x80xi32, #tpu.memory_space<vmem>> -> memref<2x80xi32, #tpu.memory_space<vmem>>
    %dma_start3A_19 = arith.constant 0 : i32
    %dma_start3A_20 = arith.constant 0 : i32
    %dma_start3A_21 = arith.constant 0 : i32
    %dma_start3A_22 = tpu.memref_slice %arg3[%arg1, %dma_start3A_19, %dma_start3A_20, %dma_start3A_21] : memref<16x250x2x80xi32, #tpu.memory_space<hbm>> -> memref<1x250x2x80xi32, #tpu.memory_space<hbm>>
    %dma_start3A_23 = tpu.memref_squeeze %dma_start3A_22 : memref<1x250x2x80xi32, #tpu.memory_space<hbm>> -> memref<250x2x80xi32, #tpu.memory_space<hbm>>
    %dma_start3A_24 = arith.constant 0 : i32
    %dma_start3A_25 = arith.constant 0 : i32
    %dma_start3A_26 = tpu.memref_slice %dma_start3A_23[%dma_start3A, %dma_start3A_24, %dma_start3A_25] : memref<250x2x80xi32, #tpu.memory_space<hbm>> -> memref<1x2x80xi32, #tpu.memory_space<hbm>>
    %dma_start3A_27 = tpu.memref_squeeze %dma_start3A_26 : memref<1x2x80xi32, #tpu.memory_space<hbm>> -> memref<2x80xi32, #tpu.memory_space<hbm>>
    tpu.enqueue_dma source(%dma_start3A_27 : memref<2x80xi32, #tpu.memory_space<hbm>>) target(%dma_start3A_18 : memref<2x80xi32, #tpu.memory_space<vmem>>) target_semaphore(%arg9 : memref<!tpu.dma_semaphore, #tpu.memory_space<semaphore_mem>>)
    %dma_start3A_28 = arith.constant 1 : i32
    %dma_start3A_29 = arith.constant 1 : i32
    %dma_start3A_30 = arith.constant 0 : i32
    %dma_start3A_31 = arith.constant 0 : i32
    %dma_start3A_32 = tpu.memref_slice %arg6[%dma_start3A_29, %dma_start3A_30, %dma_start3A_31] : memref<4x2x80xi32, #tpu.memory_space<vmem>> -> memref<1x2x80xi32, #tpu.memory_space<vmem>>
    %dma_start3A_33 = tpu.memref_squeeze %dma_start3A_32 : memref<1x2x80xi32, #tpu.memory_space<vmem>> -> memref<2x80xi32, #tpu.memory_space<vmem>>
    %dma_start3A_34 = arith.constant 0 : i32
    %dma_start3A_35 = arith.constant 0 : i32
    %dma_start3A_36 = arith.constant 0 : i32
    %dma_start3A_37 = tpu.memref_slice %arg3[%arg1, %dma_start3A_34, %dma_start3A_35, %dma_start3A_36] : memref<16x250x2x80xi32, #tpu.memory_space<hbm>> -> memref<1x250x2x80xi32, #tpu.memory_space<hbm>>
    %dma_start3A_38 = tpu.memref_squeeze %dma_start3A_37 : memref<1x250x2x80xi32, #tpu.memory_space<hbm>> -> memref<250x2x80xi32, #tpu.memory_space<hbm>>
    %dma_start3A_39 = arith.constant 0 : i32
    %dma_start3A_40 = arith.constant 0 : i32
    %dma_start3A_41 = tpu.memref_slice %dma_start3A_38[%dma_start3A_28, %dma_start3A_39, %dma_start3A_40] : memref<250x2x80xi32, #tpu.memory_space<hbm>> -> memref<1x2x80xi32, #tpu.memory_space<hbm>>
    %dma_start3A_42 = tpu.memref_squeeze %dma_start3A_41 : memref<1x2x80xi32, #tpu.memory_space<hbm>> -> memref<2x80xi32, #tpu.memory_space<hbm>>
    %dma_start3A_43 = arith.constant 0 : i32
    %dma_start3A_44 = arith.constant 0 : i32
    %dma_start3A_45 = tpu.memref_slice %arg6[%dma_start3A_29, %dma_start3A_43, %dma_start3A_44] : memref<4x2x80xi32, #tpu.memory_space<vmem>> -> memref<1x2x80xi32, #tpu.memory_space<vmem>>
    %dma_start3A_46 = tpu.memref_squeeze %dma_start3A_45 : memref<1x2x80xi32, #tpu.memory_space<vmem>> -> memref<2x80xi32, #tpu.memory_space<vmem>>
    %dma_start3A_47 = arith.constant 0 : i32
    %dma_start3A_48 = arith.constant 0 : i32
    %dma_start3A_49 = arith.constant 0 : i32
    %dma_start3A_50 = tpu.memref_slice %arg3[%arg1, %dma_start3A_47, %dma_start3A_48, %dma_start3A_49] : memref<16x250x2x80xi32, #tpu.memory_space<hbm>> -> memref<1x250x2x80xi32, #tpu.memory_space<hbm>>
    %dma_start3A_51 = tpu.memref_squeeze %dma_start3A_50 : memref<1x250x2x80xi32, #tpu.memory_space<hbm>> -> memref<250x2x80xi32, #tpu.memory_space<hbm>>
    %dma_start3A_52 = arith.constant 0 : i32
    %dma_start3A_53 = arith.constant 0 : i32
    %dma_start3A_54 = tpu.memref_slice %dma_start3A_51[%dma_start3A_28, %dma_start3A_52, %dma_start3A_53] : memref<250x2x80xi32, #tpu.memory_space<hbm>> -> memref<1x2x80xi32, #tpu.memory_space<hbm>>
    %dma_start3A_55 = tpu.memref_squeeze %dma_start3A_54 : memref<1x2x80xi32, #tpu.memory_space<hbm>> -> memref<2x80xi32, #tpu.memory_space<hbm>>
    tpu.enqueue_dma source(%dma_start3A_55 : memref<2x80xi32, #tpu.memory_space<hbm>>) target(%dma_start3A_46 : memref<2x80xi32, #tpu.memory_space<vmem>>) target_semaphore(%arg10 : memref<!tpu.dma_semaphore, #tpu.memory_space<semaphore_mem>>)
    %dma_start3A_56 = arith.constant 2 : i32
    %dma_start3A_57 = arith.constant 2 : i32
    %dma_start3A_58 = arith.constant 0 : i32
    %dma_start3A_59 = arith.constant 0 : i32
    %dma_start3A_60 = tpu.memref_slice %arg6[%dma_start3A_57, %dma_start3A_58, %dma_start3A_59] : memref<4x2x80xi32, #tpu.memory_space<vmem>> -> memref<1x2x80xi32, #tpu.memory_space<vmem>>
    %dma_start3A_61 = tpu.memref_squeeze %dma_start3A_60 : memref<1x2x80xi32, #tpu.memory_space<vmem>> -> memref<2x80xi32, #tpu.memory_space<vmem>>
    %dma_start3A_62 = arith.constant 0 : i32
    %dma_start3A_63 = arith.constant 0 : i32
    %dma_start3A_64 = arith.constant 0 : i32
    %dma_start3A_65 = tpu.memref_slice %arg3[%arg1, %dma_start3A_62, %dma_start3A_63, %dma_start3A_64] : memref<16x250x2x80xi32, #tpu.memory_space<hbm>> -> memref<1x250x2x80xi32, #tpu.memory_space<hbm>>
    %dma_start3A_66 = tpu.memref_squeeze %dma_start3A_65 : memref<1x250x2x80xi32, #tpu.memory_space<hbm>> -> memref<250x2x80xi32, #tpu.memory_space<hbm>>
    %dma_start3A_67 = arith.constant 0 : i32
    %dma_start3A_68 = arith.constant 0 : i32
    %dma_start3A_69 = tpu.memref_slice %dma_start3A_66[%dma_start3A_56, %dma_start3A_67, %dma_start3A_68] : memref<250x2x80xi32, #tpu.memory_space<hbm>> -> memref<1x2x80xi32, #tpu.memory_space<hbm>>
    %dma_start3A_70 = tpu.memref_squeeze %dma_start3A_69 : memref<1x2x80xi32, #tpu.memory_space<hbm>> -> memref<2x80xi32, #tpu.memory_space<hbm>>
    %dma_start3A_71 = arith.constant 0 : i32
    %dma_start3A_72 = arith.constant 0 : i32
    %dma_start3A_73 = tpu.memref_slice %arg6[%dma_start3A_57, %dma_start3A_71, %dma_start3A_72] : memref<4x2x80xi32, #tpu.memory_space<vmem>> -> memref<1x2x80xi32, #tpu.memory_space<vmem>>
    %dma_start3A_74 = tpu.memref_squeeze %dma_start3A_73 : memref<1x2x80xi32, #tpu.memory_space<vmem>> -> memref<2x80xi32, #tpu.memory_space<vmem>>
    %dma_start3A_75 = arith.constant 0 : i32
    %dma_start3A_76 = arith.constant 0 : i32
    %dma_start3A_77 = arith.constant 0 : i32
    %dma_start3A_78 = tpu.memref_slice %arg3[%arg1, %dma_start3A_75, %dma_start3A_76, %dma_start3A_77] : memref<16x250x2x80xi32, #tpu.memory_space<hbm>> -> memref<1x250x2x80xi32, #tpu.memory_space<hbm>>
    %dma_start3A_79 = tpu.memref_squeeze %dma_start3A_78 : memref<1x250x2x80xi32, #tpu.memory_space<hbm>> -> memref<250x2x80xi32, #tpu.memory_space<hbm>>
    %dma_start3A_80 = arith.constant 0 : i32
    %dma_start3A_81 = arith.constant 0 : i32
    %dma_start3A_82 = tpu.memref_slice %dma_start3A_79[%dma_start3A_56, %dma_start3A_80, %dma_start3A_81] : memref<250x2x80xi32, #tpu.memory_space<hbm>> -> memref<1x2x80xi32, #tpu.memory_space<hbm>>
    %dma_start3A_83 = tpu.memref_squeeze %dma_start3A_82 : memref<1x2x80xi32, #tpu.memory_space<hbm>> -> memref<2x80xi32, #tpu.memory_space<hbm>>
    tpu.enqueue_dma source(%dma_start3A_83 : memref<2x80xi32, #tpu.memory_space<hbm>>) target(%dma_start3A_74 : memref<2x80xi32, #tpu.memory_space<vmem>>) target_semaphore(%arg11 : memref<!tpu.dma_semaphore, #tpu.memory_space<semaphore_mem>>)
    %dma_start3A_84 = arith.constant 3 : i32
    %dma_start3A_85 = arith.constant 3 : i32
    %dma_start3A_86 = arith.constant 0 : i32
    %dma_start3A_87 = arith.constant 0 : i32
    %dma_start3A_88 = tpu.memref_slice %arg6[%dma_start3A_85, %dma_start3A_86, %dma_start3A_87] : memref<4x2x80xi32, #tpu.memory_space<vmem>> -> memref<1x2x80xi32, #tpu.memory_space<vmem>>
    %dma_start3A_89 = tpu.memref_squeeze %dma_start3A_88 : memref<1x2x80xi32, #tpu.memory_space<vmem>> -> memref<2x80xi32, #tpu.memory_space<vmem>>
    %dma_start3A_90 = arith.constant 0 : i32
    %dma_start3A_91 = arith.constant 0 : i32
    %dma_start3A_92 = arith.constant 0 : i32
    %dma_start3A_93 = tpu.memref_slice %arg3[%arg1, %dma_start3A_90, %dma_start3A_91, %dma_start3A_92] : memref<16x250x2x80xi32, #tpu.memory_space<hbm>> -> memref<1x250x2x80xi32, #tpu.memory_space<hbm>>
    %dma_start3A_94 = tpu.memref_squeeze %dma_start3A_93 : memref<1x250x2x80xi32, #tpu.memory_space<hbm>> -> memref<250x2x80xi32, #tpu.memory_space<hbm>>
    %dma_start3A_95 = arith.constant 0 : i32
    %dma_start3A_96 = arith.constant 0 : i32
    %dma_start3A_97 = tpu.memref_slice %dma_start3A_94[%dma_start3A_84, %dma_start3A_95, %dma_start3A_96] : memref<250x2x80xi32, #tpu.memory_space<hbm>> -> memref<1x2x80xi32, #tpu.memory_space<hbm>>
    %dma_start3A_98 = tpu.memref_squeeze %dma_start3A_97 : memref<1x2x80xi32, #tpu.memory_space<hbm>> -> memref<2x80xi32, #tpu.memory_space<hbm>>
    %dma_start3A_99 = arith.constant 0 : i32
    %dma_start3A_100 = arith.constant 0 : i32
    %dma_start3A_101 = tpu.memref_slice %arg6[%dma_start3A_85, %dma_start3A_99, %dma_start3A_100] : memref<4x2x80xi32, #tpu.memory_space<vmem>> -> memref<1x2x80xi32, #tpu.memory_space<vmem>>
    %dma_start3A_102 = tpu.memref_squeeze %dma_start3A_101 : memref<1x2x80xi32, #tpu.memory_space<vmem>> -> memref<2x80xi32, #tpu.memory_space<vmem>>
    %dma_start3A_103 = arith.constant 0 : i32
    %dma_start3A_104 = arith.constant 0 : i32
    %dma_start3A_105 = arith.constant 0 : i32
    %dma_start3A_106 = tpu.memref_slice %arg3[%arg1, %dma_start3A_103, %dma_start3A_104, %dma_start3A_105] : memref<16x250x2x80xi32, #tpu.memory_space<hbm>> -> memref<1x250x2x80xi32, #tpu.memory_space<hbm>>
    %dma_start3A_107 = tpu.memref_squeeze %dma_start3A_106 : memref<1x250x2x80xi32, #tpu.memory_space<hbm>> -> memref<250x2x80xi32, #tpu.memory_space<hbm>>
    %dma_start3A_108 = arith.constant 0 : i32
    %dma_start3A_109 = arith.constant 0 : i32
    %dma_start3A_110 = tpu.memref_slice %dma_start3A_107[%dma_start3A_84, %dma_start3A_108, %dma_start3A_109] : memref<250x2x80xi32, #tpu.memory_space<hbm>> -> memref<1x2x80xi32, #tpu.memory_space<hbm>>
    %dma_start3A_111 = tpu.memref_squeeze %dma_start3A_110 : memref<1x2x80xi32, #tpu.memory_space<hbm>> -> memref<2x80xi32, #tpu.memory_space<hbm>>
    tpu.enqueue_dma source(%dma_start3A_111 : memref<2x80xi32, #tpu.memory_space<hbm>>) target(%dma_start3A_102 : memref<2x80xi32, #tpu.memory_space<vmem>>) target_semaphore(%arg12 : memref<!tpu.dma_semaphore, #tpu.memory_space<semaphore_mem>>)
    %dma_wait3A = arith.constant 0 : i32
    %dma_wait3A_112 = arith.constant 0 : i32
    %dma_wait3A_113 = arith.constant 0 : i32
    %dma_wait3A_114 = arith.constant 0 : i32
    %dma_wait3A_115 = tpu.memref_slice %arg6[%dma_wait3A_112, %dma_wait3A_113, %dma_wait3A_114] : memref<4x2x80xi32, #tpu.memory_space<vmem>> -> memref<1x2x80xi32, #tpu.memory_space<vmem>>
    %dma_wait3A_116 = tpu.memref_squeeze %dma_wait3A_115 : memref<1x2x80xi32, #tpu.memory_space<vmem>> -> memref<2x80xi32, #tpu.memory_space<vmem>>
    %dma_wait3A_117 = arith.constant 0 : i32
    %dma_wait3A_118 = arith.constant 0 : i32
    %dma_wait3A_119 = arith.constant 0 : i32
    %dma_wait3A_120 = tpu.memref_slice %arg3[%arg1, %dma_wait3A_117, %dma_wait3A_118, %dma_wait3A_119] : memref<16x250x2x80xi32, #tpu.memory_space<hbm>> -> memref<1x250x2x80xi32, #tpu.memory_space<hbm>>
    %dma_wait3A_121 = tpu.memref_squeeze %dma_wait3A_120 : memref<1x250x2x80xi32, #tpu.memory_space<hbm>> -> memref<250x2x80xi32, #tpu.memory_space<hbm>>
    %dma_wait3A_122 = arith.constant 0 : i32
    %dma_wait3A_123 = arith.constant 0 : i32
    %dma_wait3A_124 = tpu.memref_slice %dma_wait3A_121[%dma_wait3A, %dma_wait3A_122, %dma_wait3A_123] : memref<250x2x80xi32, #tpu.memory_space<hbm>> -> memref<1x2x80xi32, #tpu.memory_space<hbm>>
    %dma_wait3A_125 = tpu.memref_squeeze %dma_wait3A_124 : memref<1x2x80xi32, #tpu.memory_space<hbm>> -> memref<2x80xi32, #tpu.memory_space<hbm>>
    %dma_wait3A_126 = arith.constant 0 : i32
    %dma_wait3A_127 = arith.constant 0 : i32
    %dma_wait3A_128 = tpu.memref_slice %arg6[%dma_wait3A_112, %dma_wait3A_126, %dma_wait3A_127] : memref<4x2x80xi32, #tpu.memory_space<vmem>> -> memref<1x2x80xi32, #tpu.memory_space<vmem>>
    %dma_wait3A_129 = tpu.memref_squeeze %dma_wait3A_128 : memref<1x2x80xi32, #tpu.memory_space<vmem>> -> memref<2x80xi32, #tpu.memory_space<vmem>>
    %dma_wait3A_130 = arith.constant 0 : i32
    %dma_wait3A_131 = arith.constant 0 : i32
    %dma_wait3A_132 = arith.constant 0 : i32
    %dma_wait3A_133 = tpu.memref_slice %arg3[%arg1, %dma_wait3A_130, %dma_wait3A_131, %dma_wait3A_132] : memref<16x250x2x80xi32, #tpu.memory_space<hbm>> -> memref<1x250x2x80xi32, #tpu.memory_space<hbm>>
    %dma_wait3A_134 = tpu.memref_squeeze %dma_wait3A_133 : memref<1x250x2x80xi32, #tpu.memory_space<hbm>> -> memref<250x2x80xi32, #tpu.memory_space<hbm>>
    %dma_wait3A_135 = arith.constant 0 : i32
    %dma_wait3A_136 = arith.constant 0 : i32
    %dma_wait3A_137 = tpu.memref_slice %dma_wait3A_134[%dma_wait3A, %dma_wait3A_135, %dma_wait3A_136] : memref<250x2x80xi32, #tpu.memory_space<hbm>> -> memref<1x2x80xi32, #tpu.memory_space<hbm>>
    %dma_wait3A_138 = tpu.memref_squeeze %dma_wait3A_137 : memref<1x2x80xi32, #tpu.memory_space<hbm>> -> memref<2x80xi32, #tpu.memory_space<hbm>>
    tpu.wait_dma2 semaphore(%arg9 : memref<!tpu.dma_semaphore, #tpu.memory_space<semaphore_mem>>) src(%dma_wait3A_138 : memref<2x80xi32, #tpu.memory_space<hbm>>) dst(%dma_wait3A_129 : memref<2x80xi32, #tpu.memory_space<vmem>>)
    %dma_start3A_139 = arith.constant 0 : i32
    %dma_start3A_140 = arith.constant 0 : i32
    %dma_start3A_141 = arith.constant 0 : i32
    %dma_start3A_142 = arith.constant 0 : i32
    %dma_start3A_143 = arith.constant 0 : i32
    %dma_start3A_144 = tpu.memref_slice %arg7[%dma_start3A_141, %dma_start3A_142, %dma_start3A_143] : memref<4x80x128xf32, #tpu.memory_space<vmem>> -> memref<1x80x128xf32, #tpu.memory_space<vmem>>
    %dma_start3A_145 = tpu.memref_squeeze %dma_start3A_144 : memref<1x80x128xf32, #tpu.memory_space<vmem>> -> memref<80x128xf32, #tpu.memory_space<vmem>>
    %dma_start3A_146 = arith.constant 0 : i32
    %dma_start3A_147 = tpu.memref_slice %arg6[%dma_start3A_139, %dma_start3A_140, %dma_start3A_146] : memref<4x2x80xi32, #tpu.memory_space<vmem>> -> memref<1x1x80xi32, #tpu.memory_space<vmem>>
    %dma_start3A_148 = tpu.memref_squeeze %dma_start3A_147 : memref<1x1x80xi32, #tpu.memory_space<vmem>> -> memref<80xi32, #tpu.memory_space<vmem>>
    %dma_start3A_149 = arith.constant 0 : i32
    %dma_start3A_150 = arith.constant 0 : i32
    %dma_start3A_151 = tpu.memref_slice %arg2[%arg0, %dma_start3A_149, %dma_start3A_150] : memref<2x10240x128xf32, #tpu.memory_space<hbm>> -> memref<1x10240x128xf32, #tpu.memory_space<hbm>>
    %dma_start3A_152 = tpu.memref_squeeze %dma_start3A_151 : memref<1x10240x128xf32, #tpu.memory_space<hbm>> -> memref<10240x128xf32, #tpu.memory_space<hbm>>
    %dma_start3A_153 = arith.constant 0 : i32
    %dma_start3A_154 = arith.constant 0 : i32
    %dma_start3A_155 = tpu.memref_slice %dma_start3A_152[%dma_start3A_153, %dma_start3A_154] : memref<10240x128xf32, #tpu.memory_space<hbm>> -> memref<10240x128xf32, #tpu.memory_space<hbm>>
    tpu.enqueue_indirect_dma source(%dma_start3A_155 : memref<10240x128xf32, #tpu.memory_space<hbm>>) target(%dma_start3A_145 : memref<80x128xf32, #tpu.memory_space<vmem>>) offsets(%dma_start3A_148 : memref<80xi32, #tpu.memory_space<vmem>>) semaphore(%arg13 : memref<!tpu.dma_semaphore, #tpu.memory_space<semaphore_mem>>)
    %dma_wait3A_156 = arith.constant 0 : i32
    %dma_wait3A_157 = arith.constant 1 : i32
    %dma_wait3A_158 = arith.constant 0 : i32
    %dma_wait3A_159 = arith.constant 0 : i32
    %dma_wait3A_160 = tpu.memref_slice %arg6[%dma_wait3A_157, %dma_wait3A_158, %dma_wait3A_159] : memref<4x2x80xi32, #tpu.memory_space<vmem>> -> memref<1x2x80xi32, #tpu.memory_space<vmem>>
    %dma_wait3A_161 = tpu.memref_squeeze %dma_wait3A_160 : memref<1x2x80xi32, #tpu.memory_space<vmem>> -> memref<2x80xi32, #tpu.memory_space<vmem>>
    %dma_wait3A_162 = arith.constant 0 : i32
    %dma_wait3A_163 = arith.constant 0 : i32
    %dma_wait3A_164 = arith.constant 0 : i32
    %dma_wait3A_165 = tpu.memref_slice %arg3[%arg1, %dma_wait3A_162, %dma_wait3A_163, %dma_wait3A_164] : memref<16x250x2x80xi32, #tpu.memory_space<hbm>> -> memref<1x250x2x80xi32, #tpu.memory_space<hbm>>
    %dma_wait3A_166 = tpu.memref_squeeze %dma_wait3A_165 : memref<1x250x2x80xi32, #tpu.memory_space<hbm>> -> memref<250x2x80xi32, #tpu.memory_space<hbm>>
    %dma_wait3A_167 = arith.constant 0 : i32
    %dma_wait3A_168 = arith.constant 0 : i32
    %dma_wait3A_169 = tpu.memref_slice %dma_wait3A_166[%dma_wait3A_156, %dma_wait3A_167, %dma_wait3A_168] : memref<250x2x80xi32, #tpu.memory_space<hbm>> -> memref<1x2x80xi32, #tpu.memory_space<hbm>>
    %dma_wait3A_170 = tpu.memref_squeeze %dma_wait3A_169 : memref<1x2x80xi32, #tpu.memory_space<hbm>> -> memref<2x80xi32, #tpu.memory_space<hbm>>
    %dma_wait3A_171 = arith.constant 0 : i32
    %dma_wait3A_172 = arith.constant 0 : i32
    %dma_wait3A_173 = tpu.memref_slice %arg6[%dma_wait3A_157, %dma_wait3A_171, %dma_wait3A_172] : memref<4x2x80xi32, #tpu.memory_space<vmem>> -> memref<1x2x80xi32, #tpu.memory_space<vmem>>
    %dma_wait3A_174 = tpu.memref_squeeze %dma_wait3A_173 : memref<1x2x80xi32, #tpu.memory_space<vmem>> -> memref<2x80xi32, #tpu.memory_space<vmem>>
    %dma_wait3A_175 = arith.constant 0 : i32
    %dma_wait3A_176 = arith.constant 0 : i32
    %dma_wait3A_177 = arith.constant 0 : i32
    %dma_wait3A_178 = tpu.memref_slice %arg3[%arg1, %dma_wait3A_175, %dma_wait3A_176, %dma_wait3A_177] : memref<16x250x2x80xi32, #tpu.memory_space<hbm>> -> memref<1x250x2x80xi32, #tpu.memory_space<hbm>>
    %dma_wait3A_179 = tpu.memref_squeeze %dma_wait3A_178 : memref<1x250x2x80xi32, #tpu.memory_space<hbm>> -> memref<250x2x80xi32, #tpu.memory_space<hbm>>
    %dma_wait3A_180 = arith.constant 0 : i32
    %dma_wait3A_181 = arith.constant 0 : i32
    %dma_wait3A_182 = tpu.memref_slice %dma_wait3A_179[%dma_wait3A_156, %dma_wait3A_180, %dma_wait3A_181] : memref<250x2x80xi32, #tpu.memory_space<hbm>> -> memref<1x2x80xi32, #tpu.memory_space<hbm>>
    %dma_wait3A_183 = tpu.memref_squeeze %dma_wait3A_182 : memref<1x2x80xi32, #tpu.memory_space<hbm>> -> memref<2x80xi32, #tpu.memory_space<hbm>>
    tpu.wait_dma2 semaphore(%arg10 : memref<!tpu.dma_semaphore, #tpu.memory_space<semaphore_mem>>) src(%dma_wait3A_183 : memref<2x80xi32, #tpu.memory_space<hbm>>) dst(%dma_wait3A_174 : memref<2x80xi32, #tpu.memory_space<vmem>>)
    %dma_start3A_184 = arith.constant 1 : i32
    %dma_start3A_185 = arith.constant 0 : i32
    %dma_start3A_186 = arith.constant 1 : i32
    %dma_start3A_187 = arith.constant 0 : i32
    %dma_start3A_188 = arith.constant 0 : i32
    %dma_start3A_189 = tpu.memref_slice %arg7[%dma_start3A_186, %dma_start3A_187, %dma_start3A_188] : memref<4x80x128xf32, #tpu.memory_space<vmem>> -> memref<1x80x128xf32, #tpu.memory_space<vmem>>
    %dma_start3A_190 = tpu.memref_squeeze %dma_start3A_189 : memref<1x80x128xf32, #tpu.memory_space<vmem>> -> memref<80x128xf32, #tpu.memory_space<vmem>>
    %dma_start3A_191 = arith.constant 0 : i32
    %dma_start3A_192 = tpu.memref_slice %arg6[%dma_start3A_184, %dma_start3A_185, %dma_start3A_191] : memref<4x2x80xi32, #tpu.memory_space<vmem>> -> memref<1x1x80xi32, #tpu.memory_space<vmem>>
    %dma_start3A_193 = tpu.memref_squeeze %dma_start3A_192 : memref<1x1x80xi32, #tpu.memory_space<vmem>> -> memref<80xi32, #tpu.memory_space<vmem>>
    %dma_start3A_194 = arith.constant 0 : i32
    %dma_start3A_195 = arith.constant 0 : i32
    %dma_start3A_196 = tpu.memref_slice %arg2[%arg0, %dma_start3A_194, %dma_start3A_195] : memref<2x10240x128xf32, #tpu.memory_space<hbm>> -> memref<1x10240x128xf32, #tpu.memory_space<hbm>>
    %dma_start3A_197 = tpu.memref_squeeze %dma_start3A_196 : memref<1x10240x128xf32, #tpu.memory_space<hbm>> -> memref<10240x128xf32, #tpu.memory_space<hbm>>
    %dma_start3A_198 = arith.constant 0 : i32
    %dma_start3A_199 = arith.constant 0 : i32
    %dma_start3A_200 = tpu.memref_slice %dma_start3A_197[%dma_start3A_198, %dma_start3A_199] : memref<10240x128xf32, #tpu.memory_space<hbm>> -> memref<10240x128xf32, #tpu.memory_space<hbm>>
    tpu.enqueue_indirect_dma source(%dma_start3A_200 : memref<10240x128xf32, #tpu.memory_space<hbm>>) target(%dma_start3A_190 : memref<80x128xf32, #tpu.memory_space<vmem>>) offsets(%dma_start3A_193 : memref<80xi32, #tpu.memory_space<vmem>>) semaphore(%arg14 : memref<!tpu.dma_semaphore, #tpu.memory_space<semaphore_mem>>)
    %dma_wait3A_201 = arith.constant 0 : i32
    %dma_wait3A_202 = arith.constant 2 : i32
    %dma_wait3A_203 = arith.constant 0 : i32
    %dma_wait3A_204 = arith.constant 0 : i32
    %dma_wait3A_205 = tpu.memref_slice %arg6[%dma_wait3A_202, %dma_wait3A_203, %dma_wait3A_204] : memref<4x2x80xi32, #tpu.memory_space<vmem>> -> memref<1x2x80xi32, #tpu.memory_space<vmem>>
    %dma_wait3A_206 = tpu.memref_squeeze %dma_wait3A_205 : memref<1x2x80xi32, #tpu.memory_space<vmem>> -> memref<2x80xi32, #tpu.memory_space<vmem>>
    %dma_wait3A_207 = arith.constant 0 : i32
    %dma_wait3A_208 = arith.constant 0 : i32
    %dma_wait3A_209 = arith.constant 0 : i32
    %dma_wait3A_210 = tpu.memref_slice %arg3[%arg1, %dma_wait3A_207, %dma_wait3A_208, %dma_wait3A_209] : memref<16x250x2x80xi32, #tpu.memory_space<hbm>> -> memref<1x250x2x80xi32, #tpu.memory_space<hbm>>
    %dma_wait3A_211 = tpu.memref_squeeze %dma_wait3A_210 : memref<1x250x2x80xi32, #tpu.memory_space<hbm>> -> memref<250x2x80xi32, #tpu.memory_space<hbm>>
    %dma_wait3A_212 = arith.constant 0 : i32
    %dma_wait3A_213 = arith.constant 0 : i32
    %dma_wait3A_214 = tpu.memref_slice %dma_wait3A_211[%dma_wait3A_201, %dma_wait3A_212, %dma_wait3A_213] : memref<250x2x80xi32, #tpu.memory_space<hbm>> -> memref<1x2x80xi32, #tpu.memory_space<hbm>>
    %dma_wait3A_215 = tpu.memref_squeeze %dma_wait3A_214 : memref<1x2x80xi32, #tpu.memory_space<hbm>> -> memref<2x80xi32, #tpu.memory_space<hbm>>
    %dma_wait3A_216 = arith.constant 0 : i32
    %dma_wait3A_217 = arith.constant 0 : i32
    %dma_wait3A_218 = tpu.memref_slice %arg6[%dma_wait3A_202, %dma_wait3A_216, %dma_wait3A_217] : memref<4x2x80xi32, #tpu.memory_space<vmem>> -> memref<1x2x80xi32, #tpu.memory_space<vmem>>
    %dma_wait3A_219 = tpu.memref_squeeze %dma_wait3A_218 : memref<1x2x80xi32, #tpu.memory_space<vmem>> -> memref<2x80xi32, #tpu.memory_space<vmem>>
    %dma_wait3A_220 = arith.constant 0 : i32
    %dma_wait3A_221 = arith.constant 0 : i32
    %dma_wait3A_222 = arith.constant 0 : i32
    %dma_wait3A_223 = tpu.memref_slice %arg3[%arg1, %dma_wait3A_220, %dma_wait3A_221, %dma_wait3A_222] : memref<16x250x2x80xi32, #tpu.memory_space<hbm>> -> memref<1x250x2x80xi32, #tpu.memory_space<hbm>>
    %dma_wait3A_224 = tpu.memref_squeeze %dma_wait3A_223 : memref<1x250x2x80xi32, #tpu.memory_space<hbm>> -> memref<250x2x80xi32, #tpu.memory_space<hbm>>
    %dma_wait3A_225 = arith.constant 0 : i32
    %dma_wait3A_226 = arith.constant 0 : i32
    %dma_wait3A_227 = tpu.memref_slice %dma_wait3A_224[%dma_wait3A_201, %dma_wait3A_225, %dma_wait3A_226] : memref<250x2x80xi32, #tpu.memory_space<hbm>> -> memref<1x2x80xi32, #tpu.memory_space<hbm>>
    %dma_wait3A_228 = tpu.memref_squeeze %dma_wait3A_227 : memref<1x2x80xi32, #tpu.memory_space<hbm>> -> memref<2x80xi32, #tpu.memory_space<hbm>>
    tpu.wait_dma2 semaphore(%arg11 : memref<!tpu.dma_semaphore, #tpu.memory_space<semaphore_mem>>) src(%dma_wait3A_228 : memref<2x80xi32, #tpu.memory_space<hbm>>) dst(%dma_wait3A_219 : memref<2x80xi32, #tpu.memory_space<vmem>>)
    %dma_start3A_229 = arith.constant 2 : i32
    %dma_start3A_230 = arith.constant 0 : i32
    %dma_start3A_231 = arith.constant 2 : i32
    %dma_start3A_232 = arith.constant 0 : i32
    %dma_start3A_233 = arith.constant 0 : i32
    %dma_start3A_234 = tpu.memref_slice %arg7[%dma_start3A_231, %dma_start3A_232, %dma_start3A_233] : memref<4x80x128xf32, #tpu.memory_space<vmem>> -> memref<1x80x128xf32, #tpu.memory_space<vmem>>
    %dma_start3A_235 = tpu.memref_squeeze %dma_start3A_234 : memref<1x80x128xf32, #tpu.memory_space<vmem>> -> memref<80x128xf32, #tpu.memory_space<vmem>>
    %dma_start3A_236 = arith.constant 0 : i32
    %dma_start3A_237 = tpu.memref_slice %arg6[%dma_start3A_229, %dma_start3A_230, %dma_start3A_236] : memref<4x2x80xi32, #tpu.memory_space<vmem>> -> memref<1x1x80xi32, #tpu.memory_space<vmem>>
    %dma_start3A_238 = tpu.memref_squeeze %dma_start3A_237 : memref<1x1x80xi32, #tpu.memory_space<vmem>> -> memref<80xi32, #tpu.memory_space<vmem>>
    %dma_start3A_239 = arith.constant 0 : i32
    %dma_start3A_240 = arith.constant 0 : i32
    %dma_start3A_241 = tpu.memref_slice %arg2[%arg0, %dma_start3A_239, %dma_start3A_240] : memref<2x10240x128xf32, #tpu.memory_space<hbm>> -> memref<1x10240x128xf32, #tpu.memory_space<hbm>>
    %dma_start3A_242 = tpu.memref_squeeze %dma_start3A_241 : memref<1x10240x128xf32, #tpu.memory_space<hbm>> -> memref<10240x128xf32, #tpu.memory_space<hbm>>
    %dma_start3A_243 = arith.constant 0 : i32
    %dma_start3A_244 = arith.constant 0 : i32
    %dma_start3A_245 = tpu.memref_slice %dma_start3A_242[%dma_start3A_243, %dma_start3A_244] : memref<10240x128xf32, #tpu.memory_space<hbm>> -> memref<10240x128xf32, #tpu.memory_space<hbm>>
    tpu.enqueue_indirect_dma source(%dma_start3A_245 : memref<10240x128xf32, #tpu.memory_space<hbm>>) target(%dma_start3A_235 : memref<80x128xf32, #tpu.memory_space<vmem>>) offsets(%dma_start3A_238 : memref<80xi32, #tpu.memory_space<vmem>>) semaphore(%arg15 : memref<!tpu.dma_semaphore, #tpu.memory_space<semaphore_mem>>)
    %dma_wait3A_246 = arith.constant 0 : i32
    %dma_wait3A_247 = arith.constant 3 : i32
    %dma_wait3A_248 = arith.constant 0 : i32
    %dma_wait3A_249 = arith.constant 0 : i32
    %dma_wait3A_250 = tpu.memref_slice %arg6[%dma_wait3A_247, %dma_wait3A_248, %dma_wait3A_249] : memref<4x2x80xi32, #tpu.memory_space<vmem>> -> memref<1x2x80xi32, #tpu.memory_space<vmem>>
    %dma_wait3A_251 = tpu.memref_squeeze %dma_wait3A_250 : memref<1x2x80xi32, #tpu.memory_space<vmem>> -> memref<2x80xi32, #tpu.memory_space<vmem>>
    %dma_wait3A_252 = arith.constant 0 : i32
    %dma_wait3A_253 = arith.constant 0 : i32
    %dma_wait3A_254 = arith.constant 0 : i32
    %dma_wait3A_255 = tpu.memref_slice %arg3[%arg1, %dma_wait3A_252, %dma_wait3A_253, %dma_wait3A_254] : memref<16x250x2x80xi32, #tpu.memory_space<hbm>> -> memref<1x250x2x80xi32, #tpu.memory_space<hbm>>
    %dma_wait3A_256 = tpu.memref_squeeze %dma_wait3A_255 : memref<1x250x2x80xi32, #tpu.memory_space<hbm>> -> memref<250x2x80xi32, #tpu.memory_space<hbm>>
    %dma_wait3A_257 = arith.constant 0 : i32
    %dma_wait3A_258 = arith.constant 0 : i32
    %dma_wait3A_259 = tpu.memref_slice %dma_wait3A_256[%dma_wait3A_246, %dma_wait3A_257, %dma_wait3A_258] : memref<250x2x80xi32, #tpu.memory_space<hbm>> -> memref<1x2x80xi32, #tpu.memory_space<hbm>>
    %dma_wait3A_260 = tpu.memref_squeeze %dma_wait3A_259 : memref<1x2x80xi32, #tpu.memory_space<hbm>> -> memref<2x80xi32, #tpu.memory_space<hbm>>
    %dma_wait3A_261 = arith.constant 0 : i32
    %dma_wait3A_262 = arith.constant 0 : i32
    %dma_wait3A_263 = tpu.memref_slice %arg6[%dma_wait3A_247, %dma_wait3A_261, %dma_wait3A_262] : memref<4x2x80xi32, #tpu.memory_space<vmem>> -> memref<1x2x80xi32, #tpu.memory_space<vmem>>
    %dma_wait3A_264 = tpu.memref_squeeze %dma_wait3A_263 : memref<1x2x80xi32, #tpu.memory_space<vmem>> -> memref<2x80xi32, #tpu.memory_space<vmem>>
    %dma_wait3A_265 = arith.constant 0 : i32
    %dma_wait3A_266 = arith.constant 0 : i32
    %dma_wait3A_267 = arith.constant 0 : i32
    %dma_wait3A_268 = tpu.memref_slice %arg3[%arg1, %dma_wait3A_265, %dma_wait3A_266, %dma_wait3A_267] : memref<16x250x2x80xi32, #tpu.memory_space<hbm>> -> memref<1x250x2x80xi32, #tpu.memory_space<hbm>>
    %dma_wait3A_269 = tpu.memref_squeeze %dma_wait3A_268 : memref<1x250x2x80xi32, #tpu.memory_space<hbm>> -> memref<250x2x80xi32, #tpu.memory_space<hbm>>
    %dma_wait3A_270 = arith.constant 0 : i32
    %dma_wait3A_271 = arith.constant 0 : i32
    %dma_wait3A_272 = tpu.memref_slice %dma_wait3A_269[%dma_wait3A_246, %dma_wait3A_270, %dma_wait3A_271] : memref<250x2x80xi32, #tpu.memory_space<hbm>> -> memref<1x2x80xi32, #tpu.memory_space<hbm>>
    %dma_wait3A_273 = tpu.memref_squeeze %dma_wait3A_272 : memref<1x2x80xi32, #tpu.memory_space<hbm>> -> memref<2x80xi32, #tpu.memory_space<hbm>>
    tpu.wait_dma2 semaphore(%arg12 : memref<!tpu.dma_semaphore, #tpu.memory_space<semaphore_mem>>) src(%dma_wait3A_273 : memref<2x80xi32, #tpu.memory_space<hbm>>) dst(%dma_wait3A_264 : memref<2x80xi32, #tpu.memory_space<vmem>>)
    %dma_start3A_274 = arith.constant 3 : i32
    %dma_start3A_275 = arith.constant 0 : i32
    %dma_start3A_276 = arith.constant 3 : i32
    %dma_start3A_277 = arith.constant 0 : i32
    %dma_start3A_278 = arith.constant 0 : i32
    %dma_start3A_279 = tpu.memref_slice %arg7[%dma_start3A_276, %dma_start3A_277, %dma_start3A_278] : memref<4x80x128xf32, #tpu.memory_space<vmem>> -> memref<1x80x128xf32, #tpu.memory_space<vmem>>
    %dma_start3A_280 = tpu.memref_squeeze %dma_start3A_279 : memref<1x80x128xf32, #tpu.memory_space<vmem>> -> memref<80x128xf32, #tpu.memory_space<vmem>>
    %dma_start3A_281 = arith.constant 0 : i32
    %dma_start3A_282 = tpu.memref_slice %arg6[%dma_start3A_274, %dma_start3A_275, %dma_start3A_281] : memref<4x2x80xi32, #tpu.memory_space<vmem>> -> memref<1x1x80xi32, #tpu.memory_space<vmem>>
    %dma_start3A_283 = tpu.memref_squeeze %dma_start3A_282 : memref<1x1x80xi32, #tpu.memory_space<vmem>> -> memref<80xi32, #tpu.memory_space<vmem>>
    %dma_start3A_284 = arith.constant 0 : i32
    %dma_start3A_285 = arith.constant 0 : i32
    %dma_start3A_286 = tpu.memref_slice %arg2[%arg0, %dma_start3A_284, %dma_start3A_285] : memref<2x10240x128xf32, #tpu.memory_space<hbm>> -> memref<1x10240x128xf32, #tpu.memory_space<hbm>>
    %dma_start3A_287 = tpu.memref_squeeze %dma_start3A_286 : memref<1x10240x128xf32, #tpu.memory_space<hbm>> -> memref<10240x128xf32, #tpu.memory_space<hbm>>
    %dma_start3A_288 = arith.constant 0 : i32
    %dma_start3A_289 = arith.constant 0 : i32
    %dma_start3A_290 = tpu.memref_slice %dma_start3A_287[%dma_start3A_288, %dma_start3A_289] : memref<10240x128xf32, #tpu.memory_space<hbm>> -> memref<10240x128xf32, #tpu.memory_space<hbm>>
    tpu.enqueue_indirect_dma source(%dma_start3A_290 : memref<10240x128xf32, #tpu.memory_space<hbm>>) target(%dma_start3A_280 : memref<80x128xf32, #tpu.memory_space<vmem>>) offsets(%dma_start3A_283 : memref<80xi32, #tpu.memory_space<vmem>>) semaphore(%arg16 : memref<!tpu.dma_semaphore, #tpu.memory_space<semaphore_mem>>)
    %scan3A = arith.constant 0 : i32
    %scan3A_291 = arith.constant 0 : i32
    %scan3A_292 = arith.constant 62 : i32
    %scan3A_293 = arith.addi %scan3A_291, %scan3A_292 : i32
    %scan3A_294 = arith.constant 1 : i32
    scf.for %scan3A_387 = %scan3A_291 to %scan3A_293 step %scan3A_294  : i32 {
      %mul3A_388 = arith.constant 4 : i32
      %mul3A_389 = arith.muli %mul3A_388, %scan3A_387 : i32
      %dma_wait3A_390 = arith.constant 0 : i32
      %dma_wait3A_391 = arith.constant 0 : i32
      %dma_wait3A_392 = arith.constant 0 : i32
      %dma_wait3A_393 = arith.constant 0 : i32
      %dma_wait3A_394 = arith.constant 0 : i32
      %dma_wait3A_395 = tpu.memref_slice %arg7[%dma_wait3A_392, %dma_wait3A_393, %dma_wait3A_394] : memref<4x80x128xf32, #tpu.memory_space<vmem>> -> memref<1x80x128xf32, #tpu.memory_space<vmem>>
      %dma_wait3A_396 = tpu.memref_squeeze %dma_wait3A_395 : memref<1x80x128xf32, #tpu.memory_space<vmem>> -> memref<80x128xf32, #tpu.memory_space<vmem>>
      %dma_wait3A_397 = arith.constant 0 : i32
      %dma_wait3A_398 = tpu.memref_slice %arg6[%dma_wait3A_390, %dma_wait3A_391, %dma_wait3A_397] : memref<4x2x80xi32, #tpu.memory_space<vmem>> -> memref<1x1x80xi32, #tpu.memory_space<vmem>>
      %dma_wait3A_399 = tpu.memref_squeeze %dma_wait3A_398 : memref<1x1x80xi32, #tpu.memory_space<vmem>> -> memref<80xi32, #tpu.memory_space<vmem>>
      %dma_wait3A_400 = arith.constant 0 : i32
      %dma_wait3A_401 = arith.constant 0 : i32
      %dma_wait3A_402 = tpu.memref_slice %arg2[%arg0, %dma_wait3A_400, %dma_wait3A_401] : memref<2x10240x128xf32, #tpu.memory_space<hbm>> -> memref<1x10240x128xf32, #tpu.memory_space<hbm>>
      %dma_wait3A_403 = tpu.memref_squeeze %dma_wait3A_402 : memref<1x10240x128xf32, #tpu.memory_space<hbm>> -> memref<10240x128xf32, #tpu.memory_space<hbm>>
      %dma_wait3A_404 = arith.constant 0 : i32
      %dma_wait3A_405 = arith.constant 0 : i32
      %dma_wait3A_406 = tpu.memref_slice %dma_wait3A_403[%dma_wait3A_404, %dma_wait3A_405] : memref<10240x128xf32, #tpu.memory_space<hbm>> -> memref<10240x128xf32, #tpu.memory_space<hbm>>
      tpu.wait_indirect_dma semaphore(%arg13 : memref<!tpu.dma_semaphore, #tpu.memory_space<semaphore_mem>>) src(%dma_wait3A_406 : memref<10240x128xf32, #tpu.memory_space<hbm>>) dst(%dma_wait3A_396 : memref<80x128xf32, #tpu.memory_space<vmem>>)
      %dma_start3A_407 = arith.constant 0 : i32
      %dma_start3A_408 = arith.constant 0 : i32
      %dma_start3A_409 = arith.constant 1 : i32
      %dma_start3A_410 = arith.constant 0 : i32
      %dma_start3A_411 = arith.constant 0 : i32
      %dma_start3A_412 = tpu.memref_slice %arg7[%dma_start3A_407, %dma_start3A_410, %dma_start3A_411] : memref<4x80x128xf32, #tpu.memory_space<vmem>> -> memref<1x80x128xf32, #tpu.memory_space<vmem>>
      %dma_start3A_413 = tpu.memref_squeeze %dma_start3A_412 : memref<1x80x128xf32, #tpu.memory_space<vmem>> -> memref<80x128xf32, #tpu.memory_space<vmem>>
      %dma_start3A_414 = arith.constant 0 : i32
      %dma_start3A_415 = tpu.memref_slice %arg6[%dma_start3A_408, %dma_start3A_409, %dma_start3A_414] : memref<4x2x80xi32, #tpu.memory_space<vmem>> -> memref<1x1x80xi32, #tpu.memory_space<vmem>>
      %dma_start3A_416 = tpu.memref_squeeze %dma_start3A_415 : memref<1x1x80xi32, #tpu.memory_space<vmem>> -> memref<80xi32, #tpu.memory_space<vmem>>
      %dma_start3A_417 = arith.constant 0 : i32
      %dma_start3A_418 = arith.constant 0 : i32
      %dma_start3A_419 = tpu.memref_slice %arg8[%dma_start3A_417, %dma_start3A_418] : memref<10240x128xf32, #tpu.memory_space<vmem_shared>> -> memref<10240x128xf32, #tpu.memory_space<vmem_shared>>
      tpu.enqueue_indirect_dma source(%dma_start3A_413 : memref<80x128xf32, #tpu.memory_space<vmem>>) target(%dma_start3A_419 : memref<10240x128xf32, #tpu.memory_space<vmem_shared>>) offsets(%dma_start3A_416 : memref<80xi32, #tpu.memory_space<vmem>>) semaphore(%arg17 : memref<!tpu.dma_semaphore, #tpu.memory_space<semaphore_mem>>) {add = true}
      %dma_wait3A_420 = arith.constant 0 : i32
      %dma_wait3A_421 = arith.constant 0 : i32
      %dma_wait3A_422 = arith.constant 1 : i32
      %dma_wait3A_423 = arith.constant 0 : i32
      %dma_wait3A_424 = arith.constant 0 : i32
      %dma_wait3A_425 = tpu.memref_slice %arg7[%dma_wait3A_422, %dma_wait3A_423, %dma_wait3A_424] : memref<4x80x128xf32, #tpu.memory_space<vmem>> -> memref<1x80x128xf32, #tpu.memory_space<vmem>>
      %dma_wait3A_426 = tpu.memref_squeeze %dma_wait3A_425 : memref<1x80x128xf32, #tpu.memory_space<vmem>> -> memref<80x128xf32, #tpu.memory_space<vmem>>
      %dma_wait3A_427 = arith.constant 0 : i32
      %dma_wait3A_428 = tpu.memref_slice %arg6[%dma_wait3A_420, %dma_wait3A_421, %dma_wait3A_427] : memref<4x2x80xi32, #tpu.memory_space<vmem>> -> memref<1x1x80xi32, #tpu.memory_space<vmem>>
      %dma_wait3A_429 = tpu.memref_squeeze %dma_wait3A_428 : memref<1x1x80xi32, #tpu.memory_space<vmem>> -> memref<80xi32, #tpu.memory_space<vmem>>
      %dma_wait3A_430 = arith.constant 0 : i32
      %dma_wait3A_431 = arith.constant 0 : i32
      %dma_wait3A_432 = tpu.memref_slice %arg2[%arg0, %dma_wait3A_430, %dma_wait3A_431] : memref<2x10240x128xf32, #tpu.memory_space<hbm>> -> memref<1x10240x128xf32, #tpu.memory_space<hbm>>
      %dma_wait3A_433 = tpu.memref_squeeze %dma_wait3A_432 : memref<1x10240x128xf32, #tpu.memory_space<hbm>> -> memref<10240x128xf32, #tpu.memory_space<hbm>>
      %dma_wait3A_434 = arith.constant 0 : i32
      %dma_wait3A_435 = arith.constant 0 : i32
      %dma_wait3A_436 = tpu.memref_slice %dma_wait3A_433[%dma_wait3A_434, %dma_wait3A_435] : memref<10240x128xf32, #tpu.memory_space<hbm>> -> memref<10240x128xf32, #tpu.memory_space<hbm>>
      tpu.wait_indirect_dma semaphore(%arg14 : memref<!tpu.dma_semaphore, #tpu.memory_space<semaphore_mem>>) src(%dma_wait3A_436 : memref<10240x128xf32, #tpu.memory_space<hbm>>) dst(%dma_wait3A_426 : memref<80x128xf32, #tpu.memory_space<vmem>>)
      %dma_start3A_437 = arith.constant 1 : i32
      %dma_start3A_438 = arith.constant 1 : i32
      %dma_start3A_439 = arith.constant 1 : i32
      %dma_start3A_440 = arith.constant 0 : i32
      %dma_start3A_441 = arith.constant 0 : i32
      %dma_start3A_442 = tpu.memref_slice %arg7[%dma_start3A_437, %dma_start3A_440, %dma_start3A_441] : memref<4x80x128xf32, #tpu.memory_space<vmem>> -> memref<1x80x128xf32, #tpu.memory_space<vmem>>
      %dma_start3A_443 = tpu.memref_squeeze %dma_start3A_442 : memref<1x80x128xf32, #tpu.memory_space<vmem>> -> memref<80x128xf32, #tpu.memory_space<vmem>>
      %dma_start3A_444 = arith.constant 0 : i32
      %dma_start3A_445 = tpu.memref_slice %arg6[%dma_start3A_438, %dma_start3A_439, %dma_start3A_444] : memref<4x2x80xi32, #tpu.memory_space<vmem>> -> memref<1x1x80xi32, #tpu.memory_space<vmem>>
      %dma_start3A_446 = tpu.memref_squeeze %dma_start3A_445 : memref<1x1x80xi32, #tpu.memory_space<vmem>> -> memref<80xi32, #tpu.memory_space<vmem>>
      %dma_start3A_447 = arith.constant 0 : i32
      %dma_start3A_448 = arith.constant 0 : i32
      %dma_start3A_449 = tpu.memref_slice %arg8[%dma_start3A_447, %dma_start3A_448] : memref<10240x128xf32, #tpu.memory_space<vmem_shared>> -> memref<10240x128xf32, #tpu.memory_space<vmem_shared>>
      tpu.enqueue_indirect_dma source(%dma_start3A_443 : memref<80x128xf32, #tpu.memory_space<vmem>>) target(%dma_start3A_449 : memref<10240x128xf32, #tpu.memory_space<vmem_shared>>) offsets(%dma_start3A_446 : memref<80xi32, #tpu.memory_space<vmem>>) semaphore(%arg18 : memref<!tpu.dma_semaphore, #tpu.memory_space<semaphore_mem>>) {add = true}
      %dma_wait3A_450 = arith.constant 0 : i32
      %dma_wait3A_451 = arith.constant 0 : i32
      %dma_wait3A_452 = arith.constant 2 : i32
      %dma_wait3A_453 = arith.constant 0 : i32
      %dma_wait3A_454 = arith.constant 0 : i32
      %dma_wait3A_455 = tpu.memref_slice %arg7[%dma_wait3A_452, %dma_wait3A_453, %dma_wait3A_454] : memref<4x80x128xf32, #tpu.memory_space<vmem>> -> memref<1x80x128xf32, #tpu.memory_space<vmem>>
      %dma_wait3A_456 = tpu.memref_squeeze %dma_wait3A_455 : memref<1x80x128xf32, #tpu.memory_space<vmem>> -> memref<80x128xf32, #tpu.memory_space<vmem>>
      %dma_wait3A_457 = arith.constant 0 : i32
      %dma_wait3A_458 = tpu.memref_slice %arg6[%dma_wait3A_450, %dma_wait3A_451, %dma_wait3A_457] : memref<4x2x80xi32, #tpu.memory_space<vmem>> -> memref<1x1x80xi32, #tpu.memory_space<vmem>>
      %dma_wait3A_459 = tpu.memref_squeeze %dma_wait3A_458 : memref<1x1x80xi32, #tpu.memory_space<vmem>> -> memref<80xi32, #tpu.memory_space<vmem>>
      %dma_wait3A_460 = arith.constant 0 : i32
      %dma_wait3A_461 = arith.constant 0 : i32
      %dma_wait3A_462 = tpu.memref_slice %arg2[%arg0, %dma_wait3A_460, %dma_wait3A_461] : memref<2x10240x128xf32, #tpu.memory_space<hbm>> -> memref<1x10240x128xf32, #tpu.memory_space<hbm>>
      %dma_wait3A_463 = tpu.memref_squeeze %dma_wait3A_462 : memref<1x10240x128xf32, #tpu.memory_space<hbm>> -> memref<10240x128xf32, #tpu.memory_space<hbm>>
      %dma_wait3A_464 = arith.constant 0 : i32
      %dma_wait3A_465 = arith.constant 0 : i32
      %dma_wait3A_466 = tpu.memref_slice %dma_wait3A_463[%dma_wait3A_464, %dma_wait3A_465] : memref<10240x128xf32, #tpu.memory_space<hbm>> -> memref<10240x128xf32, #tpu.memory_space<hbm>>
      tpu.wait_indirect_dma semaphore(%arg15 : memref<!tpu.dma_semaphore, #tpu.memory_space<semaphore_mem>>) src(%dma_wait3A_466 : memref<10240x128xf32, #tpu.memory_space<hbm>>) dst(%dma_wait3A_456 : memref<80x128xf32, #tpu.memory_space<vmem>>)
      %dma_start3A_467 = arith.constant 2 : i32
      %dma_start3A_468 = arith.constant 2 : i32
      %dma_start3A_469 = arith.constant 1 : i32
      %dma_start3A_470 = arith.constant 0 : i32
      %dma_start3A_471 = arith.constant 0 : i32
      %dma_start3A_472 = tpu.memref_slice %arg7[%dma_start3A_467, %dma_start3A_470, %dma_start3A_471] : memref<4x80x128xf32, #tpu.memory_space<vmem>> -> memref<1x80x128xf32, #tpu.memory_space<vmem>>
      %dma_start3A_473 = tpu.memref_squeeze %dma_start3A_472 : memref<1x80x128xf32, #tpu.memory_space<vmem>> -> memref<80x128xf32, #tpu.memory_space<vmem>>
      %dma_start3A_474 = arith.constant 0 : i32
      %dma_start3A_475 = tpu.memref_slice %arg6[%dma_start3A_468, %dma_start3A_469, %dma_start3A_474] : memref<4x2x80xi32, #tpu.memory_space<vmem>> -> memref<1x1x80xi32, #tpu.memory_space<vmem>>
      %dma_start3A_476 = tpu.memref_squeeze %dma_start3A_475 : memref<1x1x80xi32, #tpu.memory_space<vmem>> -> memref<80xi32, #tpu.memory_space<vmem>>
      %dma_start3A_477 = arith.constant 0 : i32
      %dma_start3A_478 = arith.constant 0 : i32
      %dma_start3A_479 = tpu.memref_slice %arg8[%dma_start3A_477, %dma_start3A_478] : memref<10240x128xf32, #tpu.memory_space<vmem_shared>> -> memref<10240x128xf32, #tpu.memory_space<vmem_shared>>
      tpu.enqueue_indirect_dma source(%dma_start3A_473 : memref<80x128xf32, #tpu.memory_space<vmem>>) target(%dma_start3A_479 : memref<10240x128xf32, #tpu.memory_space<vmem_shared>>) offsets(%dma_start3A_476 : memref<80xi32, #tpu.memory_space<vmem>>) semaphore(%arg19 : memref<!tpu.dma_semaphore, #tpu.memory_space<semaphore_mem>>) {add = true}
      %dma_wait3A_480 = arith.constant 0 : i32
      %dma_wait3A_481 = arith.constant 0 : i32
      %dma_wait3A_482 = arith.constant 3 : i32
      %dma_wait3A_483 = arith.constant 0 : i32
      %dma_wait3A_484 = arith.constant 0 : i32
      %dma_wait3A_485 = tpu.memref_slice %arg7[%dma_wait3A_482, %dma_wait3A_483, %dma_wait3A_484] : memref<4x80x128xf32, #tpu.memory_space<vmem>> -> memref<1x80x128xf32, #tpu.memory_space<vmem>>
      %dma_wait3A_486 = tpu.memref_squeeze %dma_wait3A_485 : memref<1x80x128xf32, #tpu.memory_space<vmem>> -> memref<80x128xf32, #tpu.memory_space<vmem>>
      %dma_wait3A_487 = arith.constant 0 : i32
      %dma_wait3A_488 = tpu.memref_slice %arg6[%dma_wait3A_480, %dma_wait3A_481, %dma_wait3A_487] : memref<4x2x80xi32, #tpu.memory_space<vmem>> -> memref<1x1x80xi32, #tpu.memory_space<vmem>>
      %dma_wait3A_489 = tpu.memref_squeeze %dma_wait3A_488 : memref<1x1x80xi32, #tpu.memory_space<vmem>> -> memref<80xi32, #tpu.memory_space<vmem>>
      %dma_wait3A_490 = arith.constant 0 : i32
      %dma_wait3A_491 = arith.constant 0 : i32
      %dma_wait3A_492 = tpu.memref_slice %arg2[%arg0, %dma_wait3A_490, %dma_wait3A_491] : memref<2x10240x128xf32, #tpu.memory_space<hbm>> -> memref<1x10240x128xf32, #tpu.memory_space<hbm>>
      %dma_wait3A_493 = tpu.memref_squeeze %dma_wait3A_492 : memref<1x10240x128xf32, #tpu.memory_space<hbm>> -> memref<10240x128xf32, #tpu.memory_space<hbm>>
      %dma_wait3A_494 = arith.constant 0 : i32
      %dma_wait3A_495 = arith.constant 0 : i32
      %dma_wait3A_496 = tpu.memref_slice %dma_wait3A_493[%dma_wait3A_494, %dma_wait3A_495] : memref<10240x128xf32, #tpu.memory_space<hbm>> -> memref<10240x128xf32, #tpu.memory_space<hbm>>
      tpu.wait_indirect_dma semaphore(%arg16 : memref<!tpu.dma_semaphore, #tpu.memory_space<semaphore_mem>>) src(%dma_wait3A_496 : memref<10240x128xf32, #tpu.memory_space<hbm>>) dst(%dma_wait3A_486 : memref<80x128xf32, #tpu.memory_space<vmem>>)
      %dma_start3A_497 = arith.constant 3 : i32
      %dma_start3A_498 = arith.constant 3 : i32
      %dma_start3A_499 = arith.constant 1 : i32
      %dma_start3A_500 = arith.constant 0 : i32
      %dma_start3A_501 = arith.constant 0 : i32
      %dma_start3A_502 = tpu.memref_slice %arg7[%dma_start3A_497, %dma_start3A_500, %dma_start3A_501] : memref<4x80x128xf32, #tpu.memory_space<vmem>> -> memref<1x80x128xf32, #tpu.memory_space<vmem>>
      %dma_start3A_503 = tpu.memref_squeeze %dma_start3A_502 : memref<1x80x128xf32, #tpu.memory_space<vmem>> -> memref<80x128xf32, #tpu.memory_space<vmem>>
      %dma_start3A_504 = arith.constant 0 : i32
      %dma_start3A_505 = tpu.memref_slice %arg6[%dma_start3A_498, %dma_start3A_499, %dma_start3A_504] : memref<4x2x80xi32, #tpu.memory_space<vmem>> -> memref<1x1x80xi32, #tpu.memory_space<vmem>>
      %dma_start3A_506 = tpu.memref_squeeze %dma_start3A_505 : memref<1x1x80xi32, #tpu.memory_space<vmem>> -> memref<80xi32, #tpu.memory_space<vmem>>
      %dma_start3A_507 = arith.constant 0 : i32
      %dma_start3A_508 = arith.constant 0 : i32
      %dma_start3A_509 = tpu.memref_slice %arg8[%dma_start3A_507, %dma_start3A_508] : memref<10240x128xf32, #tpu.memory_space<vmem_shared>> -> memref<10240x128xf32, #tpu.memory_space<vmem_shared>>
      tpu.enqueue_indirect_dma source(%dma_start3A_503 : memref<80x128xf32, #tpu.memory_space<vmem>>) target(%dma_start3A_509 : memref<10240x128xf32, #tpu.memory_space<vmem_shared>>) offsets(%dma_start3A_506 : memref<80xi32, #tpu.memory_space<vmem>>) semaphore(%arg20 : memref<!tpu.dma_semaphore, #tpu.memory_space<semaphore_mem>>) {add = true}
      %dma_wait3A_510 = arith.constant 0 : i32
      %dma_wait3A_511 = arith.constant 0 : i32
      %dma_wait3A_512 = arith.constant 1 : i32
      %dma_wait3A_513 = arith.constant 0 : i32
      %dma_wait3A_514 = arith.constant 0 : i32
      %dma_wait3A_515 = tpu.memref_slice %arg7[%dma_wait3A_510, %dma_wait3A_513, %dma_wait3A_514] : memref<4x80x128xf32, #tpu.memory_space<vmem>> -> memref<1x80x128xf32, #tpu.memory_space<vmem>>
      %dma_wait3A_516 = tpu.memref_squeeze %dma_wait3A_515 : memref<1x80x128xf32, #tpu.memory_space<vmem>> -> memref<80x128xf32, #tpu.memory_space<vmem>>
      %dma_wait3A_517 = arith.constant 0 : i32
      %dma_wait3A_518 = tpu.memref_slice %arg6[%dma_wait3A_511, %dma_wait3A_512, %dma_wait3A_517] : memref<4x2x80xi32, #tpu.memory_space<vmem>> -> memref<1x1x80xi32, #tpu.memory_space<vmem>>
      %dma_wait3A_519 = tpu.memref_squeeze %dma_wait3A_518 : memref<1x1x80xi32, #tpu.memory_space<vmem>> -> memref<80xi32, #tpu.memory_space<vmem>>
      %dma_wait3A_520 = arith.constant 0 : i32
      %dma_wait3A_521 = arith.constant 0 : i32
      %dma_wait3A_522 = tpu.memref_slice %arg8[%dma_wait3A_520, %dma_wait3A_521] : memref<10240x128xf32, #tpu.memory_space<vmem_shared>> -> memref<10240x128xf32, #tpu.memory_space<vmem_shared>>
      tpu.wait_indirect_dma semaphore(%arg17 : memref<!tpu.dma_semaphore, #tpu.memory_space<semaphore_mem>>) src(%dma_wait3A_516 : memref<80x128xf32, #tpu.memory_space<vmem>>) dst(%dma_wait3A_522 : memref<10240x128xf32, #tpu.memory_space<vmem_shared>>)
      %add3A = arith.constant 4 : i32
      %add3A_523 = arith.addi %mul3A_389, %add3A : i32
      %add3A_524 = arith.constant 0 : i32
      %add3A_525 = arith.addi %add3A_523, %add3A_524 : i32
      %lt3A = arith.constant 250 : i32
      %lt3A_526 = arith.cmpi slt, %add3A_525, %lt3A : i32
      %convert_element_type3A = arith.extui %lt3A_526 : i1 to i32
      %cond3A = arith.constant 0 : i32
      %cond3A_527 = arith.cmpi ne, %convert_element_type3A, %cond3A : i32
      scf.if %cond3A_527 {
        %dma_start3A_594 = arith.constant 0 : i32
        %dma_start3A_595 = arith.constant 0 : i32
        %dma_start3A_596 = arith.constant 0 : i32
        %dma_start3A_597 = tpu.memref_slice %arg6[%dma_start3A_594, %dma_start3A_595, %dma_start3A_596] : memref<4x2x80xi32, #tpu.memory_space<vmem>> -> memref<1x2x80xi32, #tpu.memory_space<vmem>>
        %dma_start3A_598 = tpu.memref_squeeze %dma_start3A_597 : memref<1x2x80xi32, #tpu.memory_space<vmem>> -> memref<2x80xi32, #tpu.memory_space<vmem>>
        %dma_start3A_599 = arith.constant 0 : i32
        %dma_start3A_600 = arith.constant 0 : i32
        %dma_start3A_601 = arith.constant 0 : i32
        %dma_start3A_602 = tpu.memref_slice %arg3[%arg1, %dma_start3A_599, %dma_start3A_600, %dma_start3A_601] : memref<16x250x2x80xi32, #tpu.memory_space<hbm>> -> memref<1x250x2x80xi32, #tpu.memory_space<hbm>>
        %dma_start3A_603 = tpu.memref_squeeze %dma_start3A_602 : memref<1x250x2x80xi32, #tpu.memory_space<hbm>> -> memref<250x2x80xi32, #tpu.memory_space<hbm>>
        %dma_start3A_604 = arith.constant 0 : i32
        %dma_start3A_605 = arith.constant 0 : i32
        %dma_start3A_606 = tpu.memref_slice %dma_start3A_603[%add3A_525, %dma_start3A_604, %dma_start3A_605] : memref<250x2x80xi32, #tpu.memory_space<hbm>> -> memref<1x2x80xi32, #tpu.memory_space<hbm>>
        %dma_start3A_607 = tpu.memref_squeeze %dma_start3A_606 : memref<1x2x80xi32, #tpu.memory_space<hbm>> -> memref<2x80xi32, #tpu.memory_space<hbm>>
        %dma_start3A_608 = arith.constant 0 : i32
        %dma_start3A_609 = arith.constant 0 : i32
        %dma_start3A_610 = tpu.memref_slice %arg6[%dma_start3A_594, %dma_start3A_608, %dma_start3A_609] : memref<4x2x80xi32, #tpu.memory_space<vmem>> -> memref<1x2x80xi32, #tpu.memory_space<vmem>>
        %dma_start3A_611 = tpu.memref_squeeze %dma_start3A_610 : memref<1x2x80xi32, #tpu.memory_space<vmem>> -> memref<2x80xi32, #tpu.memory_space<vmem>>
        %dma_start3A_612 = arith.constant 0 : i32
        %dma_start3A_613 = arith.constant 0 : i32
        %dma_start3A_614 = arith.constant 0 : i32
        %dma_start3A_615 = tpu.memref_slice %arg3[%arg1, %dma_start3A_612, %dma_start3A_613, %dma_start3A_614] : memref<16x250x2x80xi32, #tpu.memory_space<hbm>> -> memref<1x250x2x80xi32, #tpu.memory_space<hbm>>
        %dma_start3A_616 = tpu.memref_squeeze %dma_start3A_615 : memref<1x250x2x80xi32, #tpu.memory_space<hbm>> -> memref<250x2x80xi32, #tpu.memory_space<hbm>>
        %dma_start3A_617 = arith.constant 0 : i32
        %dma_start3A_618 = arith.constant 0 : i32
        %dma_start3A_619 = tpu.memref_slice %dma_start3A_616[%add3A_525, %dma_start3A_617, %dma_start3A_618] : memref<250x2x80xi32, #tpu.memory_space<hbm>> -> memref<1x2x80xi32, #tpu.memory_space<hbm>>
        %dma_start3A_620 = tpu.memref_squeeze %dma_start3A_619 : memref<1x2x80xi32, #tpu.memory_space<hbm>> -> memref<2x80xi32, #tpu.memory_space<hbm>>
        tpu.enqueue_dma source(%dma_start3A_620 : memref<2x80xi32, #tpu.memory_space<hbm>>) target(%dma_start3A_611 : memref<2x80xi32, #tpu.memory_space<vmem>>) target_semaphore(%arg9 : memref<!tpu.dma_semaphore, #tpu.memory_space<semaphore_mem>>)
        %dma_wait3A_621 = arith.constant 0 : i32
        %dma_wait3A_622 = arith.constant 0 : i32
        %dma_wait3A_623 = arith.constant 0 : i32
        %dma_wait3A_624 = arith.constant 0 : i32
        %dma_wait3A_625 = tpu.memref_slice %arg6[%dma_wait3A_622, %dma_wait3A_623, %dma_wait3A_624] : memref<4x2x80xi32, #tpu.memory_space<vmem>> -> memref<1x2x80xi32, #tpu.memory_space<vmem>>
        %dma_wait3A_626 = tpu.memref_squeeze %dma_wait3A_625 : memref<1x2x80xi32, #tpu.memory_space<vmem>> -> memref<2x80xi32, #tpu.memory_space<vmem>>
        %dma_wait3A_627 = arith.constant 0 : i32
        %dma_wait3A_628 = arith.constant 0 : i32
        %dma_wait3A_629 = arith.constant 0 : i32
        %dma_wait3A_630 = tpu.memref_slice %arg3[%arg1, %dma_wait3A_627, %dma_wait3A_628, %dma_wait3A_629] : memref<16x250x2x80xi32, #tpu.memory_space<hbm>> -> memref<1x250x2x80xi32, #tpu.memory_space<hbm>>
        %dma_wait3A_631 = tpu.memref_squeeze %dma_wait3A_630 : memref<1x250x2x80xi32, #tpu.memory_space<hbm>> -> memref<250x2x80xi32, #tpu.memory_space<hbm>>
        %dma_wait3A_632 = arith.constant 0 : i32
        %dma_wait3A_633 = arith.constant 0 : i32
        %dma_wait3A_634 = tpu.memref_slice %dma_wait3A_631[%dma_wait3A_621, %dma_wait3A_632, %dma_wait3A_633] : memref<250x2x80xi32, #tpu.memory_space<hbm>> -> memref<1x2x80xi32, #tpu.memory_space<hbm>>
        %dma_wait3A_635 = tpu.memref_squeeze %dma_wait3A_634 : memref<1x2x80xi32, #tpu.memory_space<hbm>> -> memref<2x80xi32, #tpu.memory_space<hbm>>
        %dma_wait3A_636 = arith.constant 0 : i32
        %dma_wait3A_637 = arith.constant 0 : i32
        %dma_wait3A_638 = tpu.memref_slice %arg6[%dma_wait3A_622, %dma_wait3A_636, %dma_wait3A_637] : memref<4x2x80xi32, #tpu.memory_space<vmem>> -> memref<1x2x80xi32, #tpu.memory_space<vmem>>
        %dma_wait3A_639 = tpu.memref_squeeze %dma_wait3A_638 : memref<1x2x80xi32, #tpu.memory_space<vmem>> -> memref<2x80xi32, #tpu.memory_space<vmem>>
        %dma_wait3A_640 = arith.constant 0 : i32
        %dma_wait3A_641 = arith.constant 0 : i32
        %dma_wait3A_642 = arith.constant 0 : i32
        %dma_wait3A_643 = tpu.memref_slice %arg3[%arg1, %dma_wait3A_640, %dma_wait3A_641, %dma_wait3A_642] : memref<16x250x2x80xi32, #tpu.memory_space<hbm>> -> memref<1x250x2x80xi32, #tpu.memory_space<hbm>>
        %dma_wait3A_644 = tpu.memref_squeeze %dma_wait3A_643 : memref<1x250x2x80xi32, #tpu.memory_space<hbm>> -> memref<250x2x80xi32, #tpu.memory_space<hbm>>
        %dma_wait3A_645 = arith.constant 0 : i32
        %dma_wait3A_646 = arith.constant 0 : i32
        %dma_wait3A_647 = tpu.memref_slice %dma_wait3A_644[%dma_wait3A_621, %dma_wait3A_645, %dma_wait3A_646] : memref<250x2x80xi32, #tpu.memory_space<hbm>> -> memref<1x2x80xi32, #tpu.memory_space<hbm>>
        %dma_wait3A_648 = tpu.memref_squeeze %dma_wait3A_647 : memref<1x2x80xi32, #tpu.memory_space<hbm>> -> memref<2x80xi32, #tpu.memory_space<hbm>>
        tpu.wait_dma2 semaphore(%arg9 : memref<!tpu.dma_semaphore, #tpu.memory_space<semaphore_mem>>) src(%dma_wait3A_648 : memref<2x80xi32, #tpu.memory_space<hbm>>) dst(%dma_wait3A_639 : memref<2x80xi32, #tpu.memory_space<vmem>>)
        %dma_start3A_649 = arith.constant 0 : i32
        %dma_start3A_650 = arith.constant 0 : i32
        %dma_start3A_651 = arith.constant 0 : i32
        %dma_start3A_652 = arith.constant 0 : i32
        %dma_start3A_653 = arith.constant 0 : i32
        %dma_start3A_654 = tpu.memref_slice %arg7[%dma_start3A_651, %dma_start3A_652, %dma_start3A_653] : memref<4x80x128xf32, #tpu.memory_space<vmem>> -> memref<1x80x128xf32, #tpu.memory_space<vmem>>
        %dma_start3A_655 = tpu.memref_squeeze %dma_start3A_654 : memref<1x80x128xf32, #tpu.memory_space<vmem>> -> memref<80x128xf32, #tpu.memory_space<vmem>>
        %dma_start3A_656 = arith.constant 0 : i32
        %dma_start3A_657 = tpu.memref_slice %arg6[%dma_start3A_649, %dma_start3A_650, %dma_start3A_656] : memref<4x2x80xi32, #tpu.memory_space<vmem>> -> memref<1x1x80xi32, #tpu.memory_space<vmem>>
        %dma_start3A_658 = tpu.memref_squeeze %dma_start3A_657 : memref<1x1x80xi32, #tpu.memory_space<vmem>> -> memref<80xi32, #tpu.memory_space<vmem>>
        %dma_start3A_659 = arith.constant 0 : i32
        %dma_start3A_660 = arith.constant 0 : i32
        %dma_start3A_661 = tpu.memref_slice %arg2[%arg0, %dma_start3A_659, %dma_start3A_660] : memref<2x10240x128xf32, #tpu.memory_space<hbm>> -> memref<1x10240x128xf32, #tpu.memory_space<hbm>>
        %dma_start3A_662 = tpu.memref_squeeze %dma_start3A_661 : memref<1x10240x128xf32, #tpu.memory_space<hbm>> -> memref<10240x128xf32, #tpu.memory_space<hbm>>
        %dma_start3A_663 = arith.constant 0 : i32
        %dma_start3A_664 = arith.constant 0 : i32
        %dma_start3A_665 = tpu.memref_slice %dma_start3A_662[%dma_start3A_663, %dma_start3A_664] : memref<10240x128xf32, #tpu.memory_space<hbm>> -> memref<10240x128xf32, #tpu.memory_space<hbm>>
        tpu.enqueue_indirect_dma source(%dma_start3A_665 : memref<10240x128xf32, #tpu.memory_space<hbm>>) target(%dma_start3A_655 : memref<80x128xf32, #tpu.memory_space<vmem>>) offsets(%dma_start3A_658 : memref<80xi32, #tpu.memory_space<vmem>>) semaphore(%arg13 : memref<!tpu.dma_semaphore, #tpu.memory_space<semaphore_mem>>)
      } else {
      }
      %dma_wait3A_528 = arith.constant 1 : i32
      %dma_wait3A_529 = arith.constant 0 : i32
      %dma_wait3A_530 = arith.constant 1 : i32
      %dma_wait3A_531 = arith.constant 0 : i32
      %dma_wait3A_532 = arith.constant 0 : i32
      %dma_wait3A_533 = tpu.memref_slice %arg7[%dma_wait3A_528, %dma_wait3A_531, %dma_wait3A_532] : memref<4x80x128xf32, #tpu.memory_space<vmem>> -> memref<1x80x128xf32, #tpu.memory_space<vmem>>
      %dma_wait3A_534 = tpu.memref_squeeze %dma_wait3A_533 : memref<1x80x128xf32, #tpu.memory_space<vmem>> -> memref<80x128xf32, #tpu.memory_space<vmem>>
      %dma_wait3A_535 = arith.constant 0 : i32
      %dma_wait3A_536 = tpu.memref_slice %arg6[%dma_wait3A_529, %dma_wait3A_530, %dma_wait3A_535] : memref<4x2x80xi32, #tpu.memory_space<vmem>> -> memref<1x1x80xi32, #tpu.memory_space<vmem>>
      %dma_wait3A_537 = tpu.memref_squeeze %dma_wait3A_536 : memref<1x1x80xi32, #tpu.memory_space<vmem>> -> memref<80xi32, #tpu.memory_space<vmem>>
      %dma_wait3A_538 = arith.constant 0 : i32
      %dma_wait3A_539 = arith.constant 0 : i32
      %dma_wait3A_540 = tpu.memref_slice %arg8[%dma_wait3A_538, %dma_wait3A_539] : memref<10240x128xf32, #tpu.memory_space<vmem_shared>> -> memref<10240x128xf32, #tpu.memory_space<vmem_shared>>
      tpu.wait_indirect_dma semaphore(%arg18 : memref<!tpu.dma_semaphore, #tpu.memory_space<semaphore_mem>>) src(%dma_wait3A_534 : memref<80x128xf32, #tpu.memory_space<vmem>>) dst(%dma_wait3A_540 : memref<10240x128xf32, #tpu.memory_space<vmem_shared>>)
      %add3A_541 = arith.constant 4 : i32
      %add3A_542 = arith.addi %mul3A_389, %add3A_541 : i32
      %add3A_543 = arith.constant 1 : i32
      %add3A_544 = arith.addi %add3A_542, %add3A_543 : i32
      %lt3A_545 = arith.constant 250 : i32
      %lt3A_546 = arith.cmpi slt, %add3A_544, %lt3A_545 : i32
      %convert_element_type3A_547 = arith.extui %lt3A_546 : i1 to i32
      %cond3A_548 = arith.constant 0 : i32
      %cond3A_549 = arith.cmpi ne, %convert_element_type3A_547, %cond3A_548 : i32
      scf.if %cond3A_549 {
        %dma_start3A_594 = arith.constant 1 : i32
        %dma_start3A_595 = arith.constant 0 : i32
        %dma_start3A_596 = arith.constant 0 : i32
        %dma_start3A_597 = tpu.memref_slice %arg6[%dma_start3A_594, %dma_start3A_595, %dma_start3A_596] : memref<4x2x80xi32, #tpu.memory_space<vmem>> -> memref<1x2x80xi32, #tpu.memory_space<vmem>>
        %dma_start3A_598 = tpu.memref_squeeze %dma_start3A_597 : memref<1x2x80xi32, #tpu.memory_space<vmem>> -> memref<2x80xi32, #tpu.memory_space<vmem>>
        %dma_start3A_599 = arith.constant 0 : i32
        %dma_start3A_600 = arith.constant 0 : i32
        %dma_start3A_601 = arith.constant 0 : i32
        %dma_start3A_602 = tpu.memref_slice %arg3[%arg1, %dma_start3A_599, %dma_start3A_600, %dma_start3A_601] : memref<16x250x2x80xi32, #tpu.memory_space<hbm>> -> memref<1x250x2x80xi32, #tpu.memory_space<hbm>>
        %dma_start3A_603 = tpu.memref_squeeze %dma_start3A_602 : memref<1x250x2x80xi32, #tpu.memory_space<hbm>> -> memref<250x2x80xi32, #tpu.memory_space<hbm>>
        %dma_start3A_604 = arith.constant 0 : i32
        %dma_start3A_605 = arith.constant 0 : i32
        %dma_start3A_606 = tpu.memref_slice %dma_start3A_603[%add3A_544, %dma_start3A_604, %dma_start3A_605] : memref<250x2x80xi32, #tpu.memory_space<hbm>> -> memref<1x2x80xi32, #tpu.memory_space<hbm>>
        %dma_start3A_607 = tpu.memref_squeeze %dma_start3A_606 : memref<1x2x80xi32, #tpu.memory_space<hbm>> -> memref<2x80xi32, #tpu.memory_space<hbm>>
        %dma_start3A_608 = arith.constant 0 : i32
        %dma_start3A_609 = arith.constant 0 : i32
        %dma_start3A_610 = tpu.memref_slice %arg6[%dma_start3A_594, %dma_start3A_608, %dma_start3A_609] : memref<4x2x80xi32, #tpu.memory_space<vmem>> -> memref<1x2x80xi32, #tpu.memory_space<vmem>>
        %dma_start3A_611 = tpu.memref_squeeze %dma_start3A_610 : memref<1x2x80xi32, #tpu.memory_space<vmem>> -> memref<2x80xi32, #tpu.memory_space<vmem>>
        %dma_start3A_612 = arith.constant 0 : i32
        %dma_start3A_613 = arith.constant 0 : i32
        %dma_start3A_614 = arith.constant 0 : i32
        %dma_start3A_615 = tpu.memref_slice %arg3[%arg1, %dma_start3A_612, %dma_start3A_613, %dma_start3A_614] : memref<16x250x2x80xi32, #tpu.memory_space<hbm>> -> memref<1x250x2x80xi32, #tpu.memory_space<hbm>>
        %dma_start3A_616 = tpu.memref_squeeze %dma_start3A_615 : memref<1x250x2x80xi32, #tpu.memory_space<hbm>> -> memref<250x2x80xi32, #tpu.memory_space<hbm>>
        %dma_start3A_617 = arith.constant 0 : i32
        %dma_start3A_618 = arith.constant 0 : i32
        %dma_start3A_619 = tpu.memref_slice %dma_start3A_616[%add3A_544, %dma_start3A_617, %dma_start3A_618] : memref<250x2x80xi32, #tpu.memory_space<hbm>> -> memref<1x2x80xi32, #tpu.memory_space<hbm>>
        %dma_start3A_620 = tpu.memref_squeeze %dma_start3A_619 : memref<1x2x80xi32, #tpu.memory_space<hbm>> -> memref<2x80xi32, #tpu.memory_space<hbm>>
        tpu.enqueue_dma source(%dma_start3A_620 : memref<2x80xi32, #tpu.memory_space<hbm>>) target(%dma_start3A_611 : memref<2x80xi32, #tpu.memory_space<vmem>>) target_semaphore(%arg10 : memref<!tpu.dma_semaphore, #tpu.memory_space<semaphore_mem>>)
        %dma_wait3A_621 = arith.constant 0 : i32
        %dma_wait3A_622 = arith.constant 1 : i32
        %dma_wait3A_623 = arith.constant 0 : i32
        %dma_wait3A_624 = arith.constant 0 : i32
        %dma_wait3A_625 = tpu.memref_slice %arg6[%dma_wait3A_622, %dma_wait3A_623, %dma_wait3A_624] : memref<4x2x80xi32, #tpu.memory_space<vmem>> -> memref<1x2x80xi32, #tpu.memory_space<vmem>>
        %dma_wait3A_626 = tpu.memref_squeeze %dma_wait3A_625 : memref<1x2x80xi32, #tpu.memory_space<vmem>> -> memref<2x80xi32, #tpu.memory_space<vmem>>
        %dma_wait3A_627 = arith.constant 0 : i32
        %dma_wait3A_628 = arith.constant 0 : i32
        %dma_wait3A_629 = arith.constant 0 : i32
        %dma_wait3A_630 = tpu.memref_slice %arg3[%arg1, %dma_wait3A_627, %dma_wait3A_628, %dma_wait3A_629] : memref<16x250x2x80xi32, #tpu.memory_space<hbm>> -> memref<1x250x2x80xi32, #tpu.memory_space<hbm>>
        %dma_wait3A_631 = tpu.memref_squeeze %dma_wait3A_630 : memref<1x250x2x80xi32, #tpu.memory_space<hbm>> -> memref<250x2x80xi32, #tpu.memory_space<hbm>>
        %dma_wait3A_632 = arith.constant 0 : i32
        %dma_wait3A_633 = arith.constant 0 : i32
        %dma_wait3A_634 = tpu.memref_slice %dma_wait3A_631[%dma_wait3A_621, %dma_wait3A_632, %dma_wait3A_633] : memref<250x2x80xi32, #tpu.memory_space<hbm>> -> memref<1x2x80xi32, #tpu.memory_space<hbm>>
        %dma_wait3A_635 = tpu.memref_squeeze %dma_wait3A_634 : memref<1x2x80xi32, #tpu.memory_space<hbm>> -> memref<2x80xi32, #tpu.memory_space<hbm>>
        %dma_wait3A_636 = arith.constant 0 : i32
        %dma_wait3A_637 = arith.constant 0 : i32
        %dma_wait3A_638 = tpu.memref_slice %arg6[%dma_wait3A_622, %dma_wait3A_636, %dma_wait3A_637] : memref<4x2x80xi32, #tpu.memory_space<vmem>> -> memref<1x2x80xi32, #tpu.memory_space<vmem>>
        %dma_wait3A_639 = tpu.memref_squeeze %dma_wait3A_638 : memref<1x2x80xi32, #tpu.memory_space<vmem>> -> memref<2x80xi32, #tpu.memory_space<vmem>>
        %dma_wait3A_640 = arith.constant 0 : i32
        %dma_wait3A_641 = arith.constant 0 : i32
        %dma_wait3A_642 = arith.constant 0 : i32
        %dma_wait3A_643 = tpu.memref_slice %arg3[%arg1, %dma_wait3A_640, %dma_wait3A_641, %dma_wait3A_642] : memref<16x250x2x80xi32, #tpu.memory_space<hbm>> -> memref<1x250x2x80xi32, #tpu.memory_space<hbm>>
        %dma_wait3A_644 = tpu.memref_squeeze %dma_wait3A_643 : memref<1x250x2x80xi32, #tpu.memory_space<hbm>> -> memref<250x2x80xi32, #tpu.memory_space<hbm>>
        %dma_wait3A_645 = arith.constant 0 : i32
        %dma_wait3A_646 = arith.constant 0 : i32
        %dma_wait3A_647 = tpu.memref_slice %dma_wait3A_644[%dma_wait3A_621, %dma_wait3A_645, %dma_wait3A_646] : memref<250x2x80xi32, #tpu.memory_space<hbm>> -> memref<1x2x80xi32, #tpu.memory_space<hbm>>
        %dma_wait3A_648 = tpu.memref_squeeze %dma_wait3A_647 : memref<1x2x80xi32, #tpu.memory_space<hbm>> -> memref<2x80xi32, #tpu.memory_space<hbm>>
        tpu.wait_dma2 semaphore(%arg10 : memref<!tpu.dma_semaphore, #tpu.memory_space<semaphore_mem>>) src(%dma_wait3A_648 : memref<2x80xi32, #tpu.memory_space<hbm>>) dst(%dma_wait3A_639 : memref<2x80xi32, #tpu.memory_space<vmem>>)
        %dma_start3A_649 = arith.constant 1 : i32
        %dma_start3A_650 = arith.constant 0 : i32
        %dma_start3A_651 = arith.constant 1 : i32
        %dma_start3A_652 = arith.constant 0 : i32
        %dma_start3A_653 = arith.constant 0 : i32
        %dma_start3A_654 = tpu.memref_slice %arg7[%dma_start3A_651, %dma_start3A_652, %dma_start3A_653] : memref<4x80x128xf32, #tpu.memory_space<vmem>> -> memref<1x80x128xf32, #tpu.memory_space<vmem>>
        %dma_start3A_655 = tpu.memref_squeeze %dma_start3A_654 : memref<1x80x128xf32, #tpu.memory_space<vmem>> -> memref<80x128xf32, #tpu.memory_space<vmem>>
        %dma_start3A_656 = arith.constant 0 : i32
        %dma_start3A_657 = tpu.memref_slice %arg6[%dma_start3A_649, %dma_start3A_650, %dma_start3A_656] : memref<4x2x80xi32, #tpu.memory_space<vmem>> -> memref<1x1x80xi32, #tpu.memory_space<vmem>>
        %dma_start3A_658 = tpu.memref_squeeze %dma_start3A_657 : memref<1x1x80xi32, #tpu.memory_space<vmem>> -> memref<80xi32, #tpu.memory_space<vmem>>
        %dma_start3A_659 = arith.constant 0 : i32
        %dma_start3A_660 = arith.constant 0 : i32
        %dma_start3A_661 = tpu.memref_slice %arg2[%arg0, %dma_start3A_659, %dma_start3A_660] : memref<2x10240x128xf32, #tpu.memory_space<hbm>> -> memref<1x10240x128xf32, #tpu.memory_space<hbm>>
        %dma_start3A_662 = tpu.memref_squeeze %dma_start3A_661 : memref<1x10240x128xf32, #tpu.memory_space<hbm>> -> memref<10240x128xf32, #tpu.memory_space<hbm>>
        %dma_start3A_663 = arith.constant 0 : i32
        %dma_start3A_664 = arith.constant 0 : i32
        %dma_start3A_665 = tpu.memref_slice %dma_start3A_662[%dma_start3A_663, %dma_start3A_664] : memref<10240x128xf32, #tpu.memory_space<hbm>> -> memref<10240x128xf32, #tpu.memory_space<hbm>>
        tpu.enqueue_indirect_dma source(%dma_start3A_665 : memref<10240x128xf32, #tpu.memory_space<hbm>>) target(%dma_start3A_655 : memref<80x128xf32, #tpu.memory_space<vmem>>) offsets(%dma_start3A_658 : memref<80xi32, #tpu.memory_space<vmem>>) semaphore(%arg14 : memref<!tpu.dma_semaphore, #tpu.memory_space<semaphore_mem>>)
      } else {
      }
      %dma_wait3A_550 = arith.constant 2 : i32
      %dma_wait3A_551 = arith.constant 0 : i32
      %dma_wait3A_552 = arith.constant 1 : i32
      %dma_wait3A_553 = arith.constant 0 : i32
      %dma_wait3A_554 = arith.constant 0 : i32
      %dma_wait3A_555 = tpu.memref_slice %arg7[%dma_wait3A_550, %dma_wait3A_553, %dma_wait3A_554] : memref<4x80x128xf32, #tpu.memory_space<vmem>> -> memref<1x80x128xf32, #tpu.memory_space<vmem>>
      %dma_wait3A_556 = tpu.memref_squeeze %dma_wait3A_555 : memref<1x80x128xf32, #tpu.memory_space<vmem>> -> memref<80x128xf32, #tpu.memory_space<vmem>>
      %dma_wait3A_557 = arith.constant 0 : i32
      %dma_wait3A_558 = tpu.memref_slice %arg6[%dma_wait3A_551, %dma_wait3A_552, %dma_wait3A_557] : memref<4x2x80xi32, #tpu.memory_space<vmem>> -> memref<1x1x80xi32, #tpu.memory_space<vmem>>
      %dma_wait3A_559 = tpu.memref_squeeze %dma_wait3A_558 : memref<1x1x80xi32, #tpu.memory_space<vmem>> -> memref<80xi32, #tpu.memory_space<vmem>>
      %dma_wait3A_560 = arith.constant 0 : i32
      %dma_wait3A_561 = arith.constant 0 : i32
      %dma_wait3A_562 = tpu.memref_slice %arg8[%dma_wait3A_560, %dma_wait3A_561] : memref<10240x128xf32, #tpu.memory_space<vmem_shared>> -> memref<10240x128xf32, #tpu.memory_space<vmem_shared>>
      tpu.wait_indirect_dma semaphore(%arg19 : memref<!tpu.dma_semaphore, #tpu.memory_space<semaphore_mem>>) src(%dma_wait3A_556 : memref<80x128xf32, #tpu.memory_space<vmem>>) dst(%dma_wait3A_562 : memref<10240x128xf32, #tpu.memory_space<vmem_shared>>)
      %add3A_563 = arith.constant 4 : i32
      %add3A_564 = arith.addi %mul3A_389, %add3A_563 : i32
      %add3A_565 = arith.constant 2 : i32
      %add3A_566 = arith.addi %add3A_564, %add3A_565 : i32
      %lt3A_567 = arith.constant 250 : i32
      %lt3A_568 = arith.cmpi slt, %add3A_566, %lt3A_567 : i32
      %convert_element_type3A_569 = arith.extui %lt3A_568 : i1 to i32
      %cond3A_570 = arith.constant 0 : i32
      %cond3A_571 = arith.cmpi ne, %convert_element_type3A_569, %cond3A_570 : i32
      scf.if %cond3A_571 {
        %dma_start3A_594 = arith.constant 2 : i32
        %dma_start3A_595 = arith.constant 0 : i32
        %dma_start3A_596 = arith.constant 0 : i32
        %dma_start3A_597 = tpu.memref_slice %arg6[%dma_start3A_594, %dma_start3A_595, %dma_start3A_596] : memref<4x2x80xi32, #tpu.memory_space<vmem>> -> memref<1x2x80xi32, #tpu.memory_space<vmem>>
        %dma_start3A_598 = tpu.memref_squeeze %dma_start3A_597 : memref<1x2x80xi32, #tpu.memory_space<vmem>> -> memref<2x80xi32, #tpu.memory_space<vmem>>
        %dma_start3A_599 = arith.constant 0 : i32
        %dma_start3A_600 = arith.constant 0 : i32
        %dma_start3A_601 = arith.constant 0 : i32
        %dma_start3A_602 = tpu.memref_slice %arg3[%arg1, %dma_start3A_599, %dma_start3A_600, %dma_start3A_601] : memref<16x250x2x80xi32, #tpu.memory_space<hbm>> -> memref<1x250x2x80xi32, #tpu.memory_space<hbm>>
        %dma_start3A_603 = tpu.memref_squeeze %dma_start3A_602 : memref<1x250x2x80xi32, #tpu.memory_space<hbm>> -> memref<250x2x80xi32, #tpu.memory_space<hbm>>
        %dma_start3A_604 = arith.constant 0 : i32
        %dma_start3A_605 = arith.constant 0 : i32
        %dma_start3A_606 = tpu.memref_slice %dma_start3A_603[%add3A_566, %dma_start3A_604, %dma_start3A_605] : memref<250x2x80xi32, #tpu.memory_space<hbm>> -> memref<1x2x80xi32, #tpu.memory_space<hbm>>
        %dma_start3A_607 = tpu.memref_squeeze %dma_start3A_606 : memref<1x2x80xi32, #tpu.memory_space<hbm>> -> memref<2x80xi32, #tpu.memory_space<hbm>>
        %dma_start3A_608 = arith.constant 0 : i32
        %dma_start3A_609 = arith.constant 0 : i32
        %dma_start3A_610 = tpu.memref_slice %arg6[%dma_start3A_594, %dma_start3A_608, %dma_start3A_609] : memref<4x2x80xi32, #tpu.memory_space<vmem>> -> memref<1x2x80xi32, #tpu.memory_space<vmem>>
        %dma_start3A_611 = tpu.memref_squeeze %dma_start3A_610 : memref<1x2x80xi32, #tpu.memory_space<vmem>> -> memref<2x80xi32, #tpu.memory_space<vmem>>
        %dma_start3A_612 = arith.constant 0 : i32
        %dma_start3A_613 = arith.constant 0 : i32
        %dma_start3A_614 = arith.constant 0 : i32
        %dma_start3A_615 = tpu.memref_slice %arg3[%arg1, %dma_start3A_612, %dma_start3A_613, %dma_start3A_614] : memref<16x250x2x80xi32, #tpu.memory_space<hbm>> -> memref<1x250x2x80xi32, #tpu.memory_space<hbm>>
        %dma_start3A_616 = tpu.memref_squeeze %dma_start3A_615 : memref<1x250x2x80xi32, #tpu.memory_space<hbm>> -> memref<250x2x80xi32, #tpu.memory_space<hbm>>
        %dma_start3A_617 = arith.constant 0 : i32
        %dma_start3A_618 = arith.constant 0 : i32
        %dma_start3A_619 = tpu.memref_slice %dma_start3A_616[%add3A_566, %dma_start3A_617, %dma_start3A_618] : memref<250x2x80xi32, #tpu.memory_space<hbm>> -> memref<1x2x80xi32, #tpu.memory_space<hbm>>
        %dma_start3A_620 = tpu.memref_squeeze %dma_start3A_619 : memref<1x2x80xi32, #tpu.memory_space<hbm>> -> memref<2x80xi32, #tpu.memory_space<hbm>>
        tpu.enqueue_dma source(%dma_start3A_620 : memref<2x80xi32, #tpu.memory_space<hbm>>) target(%dma_start3A_611 : memref<2x80xi32, #tpu.memory_space<vmem>>) target_semaphore(%arg11 : memref<!tpu.dma_semaphore, #tpu.memory_space<semaphore_mem>>)
        %dma_wait3A_621 = arith.constant 0 : i32
        %dma_wait3A_622 = arith.constant 2 : i32
        %dma_wait3A_623 = arith.constant 0 : i32
        %dma_wait3A_624 = arith.constant 0 : i32
        %dma_wait3A_625 = tpu.memref_slice %arg6[%dma_wait3A_622, %dma_wait3A_623, %dma_wait3A_624] : memref<4x2x80xi32, #tpu.memory_space<vmem>> -> memref<1x2x80xi32, #tpu.memory_space<vmem>>
        %dma_wait3A_626 = tpu.memref_squeeze %dma_wait3A_625 : memref<1x2x80xi32, #tpu.memory_space<vmem>> -> memref<2x80xi32, #tpu.memory_space<vmem>>
        %dma_wait3A_627 = arith.constant 0 : i32
        %dma_wait3A_628 = arith.constant 0 : i32
        %dma_wait3A_629 = arith.constant 0 : i32
        %dma_wait3A_630 = tpu.memref_slice %arg3[%arg1, %dma_wait3A_627, %dma_wait3A_628, %dma_wait3A_629] : memref<16x250x2x80xi32, #tpu.memory_space<hbm>> -> memref<1x250x2x80xi32, #tpu.memory_space<hbm>>
        %dma_wait3A_631 = tpu.memref_squeeze %dma_wait3A_630 : memref<1x250x2x80xi32, #tpu.memory_space<hbm>> -> memref<250x2x80xi32, #tpu.memory_space<hbm>>
        %dma_wait3A_632 = arith.constant 0 : i32
        %dma_wait3A_633 = arith.constant 0 : i32
        %dma_wait3A_634 = tpu.memref_slice %dma_wait3A_631[%dma_wait3A_621, %dma_wait3A_632, %dma_wait3A_633] : memref<250x2x80xi32, #tpu.memory_space<hbm>> -> memref<1x2x80xi32, #tpu.memory_space<hbm>>
        %dma_wait3A_635 = tpu.memref_squeeze %dma_wait3A_634 : memref<1x2x80xi32, #tpu.memory_space<hbm>> -> memref<2x80xi32, #tpu.memory_space<hbm>>
        %dma_wait3A_636 = arith.constant 0 : i32
        %dma_wait3A_637 = arith.constant 0 : i32
        %dma_wait3A_638 = tpu.memref_slice %arg6[%dma_wait3A_622, %dma_wait3A_636, %dma_wait3A_637] : memref<4x2x80xi32, #tpu.memory_space<vmem>> -> memref<1x2x80xi32, #tpu.memory_space<vmem>>
        %dma_wait3A_639 = tpu.memref_squeeze %dma_wait3A_638 : memref<1x2x80xi32, #tpu.memory_space<vmem>> -> memref<2x80xi32, #tpu.memory_space<vmem>>
        %dma_wait3A_640 = arith.constant 0 : i32
        %dma_wait3A_641 = arith.constant 0 : i32
        %dma_wait3A_642 = arith.constant 0 : i32
        %dma_wait3A_643 = tpu.memref_slice %arg3[%arg1, %dma_wait3A_640, %dma_wait3A_641, %dma_wait3A_642] : memref<16x250x2x80xi32, #tpu.memory_space<hbm>> -> memref<1x250x2x80xi32, #tpu.memory_space<hbm>>
        %dma_wait3A_644 = tpu.memref_squeeze %dma_wait3A_643 : memref<1x250x2x80xi32, #tpu.memory_space<hbm>> -> memref<250x2x80xi32, #tpu.memory_space<hbm>>
        %dma_wait3A_645 = arith.constant 0 : i32
        %dma_wait3A_646 = arith.constant 0 : i32
        %dma_wait3A_647 = tpu.memref_slice %dma_wait3A_644[%dma_wait3A_621, %dma_wait3A_645, %dma_wait3A_646] : memref<250x2x80xi32, #tpu.memory_space<hbm>> -> memref<1x2x80xi32, #tpu.memory_space<hbm>>
        %dma_wait3A_648 = tpu.memref_squeeze %dma_wait3A_647 : memref<1x2x80xi32, #tpu.memory_space<hbm>> -> memref<2x80xi32, #tpu.memory_space<hbm>>
        tpu.wait_dma2 semaphore(%arg11 : memref<!tpu.dma_semaphore, #tpu.memory_space<semaphore_mem>>) src(%dma_wait3A_648 : memref<2x80xi32, #tpu.memory_space<hbm>>) dst(%dma_wait3A_639 : memref<2x80xi32, #tpu.memory_space<vmem>>)
        %dma_start3A_649 = arith.constant 2 : i32
        %dma_start3A_650 = arith.constant 0 : i32
        %dma_start3A_651 = arith.constant 2 : i32
        %dma_start3A_652 = arith.constant 0 : i32
        %dma_start3A_653 = arith.constant 0 : i32
        %dma_start3A_654 = tpu.memref_slice %arg7[%dma_start3A_651, %dma_start3A_652, %dma_start3A_653] : memref<4x80x128xf32, #tpu.memory_space<vmem>> -> memref<1x80x128xf32, #tpu.memory_space<vmem>>
        %dma_start3A_655 = tpu.memref_squeeze %dma_start3A_654 : memref<1x80x128xf32, #tpu.memory_space<vmem>> -> memref<80x128xf32, #tpu.memory_space<vmem>>
        %dma_start3A_656 = arith.constant 0 : i32
        %dma_start3A_657 = tpu.memref_slice %arg6[%dma_start3A_649, %dma_start3A_650, %dma_start3A_656] : memref<4x2x80xi32, #tpu.memory_space<vmem>> -> memref<1x1x80xi32, #tpu.memory_space<vmem>>
        %dma_start3A_658 = tpu.memref_squeeze %dma_start3A_657 : memref<1x1x80xi32, #tpu.memory_space<vmem>> -> memref<80xi32, #tpu.memory_space<vmem>>
        %dma_start3A_659 = arith.constant 0 : i32
        %dma_start3A_660 = arith.constant 0 : i32
        %dma_start3A_661 = tpu.memref_slice %arg2[%arg0, %dma_start3A_659, %dma_start3A_660] : memref<2x10240x128xf32, #tpu.memory_space<hbm>> -> memref<1x10240x128xf32, #tpu.memory_space<hbm>>
        %dma_start3A_662 = tpu.memref_squeeze %dma_start3A_661 : memref<1x10240x128xf32, #tpu.memory_space<hbm>> -> memref<10240x128xf32, #tpu.memory_space<hbm>>
        %dma_start3A_663 = arith.constant 0 : i32
        %dma_start3A_664 = arith.constant 0 : i32
        %dma_start3A_665 = tpu.memref_slice %dma_start3A_662[%dma_start3A_663, %dma_start3A_664] : memref<10240x128xf32, #tpu.memory_space<hbm>> -> memref<10240x128xf32, #tpu.memory_space<hbm>>
        tpu.enqueue_indirect_dma source(%dma_start3A_665 : memref<10240x128xf32, #tpu.memory_space<hbm>>) target(%dma_start3A_655 : memref<80x128xf32, #tpu.memory_space<vmem>>) offsets(%dma_start3A_658 : memref<80xi32, #tpu.memory_space<vmem>>) semaphore(%arg15 : memref<!tpu.dma_semaphore, #tpu.memory_space<semaphore_mem>>)
      } else {
      }
      %dma_wait3A_572 = arith.constant 3 : i32
      %dma_wait3A_573 = arith.constant 0 : i32
      %dma_wait3A_574 = arith.constant 1 : i32
      %dma_wait3A_575 = arith.constant 0 : i32
      %dma_wait3A_576 = arith.constant 0 : i32
      %dma_wait3A_577 = tpu.memref_slice %arg7[%dma_wait3A_572, %dma_wait3A_575, %dma_wait3A_576] : memref<4x80x128xf32, #tpu.memory_space<vmem>> -> memref<1x80x128xf32, #tpu.memory_space<vmem>>
      %dma_wait3A_578 = tpu.memref_squeeze %dma_wait3A_577 : memref<1x80x128xf32, #tpu.memory_space<vmem>> -> memref<80x128xf32, #tpu.memory_space<vmem>>
      %dma_wait3A_579 = arith.constant 0 : i32
      %dma_wait3A_580 = tpu.memref_slice %arg6[%dma_wait3A_573, %dma_wait3A_574, %dma_wait3A_579] : memref<4x2x80xi32, #tpu.memory_space<vmem>> -> memref<1x1x80xi32, #tpu.memory_space<vmem>>
      %dma_wait3A_581 = tpu.memref_squeeze %dma_wait3A_580 : memref<1x1x80xi32, #tpu.memory_space<vmem>> -> memref<80xi32, #tpu.memory_space<vmem>>
      %dma_wait3A_582 = arith.constant 0 : i32
      %dma_wait3A_583 = arith.constant 0 : i32
      %dma_wait3A_584 = tpu.memref_slice %arg8[%dma_wait3A_582, %dma_wait3A_583] : memref<10240x128xf32, #tpu.memory_space<vmem_shared>> -> memref<10240x128xf32, #tpu.memory_space<vmem_shared>>
      tpu.wait_indirect_dma semaphore(%arg20 : memref<!tpu.dma_semaphore, #tpu.memory_space<semaphore_mem>>) src(%dma_wait3A_578 : memref<80x128xf32, #tpu.memory_space<vmem>>) dst(%dma_wait3A_584 : memref<10240x128xf32, #tpu.memory_space<vmem_shared>>)
      %add3A_585 = arith.constant 4 : i32
      %add3A_586 = arith.addi %mul3A_389, %add3A_585 : i32
      %add3A_587 = arith.constant 3 : i32
      %add3A_588 = arith.addi %add3A_586, %add3A_587 : i32
      %lt3A_589 = arith.constant 250 : i32
      %lt3A_590 = arith.cmpi slt, %add3A_588, %lt3A_589 : i32
      %convert_element_type3A_591 = arith.extui %lt3A_590 : i1 to i32
      %cond3A_592 = arith.constant 0 : i32
      %cond3A_593 = arith.cmpi ne, %convert_element_type3A_591, %cond3A_592 : i32
      scf.if %cond3A_593 {
        %dma_start3A_594 = arith.constant 3 : i32
        %dma_start3A_595 = arith.constant 0 : i32
        %dma_start3A_596 = arith.constant 0 : i32
        %dma_start3A_597 = tpu.memref_slice %arg6[%dma_start3A_594, %dma_start3A_595, %dma_start3A_596] : memref<4x2x80xi32, #tpu.memory_space<vmem>> -> memref<1x2x80xi32, #tpu.memory_space<vmem>>
        %dma_start3A_598 = tpu.memref_squeeze %dma_start3A_597 : memref<1x2x80xi32, #tpu.memory_space<vmem>> -> memref<2x80xi32, #tpu.memory_space<vmem>>
        %dma_start3A_599 = arith.constant 0 : i32
        %dma_start3A_600 = arith.constant 0 : i32
        %dma_start3A_601 = arith.constant 0 : i32
        %dma_start3A_602 = tpu.memref_slice %arg3[%arg1, %dma_start3A_599, %dma_start3A_600, %dma_start3A_601] : memref<16x250x2x80xi32, #tpu.memory_space<hbm>> -> memref<1x250x2x80xi32, #tpu.memory_space<hbm>>
        %dma_start3A_603 = tpu.memref_squeeze %dma_start3A_602 : memref<1x250x2x80xi32, #tpu.memory_space<hbm>> -> memref<250x2x80xi32, #tpu.memory_space<hbm>>
        %dma_start3A_604 = arith.constant 0 : i32
        %dma_start3A_605 = arith.constant 0 : i32
        %dma_start3A_606 = tpu.memref_slice %dma_start3A_603[%add3A_588, %dma_start3A_604, %dma_start3A_605] : memref<250x2x80xi32, #tpu.memory_space<hbm>> -> memref<1x2x80xi32, #tpu.memory_space<hbm>>
        %dma_start3A_607 = tpu.memref_squeeze %dma_start3A_606 : memref<1x2x80xi32, #tpu.memory_space<hbm>> -> memref<2x80xi32, #tpu.memory_space<hbm>>
        %dma_start3A_608 = arith.constant 0 : i32
        %dma_start3A_609 = arith.constant 0 : i32
        %dma_start3A_610 = tpu.memref_slice %arg6[%dma_start3A_594, %dma_start3A_608, %dma_start3A_609] : memref<4x2x80xi32, #tpu.memory_space<vmem>> -> memref<1x2x80xi32, #tpu.memory_space<vmem>>
        %dma_start3A_611 = tpu.memref_squeeze %dma_start3A_610 : memref<1x2x80xi32, #tpu.memory_space<vmem>> -> memref<2x80xi32, #tpu.memory_space<vmem>>
        %dma_start3A_612 = arith.constant 0 : i32
        %dma_start3A_613 = arith.constant 0 : i32
        %dma_start3A_614 = arith.constant 0 : i32
        %dma_start3A_615 = tpu.memref_slice %arg3[%arg1, %dma_start3A_612, %dma_start3A_613, %dma_start3A_614] : memref<16x250x2x80xi32, #tpu.memory_space<hbm>> -> memref<1x250x2x80xi32, #tpu.memory_space<hbm>>
        %dma_start3A_616 = tpu.memref_squeeze %dma_start3A_615 : memref<1x250x2x80xi32, #tpu.memory_space<hbm>> -> memref<250x2x80xi32, #tpu.memory_space<hbm>>
        %dma_start3A_617 = arith.constant 0 : i32
        %dma_start3A_618 = arith.constant 0 : i32
        %dma_start3A_619 = tpu.memref_slice %dma_start3A_616[%add3A_588, %dma_start3A_617, %dma_start3A_618] : memref<250x2x80xi32, #tpu.memory_space<hbm>> -> memref<1x2x80xi32, #tpu.memory_space<hbm>>
        %dma_start3A_620 = tpu.memref_squeeze %dma_start3A_619 : memref<1x2x80xi32, #tpu.memory_space<hbm>> -> memref<2x80xi32, #tpu.memory_space<hbm>>
        tpu.enqueue_dma source(%dma_start3A_620 : memref<2x80xi32, #tpu.memory_space<hbm>>) target(%dma_start3A_611 : memref<2x80xi32, #tpu.memory_space<vmem>>) target_semaphore(%arg12 : memref<!tpu.dma_semaphore, #tpu.memory_space<semaphore_mem>>)
        %dma_wait3A_621 = arith.constant 0 : i32
        %dma_wait3A_622 = arith.constant 3 : i32
        %dma_wait3A_623 = arith.constant 0 : i32
        %dma_wait3A_624 = arith.constant 0 : i32
        %dma_wait3A_625 = tpu.memref_slice %arg6[%dma_wait3A_622, %dma_wait3A_623, %dma_wait3A_624] : memref<4x2x80xi32, #tpu.memory_space<vmem>> -> memref<1x2x80xi32, #tpu.memory_space<vmem>>
        %dma_wait3A_626 = tpu.memref_squeeze %dma_wait3A_625 : memref<1x2x80xi32, #tpu.memory_space<vmem>> -> memref<2x80xi32, #tpu.memory_space<vmem>>
        %dma_wait3A_627 = arith.constant 0 : i32
        %dma_wait3A_628 = arith.constant 0 : i32
        %dma_wait3A_629 = arith.constant 0 : i32
        %dma_wait3A_630 = tpu.memref_slice %arg3[%arg1, %dma_wait3A_627, %dma_wait3A_628, %dma_wait3A_629] : memref<16x250x2x80xi32, #tpu.memory_space<hbm>> -> memref<1x250x2x80xi32, #tpu.memory_space<hbm>>
        %dma_wait3A_631 = tpu.memref_squeeze %dma_wait3A_630 : memref<1x250x2x80xi32, #tpu.memory_space<hbm>> -> memref<250x2x80xi32, #tpu.memory_space<hbm>>
        %dma_wait3A_632 = arith.constant 0 : i32
        %dma_wait3A_633 = arith.constant 0 : i32
        %dma_wait3A_634 = tpu.memref_slice %dma_wait3A_631[%dma_wait3A_621, %dma_wait3A_632, %dma_wait3A_633] : memref<250x2x80xi32, #tpu.memory_space<hbm>> -> memref<1x2x80xi32, #tpu.memory_space<hbm>>
        %dma_wait3A_635 = tpu.memref_squeeze %dma_wait3A_634 : memref<1x2x80xi32, #tpu.memory_space<hbm>> -> memref<2x80xi32, #tpu.memory_space<hbm>>
        %dma_wait3A_636 = arith.constant 0 : i32
        %dma_wait3A_637 = arith.constant 0 : i32
        %dma_wait3A_638 = tpu.memref_slice %arg6[%dma_wait3A_622, %dma_wait3A_636, %dma_wait3A_637] : memref<4x2x80xi32, #tpu.memory_space<vmem>> -> memref<1x2x80xi32, #tpu.memory_space<vmem>>
        %dma_wait3A_639 = tpu.memref_squeeze %dma_wait3A_638 : memref<1x2x80xi32, #tpu.memory_space<vmem>> -> memref<2x80xi32, #tpu.memory_space<vmem>>
        %dma_wait3A_640 = arith.constant 0 : i32
        %dma_wait3A_641 = arith.constant 0 : i32
        %dma_wait3A_642 = arith.constant 0 : i32
        %dma_wait3A_643 = tpu.memref_slice %arg3[%arg1, %dma_wait3A_640, %dma_wait3A_641, %dma_wait3A_642] : memref<16x250x2x80xi32, #tpu.memory_space<hbm>> -> memref<1x250x2x80xi32, #tpu.memory_space<hbm>>
        %dma_wait3A_644 = tpu.memref_squeeze %dma_wait3A_643 : memref<1x250x2x80xi32, #tpu.memory_space<hbm>> -> memref<250x2x80xi32, #tpu.memory_space<hbm>>
        %dma_wait3A_645 = arith.constant 0 : i32
        %dma_wait3A_646 = arith.constant 0 : i32
        %dma_wait3A_647 = tpu.memref_slice %dma_wait3A_644[%dma_wait3A_621, %dma_wait3A_645, %dma_wait3A_646] : memref<250x2x80xi32, #tpu.memory_space<hbm>> -> memref<1x2x80xi32, #tpu.memory_space<hbm>>
        %dma_wait3A_648 = tpu.memref_squeeze %dma_wait3A_647 : memref<1x2x80xi32, #tpu.memory_space<hbm>> -> memref<2x80xi32, #tpu.memory_space<hbm>>
        tpu.wait_dma2 semaphore(%arg12 : memref<!tpu.dma_semaphore, #tpu.memory_space<semaphore_mem>>) src(%dma_wait3A_648 : memref<2x80xi32, #tpu.memory_space<hbm>>) dst(%dma_wait3A_639 : memref<2x80xi32, #tpu.memory_space<vmem>>)
        %dma_start3A_649 = arith.constant 3 : i32
        %dma_start3A_650 = arith.constant 0 : i32
        %dma_start3A_651 = arith.constant 3 : i32
        %dma_start3A_652 = arith.constant 0 : i32
        %dma_start3A_653 = arith.constant 0 : i32
        %dma_start3A_654 = tpu.memref_slice %arg7[%dma_start3A_651, %dma_start3A_652, %dma_start3A_653] : memref<4x80x128xf32, #tpu.memory_space<vmem>> -> memref<1x80x128xf32, #tpu.memory_space<vmem>>
        %dma_start3A_655 = tpu.memref_squeeze %dma_start3A_654 : memref<1x80x128xf32, #tpu.memory_space<vmem>> -> memref<80x128xf32, #tpu.memory_space<vmem>>
        %dma_start3A_656 = arith.constant 0 : i32
        %dma_start3A_657 = tpu.memref_slice %arg6[%dma_start3A_649, %dma_start3A_650, %dma_start3A_656] : memref<4x2x80xi32, #tpu.memory_space<vmem>> -> memref<1x1x80xi32, #tpu.memory_space<vmem>>
        %dma_start3A_658 = tpu.memref_squeeze %dma_start3A_657 : memref<1x1x80xi32, #tpu.memory_space<vmem>> -> memref<80xi32, #tpu.memory_space<vmem>>
        %dma_start3A_659 = arith.constant 0 : i32
        %dma_start3A_660 = arith.constant 0 : i32
        %dma_start3A_661 = tpu.memref_slice %arg2[%arg0, %dma_start3A_659, %dma_start3A_660] : memref<2x10240x128xf32, #tpu.memory_space<hbm>> -> memref<1x10240x128xf32, #tpu.memory_space<hbm>>
        %dma_start3A_662 = tpu.memref_squeeze %dma_start3A_661 : memref<1x10240x128xf32, #tpu.memory_space<hbm>> -> memref<10240x128xf32, #tpu.memory_space<hbm>>
        %dma_start3A_663 = arith.constant 0 : i32
        %dma_start3A_664 = arith.constant 0 : i32
        %dma_start3A_665 = tpu.memref_slice %dma_start3A_662[%dma_start3A_663, %dma_start3A_664] : memref<10240x128xf32, #tpu.memory_space<hbm>> -> memref<10240x128xf32, #tpu.memory_space<hbm>>
        tpu.enqueue_indirect_dma source(%dma_start3A_665 : memref<10240x128xf32, #tpu.memory_space<hbm>>) target(%dma_start3A_655 : memref<80x128xf32, #tpu.memory_space<vmem>>) offsets(%dma_start3A_658 : memref<80xi32, #tpu.memory_space<vmem>>) semaphore(%arg16 : memref<!tpu.dma_semaphore, #tpu.memory_space<semaphore_mem>>)
      } else {
      }
    }
    %scan3A_295 = arith.constant 62 : i32
    %dma_wait3A_296 = arith.constant 0 : i32
    %dma_wait3A_297 = arith.constant 0 : i32
    %dma_wait3A_298 = arith.constant 0 : i32
    %dma_wait3A_299 = arith.constant 0 : i32
    %dma_wait3A_300 = arith.constant 0 : i32
    %dma_wait3A_301 = tpu.memref_slice %arg7[%dma_wait3A_298, %dma_wait3A_299, %dma_wait3A_300] : memref<4x80x128xf32, #tpu.memory_space<vmem>> -> memref<1x80x128xf32, #tpu.memory_space<vmem>>
    %dma_wait3A_302 = tpu.memref_squeeze %dma_wait3A_301 : memref<1x80x128xf32, #tpu.memory_space<vmem>> -> memref<80x128xf32, #tpu.memory_space<vmem>>
    %dma_wait3A_303 = arith.constant 0 : i32
    %dma_wait3A_304 = tpu.memref_slice %arg6[%dma_wait3A_296, %dma_wait3A_297, %dma_wait3A_303] : memref<4x2x80xi32, #tpu.memory_space<vmem>> -> memref<1x1x80xi32, #tpu.memory_space<vmem>>
    %dma_wait3A_305 = tpu.memref_squeeze %dma_wait3A_304 : memref<1x1x80xi32, #tpu.memory_space<vmem>> -> memref<80xi32, #tpu.memory_space<vmem>>
    %dma_wait3A_306 = arith.constant 0 : i32
    %dma_wait3A_307 = arith.constant 0 : i32
    %dma_wait3A_308 = tpu.memref_slice %arg2[%arg0, %dma_wait3A_306, %dma_wait3A_307] : memref<2x10240x128xf32, #tpu.memory_space<hbm>> -> memref<1x10240x128xf32, #tpu.memory_space<hbm>>
    %dma_wait3A_309 = tpu.memref_squeeze %dma_wait3A_308 : memref<1x10240x128xf32, #tpu.memory_space<hbm>> -> memref<10240x128xf32, #tpu.memory_space<hbm>>
    %dma_wait3A_310 = arith.constant 0 : i32
    %dma_wait3A_311 = arith.constant 0 : i32
    %dma_wait3A_312 = tpu.memref_slice %dma_wait3A_309[%dma_wait3A_310, %dma_wait3A_311] : memref<10240x128xf32, #tpu.memory_space<hbm>> -> memref<10240x128xf32, #tpu.memory_space<hbm>>
    tpu.wait_indirect_dma semaphore(%arg13 : memref<!tpu.dma_semaphore, #tpu.memory_space<semaphore_mem>>) src(%dma_wait3A_312 : memref<10240x128xf32, #tpu.memory_space<hbm>>) dst(%dma_wait3A_302 : memref<80x128xf32, #tpu.memory_space<vmem>>)
    %dma_start3A_313 = arith.constant 0 : i32
    %dma_start3A_314 = arith.constant 0 : i32
    %dma_start3A_315 = arith.constant 1 : i32
    %dma_start3A_316 = arith.constant 0 : i32
    %dma_start3A_317 = arith.constant 0 : i32
    %dma_start3A_318 = tpu.memref_slice %arg7[%dma_start3A_313, %dma_start3A_316, %dma_start3A_317] : memref<4x80x128xf32, #tpu.memory_space<vmem>> -> memref<1x80x128xf32, #tpu.memory_space<vmem>>
    %dma_start3A_319 = tpu.memref_squeeze %dma_start3A_318 : memref<1x80x128xf32, #tpu.memory_space<vmem>> -> memref<80x128xf32, #tpu.memory_space<vmem>>
    %dma_start3A_320 = arith.constant 0 : i32
    %dma_start3A_321 = tpu.memref_slice %arg6[%dma_start3A_314, %dma_start3A_315, %dma_start3A_320] : memref<4x2x80xi32, #tpu.memory_space<vmem>> -> memref<1x1x80xi32, #tpu.memory_space<vmem>>
    %dma_start3A_322 = tpu.memref_squeeze %dma_start3A_321 : memref<1x1x80xi32, #tpu.memory_space<vmem>> -> memref<80xi32, #tpu.memory_space<vmem>>
    %dma_start3A_323 = arith.constant 0 : i32
    %dma_start3A_324 = arith.constant 0 : i32
    %dma_start3A_325 = tpu.memref_slice %arg8[%dma_start3A_323, %dma_start3A_324] : memref<10240x128xf32, #tpu.memory_space<vmem_shared>> -> memref<10240x128xf32, #tpu.memory_space<vmem_shared>>
    tpu.enqueue_indirect_dma source(%dma_start3A_319 : memref<80x128xf32, #tpu.memory_space<vmem>>) target(%dma_start3A_325 : memref<10240x128xf32, #tpu.memory_space<vmem_shared>>) offsets(%dma_start3A_322 : memref<80xi32, #tpu.memory_space<vmem>>) semaphore(%arg17 : memref<!tpu.dma_semaphore, #tpu.memory_space<semaphore_mem>>) {add = true}
    %dma_wait3A_326 = arith.constant 0 : i32
    %dma_wait3A_327 = arith.constant 0 : i32
    %dma_wait3A_328 = arith.constant 1 : i32
    %dma_wait3A_329 = arith.constant 0 : i32
    %dma_wait3A_330 = arith.constant 0 : i32
    %dma_wait3A_331 = tpu.memref_slice %arg7[%dma_wait3A_328, %dma_wait3A_329, %dma_wait3A_330] : memref<4x80x128xf32, #tpu.memory_space<vmem>> -> memref<1x80x128xf32, #tpu.memory_space<vmem>>
    %dma_wait3A_332 = tpu.memref_squeeze %dma_wait3A_331 : memref<1x80x128xf32, #tpu.memory_space<vmem>> -> memref<80x128xf32, #tpu.memory_space<vmem>>
    %dma_wait3A_333 = arith.constant 0 : i32
    %dma_wait3A_334 = tpu.memref_slice %arg6[%dma_wait3A_326, %dma_wait3A_327, %dma_wait3A_333] : memref<4x2x80xi32, #tpu.memory_space<vmem>> -> memref<1x1x80xi32, #tpu.memory_space<vmem>>
    %dma_wait3A_335 = tpu.memref_squeeze %dma_wait3A_334 : memref<1x1x80xi32, #tpu.memory_space<vmem>> -> memref<80xi32, #tpu.memory_space<vmem>>
    %dma_wait3A_336 = arith.constant 0 : i32
    %dma_wait3A_337 = arith.constant 0 : i32
    %dma_wait3A_338 = tpu.memref_slice %arg2[%arg0, %dma_wait3A_336, %dma_wait3A_337] : memref<2x10240x128xf32, #tpu.memory_space<hbm>> -> memref<1x10240x128xf32, #tpu.memory_space<hbm>>
    %dma_wait3A_339 = tpu.memref_squeeze %dma_wait3A_338 : memref<1x10240x128xf32, #tpu.memory_space<hbm>> -> memref<10240x128xf32, #tpu.memory_space<hbm>>
    %dma_wait3A_340 = arith.constant 0 : i32
    %dma_wait3A_341 = arith.constant 0 : i32
    %dma_wait3A_342 = tpu.memref_slice %dma_wait3A_339[%dma_wait3A_340, %dma_wait3A_341] : memref<10240x128xf32, #tpu.memory_space<hbm>> -> memref<10240x128xf32, #tpu.memory_space<hbm>>
    tpu.wait_indirect_dma semaphore(%arg14 : memref<!tpu.dma_semaphore, #tpu.memory_space<semaphore_mem>>) src(%dma_wait3A_342 : memref<10240x128xf32, #tpu.memory_space<hbm>>) dst(%dma_wait3A_332 : memref<80x128xf32, #tpu.memory_space<vmem>>)
    %dma_start3A_343 = arith.constant 1 : i32
    %dma_start3A_344 = arith.constant 1 : i32
    %dma_start3A_345 = arith.constant 1 : i32
    %dma_start3A_346 = arith.constant 0 : i32
    %dma_start3A_347 = arith.constant 0 : i32
    %dma_start3A_348 = tpu.memref_slice %arg7[%dma_start3A_343, %dma_start3A_346, %dma_start3A_347] : memref<4x80x128xf32, #tpu.memory_space<vmem>> -> memref<1x80x128xf32, #tpu.memory_space<vmem>>
    %dma_start3A_349 = tpu.memref_squeeze %dma_start3A_348 : memref<1x80x128xf32, #tpu.memory_space<vmem>> -> memref<80x128xf32, #tpu.memory_space<vmem>>
    %dma_start3A_350 = arith.constant 0 : i32
    %dma_start3A_351 = tpu.memref_slice %arg6[%dma_start3A_344, %dma_start3A_345, %dma_start3A_350] : memref<4x2x80xi32, #tpu.memory_space<vmem>> -> memref<1x1x80xi32, #tpu.memory_space<vmem>>
    %dma_start3A_352 = tpu.memref_squeeze %dma_start3A_351 : memref<1x1x80xi32, #tpu.memory_space<vmem>> -> memref<80xi32, #tpu.memory_space<vmem>>
    %dma_start3A_353 = arith.constant 0 : i32
    %dma_start3A_354 = arith.constant 0 : i32
    %dma_start3A_355 = tpu.memref_slice %arg8[%dma_start3A_353, %dma_start3A_354] : memref<10240x128xf32, #tpu.memory_space<vmem_shared>> -> memref<10240x128xf32, #tpu.memory_space<vmem_shared>>
    tpu.enqueue_indirect_dma source(%dma_start3A_349 : memref<80x128xf32, #tpu.memory_space<vmem>>) target(%dma_start3A_355 : memref<10240x128xf32, #tpu.memory_space<vmem_shared>>) offsets(%dma_start3A_352 : memref<80xi32, #tpu.memory_space<vmem>>) semaphore(%arg18 : memref<!tpu.dma_semaphore, #tpu.memory_space<semaphore_mem>>) {add = true}
    %dma_wait3A_356 = arith.constant 0 : i32
    %dma_wait3A_357 = arith.constant 0 : i32
    %dma_wait3A_358 = arith.constant 1 : i32
    %dma_wait3A_359 = arith.constant 0 : i32
    %dma_wait3A_360 = arith.constant 0 : i32
    %dma_wait3A_361 = tpu.memref_slice %arg7[%dma_wait3A_356, %dma_wait3A_359, %dma_wait3A_360] : memref<4x80x128xf32, #tpu.memory_space<vmem>> -> memref<1x80x128xf32, #tpu.memory_space<vmem>>
    %dma_wait3A_362 = tpu.memref_squeeze %dma_wait3A_361 : memref<1x80x128xf32, #tpu.memory_space<vmem>> -> memref<80x128xf32, #tpu.memory_space<vmem>>
    %dma_wait3A_363 = arith.constant 0 : i32
    %dma_wait3A_364 = tpu.memref_slice %arg6[%dma_wait3A_357, %dma_wait3A_358, %dma_wait3A_363] : memref<4x2x80xi32, #tpu.memory_space<vmem>> -> memref<1x1x80xi32, #tpu.memory_space<vmem>>
    %dma_wait3A_365 = tpu.memref_squeeze %dma_wait3A_364 : memref<1x1x80xi32, #tpu.memory_space<vmem>> -> memref<80xi32, #tpu.memory_space<vmem>>
    %dma_wait3A_366 = arith.constant 0 : i32
    %dma_wait3A_367 = arith.constant 0 : i32
    %dma_wait3A_368 = tpu.memref_slice %arg8[%dma_wait3A_366, %dma_wait3A_367] : memref<10240x128xf32, #tpu.memory_space<vmem_shared>> -> memref<10240x128xf32, #tpu.memory_space<vmem_shared>>
    tpu.wait_indirect_dma semaphore(%arg17 : memref<!tpu.dma_semaphore, #tpu.memory_space<semaphore_mem>>) src(%dma_wait3A_362 : memref<80x128xf32, #tpu.memory_space<vmem>>) dst(%dma_wait3A_368 : memref<10240x128xf32, #tpu.memory_space<vmem_shared>>)
    %dma_wait3A_369 = arith.constant 1 : i32
    %dma_wait3A_370 = arith.constant 0 : i32
    %dma_wait3A_371 = arith.constant 1 : i32
    %dma_wait3A_372 = arith.constant 0 : i32
    %dma_wait3A_373 = arith.constant 0 : i32
    %dma_wait3A_374 = tpu.memref_slice %arg7[%dma_wait3A_369, %dma_wait3A_372, %dma_wait3A_373] : memref<4x80x128xf32, #tpu.memory_space<vmem>> -> memref<1x80x128xf32, #tpu.memory_space<vmem>>
    %dma_wait3A_375 = tpu.memref_squeeze %dma_wait3A_374 : memref<1x80x128xf32, #tpu.memory_space<vmem>> -> memref<80x128xf32, #tpu.memory_space<vmem>>
    %dma_wait3A_376 = arith.constant 0 : i32
    %dma_wait3A_377 = tpu.memref_slice %arg6[%dma_wait3A_370, %dma_wait3A_371, %dma_wait3A_376] : memref<4x2x80xi32, #tpu.memory_space<vmem>> -> memref<1x1x80xi32, #tpu.memory_space<vmem>>
    %dma_wait3A_378 = tpu.memref_squeeze %dma_wait3A_377 : memref<1x1x80xi32, #tpu.memory_space<vmem>> -> memref<80xi32, #tpu.memory_space<vmem>>
    %dma_wait3A_379 = arith.constant 0 : i32
    %dma_wait3A_380 = arith.constant 0 : i32
    %dma_wait3A_381 = tpu.memref_slice %arg8[%dma_wait3A_379, %dma_wait3A_380] : memref<10240x128xf32, #tpu.memory_space<vmem_shared>> -> memref<10240x128xf32, #tpu.memory_space<vmem_shared>>
    tpu.wait_indirect_dma semaphore(%arg18 : memref<!tpu.dma_semaphore, #tpu.memory_space<semaphore_mem>>) src(%dma_wait3A_375 : memref<80x128xf32, #tpu.memory_space<vmem>>) dst(%dma_wait3A_381 : memref<10240x128xf32, #tpu.memory_space<vmem_shared>>)
    %barrier3A_382 = arith.constant 0 : index
    tpu.barrier barrier_id(%barrier3A_382)
    %mul3A_383 = arith.constant 640 : i32
    %mul3A_384 = arith.muli %arg1, %mul3A_383 : i32
    %mul3A_385 = arith.constant 640 : i32
    %mul3A_386 = arith.muli %arg1, %mul3A_385 : i32
    "tpu.region"() ({
      %run_scoped3A = tpu.sem_alloc : memref<!tpu.dma_semaphore, #tpu.memory_space<semaphore_mem>>
      %dma_start3A_387 = arith.constant 0 : i32
      %dma_start3A_388 = tpu.memref_slice %arg5[%arg0, %mul3A_386, %dma_start3A_387] : memref<2x10240x128xf32, #tpu.memory_space<hbm>> -> memref<1x640x128xf32, #tpu.memory_space<hbm>>
      %dma_start3A_389 = tpu.memref_squeeze %dma_start3A_388 : memref<1x640x128xf32, #tpu.memory_space<hbm>> -> memref<640x128xf32, #tpu.memory_space<hbm>>
      %dma_start3A_390 = arith.constant 0 : i32
      %dma_start3A_391 = tpu.memref_slice %arg8[%mul3A_384, %dma_start3A_390] : memref<10240x128xf32, #tpu.memory_space<vmem_shared>> -> memref<640x128xf32, #tpu.memory_space<vmem_shared>>
      tpu.enqueue_dma source(%dma_start3A_391 : memref<640x128xf32, #tpu.memory_space<vmem_shared>>) target(%dma_start3A_389 : memref<640x128xf32, #tpu.memory_space<hbm>>) target_semaphore(%run_scoped3A : memref<!tpu.dma_semaphore, #tpu.memory_space<semaphore_mem>>)
      %dma_wait3A_392 = arith.constant 0 : i32
      %dma_wait3A_393 = tpu.memref_slice %arg5[%arg0, %mul3A_386, %dma_wait3A_392] : memref<2x10240x128xf32, #tpu.memory_space<hbm>> -> memref<1x640x128xf32, #tpu.memory_space<hbm>>
      %dma_wait3A_394 = tpu.memref_squeeze %dma_wait3A_393 : memref<1x640x128xf32, #tpu.memory_space<hbm>> -> memref<640x128xf32, #tpu.memory_space<hbm>>
      %dma_wait3A_395 = arith.constant 0 : i32
      %dma_wait3A_396 = tpu.memref_slice %arg8[%mul3A_384, %dma_wait3A_395] : memref<10240x128xf32, #tpu.memory_space<vmem_shared>> -> memref<640x128xf32, #tpu.memory_space<vmem_shared>>
      tpu.wait_dma2 semaphore(%run_scoped3A : memref<!tpu.dma_semaphore, #tpu.memory_space<semaphore_mem>>) src(%dma_wait3A_396 : memref<640x128xf32, #tpu.memory_space<vmem_shared>>) dst(%dma_wait3A_394 : memref<640x128xf32, #tpu.memory_space<hbm>>)
      tpu.yield
    }) : () -> ()
    return
  }
}

module attributes {stable_mosaic.version = 14 : i64} {
  func.func @_gin_l1_body(%arg0: i32, %arg1: i32, %arg2: memref<2000x128xf32, #tpu.memory_space<vmem>>, %arg3: memref<1x2000x128xf32, #tpu.memory_space<vmem>>, %arg4: memref<1x2000x128xf32, #tpu.memory_space<vmem>>, %arg5: memref<128x256xf32, #tpu.memory_space<vmem>>, %arg6: memref<1x256xf32, #tpu.memory_space<vmem>>, %arg7: memref<1x256xf32, #tpu.memory_space<vmem>>, %arg8: memref<1x256xf32, #tpu.memory_space<vmem>>, %arg9: memref<256x256xf32, #tpu.memory_space<vmem>>, %arg10: memref<1x256xf32, #tpu.memory_space<vmem>>, %arg11: memref<1x1x2000xi32, #tpu.memory_space<vmem>>, %arg12: memref<2x2000x128xf32, #tpu.memory_space<vmem>>, %arg13: memref<2x64x128xf32, #tpu.memory_space<vmem>>, %arg14: memref<10000x256xf32, #tpu.memory_space<vmem>>, %arg15: memref<1x256xf32, #tpu.memory_space<vmem>>, %arg16: memref<1x256xf32, #tpu.memory_space<vmem>>) attributes {dimension_semantics = [#tpu.dimension_semantics<arbitrary>, #tpu.dimension_semantics<arbitrary>], iteration_bounds = array<i64: 2, 5>, scalar_prefetch = 0 : i64, scratch_operands = 3 : i64, tpu.core_type = #tpu.core_type<tc>, window_params = [{transform_indices = @transform_0, window_bounds = array<i64: 2000, 128>}, {transform_indices = @transform_1, window_bounds = array<i64: 1, 2000, 128>}, {transform_indices = @transform_2, window_bounds = array<i64: 1, 2000, 128>}, {pipeline_mode = #tpu.pipeline_mode<synchronous>, transform_indices = @transform_3, window_bounds = array<i64: 128, 256>}, {pipeline_mode = #tpu.pipeline_mode<synchronous>, transform_indices = @transform_4, window_bounds = array<i64: 1, 256>}, {pipeline_mode = #tpu.pipeline_mode<synchronous>, transform_indices = @transform_5, window_bounds = array<i64: 1, 256>}, {pipeline_mode = #tpu.pipeline_mode<synchronous>, transform_indices = @transform_6, window_bounds = array<i64: 1, 256>}, {pipeline_mode = #tpu.pipeline_mode<synchronous>, transform_indices = @transform_7, window_bounds = array<i64: 256, 256>}, {pipeline_mode = #tpu.pipeline_mode<synchronous>, transform_indices = @transform_8, window_bounds = array<i64: 1, 256>}, {transform_indices = @transform_9, window_bounds = array<i64: 1, 1, 2000>}, {transform_indices = @transform_10, window_bounds = array<i64: 2, 2000, 128>}, {pipeline_mode = #tpu.pipeline_mode<synchronous>, transform_indices = @transform_11, window_bounds = array<i64: 2, 64, 128>}]} {
    %eq3A = arith.constant 0 : i32
    %eq3A_0 = arith.cmpi eq, %arg0, %eq3A : i32
    %convert_element_type3A = arith.extui %eq3A_0 : i1 to i32
    %cond3A = arith.constant 0 : i32
    %cond3A_1 = arith.cmpi ne, %convert_element_type3A, %cond3A : i32
    scf.if %cond3A_1 {
      %get3A = arith.constant 0 : index
      %get3A_7 = arith.constant 0 : index
      %get3A_8 = vector.load %arg2[%get3A, %get3A_7] : memref<2000x128xf32, #tpu.memory_space<vmem>>, vector<2000x128xf32>
      %get3A_9 = arith.constant 0 : index
      %get3A_10 = arith.constant 0 : index
      %get3A_11 = arith.constant 0 : index
      %get3A_12 = vector.load %arg3[%get3A_9, %get3A_10, %get3A_11] : memref<1x2000x128xf32, #tpu.memory_space<vmem>>, vector<1x2000x128xf32>
      %get3A_13 = vector.shape_cast %get3A_12 : vector<1x2000x128xf32> to vector<2000x128xf32>
      %add3A = arith.addf %get3A_8, %get3A_13 : vector<2000x128xf32>
      %get3A_14 = arith.constant 0 : index
      %get3A_15 = arith.constant 0 : index
      %get3A_16 = arith.constant 0 : index
      %get3A_17 = vector.load %arg4[%get3A_14, %get3A_15, %get3A_16] : memref<1x2000x128xf32, #tpu.memory_space<vmem>>, vector<1x2000x128xf32>
      %get3A_18 = vector.shape_cast %get3A_17 : vector<1x2000x128xf32> to vector<2000x128xf32>
      %add3A_19 = arith.addf %add3A, %get3A_18 : vector<2000x128xf32>
      %get3A_20 = arith.constant 0 : index
      %get3A_21 = arith.constant 0 : index
      %get3A_22 = vector.load %arg5[%get3A_20, %get3A_21] : memref<128x256xf32, #tpu.memory_space<vmem>>, vector<128x256xf32>
      %dot_general3A = arith.constant dense<0.000000e+00> : vector<2000x256xf32>
      %dot_general3A_23 = tpu.matmul %add3A_19, %get3A_22, %dot_general3A {dimension_numbers = #tpu.dot_dimension_numbers<[1], [0], [0], [1], [0, 0, 1, 1], [], []>, transpose_lhs_hint = false} : vector<2000x128xf32>, vector<128x256xf32>, vector<2000x256xf32> -> vector<2000x256xf32>
      %get3A_24 = arith.constant 0 : index
      %get3A_25 = arith.constant 0 : index
      %get3A_26 = vector.load %arg6[%get3A_24, %get3A_25] : memref<1x256xf32, #tpu.memory_space<vmem>>, vector<1x256xf32>
      %add3A_27 = vector.broadcast %get3A_26 : vector<1x256xf32> to vector<2000x256xf32>
      %add3A_28 = arith.addf %dot_general3A_23, %add3A_27 : vector<2000x256xf32>
      %mul3A = arith.constant 2000 : i32
      %mul3A_29 = arith.muli %arg1, %mul3A : i32
      %swap3A = arith.index_cast %mul3A_29 : i32 to index
      %swap3A_30 = arith.constant 0 : index
      %swap3A_31 = vector.load %arg14[%swap3A, %swap3A_30] : memref<10000x256xf32, #tpu.memory_space<vmem>>, vector<2000x256xf32>
      tpu.vector_store %arg14[%swap3A, %swap3A_30], %add3A_28 {strides = array<i32>} : memref<10000x256xf32, #tpu.memory_space<vmem>>, vector<2000x256xf32>,
      %eq3A_32 = arith.constant 0 : i32
      %eq3A_33 = arith.cmpi eq, %arg1, %eq3A_32 : i32
      %convert_element_type3A_34 = arith.extui %eq3A_33 : i1 to i32
      %cond3A_35 = arith.constant 0 : i32
      %cond3A_36 = arith.cmpi ne, %convert_element_type3A_34, %cond3A_35 : i32
      scf.if %cond3A_36 {
        %broadcast_in_dim3A_56 = arith.constant 0.000000e+00 : f32
        %broadcast_in_dim3A_57 = vector.broadcast %broadcast_in_dim3A_56 : f32 to vector<1x256xf32>
        %swap3A_58 = arith.constant 0 : index
        %swap3A_59 = arith.constant 0 : index
        %swap3A_60 = vector.load %arg15[%swap3A_58, %swap3A_59] : memref<1x256xf32, #tpu.memory_space<vmem>>, vector<1x256xf32>
        tpu.vector_store %arg15[%swap3A_58, %swap3A_59], %broadcast_in_dim3A_57 {strides = array<i32>} : memref<1x256xf32, #tpu.memory_space<vmem>>, vector<1x256xf32>,
        %broadcast_in_dim3A_61 = arith.constant 0.000000e+00 : f32
        %broadcast_in_dim3A_62 = vector.broadcast %broadcast_in_dim3A_61 : f32 to vector<1x256xf32>
        %swap3A_63 = arith.constant 0 : index
        %swap3A_64 = arith.constant 0 : index
        %swap3A_65 = vector.load %arg16[%swap3A_63, %swap3A_64] : memref<1x256xf32, #tpu.memory_space<vmem>>, vector<1x256xf32>
        tpu.vector_store %arg16[%swap3A_63, %swap3A_64], %broadcast_in_dim3A_62 {strides = array<i32>} : memref<1x256xf32, #tpu.memory_space<vmem>>, vector<1x256xf32>,
      } else {
      }
      %get3A_37 = arith.constant 0 : index
      %get3A_38 = arith.constant 0 : index
      %get3A_39 = vector.load %arg15[%get3A_37, %get3A_38] : memref<1x256xf32, #tpu.memory_space<vmem>>, vector<1x256xf32>
      %reduce_sum3A = arith.constant dense<0.000000e+00> : vector<256xf32>
      %reduce_sum3A_40 = vector.multi_reduction <add>, %add3A_28, %reduce_sum3A [0] : vector<2000x256xf32> to vector<256xf32>
      %broadcast_in_dim3A = vector.shape_cast %reduce_sum3A_40 : vector<256xf32> to vector<1x256xf32>
      %add3A_41 = arith.addf %get3A_39, %broadcast_in_dim3A : vector<1x256xf32>
      %swap3A_42 = arith.constant 0 : index
      %swap3A_43 = arith.constant 0 : index
      %swap3A_44 = vector.load %arg15[%swap3A_42, %swap3A_43] : memref<1x256xf32, #tpu.memory_space<vmem>>, vector<1x256xf32>
      tpu.vector_store %arg15[%swap3A_42, %swap3A_43], %add3A_41 {strides = array<i32>} : memref<1x256xf32, #tpu.memory_space<vmem>>, vector<1x256xf32>,
      %get3A_45 = arith.constant 0 : index
      %get3A_46 = arith.constant 0 : index
      %get3A_47 = vector.load %arg16[%get3A_45, %get3A_46] : memref<1x256xf32, #tpu.memory_space<vmem>>, vector<1x256xf32>
      %mul3A_48 = arith.mulf %add3A_28, %add3A_28 : vector<2000x256xf32>
      %reduce_sum3A_49 = arith.constant dense<0.000000e+00> : vector<256xf32>
      %reduce_sum3A_50 = vector.multi_reduction <add>, %mul3A_48, %reduce_sum3A_49 [0] : vector<2000x256xf32> to vector<256xf32>
      %broadcast_in_dim3A_51 = vector.shape_cast %reduce_sum3A_50 : vector<256xf32> to vector<1x256xf32>
      %add3A_52 = arith.addf %get3A_47, %broadcast_in_dim3A_51 : vector<1x256xf32>
      %swap3A_53 = arith.constant 0 : index
      %swap3A_54 = arith.constant 0 : index
      %swap3A_55 = vector.load %arg16[%swap3A_53, %swap3A_54] : memref<1x256xf32, #tpu.memory_space<vmem>>, vector<1x256xf32>
      tpu.vector_store %arg16[%swap3A_53, %swap3A_54], %add3A_52 {strides = array<i32>} : memref<1x256xf32, #tpu.memory_space<vmem>>, vector<1x256xf32>,
    } else {
    }
    %eq3A_2 = arith.constant 1 : i32
    %eq3A_3 = arith.cmpi eq, %arg0, %eq3A_2 : i32
    %convert_element_type3A_4 = arith.extui %eq3A_3 : i1 to i32
    %cond3A_5 = arith.constant 0 : i32
    %cond3A_6 = arith.cmpi ne, %convert_element_type3A_4, %cond3A_5 : i32
    scf.if %cond3A_6 {
      %mul3A = arith.constant 2000 : i32
      %mul3A_7 = arith.muli %arg1, %mul3A : i32
      %get3A = arith.index_cast %mul3A_7 : i32 to index
      %get3A_8 = arith.constant 0 : index
      %get3A_9 = vector.load %arg14[%get3A, %get3A_8] : memref<10000x256xf32, #tpu.memory_space<vmem>>, vector<2000x256xf32>
      %get3A_10 = arith.constant 0 : index
      %get3A_11 = arith.constant 0 : index
      %get3A_12 = vector.load %arg15[%get3A_10, %get3A_11] : memref<1x256xf32, #tpu.memory_space<vmem>>, vector<1x256xf32>
      %mul3A_13 = arith.constant 9.99999974E-5 : f32
      %mul3A_14 = vector.broadcast %mul3A_13 : f32 to vector<1x256xf32>
      %mul3A_15 = arith.mulf %get3A_12, %mul3A_14 : vector<1x256xf32>
      %get3A_16 = arith.constant 0 : index
      %get3A_17 = arith.constant 0 : index
      %get3A_18 = vector.load %arg16[%get3A_16, %get3A_17] : memref<1x256xf32, #tpu.memory_space<vmem>>, vector<1x256xf32>
      %mul3A_19 = arith.constant 9.99999974E-5 : f32
      %mul3A_20 = vector.broadcast %mul3A_19 : f32 to vector<1x256xf32>
      %mul3A_21 = arith.mulf %get3A_18, %mul3A_20 : vector<1x256xf32>
      %mul3A_22 = arith.mulf %mul3A_15, %mul3A_15 : vector<1x256xf32>
      %sub3A = arith.subf %mul3A_21, %mul3A_22 : vector<1x256xf32>
      %add3A = arith.constant 9.99999974E-6 : f32
      %add3A_23 = vector.broadcast %add3A : f32 to vector<1x256xf32>
      %add3A_24 = arith.addf %sub3A, %add3A_23 : vector<1x256xf32>
      %rsqrt3A = math.rsqrt %add3A_24 : vector<1x256xf32>
      %get3A_25 = arith.constant 0 : index
      %get3A_26 = arith.constant 0 : index
      %get3A_27 = vector.load %arg7[%get3A_25, %get3A_26] : memref<1x256xf32, #tpu.memory_space<vmem>>, vector<1x256xf32>
      %mul3A_28 = arith.mulf %get3A_27, %rsqrt3A : vector<1x256xf32>
      %get3A_29 = arith.constant 0 : index
      %get3A_30 = arith.constant 0 : index
      %get3A_31 = vector.load %arg8[%get3A_29, %get3A_30] : memref<1x256xf32, #tpu.memory_space<vmem>>, vector<1x256xf32>
      %mul3A_32 = arith.mulf %mul3A_15, %mul3A_28 : vector<1x256xf32>
      %sub3A_33 = arith.subf %get3A_31, %mul3A_32 : vector<1x256xf32>
      %mul3A_34 = vector.broadcast %mul3A_28 : vector<1x256xf32> to vector<2000x256xf32>
      %mul3A_35 = arith.mulf %get3A_9, %mul3A_34 : vector<2000x256xf32>
      %add3A_36 = vector.broadcast %sub3A_33 : vector<1x256xf32> to vector<2000x256xf32>
      %add3A_37 = arith.addf %mul3A_35, %add3A_36 : vector<2000x256xf32>
      %max3A = arith.constant 0.000000e+00 : f32
      %max3A_38 = vector.broadcast %max3A : f32 to vector<2000x256xf32>
      %max3A_39 = arith.maximumf %add3A_37, %max3A_38 : vector<2000x256xf32>
      %get3A_40 = arith.constant 0 : index
      %get3A_41 = arith.constant 0 : index
      %get3A_42 = vector.load %arg9[%get3A_40, %get3A_41] : memref<256x256xf32, #tpu.memory_space<vmem>>, vector<256x256xf32>
      %dot_general3A = arith.constant dense<0.000000e+00> : vector<2000x256xf32>
      %dot_general3A_43 = tpu.matmul %max3A_39, %get3A_42, %dot_general3A {dimension_numbers = #tpu.dot_dimension_numbers<[1], [0], [0], [1], [0, 0, 1, 1], [], []>, transpose_lhs_hint = false} : vector<2000x256xf32>, vector<256x256xf32>, vector<2000x256xf32> -> vector<2000x256xf32>
      %get3A_44 = arith.constant 0 : index
      %get3A_45 = arith.constant 0 : index
      %get3A_46 = vector.load %arg10[%get3A_44, %get3A_45] : memref<1x256xf32, #tpu.memory_space<vmem>>, vector<1x256xf32>
      %add3A_47 = vector.broadcast %get3A_46 : vector<1x256xf32> to vector<2000x256xf32>
      %add3A_48 = arith.addf %dot_general3A_43, %add3A_47 : vector<2000x256xf32>
      %max3A_49 = arith.constant 0.000000e+00 : f32
      %max3A_50 = vector.broadcast %max3A_49 : f32 to vector<2000x256xf32>
      %max3A_51 = arith.maximumf %add3A_48, %max3A_50 : vector<2000x256xf32>
      %slice3A = vector.extract_strided_slice %max3A_51 {offsets = [0, 0], sizes = [2000, 128], strides = [1, 1]} : vector<2000x256xf32> to vector<2000x128xf32>
      %swap3A = arith.constant 0 : index
      %swap3A_52 = arith.constant 0 : index
      %swap3A_53 = arith.constant 0 : index
      %swap3A_54 = vector.load %arg12[%swap3A, %swap3A_52, %swap3A_53] : memref<2x2000x128xf32, #tpu.memory_space<vmem>>, vector<1x2000x128xf32>
      %swap3A_55 = vector.shape_cast %swap3A_54 : vector<1x2000x128xf32> to vector<2000x128xf32>
      %swap3A_56 = vector.shape_cast %slice3A : vector<2000x128xf32> to vector<1x2000x128xf32>
      tpu.vector_store %arg12[%swap3A, %swap3A_52, %swap3A_53], %swap3A_56 {strides = array<i32>} : memref<2x2000x128xf32, #tpu.memory_space<vmem>>, vector<1x2000x128xf32>,
      %slice3A_57 = vector.extract_strided_slice %max3A_51 {offsets = [0, 128], sizes = [2000, 128], strides = [1, 1]} : vector<2000x256xf32> to vector<2000x128xf32>
      %swap3A_58 = arith.constant 1 : index
      %swap3A_59 = arith.constant 0 : index
      %swap3A_60 = arith.constant 0 : index
      %swap3A_61 = vector.load %arg12[%swap3A_58, %swap3A_59, %swap3A_60] : memref<2x2000x128xf32, #tpu.memory_space<vmem>>, vector<1x2000x128xf32>
      %swap3A_62 = vector.shape_cast %swap3A_61 : vector<1x2000x128xf32> to vector<2000x128xf32>
      %swap3A_63 = vector.shape_cast %slice3A_57 : vector<2000x128xf32> to vector<1x2000x128xf32>
      tpu.vector_store %arg12[%swap3A_58, %swap3A_59, %swap3A_60], %swap3A_63 {strides = array<i32>} : memref<2x2000x128xf32, #tpu.memory_space<vmem>>, vector<1x2000x128xf32>,
      %get3A_64 = arith.constant 0 : index
      %get3A_65 = arith.constant 0 : index
      %get3A_66 = arith.constant 0 : index
      %get3A_67 = vector.load %arg11[%get3A_64, %get3A_65, %get3A_66] : memref<1x1x2000xi32, #tpu.memory_space<vmem>>, vector<1x1x2000xi32>
      %get3A_68 = vector.shape_cast %get3A_67 : vector<1x1x2000xi32> to vector<1x2000xi32>
      %iota3A = tpu.iota {dimensions = array<i32: 0>} : vector<64x2000xi32>
      %eq3A_69 = vector.broadcast %get3A_68 : vector<1x2000xi32> to vector<64x2000xi32>
      %eq3A_70 = arith.cmpi eq, %iota3A, %eq3A_69 : vector<64x2000xi32>
      %jit3A = arith.constant 1.000000e+00 : f32
      %jit3A_71 = arith.constant 0.000000e+00 : f32
      %broadcast_in_dim3A = vector.broadcast %jit3A : f32 to vector<64x2000xf32>
      %broadcast_in_dim3A_72 = vector.broadcast %jit3A_71 : f32 to vector<64x2000xf32>
      %select_n3A = arith.select %eq3A_70, %broadcast_in_dim3A, %broadcast_in_dim3A_72 : vector<64x2000xi1>, vector<64x2000xf32>
      %eq3A_73 = arith.constant 0 : i32
      %eq3A_74 = arith.cmpi eq, %arg1, %eq3A_73 : i32
      %convert_element_type3A_75 = arith.extui %eq3A_74 : i1 to i32
      %cond3A_76 = arith.constant 0 : i32
      %cond3A_77 = arith.cmpi ne, %convert_element_type3A_75, %cond3A_76 : i32
      scf.if %cond3A_77 {
        %broadcast_in_dim3A_108 = arith.constant 0.000000e+00 : f32
        %broadcast_in_dim3A_109 = vector.broadcast %broadcast_in_dim3A_108 : f32 to vector<2x64x128xf32>
        %swap3A_110 = arith.constant 0 : index
        %swap3A_111 = arith.constant 0 : index
        %swap3A_112 = arith.constant 0 : index
        %swap3A_113 = vector.load %arg13[%swap3A_110, %swap3A_111, %swap3A_112] : memref<2x64x128xf32, #tpu.memory_space<vmem>>, vector<2x64x128xf32>
        tpu.vector_store %arg13[%swap3A_110, %swap3A_111, %swap3A_112], %broadcast_in_dim3A_109 {strides = array<i32>} : memref<2x64x128xf32, #tpu.memory_space<vmem>>, vector<2x64x128xf32>,
      } else {
      }
      %get3A_78 = arith.constant 0 : index
      %get3A_79 = arith.constant 0 : index
      %get3A_80 = arith.constant 0 : index
      %get3A_81 = vector.load %arg13[%get3A_78, %get3A_79, %get3A_80] : memref<2x64x128xf32, #tpu.memory_space<vmem>>, vector<1x64x128xf32>
      %get3A_82 = vector.shape_cast %get3A_81 : vector<1x64x128xf32> to vector<64x128xf32>
      %slice3A_83 = vector.extract_strided_slice %max3A_51 {offsets = [0, 0], sizes = [2000, 128], strides = [1, 1]} : vector<2000x256xf32> to vector<2000x128xf32>
      %dot_general3A_84 = arith.constant dense<0.000000e+00> : vector<64x128xf32>
      %dot_general3A_85 = tpu.matmul %select_n3A, %slice3A_83, %dot_general3A_84 {dimension_numbers = #tpu.dot_dimension_numbers<[1], [0], [0], [1], [0, 0, 1, 1], [], []>, transpose_lhs_hint = false} : vector<64x2000xf32>, vector<2000x128xf32>, vector<64x128xf32> -> vector<64x128xf32>
      %add3A_86 = arith.addf %get3A_82, %dot_general3A_85 : vector<64x128xf32>
      %swap3A_87 = arith.constant 0 : index
      %swap3A_88 = arith.constant 0 : index
      %swap3A_89 = arith.constant 0 : index
      %swap3A_90 = vector.load %arg13[%swap3A_87, %swap3A_88, %swap3A_89] : memref<2x64x128xf32, #tpu.memory_space<vmem>>, vector<1x64x128xf32>
      %swap3A_91 = vector.shape_cast %swap3A_90 : vector<1x64x128xf32> to vector<64x128xf32>
      %swap3A_92 = vector.shape_cast %add3A_86 : vector<64x128xf32> to vector<1x64x128xf32>
      tpu.vector_store %arg13[%swap3A_87, %swap3A_88, %swap3A_89], %swap3A_92 {strides = array<i32>} : memref<2x64x128xf32, #tpu.memory_space<vmem>>, vector<1x64x128xf32>,
      %get3A_93 = arith.constant 1 : index
      %get3A_94 = arith.constant 0 : index
      %get3A_95 = arith.constant 0 : index
      %get3A_96 = vector.load %arg13[%get3A_93, %get3A_94, %get3A_95] : memref<2x64x128xf32, #tpu.memory_space<vmem>>, vector<1x64x128xf32>
      %get3A_97 = vector.shape_cast %get3A_96 : vector<1x64x128xf32> to vector<64x128xf32>
      %slice3A_98 = vector.extract_strided_slice %max3A_51 {offsets = [0, 128], sizes = [2000, 128], strides = [1, 1]} : vector<2000x256xf32> to vector<2000x128xf32>
      %dot_general3A_99 = arith.constant dense<0.000000e+00> : vector<64x128xf32>
      %dot_general3A_100 = tpu.matmul %select_n3A, %slice3A_98, %dot_general3A_99 {dimension_numbers = #tpu.dot_dimension_numbers<[1], [0], [0], [1], [0, 0, 1, 1], [], []>, transpose_lhs_hint = false} : vector<64x2000xf32>, vector<2000x128xf32>, vector<64x128xf32> -> vector<64x128xf32>
      %add3A_101 = arith.addf %get3A_97, %dot_general3A_100 : vector<64x128xf32>
      %swap3A_102 = arith.constant 1 : index
      %swap3A_103 = arith.constant 0 : index
      %swap3A_104 = arith.constant 0 : index
      %swap3A_105 = vector.load %arg13[%swap3A_102, %swap3A_103, %swap3A_104] : memref<2x64x128xf32, #tpu.memory_space<vmem>>, vector<1x64x128xf32>
      %swap3A_106 = vector.shape_cast %swap3A_105 : vector<1x64x128xf32> to vector<64x128xf32>
      %swap3A_107 = vector.shape_cast %add3A_101 : vector<64x128xf32> to vector<1x64x128xf32>
      tpu.vector_store %arg13[%swap3A_102, %swap3A_103, %swap3A_104], %swap3A_107 {strides = array<i32>} : memref<2x64x128xf32, #tpu.memory_space<vmem>>, vector<1x64x128xf32>,
    } else {
    }
    return
  }
  func.func @transform_0(%arg0: i32, %arg1: i32) -> (i32, i32) {
    %sub3A = arith.constant 1 : i32
    %sub3A_0 = arith.subi %sub3A, %arg0 : i32
    %mul3A = arith.muli %arg1, %sub3A_0 : i32
    %c0_i32 = arith.constant 0 : i32
    %c0_i32_1 = arith.constant 0 : i32
    return %mul3A, %c0_i32 : i32, i32
  }
  func.func @transform_1(%arg0: i32, %arg1: i32) -> (i32, i32, i32) {
    %sub3A = arith.constant 1 : i32
    %sub3A_0 = arith.subi %sub3A, %arg0 : i32
    %mul3A = arith.muli %arg1, %sub3A_0 : i32
    %c0_i32 = arith.constant 0 : i32
    %c0_i32_1 = arith.constant 0 : i32
    %c0_i32_2 = arith.constant 0 : i32
    return %c0_i32, %mul3A, %c0_i32_1 : i32, i32, i32
  }
  func.func @transform_2(%arg0: i32, %arg1: i32) -> (i32, i32, i32) {
    %sub3A = arith.constant 1 : i32
    %sub3A_0 = arith.subi %sub3A, %arg0 : i32
    %mul3A = arith.muli %arg1, %sub3A_0 : i32
    %c1_i32 = arith.constant 1 : i32
    %c0_i32 = arith.constant 0 : i32
    %c0_i32_1 = arith.constant 0 : i32
    return %c1_i32, %mul3A, %c0_i32 : i32, i32, i32
  }
  func.func @transform_3(%arg0: i32, %arg1: i32) -> (i32, i32) {
    %c0_i32 = arith.constant 0 : i32
    %c0_i32_0 = arith.constant 0 : i32
    %c0_i32_1 = arith.constant 0 : i32
    return %c0_i32, %c0_i32_0 : i32, i32
  }
  func.func @transform_4(%arg0: i32, %arg1: i32) -> (i32, i32) {
    %c0_i32 = arith.constant 0 : i32
    %c0_i32_0 = arith.constant 0 : i32
    %c0_i32_1 = arith.constant 0 : i32
    return %c0_i32, %c0_i32_0 : i32, i32
  }
  func.func @transform_5(%arg0: i32, %arg1: i32) -> (i32, i32) {
    %c0_i32 = arith.constant 0 : i32
    %c0_i32_0 = arith.constant 0 : i32
    %c0_i32_1 = arith.constant 0 : i32
    return %c0_i32, %c0_i32_0 : i32, i32
  }
  func.func @transform_6(%arg0: i32, %arg1: i32) -> (i32, i32) {
    %c0_i32 = arith.constant 0 : i32
    %c0_i32_0 = arith.constant 0 : i32
    %c0_i32_1 = arith.constant 0 : i32
    return %c0_i32, %c0_i32_0 : i32, i32
  }
  func.func @transform_7(%arg0: i32, %arg1: i32) -> (i32, i32) {
    %c0_i32 = arith.constant 0 : i32
    %c0_i32_0 = arith.constant 0 : i32
    %c0_i32_1 = arith.constant 0 : i32
    return %c0_i32, %c0_i32_0 : i32, i32
  }
  func.func @transform_8(%arg0: i32, %arg1: i32) -> (i32, i32) {
    %c0_i32 = arith.constant 0 : i32
    %c0_i32_0 = arith.constant 0 : i32
    %c0_i32_1 = arith.constant 0 : i32
    return %c0_i32, %c0_i32_0 : i32, i32
  }
  func.func @transform_9(%arg0: i32, %arg1: i32) -> (i32, i32, i32) {
    %mul3A = arith.muli %arg1, %arg0 : i32
    %c0_i32 = arith.constant 0 : i32
    %c0_i32_0 = arith.constant 0 : i32
    %c0_i32_1 = arith.constant 0 : i32
    return %mul3A, %c0_i32, %c0_i32_0 : i32, i32, i32
  }
  func.func @transform_10(%arg0: i32, %arg1: i32) -> (i32, i32, i32) {
    %mul3A = arith.muli %arg1, %arg0 : i32
    %c0_i32 = arith.constant 0 : i32
    %c0_i32_0 = arith.constant 0 : i32
    %c0_i32_1 = arith.constant 0 : i32
    return %c0_i32, %mul3A, %c0_i32_0 : i32, i32, i32
  }
  func.func @transform_11(%arg0: i32, %arg1: i32) -> (i32, i32, i32) {
    %c0_i32 = arith.constant 0 : i32
    %c0_i32_0 = arith.constant 0 : i32
    %c0_i32_1 = arith.constant 0 : i32
    %c0_i32_2 = arith.constant 0 : i32
    return %c0_i32, %c0_i32_0, %c0_i32_1 : i32, i32, i32
  }
}

module attributes {stable_mosaic.version = 14 : i64} {
  func.func @_gin_l23_body(%arg0: i32, %arg1: i32, %arg2: memref<2x2000x128xf32, #tpu.memory_space<vmem>>, %arg3: memref<2x2000x128xf32, #tpu.memory_space<vmem>>, %arg4: memref<256x256xf32, #tpu.memory_space<vmem>>, %arg5: memref<1x256xf32, #tpu.memory_space<vmem>>, %arg6: memref<1x256xf32, #tpu.memory_space<vmem>>, %arg7: memref<1x256xf32, #tpu.memory_space<vmem>>, %arg8: memref<256x256xf32, #tpu.memory_space<vmem>>, %arg9: memref<1x256xf32, #tpu.memory_space<vmem>>, %arg10: memref<1x1x2000xi32, #tpu.memory_space<vmem>>, %arg11: memref<2x2000x128xf32, #tpu.memory_space<vmem>>, %arg12: memref<2x64x128xf32, #tpu.memory_space<vmem>>, %arg13: memref<10000x256xf32, #tpu.memory_space<vmem>>, %arg14: memref<1x256xf32, #tpu.memory_space<vmem>>, %arg15: memref<1x256xf32, #tpu.memory_space<vmem>>) attributes {dimension_semantics = [#tpu.dimension_semantics<arbitrary>, #tpu.dimension_semantics<arbitrary>], iteration_bounds = array<i64: 2, 5>, scalar_prefetch = 0 : i64, scratch_operands = 3 : i64, tpu.core_type = #tpu.core_type<tc>, window_params = [{transform_indices = @transform_0, window_bounds = array<i64: 2, 2000, 128>}, {transform_indices = @transform_1, window_bounds = array<i64: 2, 2000, 128>}, {pipeline_mode = #tpu.pipeline_mode<synchronous>, transform_indices = @transform_2, window_bounds = array<i64: 256, 256>}, {pipeline_mode = #tpu.pipeline_mode<synchronous>, transform_indices = @transform_3, window_bounds = array<i64: 1, 256>}, {pipeline_mode = #tpu.pipeline_mode<synchronous>, transform_indices = @transform_4, window_bounds = array<i64: 1, 256>}, {pipeline_mode = #tpu.pipeline_mode<synchronous>, transform_indices = @transform_5, window_bounds = array<i64: 1, 256>}, {pipeline_mode = #tpu.pipeline_mode<synchronous>, transform_indices = @transform_6, window_bounds = array<i64: 256, 256>}, {pipeline_mode = #tpu.pipeline_mode<synchronous>, transform_indices = @transform_7, window_bounds = array<i64: 1, 256>}, {transform_indices = @transform_8, window_bounds = array<i64: 1, 1, 2000>}, {transform_indices = @transform_9, window_bounds = array<i64: 2, 2000, 128>}, {pipeline_mode = #tpu.pipeline_mode<synchronous>, transform_indices = @transform_10, window_bounds = array<i64: 2, 64, 128>}]} {
    %eq3A = arith.constant 0 : i32
    %eq3A_0 = arith.cmpi eq, %arg0, %eq3A : i32
    %convert_element_type3A = arith.extui %eq3A_0 : i1 to i32
    %cond3A = arith.constant 0 : i32
    %cond3A_1 = arith.cmpi ne, %convert_element_type3A, %cond3A : i32
    scf.if %cond3A_1 {
      %get3A = arith.constant 0 : index
      %get3A_7 = arith.constant 0 : index
      %get3A_8 = arith.constant 0 : index
      %get3A_9 = vector.load %arg2[%get3A, %get3A_7, %get3A_8] : memref<2x2000x128xf32, #tpu.memory_space<vmem>>, vector<1x2000x128xf32>
      %get3A_10 = vector.shape_cast %get3A_9 : vector<1x2000x128xf32> to vector<2000x128xf32>
      %get3A_11 = arith.constant 0 : index
      %get3A_12 = arith.constant 0 : index
      %get3A_13 = arith.constant 0 : index
      %get3A_14 = vector.load %arg3[%get3A_11, %get3A_12, %get3A_13] : memref<2x2000x128xf32, #tpu.memory_space<vmem>>, vector<1x2000x128xf32>
      %get3A_15 = vector.shape_cast %get3A_14 : vector<1x2000x128xf32> to vector<2000x128xf32>
      %add3A = arith.addf %get3A_10, %get3A_15 : vector<2000x128xf32>
      %get3A_16 = arith.constant 1 : index
      %get3A_17 = arith.constant 0 : index
      %get3A_18 = arith.constant 0 : index
      %get3A_19 = vector.load %arg2[%get3A_16, %get3A_17, %get3A_18] : memref<2x2000x128xf32, #tpu.memory_space<vmem>>, vector<1x2000x128xf32>
      %get3A_20 = vector.shape_cast %get3A_19 : vector<1x2000x128xf32> to vector<2000x128xf32>
      %get3A_21 = arith.constant 1 : index
      %get3A_22 = arith.constant 0 : index
      %get3A_23 = arith.constant 0 : index
      %get3A_24 = vector.load %arg3[%get3A_21, %get3A_22, %get3A_23] : memref<2x2000x128xf32, #tpu.memory_space<vmem>>, vector<1x2000x128xf32>
      %get3A_25 = vector.shape_cast %get3A_24 : vector<1x2000x128xf32> to vector<2000x128xf32>
      %add3A_26 = arith.addf %get3A_20, %get3A_25 : vector<2000x128xf32>
      %get3A_27 = arith.constant 0 : index
      %get3A_28 = arith.constant 0 : index
      %get3A_29 = vector.load %arg4[%get3A_27, %get3A_28] : memref<256x256xf32, #tpu.memory_space<vmem>>, vector<128x256xf32>
      %dot_general3A = arith.constant dense<0.000000e+00> : vector<2000x256xf32>
      %dot_general3A_30 = tpu.matmul %add3A, %get3A_29, %dot_general3A {dimension_numbers = #tpu.dot_dimension_numbers<[1], [0], [0], [1], [0, 0, 1, 1], [], []>, transpose_lhs_hint = false} : vector<2000x128xf32>, vector<128x256xf32>, vector<2000x256xf32> -> vector<2000x256xf32>
      %get3A_31 = arith.constant 128 : index
      %get3A_32 = arith.constant 0 : index
      %get3A_33 = vector.load %arg4[%get3A_31, %get3A_32] : memref<256x256xf32, #tpu.memory_space<vmem>>, vector<128x256xf32>
      %dot_general3A_34 = arith.constant dense<0.000000e+00> : vector<2000x256xf32>
      %dot_general3A_35 = tpu.matmul %add3A_26, %get3A_33, %dot_general3A_34 {dimension_numbers = #tpu.dot_dimension_numbers<[1], [0], [0], [1], [0, 0, 1, 1], [], []>, transpose_lhs_hint = false} : vector<2000x128xf32>, vector<128x256xf32>, vector<2000x256xf32> -> vector<2000x256xf32>
      %add3A_36 = arith.addf %dot_general3A_30, %dot_general3A_35 : vector<2000x256xf32>
      %get3A_37 = arith.constant 0 : index
      %get3A_38 = arith.constant 0 : index
      %get3A_39 = vector.load %arg5[%get3A_37, %get3A_38] : memref<1x256xf32, #tpu.memory_space<vmem>>, vector<1x256xf32>
      %add3A_40 = vector.broadcast %get3A_39 : vector<1x256xf32> to vector<2000x256xf32>
      %add3A_41 = arith.addf %add3A_36, %add3A_40 : vector<2000x256xf32>
      %mul3A = arith.constant 2000 : i32
      %mul3A_42 = arith.muli %arg1, %mul3A : i32
      %swap3A = arith.index_cast %mul3A_42 : i32 to index
      %swap3A_43 = arith.constant 0 : index
      %swap3A_44 = vector.load %arg13[%swap3A, %swap3A_43] : memref<10000x256xf32, #tpu.memory_space<vmem>>, vector<2000x256xf32>
      tpu.vector_store %arg13[%swap3A, %swap3A_43], %add3A_41 {strides = array<i32>} : memref<10000x256xf32, #tpu.memory_space<vmem>>, vector<2000x256xf32>,
      %eq3A_45 = arith.constant 0 : i32
      %eq3A_46 = arith.cmpi eq, %arg1, %eq3A_45 : i32
      %convert_element_type3A_47 = arith.extui %eq3A_46 : i1 to i32
      %cond3A_48 = arith.constant 0 : i32
      %cond3A_49 = arith.cmpi ne, %convert_element_type3A_47, %cond3A_48 : i32
      scf.if %cond3A_49 {
        %broadcast_in_dim3A_69 = arith.constant 0.000000e+00 : f32
        %broadcast_in_dim3A_70 = vector.broadcast %broadcast_in_dim3A_69 : f32 to vector<1x256xf32>
        %swap3A_71 = arith.constant 0 : index
        %swap3A_72 = arith.constant 0 : index
        %swap3A_73 = vector.load %arg14[%swap3A_71, %swap3A_72] : memref<1x256xf32, #tpu.memory_space<vmem>>, vector<1x256xf32>
        tpu.vector_store %arg14[%swap3A_71, %swap3A_72], %broadcast_in_dim3A_70 {strides = array<i32>} : memref<1x256xf32, #tpu.memory_space<vmem>>, vector<1x256xf32>,
        %broadcast_in_dim3A_74 = arith.constant 0.000000e+00 : f32
        %broadcast_in_dim3A_75 = vector.broadcast %broadcast_in_dim3A_74 : f32 to vector<1x256xf32>
        %swap3A_76 = arith.constant 0 : index
        %swap3A_77 = arith.constant 0 : index
        %swap3A_78 = vector.load %arg15[%swap3A_76, %swap3A_77] : memref<1x256xf32, #tpu.memory_space<vmem>>, vector<1x256xf32>
        tpu.vector_store %arg15[%swap3A_76, %swap3A_77], %broadcast_in_dim3A_75 {strides = array<i32>} : memref<1x256xf32, #tpu.memory_space<vmem>>, vector<1x256xf32>,
      } else {
      }
      %get3A_50 = arith.constant 0 : index
      %get3A_51 = arith.constant 0 : index
      %get3A_52 = vector.load %arg14[%get3A_50, %get3A_51] : memref<1x256xf32, #tpu.memory_space<vmem>>, vector<1x256xf32>
      %reduce_sum3A = arith.constant dense<0.000000e+00> : vector<256xf32>
      %reduce_sum3A_53 = vector.multi_reduction <add>, %add3A_41, %reduce_sum3A [0] : vector<2000x256xf32> to vector<256xf32>
      %broadcast_in_dim3A = vector.shape_cast %reduce_sum3A_53 : vector<256xf32> to vector<1x256xf32>
      %add3A_54 = arith.addf %get3A_52, %broadcast_in_dim3A : vector<1x256xf32>
      %swap3A_55 = arith.constant 0 : index
      %swap3A_56 = arith.constant 0 : index
      %swap3A_57 = vector.load %arg14[%swap3A_55, %swap3A_56] : memref<1x256xf32, #tpu.memory_space<vmem>>, vector<1x256xf32>
      tpu.vector_store %arg14[%swap3A_55, %swap3A_56], %add3A_54 {strides = array<i32>} : memref<1x256xf32, #tpu.memory_space<vmem>>, vector<1x256xf32>,
      %get3A_58 = arith.constant 0 : index
      %get3A_59 = arith.constant 0 : index
      %get3A_60 = vector.load %arg15[%get3A_58, %get3A_59] : memref<1x256xf32, #tpu.memory_space<vmem>>, vector<1x256xf32>
      %mul3A_61 = arith.mulf %add3A_41, %add3A_41 : vector<2000x256xf32>
      %reduce_sum3A_62 = arith.constant dense<0.000000e+00> : vector<256xf32>
      %reduce_sum3A_63 = vector.multi_reduction <add>, %mul3A_61, %reduce_sum3A_62 [0] : vector<2000x256xf32> to vector<256xf32>
      %broadcast_in_dim3A_64 = vector.shape_cast %reduce_sum3A_63 : vector<256xf32> to vector<1x256xf32>
      %add3A_65 = arith.addf %get3A_60, %broadcast_in_dim3A_64 : vector<1x256xf32>
      %swap3A_66 = arith.constant 0 : index
      %swap3A_67 = arith.constant 0 : index
      %swap3A_68 = vector.load %arg15[%swap3A_66, %swap3A_67] : memref<1x256xf32, #tpu.memory_space<vmem>>, vector<1x256xf32>
      tpu.vector_store %arg15[%swap3A_66, %swap3A_67], %add3A_65 {strides = array<i32>} : memref<1x256xf32, #tpu.memory_space<vmem>>, vector<1x256xf32>,
    } else {
    }
    %eq3A_2 = arith.constant 1 : i32
    %eq3A_3 = arith.cmpi eq, %arg0, %eq3A_2 : i32
    %convert_element_type3A_4 = arith.extui %eq3A_3 : i1 to i32
    %cond3A_5 = arith.constant 0 : i32
    %cond3A_6 = arith.cmpi ne, %convert_element_type3A_4, %cond3A_5 : i32
    scf.if %cond3A_6 {
      %mul3A = arith.constant 2000 : i32
      %mul3A_7 = arith.muli %arg1, %mul3A : i32
      %get3A = arith.index_cast %mul3A_7 : i32 to index
      %get3A_8 = arith.constant 0 : index
      %get3A_9 = vector.load %arg13[%get3A, %get3A_8] : memref<10000x256xf32, #tpu.memory_space<vmem>>, vector<2000x256xf32>
      %get3A_10 = arith.constant 0 : index
      %get3A_11 = arith.constant 0 : index
      %get3A_12 = vector.load %arg14[%get3A_10, %get3A_11] : memref<1x256xf32, #tpu.memory_space<vmem>>, vector<1x256xf32>
      %mul3A_13 = arith.constant 9.99999974E-5 : f32
      %mul3A_14 = vector.broadcast %mul3A_13 : f32 to vector<1x256xf32>
      %mul3A_15 = arith.mulf %get3A_12, %mul3A_14 : vector<1x256xf32>
      %get3A_16 = arith.constant 0 : index
      %get3A_17 = arith.constant 0 : index
      %get3A_18 = vector.load %arg15[%get3A_16, %get3A_17] : memref<1x256xf32, #tpu.memory_space<vmem>>, vector<1x256xf32>
      %mul3A_19 = arith.constant 9.99999974E-5 : f32
      %mul3A_20 = vector.broadcast %mul3A_19 : f32 to vector<1x256xf32>
      %mul3A_21 = arith.mulf %get3A_18, %mul3A_20 : vector<1x256xf32>
      %mul3A_22 = arith.mulf %mul3A_15, %mul3A_15 : vector<1x256xf32>
      %sub3A = arith.subf %mul3A_21, %mul3A_22 : vector<1x256xf32>
      %add3A = arith.constant 9.99999974E-6 : f32
      %add3A_23 = vector.broadcast %add3A : f32 to vector<1x256xf32>
      %add3A_24 = arith.addf %sub3A, %add3A_23 : vector<1x256xf32>
      %rsqrt3A = math.rsqrt %add3A_24 : vector<1x256xf32>
      %get3A_25 = arith.constant 0 : index
      %get3A_26 = arith.constant 0 : index
      %get3A_27 = vector.load %arg6[%get3A_25, %get3A_26] : memref<1x256xf32, #tpu.memory_space<vmem>>, vector<1x256xf32>
      %mul3A_28 = arith.mulf %get3A_27, %rsqrt3A : vector<1x256xf32>
      %get3A_29 = arith.constant 0 : index
      %get3A_30 = arith.constant 0 : index
      %get3A_31 = vector.load %arg7[%get3A_29, %get3A_30] : memref<1x256xf32, #tpu.memory_space<vmem>>, vector<1x256xf32>
      %mul3A_32 = arith.mulf %mul3A_15, %mul3A_28 : vector<1x256xf32>
      %sub3A_33 = arith.subf %get3A_31, %mul3A_32 : vector<1x256xf32>
      %mul3A_34 = vector.broadcast %mul3A_28 : vector<1x256xf32> to vector<2000x256xf32>
      %mul3A_35 = arith.mulf %get3A_9, %mul3A_34 : vector<2000x256xf32>
      %add3A_36 = vector.broadcast %sub3A_33 : vector<1x256xf32> to vector<2000x256xf32>
      %add3A_37 = arith.addf %mul3A_35, %add3A_36 : vector<2000x256xf32>
      %max3A = arith.constant 0.000000e+00 : f32
      %max3A_38 = vector.broadcast %max3A : f32 to vector<2000x256xf32>
      %max3A_39 = arith.maximumf %add3A_37, %max3A_38 : vector<2000x256xf32>
      %get3A_40 = arith.constant 0 : index
      %get3A_41 = arith.constant 0 : index
      %get3A_42 = vector.load %arg8[%get3A_40, %get3A_41] : memref<256x256xf32, #tpu.memory_space<vmem>>, vector<256x256xf32>
      %dot_general3A = arith.constant dense<0.000000e+00> : vector<2000x256xf32>
      %dot_general3A_43 = tpu.matmul %max3A_39, %get3A_42, %dot_general3A {dimension_numbers = #tpu.dot_dimension_numbers<[1], [0], [0], [1], [0, 0, 1, 1], [], []>, transpose_lhs_hint = false} : vector<2000x256xf32>, vector<256x256xf32>, vector<2000x256xf32> -> vector<2000x256xf32>
      %get3A_44 = arith.constant 0 : index
      %get3A_45 = arith.constant 0 : index
      %get3A_46 = vector.load %arg9[%get3A_44, %get3A_45] : memref<1x256xf32, #tpu.memory_space<vmem>>, vector<1x256xf32>
      %add3A_47 = vector.broadcast %get3A_46 : vector<1x256xf32> to vector<2000x256xf32>
      %add3A_48 = arith.addf %dot_general3A_43, %add3A_47 : vector<2000x256xf32>
      %max3A_49 = arith.constant 0.000000e+00 : f32
      %max3A_50 = vector.broadcast %max3A_49 : f32 to vector<2000x256xf32>
      %max3A_51 = arith.maximumf %add3A_48, %max3A_50 : vector<2000x256xf32>
      %slice3A = vector.extract_strided_slice %max3A_51 {offsets = [0, 0], sizes = [2000, 128], strides = [1, 1]} : vector<2000x256xf32> to vector<2000x128xf32>
      %swap3A = arith.constant 0 : index
      %swap3A_52 = arith.constant 0 : index
      %swap3A_53 = arith.constant 0 : index
      %swap3A_54 = vector.load %arg11[%swap3A, %swap3A_52, %swap3A_53] : memref<2x2000x128xf32, #tpu.memory_space<vmem>>, vector<1x2000x128xf32>
      %swap3A_55 = vector.shape_cast %swap3A_54 : vector<1x2000x128xf32> to vector<2000x128xf32>
      %swap3A_56 = vector.shape_cast %slice3A : vector<2000x128xf32> to vector<1x2000x128xf32>
      tpu.vector_store %arg11[%swap3A, %swap3A_52, %swap3A_53], %swap3A_56 {strides = array<i32>} : memref<2x2000x128xf32, #tpu.memory_space<vmem>>, vector<1x2000x128xf32>,
      %slice3A_57 = vector.extract_strided_slice %max3A_51 {offsets = [0, 128], sizes = [2000, 128], strides = [1, 1]} : vector<2000x256xf32> to vector<2000x128xf32>
      %swap3A_58 = arith.constant 1 : index
      %swap3A_59 = arith.constant 0 : index
      %swap3A_60 = arith.constant 0 : index
      %swap3A_61 = vector.load %arg11[%swap3A_58, %swap3A_59, %swap3A_60] : memref<2x2000x128xf32, #tpu.memory_space<vmem>>, vector<1x2000x128xf32>
      %swap3A_62 = vector.shape_cast %swap3A_61 : vector<1x2000x128xf32> to vector<2000x128xf32>
      %swap3A_63 = vector.shape_cast %slice3A_57 : vector<2000x128xf32> to vector<1x2000x128xf32>
      tpu.vector_store %arg11[%swap3A_58, %swap3A_59, %swap3A_60], %swap3A_63 {strides = array<i32>} : memref<2x2000x128xf32, #tpu.memory_space<vmem>>, vector<1x2000x128xf32>,
      %get3A_64 = arith.constant 0 : index
      %get3A_65 = arith.constant 0 : index
      %get3A_66 = arith.constant 0 : index
      %get3A_67 = vector.load %arg10[%get3A_64, %get3A_65, %get3A_66] : memref<1x1x2000xi32, #tpu.memory_space<vmem>>, vector<1x1x2000xi32>
      %get3A_68 = vector.shape_cast %get3A_67 : vector<1x1x2000xi32> to vector<1x2000xi32>
      %iota3A = tpu.iota {dimensions = array<i32: 0>} : vector<64x2000xi32>
      %eq3A_69 = vector.broadcast %get3A_68 : vector<1x2000xi32> to vector<64x2000xi32>
      %eq3A_70 = arith.cmpi eq, %iota3A, %eq3A_69 : vector<64x2000xi32>
      %jit3A = arith.constant 1.000000e+00 : f32
      %jit3A_71 = arith.constant 0.000000e+00 : f32
      %broadcast_in_dim3A = vector.broadcast %jit3A : f32 to vector<64x2000xf32>
      %broadcast_in_dim3A_72 = vector.broadcast %jit3A_71 : f32 to vector<64x2000xf32>
      %select_n3A = arith.select %eq3A_70, %broadcast_in_dim3A, %broadcast_in_dim3A_72 : vector<64x2000xi1>, vector<64x2000xf32>
      %eq3A_73 = arith.constant 0 : i32
      %eq3A_74 = arith.cmpi eq, %arg1, %eq3A_73 : i32
      %convert_element_type3A_75 = arith.extui %eq3A_74 : i1 to i32
      %cond3A_76 = arith.constant 0 : i32
      %cond3A_77 = arith.cmpi ne, %convert_element_type3A_75, %cond3A_76 : i32
      scf.if %cond3A_77 {
        %broadcast_in_dim3A_108 = arith.constant 0.000000e+00 : f32
        %broadcast_in_dim3A_109 = vector.broadcast %broadcast_in_dim3A_108 : f32 to vector<2x64x128xf32>
        %swap3A_110 = arith.constant 0 : index
        %swap3A_111 = arith.constant 0 : index
        %swap3A_112 = arith.constant 0 : index
        %swap3A_113 = vector.load %arg12[%swap3A_110, %swap3A_111, %swap3A_112] : memref<2x64x128xf32, #tpu.memory_space<vmem>>, vector<2x64x128xf32>
        tpu.vector_store %arg12[%swap3A_110, %swap3A_111, %swap3A_112], %broadcast_in_dim3A_109 {strides = array<i32>} : memref<2x64x128xf32, #tpu.memory_space<vmem>>, vector<2x64x128xf32>,
      } else {
      }
      %get3A_78 = arith.constant 0 : index
      %get3A_79 = arith.constant 0 : index
      %get3A_80 = arith.constant 0 : index
      %get3A_81 = vector.load %arg12[%get3A_78, %get3A_79, %get3A_80] : memref<2x64x128xf32, #tpu.memory_space<vmem>>, vector<1x64x128xf32>
      %get3A_82 = vector.shape_cast %get3A_81 : vector<1x64x128xf32> to vector<64x128xf32>
      %slice3A_83 = vector.extract_strided_slice %max3A_51 {offsets = [0, 0], sizes = [2000, 128], strides = [1, 1]} : vector<2000x256xf32> to vector<2000x128xf32>
      %dot_general3A_84 = arith.constant dense<0.000000e+00> : vector<64x128xf32>
      %dot_general3A_85 = tpu.matmul %select_n3A, %slice3A_83, %dot_general3A_84 {dimension_numbers = #tpu.dot_dimension_numbers<[1], [0], [0], [1], [0, 0, 1, 1], [], []>, transpose_lhs_hint = false} : vector<64x2000xf32>, vector<2000x128xf32>, vector<64x128xf32> -> vector<64x128xf32>
      %add3A_86 = arith.addf %get3A_82, %dot_general3A_85 : vector<64x128xf32>
      %swap3A_87 = arith.constant 0 : index
      %swap3A_88 = arith.constant 0 : index
      %swap3A_89 = arith.constant 0 : index
      %swap3A_90 = vector.load %arg12[%swap3A_87, %swap3A_88, %swap3A_89] : memref<2x64x128xf32, #tpu.memory_space<vmem>>, vector<1x64x128xf32>
      %swap3A_91 = vector.shape_cast %swap3A_90 : vector<1x64x128xf32> to vector<64x128xf32>
      %swap3A_92 = vector.shape_cast %add3A_86 : vector<64x128xf32> to vector<1x64x128xf32>
      tpu.vector_store %arg12[%swap3A_87, %swap3A_88, %swap3A_89], %swap3A_92 {strides = array<i32>} : memref<2x64x128xf32, #tpu.memory_space<vmem>>, vector<1x64x128xf32>,
      %get3A_93 = arith.constant 1 : index
      %get3A_94 = arith.constant 0 : index
      %get3A_95 = arith.constant 0 : index
      %get3A_96 = vector.load %arg12[%get3A_93, %get3A_94, %get3A_95] : memref<2x64x128xf32, #tpu.memory_space<vmem>>, vector<1x64x128xf32>
      %get3A_97 = vector.shape_cast %get3A_96 : vector<1x64x128xf32> to vector<64x128xf32>
      %slice3A_98 = vector.extract_strided_slice %max3A_51 {offsets = [0, 128], sizes = [2000, 128], strides = [1, 1]} : vector<2000x256xf32> to vector<2000x128xf32>
      %dot_general3A_99 = arith.constant dense<0.000000e+00> : vector<64x128xf32>
      %dot_general3A_100 = tpu.matmul %select_n3A, %slice3A_98, %dot_general3A_99 {dimension_numbers = #tpu.dot_dimension_numbers<[1], [0], [0], [1], [0, 0, 1, 1], [], []>, transpose_lhs_hint = false} : vector<64x2000xf32>, vector<2000x128xf32>, vector<64x128xf32> -> vector<64x128xf32>
      %add3A_101 = arith.addf %get3A_97, %dot_general3A_100 : vector<64x128xf32>
      %swap3A_102 = arith.constant 1 : index
      %swap3A_103 = arith.constant 0 : index
      %swap3A_104 = arith.constant 0 : index
      %swap3A_105 = vector.load %arg12[%swap3A_102, %swap3A_103, %swap3A_104] : memref<2x64x128xf32, #tpu.memory_space<vmem>>, vector<1x64x128xf32>
      %swap3A_106 = vector.shape_cast %swap3A_105 : vector<1x64x128xf32> to vector<64x128xf32>
      %swap3A_107 = vector.shape_cast %add3A_101 : vector<64x128xf32> to vector<1x64x128xf32>
      tpu.vector_store %arg12[%swap3A_102, %swap3A_103, %swap3A_104], %swap3A_107 {strides = array<i32>} : memref<2x64x128xf32, #tpu.memory_space<vmem>>, vector<1x64x128xf32>,
    } else {
    }
    return
  }
  func.func @transform_0(%arg0: i32, %arg1: i32) -> (i32, i32, i32) {
    %sub3A = arith.constant 1 : i32
    %sub3A_0 = arith.subi %sub3A, %arg0 : i32
    %mul3A = arith.muli %arg1, %sub3A_0 : i32
    %c0_i32 = arith.constant 0 : i32
    %c0_i32_1 = arith.constant 0 : i32
    %c0_i32_2 = arith.constant 0 : i32
    return %c0_i32, %mul3A, %c0_i32_1 : i32, i32, i32
  }
  func.func @transform_1(%arg0: i32, %arg1: i32) -> (i32, i32, i32) {
    %sub3A = arith.constant 1 : i32
    %sub3A_0 = arith.subi %sub3A, %arg0 : i32
    %mul3A = arith.muli %arg1, %sub3A_0 : i32
    %c0_i32 = arith.constant 0 : i32
    %c0_i32_1 = arith.constant 0 : i32
    %c0_i32_2 = arith.constant 0 : i32
    return %c0_i32, %mul3A, %c0_i32_1 : i32, i32, i32
  }
  func.func @transform_2(%arg0: i32, %arg1: i32) -> (i32, i32) {
    %c0_i32 = arith.constant 0 : i32
    %c0_i32_0 = arith.constant 0 : i32
    %c0_i32_1 = arith.constant 0 : i32
    return %c0_i32, %c0_i32_0 : i32, i32
  }
  func.func @transform_3(%arg0: i32, %arg1: i32) -> (i32, i32) {
    %c0_i32 = arith.constant 0 : i32
    %c0_i32_0 = arith.constant 0 : i32
    %c0_i32_1 = arith.constant 0 : i32
    return %c0_i32, %c0_i32_0 : i32, i32
  }
  func.func @transform_4(%arg0: i32, %arg1: i32) -> (i32, i32) {
    %c0_i32 = arith.constant 0 : i32
    %c0_i32_0 = arith.constant 0 : i32
    %c0_i32_1 = arith.constant 0 : i32
    return %c0_i32, %c0_i32_0 : i32, i32
  }
  func.func @transform_5(%arg0: i32, %arg1: i32) -> (i32, i32) {
    %c0_i32 = arith.constant 0 : i32
    %c0_i32_0 = arith.constant 0 : i32
    %c0_i32_1 = arith.constant 0 : i32
    return %c0_i32, %c0_i32_0 : i32, i32
  }
  func.func @transform_6(%arg0: i32, %arg1: i32) -> (i32, i32) {
    %c0_i32 = arith.constant 0 : i32
    %c0_i32_0 = arith.constant 0 : i32
    %c0_i32_1 = arith.constant 0 : i32
    return %c0_i32, %c0_i32_0 : i32, i32
  }
  func.func @transform_7(%arg0: i32, %arg1: i32) -> (i32, i32) {
    %c0_i32 = arith.constant 0 : i32
    %c0_i32_0 = arith.constant 0 : i32
    %c0_i32_1 = arith.constant 0 : i32
    return %c0_i32, %c0_i32_0 : i32, i32
  }
  func.func @transform_8(%arg0: i32, %arg1: i32) -> (i32, i32, i32) {
    %mul3A = arith.muli %arg1, %arg0 : i32
    %c0_i32 = arith.constant 0 : i32
    %c0_i32_0 = arith.constant 0 : i32
    %c0_i32_1 = arith.constant 0 : i32
    return %mul3A, %c0_i32, %c0_i32_0 : i32, i32, i32
  }
  func.func @transform_9(%arg0: i32, %arg1: i32) -> (i32, i32, i32) {
    %mul3A = arith.muli %arg1, %arg0 : i32
    %c0_i32 = arith.constant 0 : i32
    %c0_i32_0 = arith.constant 0 : i32
    %c0_i32_1 = arith.constant 0 : i32
    return %c0_i32, %mul3A, %c0_i32_0 : i32, i32, i32
  }
  func.func @transform_10(%arg0: i32, %arg1: i32) -> (i32, i32, i32) {
    %c0_i32 = arith.constant 0 : i32
    %c0_i32_0 = arith.constant 0 : i32
    %c0_i32_1 = arith.constant 0 : i32
    %c0_i32_2 = arith.constant 0 : i32
    return %c0_i32, %c0_i32_0, %c0_i32_1 : i32, i32, i32
  }
}

module attributes {stable_mosaic.version = 14 : i64} {
  func.func @_gin_l23_body(%arg0: i32, %arg1: i32, %arg2: memref<2x2000x128xf32, #tpu.memory_space<vmem>>, %arg3: memref<2x2000x128xf32, #tpu.memory_space<vmem>>, %arg4: memref<256x256xf32, #tpu.memory_space<vmem>>, %arg5: memref<1x256xf32, #tpu.memory_space<vmem>>, %arg6: memref<1x256xf32, #tpu.memory_space<vmem>>, %arg7: memref<1x256xf32, #tpu.memory_space<vmem>>, %arg8: memref<256x256xf32, #tpu.memory_space<vmem>>, %arg9: memref<1x256xf32, #tpu.memory_space<vmem>>, %arg10: memref<1x1x2000xi32, #tpu.memory_space<vmem>>, %arg11: memref<2x2000x128xf32, #tpu.memory_space<vmem>>, %arg12: memref<2x64x128xf32, #tpu.memory_space<vmem>>, %arg13: memref<10000x256xf32, #tpu.memory_space<vmem>>, %arg14: memref<1x256xf32, #tpu.memory_space<vmem>>, %arg15: memref<1x256xf32, #tpu.memory_space<vmem>>) attributes {dimension_semantics = [#tpu.dimension_semantics<arbitrary>, #tpu.dimension_semantics<arbitrary>], iteration_bounds = array<i64: 2, 5>, scalar_prefetch = 0 : i64, scratch_operands = 3 : i64, tpu.core_type = #tpu.core_type<tc>, window_params = [{transform_indices = @transform_0, window_bounds = array<i64: 2, 2000, 128>}, {transform_indices = @transform_1, window_bounds = array<i64: 2, 2000, 128>}, {pipeline_mode = #tpu.pipeline_mode<synchronous>, transform_indices = @transform_2, window_bounds = array<i64: 256, 256>}, {pipeline_mode = #tpu.pipeline_mode<synchronous>, transform_indices = @transform_3, window_bounds = array<i64: 1, 256>}, {pipeline_mode = #tpu.pipeline_mode<synchronous>, transform_indices = @transform_4, window_bounds = array<i64: 1, 256>}, {pipeline_mode = #tpu.pipeline_mode<synchronous>, transform_indices = @transform_5, window_bounds = array<i64: 1, 256>}, {pipeline_mode = #tpu.pipeline_mode<synchronous>, transform_indices = @transform_6, window_bounds = array<i64: 256, 256>}, {pipeline_mode = #tpu.pipeline_mode<synchronous>, transform_indices = @transform_7, window_bounds = array<i64: 1, 256>}, {transform_indices = @transform_8, window_bounds = array<i64: 1, 1, 2000>}, {transform_indices = @transform_9, window_bounds = array<i64: 2, 2000, 128>}, {pipeline_mode = #tpu.pipeline_mode<synchronous>, transform_indices = @transform_10, window_bounds = array<i64: 2, 64, 128>}]} {
    %eq3A = arith.constant 0 : i32
    %eq3A_0 = arith.cmpi eq, %arg0, %eq3A : i32
    %convert_element_type3A = arith.extui %eq3A_0 : i1 to i32
    %cond3A = arith.constant 0 : i32
    %cond3A_1 = arith.cmpi ne, %convert_element_type3A, %cond3A : i32
    scf.if %cond3A_1 {
      %get3A = arith.constant 0 : index
      %get3A_7 = arith.constant 0 : index
      %get3A_8 = arith.constant 0 : index
      %get3A_9 = vector.load %arg2[%get3A, %get3A_7, %get3A_8] : memref<2x2000x128xf32, #tpu.memory_space<vmem>>, vector<1x2000x128xf32>
      %get3A_10 = vector.shape_cast %get3A_9 : vector<1x2000x128xf32> to vector<2000x128xf32>
      %get3A_11 = arith.constant 0 : index
      %get3A_12 = arith.constant 0 : index
      %get3A_13 = arith.constant 0 : index
      %get3A_14 = vector.load %arg3[%get3A_11, %get3A_12, %get3A_13] : memref<2x2000x128xf32, #tpu.memory_space<vmem>>, vector<1x2000x128xf32>
      %get3A_15 = vector.shape_cast %get3A_14 : vector<1x2000x128xf32> to vector<2000x128xf32>
      %add3A = arith.addf %get3A_10, %get3A_15 : vector<2000x128xf32>
      %get3A_16 = arith.constant 1 : index
      %get3A_17 = arith.constant 0 : index
      %get3A_18 = arith.constant 0 : index
      %get3A_19 = vector.load %arg2[%get3A_16, %get3A_17, %get3A_18] : memref<2x2000x128xf32, #tpu.memory_space<vmem>>, vector<1x2000x128xf32>
      %get3A_20 = vector.shape_cast %get3A_19 : vector<1x2000x128xf32> to vector<2000x128xf32>
      %get3A_21 = arith.constant 1 : index
      %get3A_22 = arith.constant 0 : index
      %get3A_23 = arith.constant 0 : index
      %get3A_24 = vector.load %arg3[%get3A_21, %get3A_22, %get3A_23] : memref<2x2000x128xf32, #tpu.memory_space<vmem>>, vector<1x2000x128xf32>
      %get3A_25 = vector.shape_cast %get3A_24 : vector<1x2000x128xf32> to vector<2000x128xf32>
      %add3A_26 = arith.addf %get3A_20, %get3A_25 : vector<2000x128xf32>
      %get3A_27 = arith.constant 0 : index
      %get3A_28 = arith.constant 0 : index
      %get3A_29 = vector.load %arg4[%get3A_27, %get3A_28] : memref<256x256xf32, #tpu.memory_space<vmem>>, vector<128x256xf32>
      %dot_general3A = arith.constant dense<0.000000e+00> : vector<2000x256xf32>
      %dot_general3A_30 = tpu.matmul %add3A, %get3A_29, %dot_general3A {dimension_numbers = #tpu.dot_dimension_numbers<[1], [0], [0], [1], [0, 0, 1, 1], [], []>, transpose_lhs_hint = false} : vector<2000x128xf32>, vector<128x256xf32>, vector<2000x256xf32> -> vector<2000x256xf32>
      %get3A_31 = arith.constant 128 : index
      %get3A_32 = arith.constant 0 : index
      %get3A_33 = vector.load %arg4[%get3A_31, %get3A_32] : memref<256x256xf32, #tpu.memory_space<vmem>>, vector<128x256xf32>
      %dot_general3A_34 = arith.constant dense<0.000000e+00> : vector<2000x256xf32>
      %dot_general3A_35 = tpu.matmul %add3A_26, %get3A_33, %dot_general3A_34 {dimension_numbers = #tpu.dot_dimension_numbers<[1], [0], [0], [1], [0, 0, 1, 1], [], []>, transpose_lhs_hint = false} : vector<2000x128xf32>, vector<128x256xf32>, vector<2000x256xf32> -> vector<2000x256xf32>
      %add3A_36 = arith.addf %dot_general3A_30, %dot_general3A_35 : vector<2000x256xf32>
      %get3A_37 = arith.constant 0 : index
      %get3A_38 = arith.constant 0 : index
      %get3A_39 = vector.load %arg5[%get3A_37, %get3A_38] : memref<1x256xf32, #tpu.memory_space<vmem>>, vector<1x256xf32>
      %add3A_40 = vector.broadcast %get3A_39 : vector<1x256xf32> to vector<2000x256xf32>
      %add3A_41 = arith.addf %add3A_36, %add3A_40 : vector<2000x256xf32>
      %mul3A = arith.constant 2000 : i32
      %mul3A_42 = arith.muli %arg1, %mul3A : i32
      %swap3A = arith.index_cast %mul3A_42 : i32 to index
      %swap3A_43 = arith.constant 0 : index
      %swap3A_44 = vector.load %arg13[%swap3A, %swap3A_43] : memref<10000x256xf32, #tpu.memory_space<vmem>>, vector<2000x256xf32>
      tpu.vector_store %arg13[%swap3A, %swap3A_43], %add3A_41 {strides = array<i32>} : memref<10000x256xf32, #tpu.memory_space<vmem>>, vector<2000x256xf32>,
      %eq3A_45 = arith.constant 0 : i32
      %eq3A_46 = arith.cmpi eq, %arg1, %eq3A_45 : i32
      %convert_element_type3A_47 = arith.extui %eq3A_46 : i1 to i32
      %cond3A_48 = arith.constant 0 : i32
      %cond3A_49 = arith.cmpi ne, %convert_element_type3A_47, %cond3A_48 : i32
      scf.if %cond3A_49 {
        %broadcast_in_dim3A_69 = arith.constant 0.000000e+00 : f32
        %broadcast_in_dim3A_70 = vector.broadcast %broadcast_in_dim3A_69 : f32 to vector<1x256xf32>
        %swap3A_71 = arith.constant 0 : index
        %swap3A_72 = arith.constant 0 : index
        %swap3A_73 = vector.load %arg14[%swap3A_71, %swap3A_72] : memref<1x256xf32, #tpu.memory_space<vmem>>, vector<1x256xf32>
        tpu.vector_store %arg14[%swap3A_71, %swap3A_72], %broadcast_in_dim3A_70 {strides = array<i32>} : memref<1x256xf32, #tpu.memory_space<vmem>>, vector<1x256xf32>,
        %broadcast_in_dim3A_74 = arith.constant 0.000000e+00 : f32
        %broadcast_in_dim3A_75 = vector.broadcast %broadcast_in_dim3A_74 : f32 to vector<1x256xf32>
        %swap3A_76 = arith.constant 0 : index
        %swap3A_77 = arith.constant 0 : index
        %swap3A_78 = vector.load %arg15[%swap3A_76, %swap3A_77] : memref<1x256xf32, #tpu.memory_space<vmem>>, vector<1x256xf32>
        tpu.vector_store %arg15[%swap3A_76, %swap3A_77], %broadcast_in_dim3A_75 {strides = array<i32>} : memref<1x256xf32, #tpu.memory_space<vmem>>, vector<1x256xf32>,
      } else {
      }
      %get3A_50 = arith.constant 0 : index
      %get3A_51 = arith.constant 0 : index
      %get3A_52 = vector.load %arg14[%get3A_50, %get3A_51] : memref<1x256xf32, #tpu.memory_space<vmem>>, vector<1x256xf32>
      %reduce_sum3A = arith.constant dense<0.000000e+00> : vector<256xf32>
      %reduce_sum3A_53 = vector.multi_reduction <add>, %add3A_41, %reduce_sum3A [0] : vector<2000x256xf32> to vector<256xf32>
      %broadcast_in_dim3A = vector.shape_cast %reduce_sum3A_53 : vector<256xf32> to vector<1x256xf32>
      %add3A_54 = arith.addf %get3A_52, %broadcast_in_dim3A : vector<1x256xf32>
      %swap3A_55 = arith.constant 0 : index
      %swap3A_56 = arith.constant 0 : index
      %swap3A_57 = vector.load %arg14[%swap3A_55, %swap3A_56] : memref<1x256xf32, #tpu.memory_space<vmem>>, vector<1x256xf32>
      tpu.vector_store %arg14[%swap3A_55, %swap3A_56], %add3A_54 {strides = array<i32>} : memref<1x256xf32, #tpu.memory_space<vmem>>, vector<1x256xf32>,
      %get3A_58 = arith.constant 0 : index
      %get3A_59 = arith.constant 0 : index
      %get3A_60 = vector.load %arg15[%get3A_58, %get3A_59] : memref<1x256xf32, #tpu.memory_space<vmem>>, vector<1x256xf32>
      %mul3A_61 = arith.mulf %add3A_41, %add3A_41 : vector<2000x256xf32>
      %reduce_sum3A_62 = arith.constant dense<0.000000e+00> : vector<256xf32>
      %reduce_sum3A_63 = vector.multi_reduction <add>, %mul3A_61, %reduce_sum3A_62 [0] : vector<2000x256xf32> to vector<256xf32>
      %broadcast_in_dim3A_64 = vector.shape_cast %reduce_sum3A_63 : vector<256xf32> to vector<1x256xf32>
      %add3A_65 = arith.addf %get3A_60, %broadcast_in_dim3A_64 : vector<1x256xf32>
      %swap3A_66 = arith.constant 0 : index
      %swap3A_67 = arith.constant 0 : index
      %swap3A_68 = vector.load %arg15[%swap3A_66, %swap3A_67] : memref<1x256xf32, #tpu.memory_space<vmem>>, vector<1x256xf32>
      tpu.vector_store %arg15[%swap3A_66, %swap3A_67], %add3A_65 {strides = array<i32>} : memref<1x256xf32, #tpu.memory_space<vmem>>, vector<1x256xf32>,
    } else {
    }
    %eq3A_2 = arith.constant 1 : i32
    %eq3A_3 = arith.cmpi eq, %arg0, %eq3A_2 : i32
    %convert_element_type3A_4 = arith.extui %eq3A_3 : i1 to i32
    %cond3A_5 = arith.constant 0 : i32
    %cond3A_6 = arith.cmpi ne, %convert_element_type3A_4, %cond3A_5 : i32
    scf.if %cond3A_6 {
      %mul3A = arith.constant 2000 : i32
      %mul3A_7 = arith.muli %arg1, %mul3A : i32
      %get3A = arith.index_cast %mul3A_7 : i32 to index
      %get3A_8 = arith.constant 0 : index
      %get3A_9 = vector.load %arg13[%get3A, %get3A_8] : memref<10000x256xf32, #tpu.memory_space<vmem>>, vector<2000x256xf32>
      %get3A_10 = arith.constant 0 : index
      %get3A_11 = arith.constant 0 : index
      %get3A_12 = vector.load %arg14[%get3A_10, %get3A_11] : memref<1x256xf32, #tpu.memory_space<vmem>>, vector<1x256xf32>
      %mul3A_13 = arith.constant 9.99999974E-5 : f32
      %mul3A_14 = vector.broadcast %mul3A_13 : f32 to vector<1x256xf32>
      %mul3A_15 = arith.mulf %get3A_12, %mul3A_14 : vector<1x256xf32>
      %get3A_16 = arith.constant 0 : index
      %get3A_17 = arith.constant 0 : index
      %get3A_18 = vector.load %arg15[%get3A_16, %get3A_17] : memref<1x256xf32, #tpu.memory_space<vmem>>, vector<1x256xf32>
      %mul3A_19 = arith.constant 9.99999974E-5 : f32
      %mul3A_20 = vector.broadcast %mul3A_19 : f32 to vector<1x256xf32>
      %mul3A_21 = arith.mulf %get3A_18, %mul3A_20 : vector<1x256xf32>
      %mul3A_22 = arith.mulf %mul3A_15, %mul3A_15 : vector<1x256xf32>
      %sub3A = arith.subf %mul3A_21, %mul3A_22 : vector<1x256xf32>
      %add3A = arith.constant 9.99999974E-6 : f32
      %add3A_23 = vector.broadcast %add3A : f32 to vector<1x256xf32>
      %add3A_24 = arith.addf %sub3A, %add3A_23 : vector<1x256xf32>
      %rsqrt3A = math.rsqrt %add3A_24 : vector<1x256xf32>
      %get3A_25 = arith.constant 0 : index
      %get3A_26 = arith.constant 0 : index
      %get3A_27 = vector.load %arg6[%get3A_25, %get3A_26] : memref<1x256xf32, #tpu.memory_space<vmem>>, vector<1x256xf32>
      %mul3A_28 = arith.mulf %get3A_27, %rsqrt3A : vector<1x256xf32>
      %get3A_29 = arith.constant 0 : index
      %get3A_30 = arith.constant 0 : index
      %get3A_31 = vector.load %arg7[%get3A_29, %get3A_30] : memref<1x256xf32, #tpu.memory_space<vmem>>, vector<1x256xf32>
      %mul3A_32 = arith.mulf %mul3A_15, %mul3A_28 : vector<1x256xf32>
      %sub3A_33 = arith.subf %get3A_31, %mul3A_32 : vector<1x256xf32>
      %mul3A_34 = vector.broadcast %mul3A_28 : vector<1x256xf32> to vector<2000x256xf32>
      %mul3A_35 = arith.mulf %get3A_9, %mul3A_34 : vector<2000x256xf32>
      %add3A_36 = vector.broadcast %sub3A_33 : vector<1x256xf32> to vector<2000x256xf32>
      %add3A_37 = arith.addf %mul3A_35, %add3A_36 : vector<2000x256xf32>
      %max3A = arith.constant 0.000000e+00 : f32
      %max3A_38 = vector.broadcast %max3A : f32 to vector<2000x256xf32>
      %max3A_39 = arith.maximumf %add3A_37, %max3A_38 : vector<2000x256xf32>
      %get3A_40 = arith.constant 0 : index
      %get3A_41 = arith.constant 0 : index
      %get3A_42 = vector.load %arg8[%get3A_40, %get3A_41] : memref<256x256xf32, #tpu.memory_space<vmem>>, vector<256x256xf32>
      %dot_general3A = arith.constant dense<0.000000e+00> : vector<2000x256xf32>
      %dot_general3A_43 = tpu.matmul %max3A_39, %get3A_42, %dot_general3A {dimension_numbers = #tpu.dot_dimension_numbers<[1], [0], [0], [1], [0, 0, 1, 1], [], []>, transpose_lhs_hint = false} : vector<2000x256xf32>, vector<256x256xf32>, vector<2000x256xf32> -> vector<2000x256xf32>
      %get3A_44 = arith.constant 0 : index
      %get3A_45 = arith.constant 0 : index
      %get3A_46 = vector.load %arg9[%get3A_44, %get3A_45] : memref<1x256xf32, #tpu.memory_space<vmem>>, vector<1x256xf32>
      %add3A_47 = vector.broadcast %get3A_46 : vector<1x256xf32> to vector<2000x256xf32>
      %add3A_48 = arith.addf %dot_general3A_43, %add3A_47 : vector<2000x256xf32>
      %max3A_49 = arith.constant 0.000000e+00 : f32
      %max3A_50 = vector.broadcast %max3A_49 : f32 to vector<2000x256xf32>
      %max3A_51 = arith.maximumf %add3A_48, %max3A_50 : vector<2000x256xf32>
      %slice3A = vector.extract_strided_slice %max3A_51 {offsets = [0, 0], sizes = [2000, 128], strides = [1, 1]} : vector<2000x256xf32> to vector<2000x128xf32>
      %swap3A = arith.constant 0 : index
      %swap3A_52 = arith.constant 0 : index
      %swap3A_53 = arith.constant 0 : index
      %swap3A_54 = vector.load %arg11[%swap3A, %swap3A_52, %swap3A_53] : memref<2x2000x128xf32, #tpu.memory_space<vmem>>, vector<1x2000x128xf32>
      %swap3A_55 = vector.shape_cast %swap3A_54 : vector<1x2000x128xf32> to vector<2000x128xf32>
      %swap3A_56 = vector.shape_cast %slice3A : vector<2000x128xf32> to vector<1x2000x128xf32>
      tpu.vector_store %arg11[%swap3A, %swap3A_52, %swap3A_53], %swap3A_56 {strides = array<i32>} : memref<2x2000x128xf32, #tpu.memory_space<vmem>>, vector<1x2000x128xf32>,
      %slice3A_57 = vector.extract_strided_slice %max3A_51 {offsets = [0, 128], sizes = [2000, 128], strides = [1, 1]} : vector<2000x256xf32> to vector<2000x128xf32>
      %swap3A_58 = arith.constant 1 : index
      %swap3A_59 = arith.constant 0 : index
      %swap3A_60 = arith.constant 0 : index
      %swap3A_61 = vector.load %arg11[%swap3A_58, %swap3A_59, %swap3A_60] : memref<2x2000x128xf32, #tpu.memory_space<vmem>>, vector<1x2000x128xf32>
      %swap3A_62 = vector.shape_cast %swap3A_61 : vector<1x2000x128xf32> to vector<2000x128xf32>
      %swap3A_63 = vector.shape_cast %slice3A_57 : vector<2000x128xf32> to vector<1x2000x128xf32>
      tpu.vector_store %arg11[%swap3A_58, %swap3A_59, %swap3A_60], %swap3A_63 {strides = array<i32>} : memref<2x2000x128xf32, #tpu.memory_space<vmem>>, vector<1x2000x128xf32>,
      %get3A_64 = arith.constant 0 : index
      %get3A_65 = arith.constant 0 : index
      %get3A_66 = arith.constant 0 : index
      %get3A_67 = vector.load %arg10[%get3A_64, %get3A_65, %get3A_66] : memref<1x1x2000xi32, #tpu.memory_space<vmem>>, vector<1x1x2000xi32>
      %get3A_68 = vector.shape_cast %get3A_67 : vector<1x1x2000xi32> to vector<1x2000xi32>
      %iota3A = tpu.iota {dimensions = array<i32: 0>} : vector<64x2000xi32>
      %eq3A_69 = vector.broadcast %get3A_68 : vector<1x2000xi32> to vector<64x2000xi32>
      %eq3A_70 = arith.cmpi eq, %iota3A, %eq3A_69 : vector<64x2000xi32>
      %jit3A = arith.constant 1.000000e+00 : f32
      %jit3A_71 = arith.constant 0.000000e+00 : f32
      %broadcast_in_dim3A = vector.broadcast %jit3A : f32 to vector<64x2000xf32>
      %broadcast_in_dim3A_72 = vector.broadcast %jit3A_71 : f32 to vector<64x2000xf32>
      %select_n3A = arith.select %eq3A_70, %broadcast_in_dim3A, %broadcast_in_dim3A_72 : vector<64x2000xi1>, vector<64x2000xf32>
      %eq3A_73 = arith.constant 0 : i32
      %eq3A_74 = arith.cmpi eq, %arg1, %eq3A_73 : i32
      %convert_element_type3A_75 = arith.extui %eq3A_74 : i1 to i32
      %cond3A_76 = arith.constant 0 : i32
      %cond3A_77 = arith.cmpi ne, %convert_element_type3A_75, %cond3A_76 : i32
      scf.if %cond3A_77 {
        %broadcast_in_dim3A_108 = arith.constant 0.000000e+00 : f32
        %broadcast_in_dim3A_109 = vector.broadcast %broadcast_in_dim3A_108 : f32 to vector<2x64x128xf32>
        %swap3A_110 = arith.constant 0 : index
        %swap3A_111 = arith.constant 0 : index
        %swap3A_112 = arith.constant 0 : index
        %swap3A_113 = vector.load %arg12[%swap3A_110, %swap3A_111, %swap3A_112] : memref<2x64x128xf32, #tpu.memory_space<vmem>>, vector<2x64x128xf32>
        tpu.vector_store %arg12[%swap3A_110, %swap3A_111, %swap3A_112], %broadcast_in_dim3A_109 {strides = array<i32>} : memref<2x64x128xf32, #tpu.memory_space<vmem>>, vector<2x64x128xf32>,
      } else {
      }
      %get3A_78 = arith.constant 0 : index
      %get3A_79 = arith.constant 0 : index
      %get3A_80 = arith.constant 0 : index
      %get3A_81 = vector.load %arg12[%get3A_78, %get3A_79, %get3A_80] : memref<2x64x128xf32, #tpu.memory_space<vmem>>, vector<1x64x128xf32>
      %get3A_82 = vector.shape_cast %get3A_81 : vector<1x64x128xf32> to vector<64x128xf32>
      %slice3A_83 = vector.extract_strided_slice %max3A_51 {offsets = [0, 0], sizes = [2000, 128], strides = [1, 1]} : vector<2000x256xf32> to vector<2000x128xf32>
      %dot_general3A_84 = arith.constant dense<0.000000e+00> : vector<64x128xf32>
      %dot_general3A_85 = tpu.matmul %select_n3A, %slice3A_83, %dot_general3A_84 {dimension_numbers = #tpu.dot_dimension_numbers<[1], [0], [0], [1], [0, 0, 1, 1], [], []>, transpose_lhs_hint = false} : vector<64x2000xf32>, vector<2000x128xf32>, vector<64x128xf32> -> vector<64x128xf32>
      %add3A_86 = arith.addf %get3A_82, %dot_general3A_85 : vector<64x128xf32>
      %swap3A_87 = arith.constant 0 : index
      %swap3A_88 = arith.constant 0 : index
      %swap3A_89 = arith.constant 0 : index
      %swap3A_90 = vector.load %arg12[%swap3A_87, %swap3A_88, %swap3A_89] : memref<2x64x128xf32, #tpu.memory_space<vmem>>, vector<1x64x128xf32>
      %swap3A_91 = vector.shape_cast %swap3A_90 : vector<1x64x128xf32> to vector<64x128xf32>
      %swap3A_92 = vector.shape_cast %add3A_86 : vector<64x128xf32> to vector<1x64x128xf32>
      tpu.vector_store %arg12[%swap3A_87, %swap3A_88, %swap3A_89], %swap3A_92 {strides = array<i32>} : memref<2x64x128xf32, #tpu.memory_space<vmem>>, vector<1x64x128xf32>,
      %get3A_93 = arith.constant 1 : index
      %get3A_94 = arith.constant 0 : index
      %get3A_95 = arith.constant 0 : index
      %get3A_96 = vector.load %arg12[%get3A_93, %get3A_94, %get3A_95] : memref<2x64x128xf32, #tpu.memory_space<vmem>>, vector<1x64x128xf32>
      %get3A_97 = vector.shape_cast %get3A_96 : vector<1x64x128xf32> to vector<64x128xf32>
      %slice3A_98 = vector.extract_strided_slice %max3A_51 {offsets = [0, 128], sizes = [2000, 128], strides = [1, 1]} : vector<2000x256xf32> to vector<2000x128xf32>
      %dot_general3A_99 = arith.constant dense<0.000000e+00> : vector<64x128xf32>
      %dot_general3A_100 = tpu.matmul %select_n3A, %slice3A_98, %dot_general3A_99 {dimension_numbers = #tpu.dot_dimension_numbers<[1], [0], [0], [1], [0, 0, 1, 1], [], []>, transpose_lhs_hint = false} : vector<64x2000xf32>, vector<2000x128xf32>, vector<64x128xf32> -> vector<64x128xf32>
      %add3A_101 = arith.addf %get3A_97, %dot_general3A_100 : vector<64x128xf32>
      %swap3A_102 = arith.constant 1 : index
      %swap3A_103 = arith.constant 0 : index
      %swap3A_104 = arith.constant 0 : index
      %swap3A_105 = vector.load %arg12[%swap3A_102, %swap3A_103, %swap3A_104] : memref<2x64x128xf32, #tpu.memory_space<vmem>>, vector<1x64x128xf32>
      %swap3A_106 = vector.shape_cast %swap3A_105 : vector<1x64x128xf32> to vector<64x128xf32>
      %swap3A_107 = vector.shape_cast %add3A_101 : vector<64x128xf32> to vector<1x64x128xf32>
      tpu.vector_store %arg12[%swap3A_102, %swap3A_103, %swap3A_104], %swap3A_107 {strides = array<i32>} : memref<2x64x128xf32, #tpu.memory_space<vmem>>, vector<1x64x128xf32>,
    } else {
    }
    return
  }
  func.func @transform_0(%arg0: i32, %arg1: i32) -> (i32, i32, i32) {
    %sub3A = arith.constant 1 : i32
    %sub3A_0 = arith.subi %sub3A, %arg0 : i32
    %mul3A = arith.muli %arg1, %sub3A_0 : i32
    %c0_i32 = arith.constant 0 : i32
    %c0_i32_1 = arith.constant 0 : i32
    %c0_i32_2 = arith.constant 0 : i32
    return %c0_i32, %mul3A, %c0_i32_1 : i32, i32, i32
  }
  func.func @transform_1(%arg0: i32, %arg1: i32) -> (i32, i32, i32) {
    %sub3A = arith.constant 1 : i32
    %sub3A_0 = arith.subi %sub3A, %arg0 : i32
    %mul3A = arith.muli %arg1, %sub3A_0 : i32
    %c0_i32 = arith.constant 0 : i32
    %c0_i32_1 = arith.constant 0 : i32
    %c0_i32_2 = arith.constant 0 : i32
    return %c0_i32, %mul3A, %c0_i32_1 : i32, i32, i32
  }
  func.func @transform_2(%arg0: i32, %arg1: i32) -> (i32, i32) {
    %c0_i32 = arith.constant 0 : i32
    %c0_i32_0 = arith.constant 0 : i32
    %c0_i32_1 = arith.constant 0 : i32
    return %c0_i32, %c0_i32_0 : i32, i32
  }
  func.func @transform_3(%arg0: i32, %arg1: i32) -> (i32, i32) {
    %c0_i32 = arith.constant 0 : i32
    %c0_i32_0 = arith.constant 0 : i32
    %c0_i32_1 = arith.constant 0 : i32
    return %c0_i32, %c0_i32_0 : i32, i32
  }
  func.func @transform_4(%arg0: i32, %arg1: i32) -> (i32, i32) {
    %c0_i32 = arith.constant 0 : i32
    %c0_i32_0 = arith.constant 0 : i32
    %c0_i32_1 = arith.constant 0 : i32
    return %c0_i32, %c0_i32_0 : i32, i32
  }
  func.func @transform_5(%arg0: i32, %arg1: i32) -> (i32, i32) {
    %c0_i32 = arith.constant 0 : i32
    %c0_i32_0 = arith.constant 0 : i32
    %c0_i32_1 = arith.constant 0 : i32
    return %c0_i32, %c0_i32_0 : i32, i32
  }
  func.func @transform_6(%arg0: i32, %arg1: i32) -> (i32, i32) {
    %c0_i32 = arith.constant 0 : i32
    %c0_i32_0 = arith.constant 0 : i32
    %c0_i32_1 = arith.constant 0 : i32
    return %c0_i32, %c0_i32_0 : i32, i32
  }
  func.func @transform_7(%arg0: i32, %arg1: i32) -> (i32, i32) {
    %c0_i32 = arith.constant 0 : i32
    %c0_i32_0 = arith.constant 0 : i32
    %c0_i32_1 = arith.constant 0 : i32
    return %c0_i32, %c0_i32_0 : i32, i32
  }
  func.func @transform_8(%arg0: i32, %arg1: i32) -> (i32, i32, i32) {
    %mul3A = arith.muli %arg1, %arg0 : i32
    %c0_i32 = arith.constant 0 : i32
    %c0_i32_0 = arith.constant 0 : i32
    %c0_i32_1 = arith.constant 0 : i32
    return %mul3A, %c0_i32, %c0_i32_0 : i32, i32, i32
  }
  func.func @transform_9(%arg0: i32, %arg1: i32) -> (i32, i32, i32) {
    %mul3A = arith.muli %arg1, %arg0 : i32
    %c0_i32 = arith.constant 0 : i32
    %c0_i32_0 = arith.constant 0 : i32
    %c0_i32_1 = arith.constant 0 : i32
    return %c0_i32, %mul3A, %c0_i32_0 : i32, i32, i32
  }
  func.func @transform_10(%arg0: i32, %arg1: i32) -> (i32, i32, i32) {
    %c0_i32 = arith.constant 0 : i32
    %c0_i32_0 = arith.constant 0 : i32
    %c0_i32_1 = arith.constant 0 : i32
    %c0_i32_2 = arith.constant 0 : i32
    return %c0_i32, %c0_i32_0, %c0_i32_1 : i32, i32, i32
  }
}

module attributes {stable_mosaic.version = 14 : i64} {
  func.func @_cls_body(%arg0: i32, %arg1: memref<6x64x128xf32, #tpu.memory_space<vmem>>, %arg2: memref<6x128x768xf32, #tpu.memory_space<vmem>>, %arg3: memref<1x768xf32, #tpu.memory_space<vmem>>, %arg4: memref<768x128xf32, #tpu.memory_space<vmem>>, %arg5: memref<1x128xf32, #tpu.memory_space<vmem>>, %arg6: memref<64x128xf32, #tpu.memory_space<vmem>>) attributes {dimension_semantics = [#tpu.dimension_semantics<arbitrary>], iteration_bounds = array<i64: 1>, scalar_prefetch = 0 : i64, scratch_operands = 0 : i64, tpu.core_type = #tpu.core_type<tc>, window_params = [{pipeline_mode = #tpu.pipeline_mode<synchronous>, transform_indices = @transform_0, window_bounds = array<i64: 6, 64, 128>}, {pipeline_mode = #tpu.pipeline_mode<synchronous>, transform_indices = @transform_1, window_bounds = array<i64: 6, 128, 768>}, {pipeline_mode = #tpu.pipeline_mode<synchronous>, transform_indices = @transform_2, window_bounds = array<i64: 1, 768>}, {pipeline_mode = #tpu.pipeline_mode<synchronous>, transform_indices = @transform_3, window_bounds = array<i64: 768, 128>}, {pipeline_mode = #tpu.pipeline_mode<synchronous>, transform_indices = @transform_4, window_bounds = array<i64: 1, 128>}, {pipeline_mode = #tpu.pipeline_mode<synchronous>, transform_indices = @transform_5, window_bounds = array<i64: 64, 128>}]} {
    %broadcast_in_dim3A = arith.constant 0.000000e+00 : f32
    %broadcast_in_dim3A_0 = vector.broadcast %broadcast_in_dim3A : f32 to vector<64x768xf32>
    %get3A = arith.constant 0 : index
    %get3A_1 = arith.constant 0 : index
    %get3A_2 = arith.constant 0 : index
    %get3A_3 = vector.load %arg1[%get3A, %get3A_1, %get3A_2] : memref<6x64x128xf32, #tpu.memory_space<vmem>>, vector<1x64x128xf32>
    %get3A_4 = vector.shape_cast %get3A_3 : vector<1x64x128xf32> to vector<64x128xf32>
    %get3A_5 = arith.constant 0 : index
    %get3A_6 = arith.constant 0 : index
    %get3A_7 = arith.constant 0 : index
    %get3A_8 = vector.load %arg2[%get3A_5, %get3A_6, %get3A_7] : memref<6x128x768xf32, #tpu.memory_space<vmem>>, vector<1x128x768xf32>
    %get3A_9 = vector.shape_cast %get3A_8 : vector<1x128x768xf32> to vector<128x768xf32>
    %dot_general3A = arith.constant dense<0.000000e+00> : vector<64x768xf32>
    %dot_general3A_10 = tpu.matmul %get3A_4, %get3A_9, %dot_general3A {dimension_numbers = #tpu.dot_dimension_numbers<[1], [0], [0], [1], [0, 0, 1, 1], [], []>, transpose_lhs_hint = false} : vector<64x128xf32>, vector<128x768xf32>, vector<64x768xf32> -> vector<64x768xf32>
    %add3A = arith.addf %broadcast_in_dim3A_0, %dot_general3A_10 : vector<64x768xf32>
    %get3A_11 = arith.constant 1 : index
    %get3A_12 = arith.constant 0 : index
    %get3A_13 = arith.constant 0 : index
    %get3A_14 = vector.load %arg1[%get3A_11, %get3A_12, %get3A_13] : memref<6x64x128xf32, #tpu.memory_space<vmem>>, vector<1x64x128xf32>
    %get3A_15 = vector.shape_cast %get3A_14 : vector<1x64x128xf32> to vector<64x128xf32>
    %get3A_16 = arith.constant 1 : index
    %get3A_17 = arith.constant 0 : index
    %get3A_18 = arith.constant 0 : index
    %get3A_19 = vector.load %arg2[%get3A_16, %get3A_17, %get3A_18] : memref<6x128x768xf32, #tpu.memory_space<vmem>>, vector<1x128x768xf32>
    %get3A_20 = vector.shape_cast %get3A_19 : vector<1x128x768xf32> to vector<128x768xf32>
    %dot_general3A_21 = arith.constant dense<0.000000e+00> : vector<64x768xf32>
    %dot_general3A_22 = tpu.matmul %get3A_15, %get3A_20, %dot_general3A_21 {dimension_numbers = #tpu.dot_dimension_numbers<[1], [0], [0], [1], [0, 0, 1, 1], [], []>, transpose_lhs_hint = false} : vector<64x128xf32>, vector<128x768xf32>, vector<64x768xf32> -> vector<64x768xf32>
    %add3A_23 = arith.addf %add3A, %dot_general3A_22 : vector<64x768xf32>
    %get3A_24 = arith.constant 2 : index
    %get3A_25 = arith.constant 0 : index
    %get3A_26 = arith.constant 0 : index
    %get3A_27 = vector.load %arg1[%get3A_24, %get3A_25, %get3A_26] : memref<6x64x128xf32, #tpu.memory_space<vmem>>, vector<1x64x128xf32>
    %get3A_28 = vector.shape_cast %get3A_27 : vector<1x64x128xf32> to vector<64x128xf32>
    %get3A_29 = arith.constant 2 : index
    %get3A_30 = arith.constant 0 : index
    %get3A_31 = arith.constant 0 : index
    %get3A_32 = vector.load %arg2[%get3A_29, %get3A_30, %get3A_31] : memref<6x128x768xf32, #tpu.memory_space<vmem>>, vector<1x128x768xf32>
    %get3A_33 = vector.shape_cast %get3A_32 : vector<1x128x768xf32> to vector<128x768xf32>
    %dot_general3A_34 = arith.constant dense<0.000000e+00> : vector<64x768xf32>
    %dot_general3A_35 = tpu.matmul %get3A_28, %get3A_33, %dot_general3A_34 {dimension_numbers = #tpu.dot_dimension_numbers<[1], [0], [0], [1], [0, 0, 1, 1], [], []>, transpose_lhs_hint = false} : vector<64x128xf32>, vector<128x768xf32>, vector<64x768xf32> -> vector<64x768xf32>
    %add3A_36 = arith.addf %add3A_23, %dot_general3A_35 : vector<64x768xf32>
    %get3A_37 = arith.constant 3 : index
    %get3A_38 = arith.constant 0 : index
    %get3A_39 = arith.constant 0 : index
    %get3A_40 = vector.load %arg1[%get3A_37, %get3A_38, %get3A_39] : memref<6x64x128xf32, #tpu.memory_space<vmem>>, vector<1x64x128xf32>
    %get3A_41 = vector.shape_cast %get3A_40 : vector<1x64x128xf32> to vector<64x128xf32>
    %get3A_42 = arith.constant 3 : index
    %get3A_43 = arith.constant 0 : index
    %get3A_44 = arith.constant 0 : index
    %get3A_45 = vector.load %arg2[%get3A_42, %get3A_43, %get3A_44] : memref<6x128x768xf32, #tpu.memory_space<vmem>>, vector<1x128x768xf32>
    %get3A_46 = vector.shape_cast %get3A_45 : vector<1x128x768xf32> to vector<128x768xf32>
    %dot_general3A_47 = arith.constant dense<0.000000e+00> : vector<64x768xf32>
    %dot_general3A_48 = tpu.matmul %get3A_41, %get3A_46, %dot_general3A_47 {dimension_numbers = #tpu.dot_dimension_numbers<[1], [0], [0], [1], [0, 0, 1, 1], [], []>, transpose_lhs_hint = false} : vector<64x128xf32>, vector<128x768xf32>, vector<64x768xf32> -> vector<64x768xf32>
    %add3A_49 = arith.addf %add3A_36, %dot_general3A_48 : vector<64x768xf32>
    %get3A_50 = arith.constant 4 : index
    %get3A_51 = arith.constant 0 : index
    %get3A_52 = arith.constant 0 : index
    %get3A_53 = vector.load %arg1[%get3A_50, %get3A_51, %get3A_52] : memref<6x64x128xf32, #tpu.memory_space<vmem>>, vector<1x64x128xf32>
    %get3A_54 = vector.shape_cast %get3A_53 : vector<1x64x128xf32> to vector<64x128xf32>
    %get3A_55 = arith.constant 4 : index
    %get3A_56 = arith.constant 0 : index
    %get3A_57 = arith.constant 0 : index
    %get3A_58 = vector.load %arg2[%get3A_55, %get3A_56, %get3A_57] : memref<6x128x768xf32, #tpu.memory_space<vmem>>, vector<1x128x768xf32>
    %get3A_59 = vector.shape_cast %get3A_58 : vector<1x128x768xf32> to vector<128x768xf32>
    %dot_general3A_60 = arith.constant dense<0.000000e+00> : vector<64x768xf32>
    %dot_general3A_61 = tpu.matmul %get3A_54, %get3A_59, %dot_general3A_60 {dimension_numbers = #tpu.dot_dimension_numbers<[1], [0], [0], [1], [0, 0, 1, 1], [], []>, transpose_lhs_hint = false} : vector<64x128xf32>, vector<128x768xf32>, vector<64x768xf32> -> vector<64x768xf32>
    %add3A_62 = arith.addf %add3A_49, %dot_general3A_61 : vector<64x768xf32>
    %get3A_63 = arith.constant 5 : index
    %get3A_64 = arith.constant 0 : index
    %get3A_65 = arith.constant 0 : index
    %get3A_66 = vector.load %arg1[%get3A_63, %get3A_64, %get3A_65] : memref<6x64x128xf32, #tpu.memory_space<vmem>>, vector<1x64x128xf32>
    %get3A_67 = vector.shape_cast %get3A_66 : vector<1x64x128xf32> to vector<64x128xf32>
    %get3A_68 = arith.constant 5 : index
    %get3A_69 = arith.constant 0 : index
    %get3A_70 = arith.constant 0 : index
    %get3A_71 = vector.load %arg2[%get3A_68, %get3A_69, %get3A_70] : memref<6x128x768xf32, #tpu.memory_space<vmem>>, vector<1x128x768xf32>
    %get3A_72 = vector.shape_cast %get3A_71 : vector<1x128x768xf32> to vector<128x768xf32>
    %dot_general3A_73 = arith.constant dense<0.000000e+00> : vector<64x768xf32>
    %dot_general3A_74 = tpu.matmul %get3A_67, %get3A_72, %dot_general3A_73 {dimension_numbers = #tpu.dot_dimension_numbers<[1], [0], [0], [1], [0, 0, 1, 1], [], []>, transpose_lhs_hint = false} : vector<64x128xf32>, vector<128x768xf32>, vector<64x768xf32> -> vector<64x768xf32>
    %add3A_75 = arith.addf %add3A_62, %dot_general3A_74 : vector<64x768xf32>
    %get3A_76 = arith.constant 0 : index
    %get3A_77 = arith.constant 0 : index
    %get3A_78 = vector.load %arg3[%get3A_76, %get3A_77] : memref<1x768xf32, #tpu.memory_space<vmem>>, vector<1x768xf32>
    %add3A_79 = vector.broadcast %get3A_78 : vector<1x768xf32> to vector<64x768xf32>
    %add3A_80 = arith.addf %add3A_75, %add3A_79 : vector<64x768xf32>
    %max3A = arith.constant 0.000000e+00 : f32
    %max3A_81 = vector.broadcast %max3A : f32 to vector<64x768xf32>
    %max3A_82 = arith.maximumf %add3A_80, %max3A_81 : vector<64x768xf32>
    %get3A_83 = arith.constant 0 : index
    %get3A_84 = arith.constant 0 : index
    %get3A_85 = vector.load %arg4[%get3A_83, %get3A_84] : memref<768x128xf32, #tpu.memory_space<vmem>>, vector<768x128xf32>
    %dot_general3A_86 = arith.constant dense<0.000000e+00> : vector<64x128xf32>
    %dot_general3A_87 = tpu.matmul %max3A_82, %get3A_85, %dot_general3A_86 {dimension_numbers = #tpu.dot_dimension_numbers<[1], [0], [0], [1], [0, 0, 1, 1], [], []>, transpose_lhs_hint = false} : vector<64x768xf32>, vector<768x128xf32>, vector<64x128xf32> -> vector<64x128xf32>
    %get3A_88 = arith.constant 0 : index
    %get3A_89 = arith.constant 0 : index
    %get3A_90 = vector.load %arg5[%get3A_88, %get3A_89] : memref<1x128xf32, #tpu.memory_space<vmem>>, vector<1x128xf32>
    %add3A_91 = vector.broadcast %get3A_90 : vector<1x128xf32> to vector<64x128xf32>
    %add3A_92 = arith.addf %dot_general3A_87, %add3A_91 : vector<64x128xf32>
    %reduce_max3A = arith.constant dense<0xFF800000> : vector<64xf32>
    %reduce_max3A_93 = vector.multi_reduction <maximumf>, %add3A_92, %reduce_max3A [1] : vector<64x128xf32> to vector<64xf32>
    %broadcast_in_dim3A_94 = vector.shape_cast %reduce_max3A_93 : vector<64xf32> to vector<64x1xf32>
    %sub3A = vector.broadcast %broadcast_in_dim3A_94 : vector<64x1xf32> to vector<64x128xf32>
    %sub3A_95 = arith.subf %add3A_92, %sub3A : vector<64x128xf32>
    %exp3A = math.exp %sub3A_95 : vector<64x128xf32>
    %reduce_sum3A = arith.constant dense<0.000000e+00> : vector<64xf32>
    %reduce_sum3A_96 = vector.multi_reduction <add>, %exp3A, %reduce_sum3A [1] : vector<64x128xf32> to vector<64xf32>
    %broadcast_in_dim3A_97 = vector.shape_cast %reduce_sum3A_96 : vector<64xf32> to vector<64x1xf32>
    %log3A = math.log %broadcast_in_dim3A_97 : vector<64x1xf32>
    %add3A_98 = arith.addf %broadcast_in_dim3A_94, %log3A : vector<64x1xf32>
    %sub3A_99 = vector.broadcast %add3A_98 : vector<64x1xf32> to vector<64x128xf32>
    %sub3A_100 = arith.subf %add3A_92, %sub3A_99 : vector<64x128xf32>
    %swap3A = arith.constant 0 : index
    %swap3A_101 = arith.constant 0 : index
    %swap3A_102 = vector.load %arg6[%swap3A, %swap3A_101] : memref<64x128xf32, #tpu.memory_space<vmem>>, vector<64x128xf32>
    tpu.vector_store %arg6[%swap3A, %swap3A_101], %sub3A_100 {strides = array<i32>} : memref<64x128xf32, #tpu.memory_space<vmem>>, vector<64x128xf32>,
    return
  }
  func.func @transform_0(%arg0: i32) -> (i32, i32, i32) {
    %c0_i32 = arith.constant 0 : i32
    %c0_i32_0 = arith.constant 0 : i32
    %c0_i32_1 = arith.constant 0 : i32
    %c0_i32_2 = arith.constant 0 : i32
    return %c0_i32, %c0_i32_0, %c0_i32_1 : i32, i32, i32
  }
  func.func @transform_1(%arg0: i32) -> (i32, i32, i32) {
    %c0_i32 = arith.constant 0 : i32
    %c0_i32_0 = arith.constant 0 : i32
    %c0_i32_1 = arith.constant 0 : i32
    %c0_i32_2 = arith.constant 0 : i32
    return %c0_i32, %c0_i32_0, %c0_i32_1 : i32, i32, i32
  }
  func.func @transform_2(%arg0: i32) -> (i32, i32) {
    %c0_i32 = arith.constant 0 : i32
    %c0_i32_0 = arith.constant 0 : i32
    %c0_i32_1 = arith.constant 0 : i32
    return %c0_i32, %c0_i32_0 : i32, i32
  }
  func.func @transform_3(%arg0: i32) -> (i32, i32) {
    %c0_i32 = arith.constant 0 : i32
    %c0_i32_0 = arith.constant 0 : i32
    %c0_i32_1 = arith.constant 0 : i32
    return %c0_i32, %c0_i32_0 : i32, i32
  }
  func.func @transform_4(%arg0: i32) -> (i32, i32) {
    %c0_i32 = arith.constant 0 : i32
    %c0_i32_0 = arith.constant 0 : i32
    %c0_i32_1 = arith.constant 0 : i32
    return %c0_i32, %c0_i32_0 : i32, i32
  }
  func.func @transform_5(%arg0: i32) -> (i32, i32) {
    %c0_i32 = arith.constant 0 : i32
    %c0_i32_0 = arith.constant 0 : i32
    %c0_i32_1 = arith.constant 0 : i32
    return %c0_i32, %c0_i32_0 : i32, i32
  }
}

</mosaic_0001>

<sc_bundles>
// kernel: kernel.12.cloned.1.call-start
scs
__scs_entry_jumppad:
0x0: {  	(pc) =	sbr.rel $0x88, $3  }
0x1: {  	(tag) =	ssettag $0x0;
	lr =	simm.s32 $0x1  }
0x2: {  	[smem:$0x3F88] =	sst lr;
	_ =	strace $0xD0000000  }
0x3: {  	_ = 	snop  }
0x4: {  	_ = 	snop  }
0x5: {  	_ = 	snop  }
0x6: {  	_ = 	snop  }
0x7: {  	_ = 	snop  }
__scs_overlays_trampoline_lowered:
0x8: {  	[smem:$0x3F97] =	sst s0  }
0x9: {  	[smem:$0x3F98] =	sst s1  }
0xa: {  	[smem:$0x3F99] =	sst s2  }
0xb: {  	[smem:$0x3F9A] =	sst s3  }
0xc: {  	[smem:$0x3F9B] =	sst s4  }
0xd: {  	[smem:$0x3F9C] =	sst s5  }
0xe: {  	[smem:$0x3F9D] =	sst s6  }
0xf: {  	[smem:$0x3F9E] =	sst s7  }
0x10: {  	[smem:$0x3F9F] =	sst s8  }
0x11: {  	[smem:$0x3FA0] =	sst s9;
	s0 =	simm.s32 @!p0 $0x0  }
0x12: {  	s1 =	sld [smem:$0x3F86];
	s0 =	simm.s32 @p0 $0x1  }
0x13: {  	[smem:$0x3FA1] =	sst s0;
	s0 =	simm.s32 @!p1 $0x0  }
0x14: {  	s2 =	sld [smem:$0x3F85];
	s0 =	simm.s32 @p1 $0x1  }
0x15: {  	[smem:$0x3FA2] =	sst s0;
	s0 =	simm.s32 @!p2 $0x0  }
0x16: {  	s3 =	sld [smem:$0x3FDB];
	s0 =	simm.s32 @p2 $0x1  }
0x17: {  	s4 =	simm.s32 $0x1BF5;
	[smem:$0x3FA4] =	sst s0  }
0x18: {  	s0 =	sld [smem:$0x3F87];
	_ =	swait.ge [sflag:s4], $0x0  }
0x19: {  	s7 =	sld [smem:$0x3F88]  }
0x1a: {  	s8 =	sadd.s32 $0xFFFFE003, lr  }
0x1b: {  	s9 =	sadd.s32 $0xFFFFFEF7, lr;
	s5 =	simm.s32 $0xFFFFFFFF;
	p2 =	slt.u32 s8, $0xFFFFF086  }
0x1c: {  	p1 =	slt.u32 s9, $0xF7A;
	s5 =	simm.s32 @!p2 $0x0  }
0x1d: {  	s5 =	simm.s32 @p1 $0x1;
	p0 =	seq.s32 s7, s2  }
0x1e: {  	s7 =	smul.u32 @!p0 $0xF7A, s2;
	p2 =	seq.s32 @!p0 s5, $0x0  }
0x1f: {  	s9 =	smul.u32 $0xF7A, s1;
	s8 =	simm.s32 @!p0 $0x1BF5;
	p2 =	por !p2, p0  }
0x20: {  	[sflag:s8] =	ssyncset.s32 @!p0 $0xFFFFF086;
	s6 =	sadd.s32 @!p0 s3, s7;
	s7 =	simm.s32 @!p0 $0x108  }
0x21: {  	s3 =	sadd.s32 s3, s9;
	s6 =	sadd.s32 @!p0 $0x88, s6;
	s7 =	simm.s32 @p2 $0x1082  }
0x22: {  	[simem:s7], [sflag:s8] =	dma.local @!p0 [hbm:s6], $0xF7A  }
0x23: {  	s9 =	sor.u32 $0xD0000000, s2;
	s6 =	simm.s32 $0x108;
	_ =	swait.ge @!p0 [sflag:s8], $0x0  }
0x24: {  	s3 =	sadd.s32 $0x88, s3;
	s6 =	simm.s32 @!p1 $0x1082;
	[sflag:s4] =	ssyncset.s32 $0xFFFFF086  }
0x25: {  	[simem:s6], [sflag:s4] =	dma.local [hbm:s3], $0xF7A  }
0x26: {  	[smem:$0x3F88] =	sst s1;
	(tag) =	ssettag s2;
	_ =	strace s9  }
0x27: {  	s1 =	sld [smem:$0x3F98]  }
0x28: {  	s2 =	sld [smem:$0x3F99]  }
0x29: {  	s4 =	sld [smem:$0x3F9B]  }
0x2a: {  	p0 =	seq.s32 s5, $0x0;
	s5 =	sld [smem:$0x3F9C]  }
0x2b: {  	s6 =	sld [smem:$0x3F9D]  }
0x2c: {  	s7 =	sld [smem:$0x3F9E]  }
0x2d: {  	s3 =	simm.s32 $0x108;
	s8 =	sld [smem:$0x3F9F]  }
0x2e: {  	s3 =	simm.s32 @!p0 $0x1082;
	s9 =	sld [smem:$0x3FA0]  }
0x2f: {  	lr =	sadd.s32 s0, s3;
	s0 =	sld [smem:$0x3F97]  }
0x30: {  	s3 =	sld [smem:$0x3F9A]  }
0x31: {  	[smem:$0x3FA3] =	sst s10  }
0x32: {  	s10 =	sld [smem:$0x3FA1];
	_ =	sdelay $0x3  }
0x33: {  	p0 =	seq.s32 s10, $0x1;
	s10 =	sld [smem:$0x3FA3];
	_ =	sdelay $0x3  }
0x34: {  	[smem:$0x3FA3] =	sst s10  }
0x35: {  	s10 =	sld [smem:$0x3FA2];
	_ =	sdelay $0x3  }
0x36: {  	p1 =	seq.s32 s10, $0x1;
	s10 =	sld [smem:$0x3FA3];
	_ =	sdelay $0x3  }
0x37: {  	[smem:$0x3FA3] =	sst s10  }
0x38: {  	s10 =	sld [smem:$0x3FA4]  }
0x39: {  	_ = 	snop;
	(pc) =	sbr.ind lr, $3  }
0x3a: {  	_ = 	snop  }
0x3b: {  	_ = 	snop  }
0x3c: {  	p2 =	seq.s32 s10, $0x1;
	s10 =	sld [smem:$0x3FA3]  }
0x3d: {  	_ =	shalt  }
0x3e: {  	_ =	shalt  }
0x3f: {  	_ =	shalt  }
0x40: {  	_ =	shalt  }
0x41: {  	_ =	shalt  }
0x42: {  	_ =	shalt  }
0x43: {  	_ =	shalt  }
0x44: {  	_ =	shalt  }
0x45: {  	_ =	shalt  }
0x46: {  	_ =	shalt  }
0x47: {  	_ =	shalt  }
0x48: {  	_ =	shalt  }
0x49: {  	_ =	shalt  }
0x4a: {  	_ =	shalt  }
0x4b: {  	_ =	shalt  }
0x4c: {  	_ =	shalt  }
0x4d: {  	_ =	shalt  }
0x4e: {  	_ =	shalt  }
0x4f: {  	_ =	shalt  }
0x50: {  	_ =	shalt  }
0x51: {  	_ =	shalt  }
0x52: {  	_ =	shalt  }
0x53: {  	_ =	shalt  }
0x54: {  	_ =	shalt  }
0x55: {  	_ =	shalt  }
0x56: {  	_ =	shalt  }
0x57: {  	_ =	shalt  }
0x58: {  	_ =	shalt  }
0x59: {  	_ =	shalt  }
0x5a: {  	_ =	shalt  }
0x5b: {  	_ =	shalt  }
0x5c: {  	_ =	shalt  }
0x5d: {  	_ =	shalt  }
0x5e: {  	_ =	shalt  }
0x5f: {  	_ =	shalt  }
0x60: {  	_ =	shalt  }
0x61: {  	_ =	shalt  }
0x62: {  	_ =	shalt  }
0x63: {  	_ =	shalt  }
0x64: {  	_ =	shalt  }
0x65: {  	_ =	shalt  }
0x66: {  	_ =	shalt  }
0x67: {  	_ =	shalt  }
0x68: {  	_ =	shalt  }
0x69: {  	_ =	shalt  }
0x6a: {  	_ =	shalt  }
0x6b: {  	_ =	shalt  }
0x6c: {  	_ =	shalt  }
0x6d: {  	_ =	shalt  }
0x6e: {  	_ =	shalt  }
0x6f: {  	_ =	shalt  }
0x70: {  	_ =	shalt  }
0x71: {  	_ =	shalt  }
0x72: {  	_ =	shalt  }
0x73: {  	_ =	shalt  }
0x74: {  	_ =	shalt  }
0x75: {  	_ =	shalt  }
0x76: {  	_ =	shalt  }
0x77: {  	_ =	shalt  }
0x78: {  	_ =	shalt  }
0x79: {  	_ =	shalt  }
0x7a: {  	_ =	shalt  }
0x7b: {  	_ =	shalt  }
0x7c: {  	_ =	shalt  }
0x7d: {  	_ =	shalt  }
0x7e: {  	_ =	shalt  }
0x7f: {  	_ =	shalt  }
0x80: {  	_ =	shalt  }
0x81: {  	_ =	shalt  }
0x82: {  	_ =	shalt  }
0x83: {  	_ =	shalt  }
0x84: {  	_ =	shalt  }
0x85: {  	_ =	shalt  }
0x86: {  	_ =	shalt  }
0x87: {  	_ =	shalt  }
.Lfunc_end0:
.L_simem_size_0:
called_computation.1_lowered:
.L_overlay_start_0:
0x88: {  	s2 =	sld [smem:$0x3FD9]  }
0x89: {  	s3 =	sld [smem:$0x3FFE];
	_ =	sdelay $0x1  }
0x8a: {  	s1 =	srdreg.scid  }
0x8b: {  	s0 =	sand.u32 $0x1, s1  }
0x8c: {  	s16 =	sshll.u32 s0, $0xA;
	s2 =	sadd.s32 s3, s2  }
0x8d: {  	s2 =	sadd.s32 s2, s16  }
0x8e: {  	[smem:$0x3FAF] =	sst s2  }
0x8f: {  	_ = 	snop  }
0x90: {  	(tm) =	ssettm $0x1  }
0x91: {  	s17 =	sld [smem:$0x3FFB];
	_ =	sdelay $0x3  }
0x92: {  	_ =	strace s17  }
0x93: {  	s2 =	sld [smem:$0x3FFC];
	_ =	sdelay $0x3  }
0x94: {  	_ =	strace s2  }
0x95: {  	s2 =	sld [smem:$0x3FFD];
	_ =	sdelay $0x3  }
0x96: {  	_ =	strace s2  }
0x97: {  	_ =	strace $0x8FFFFFFF  }
0x98: {  	s18 =	sld [smem:$0x3FDB];
	_ =	sdelay $0x1  }
0x99: {  	s19 =	simm.s32 $_scs_section_size  }
0x9a: {  	s4 =	simm.s32 $_size__tile_overlayer_lowered;
	s5 =	simm.s32 $_tile_overlayer_lowered  }
0x9b: {  	s22 =	simm.s32 $0x1BFF;
	s21 =	sshll.u32 s5, $0x1;
	s2 =	sadd.s32 s19, s18  }
0x9c: {  	s6 =	simm.s32 $0x0;
	s20 =	sshll.u32 s4, $0x1;
	s4 =	sadd.s32 s21, s2  }
0x9d: {  	[timem:s6], [sflag:s22] =	dma.local [hbm:s4], s20  }
0x9e: {  	_ =	swait.ge [sflag:s22], s20  }
0x9f: {  	s3 =	ssub.s32 $0x0, s20;
	[sflag:s22] =	ssyncset.done $0x0  }
0xa0: {  	[sflag:s22] =	ssyncadd.s32 s3;
	_ =	sdelay $0x1  }
0xa1: {  	s23 =	simm.s32 $0x1B8B  }
0xa2: {  	_ =	swait.ge [sflag:s23], $0x1  }
0xa3: {  	[sflag:s23] =	ssyncset.done $0x0  }
0xa4: {  	s25 =	simm.s32 $0x1B8E;
	s24 =	sld [smem:$0x3FFE];
	[sflag:s23] =	ssyncadd.s32 $0xFFFFFFFF  }
0xa5: {  	s26 =	simm.s32 $execute0_lowered;
	[smem:$0x3FD2] =	sst s25  }
0xa6: {  	s4 =	sshll.u32 s26, $0x1;
	_ =	strace $0x80000049;
	[dreg:$0x1] =	wrdreg $0xFFFFFFFF  }
0xa7: {  	s28 =	simm.s32 $_size_execute0_lowered;
	s2 =	sadd.s32 s2, s4;
	[dreg:$0x0] =	wrdreg $0x0  }
0xa8: {  	s4 =	sshll.u32 s28, $0x1;
	[dreg:$0x2] =	wrdreg s2  }
0xa9: {  	[dreg:$0x3] =	wrdreg s4  }
0xaa: {  	[dreg:$0x4] =	wrdreg $0xC0  }
0xab: {  	_ =	task [dreg:s6], $0x5FFFF  }
0xac: {  	[dreg:$0x1] =	wrdreg $0xFFFFFFFF  }
0xad: {  	[dreg:$0x0] =	wrdreg $0x60  }
0xae: {  	[dreg:$0x2] =	wrdreg s24  }
0xaf: {  	[dreg:$0x3] =	wrdreg $0xA4000  }
0xb0: {  	[dreg:$0x4] =	wrdreg $0x9  }
0xb1: {  	_ =	task.clear_ibuf [dreg:s6], $0x5FFFF;
	_ =	strace $0x90000049  }
0xb2: {  	s29 =	simm.s32 $0x9;
	_ =	strace $0x8000004B  }
0xb3: {  	_ =	swait.ge [sflag:s29], $0x1  }
0xb4: {  	[sflag:s29] =	ssyncadd.s32 $0xFFFFFFFF  }
0xb5: {  	_ =	strace $0x9000004B  }
0xb6: {  	_ =	sfence  }
0xb7: {  	s30 =	sld [smem:$0x0];
	_ =	sdelay $0x2  }
0xb8: {  	s31 =	sshll.u32 s1, $0xD;
	s1 =	sshrl.u32 s1, $0x2  }
0xb9: {  	s3 =	sand.u32 $0x4000, s31;
	s1 =	sadd.s32 s1, s30  }
0xba: {  	s0 =	sor.u32 s3, s0;
	s1 =	sshll.u32 s1, $0x11  }
0xbb: {  	s0 =	sor.u32 s1, s0  }
0xbc: {  	s0 =	sadd.s32 $0x8F2B, s0  }
0xbd: {  	[sflag:s0] =	ssyncadd.remote.s32 $0x1  }
0xbe: {  	_ =	sfence.sel $0xFFFF  }
0xbf: {  	[dreg:$0x0] =	wrdreg $0xFFFFFFFF;
	(pc) =	sbr.abs _section_cstart, $3  }
0xc0: {  	[dreg:$0x1] =	wrdreg $0xFFFFFFFF  }
0xc1: {  	_ =	task.clear_ibuf [dreg:s6], $0x2FFFF;
	_ =	strace $0x9FFFFFFF  }
0xc2: {  	(tm) =	ssettm $0x7FFFFFFF  }
0xc3: {  	_ =	shalt  }
tec
execute0_lowered:
.L_overlay_start_1:
0x0: {  	(tag) =	ssettag $0x1  }
0x1: {  	s0 =	rddreg [dreg:$0x0];
	s1 =	srdreg.scid  }
0x2: {  	s2 =	rddreg [dreg:$0x1];
	s8 =	stileid.u32;
	s3 =	simm.s32 $0x0  }
0x3: {  	s13 =	simm.s32 $0x100;
	s15 =	simm.s32 $0x200;
	s17 =	simm.s32 $0x300  }
0x4: {  	s18 =	simm.s32 $0x1;
	s28 =	simm.s32 $0x5;
	s29 =	simm.s32 $0x80  }
0x5: {  	s30 =	simm.s32 $0x6;
	s31 =	simm.s32 $0x180;
	s12 =	simm.s32 $0xA  }
0x6: {  	s14 =	simm.s32 $0xB;
	s16 =	simm.s32 $0xC;
	s5 =	smul.u32 $0x1F40, s8  }
0x7: {  	s1 =	sand.u32 $0x1, s1;
	[smem:$0x7FF] =	sst s3;
	s6 =	smul.u32 $0x14000, s8  }
0x8: {  	s19 =	smul.u32 $0x50000, s8;
	s9 =	sadd.s32 $0x25A00, s0;
	s22 =	sshll.u32 s8, $0x6  }
0x9: {  	s8 =	simm.s32 $0x380;
	s4 =	smul.u32 $0x140000, s1;
	_ =	strace $0x8000004A  }
0xa: {  	s1 =	ssub.s32 $0x2, s1;
	[dreg:$0x3] =	wrdreg s9;
	s10 =	sor.u32 $0x1C0D, s22  }
0xb: {  	s22 =	simm.s32 $0x2C00;
	s9 =	simm.s32 $0x9;
	s5 =	sadd.s32 s5, s0  }
0xc: {  	s20 =	sshrl.u32 s1, $0x1;
	s21 =	sshrl.u32 s19, $0x2;
	s19 =	simm.s32 $0x50  }
0xd: {  	[dreg:$0x4] =	wrdreg s10;
	s7 =	sshrl.u32 s4, $0x3;
	s4 =	sadd.s32 s6, s4  }
0xe: {  	s1 =	ssub.s32 s1, s20;
	s6 =	sadd.s32 $0x78200, s5;
	s20 =	simm.s32 $0x400  }
0xf: {  	s5 =	simm.s32 $0x0;
	s7 =	sadd.s32 s7, s0;
	s4 =	sshrl.u32 s4, $0x3  }
0x10: {  	s23 =	smax.u32 s1, $0x1;
	s24 =	sadd.s32 $0x20, s6;
	[dreg:$0xb] =	wrdreg s5  }
0x11: {  	s25 =	sadd.s32 $0x40, s6;
	s26 =	sadd.s32 $0x60, s6;
	[dreg:$0x6] =	wrdreg s23  }
0x12: {  	s1 =	simm.s32 $0x280;
	s0 =	sadd.s32 s4, s0;
	[dreg:$0x8] =	wrdreg s24  }
0x13: {  	s4 =	sadd.s32 s21, s2;
	s7 =	sadd.s32 $0x28200, s7;
	[dreg:$0x9] =	wrdreg s25  }
0x14: {  	[dreg:$0xa] =	wrdreg s26;
	s21 =	simm.s32 $0x2;
	s23 =	simm.s32 $0x3  }
0x15: {  	s24 =	simm.s32 $0x5400;
	s25 =	simm.s32 $0x4;
	s0 =	sadd.s32 $0x97600, s0  }
0x16: {  	s26 =	simm.s32 $0x7C00;
	s11 =	sshrl.u32 s4, $0x3;
	[dreg:$0x5] =	wrdreg s0  }
0x17: {  	s4 =	simm.s32 $0x8;
	s0 =	simm.s32 $0x7;
	[dreg:$0x7] =	wrdreg s11  }
.LBB2_1:
0x18: {  	s5 =	rddreg [dreg:$0x3]  }
0x19: {  	[spmem:s11], [sflag:s10] =	dma.local [hbm:s5], $0x2800  }
0x1a: {  	s10 =	simm.s32 $0xD  }
0x1b: {  	_ =	swait.ge [sflag:s10], $0x2800  }
0x1c: {  	[sflag:s10] =	ssyncset.done $0x0  }
0x1d: {  	[sflag:s10] =	ssyncadd.s32 $0xFFFFD800  }
0x1e: {  	[bflag:$0x0] =	sbarrier.arrive $0xFFFF  }
0x1f: {  	[tilespmem:s3], [sflag:$0x1] =	stream.linear.gather [hbm4b:s6+s3], $0x100, $0x38;
	[tilespmem:$0x1E400] =	vst v63  }
0x20: {  	s11 =	rddreg [dreg:$0x8]  }
0x21: {  	[tilespmem:s13], [sflag:$0x2] =	stream.linear.gather [hbm4b:s11+s3], $0x100, $0x38;
	[tilespmem:$0x1E400] =	vst v63  }
0x22: {  	s10 =	rddreg [dreg:$0x9]  }
0x23: {  	[tilespmem:s15], [sflag:$0x3] =	stream.linear.gather [hbm4b:s10+s3], $0x100, $0x38;
	[tilespmem:$0x1E400] =	vst v63  }
0x24: {  	s11 =	rddreg [dreg:$0xa]  }
0x25: {  	[tilespmem:s17], [sflag:$0x4] =	stream.linear.gather [hbm4b:s11+s3], $0x100, $0x38;
	[tilespmem:$0x1E400] =	vst v63  }
0x26: {  	_ =	swait.ge [sflag:s18], $0x100  }
0x27: {  	[sflag:s18] =	ssyncset.done $0x0  }
0x28: {  	[sflag:s18] =	ssyncadd.s32 $0xFFFFFF00  }
0x29: {  	[tilespmem:s20], [sflag:$0x5] =	stream.indirect.gather [hbm4b:s7+s19], $0x80, s3, s19, $0xb8;
	[tilespmem:$0x1E400] =	vst v63  }
0x2a: {  	_ =	swait.ge [sflag:s21], $0x100  }
0x2b: {  	[sflag:s21] =	ssyncset.done $0x0  }
0x2c: {  	[sflag:s21] =	ssyncadd.s32 $0xFFFFFF00  }
0x2d: {  	[tilespmem:s22], [sflag:$0x6] =	stream.indirect.gather [hbm4b:s7+s19], $0x80, s13, s19, $0xb8;
	[tilespmem:$0x1E400] =	vst v63  }
0x2e: {  	_ =	swait.ge [sflag:s23], $0x100  }
0x2f: {  	[sflag:s23] =	ssyncset.done $0x0  }
0x30: {  	[sflag:s23] =	ssyncadd.s32 $0xFFFFFF00  }
0x31: {  	[tilespmem:s24], [sflag:$0x7] =	stream.indirect.gather [hbm4b:s7+s19], $0x80, s15, s19, $0xb8;
	[tilespmem:$0x1E400] =	vst v63  }
0x32: {  	_ =	swait.ge [sflag:s25], $0x100  }
0x33: {  	[sflag:s25] =	ssyncset.done $0x0  }
0x34: {  	[sflag:s25] =	ssyncadd.s32 $0xFFFFFF00  }
0x35: {  	[tilespmem:s26], [sflag:$0x8] =	stream.indirect.gather [hbm4b:s7+s19], $0x80, s17, s19, $0xb8;
	[tilespmem:$0x1E400] =	vst v63  }
0x36: {  	_ =	swait.ge [sflag:s28], $0x2800  }
0x37: {  	[sflag:s28] =	ssyncset.done $0x0  }
0x38: {  	[sflag:s28] =	ssyncadd.s32 $0xFFFFD800  }
0x39: {  	[spmem:s2] =	stream.indirect.scatter.add.f32 [tilespmem:s20], [sflag:$0x9], $0x80, s29, s19, $0xb8;
	[tilespmem:$0x1E400] =	vst v63  }
0x3a: {  	_ =	swait.ge [sflag:s30], $0x2800  }
0x3b: {  	[sflag:s30] =	ssyncset.done $0x0  }
0x3c: {  	[sflag:s30] =	ssyncadd.s32 $0xFFFFD800  }
0x3d: {  	[spmem:s2] =	stream.indirect.scatter.add.f32 [tilespmem:s22], [sflag:$0xA], $0x80, s31, s19, $0xb8;
	[tilespmem:$0x1E400] =	vst v63  }
0x3e: {  	_ =	swait.ge [sflag:s0], $0x2800  }
0x3f: {  	[sflag:s0] =	ssyncset.done $0x0  }
0x40: {  	[sflag:s0] =	ssyncadd.s32 $0xFFFFD800  }
0x41: {  	[spmem:s2] =	stream.indirect.scatter.add.f32 [tilespmem:s24], [sflag:$0xB], $0x80, s1, s19, $0xb8;
	[tilespmem:$0x1E400] =	vst v63  }
0x42: {  	_ =	swait.ge [sflag:s4], $0x2800  }
0x43: {  	[sflag:s4] =	ssyncset.done $0x0  }
0x44: {  	[sflag:s4] =	ssyncadd.s32 $0xFFFFD800  }
0x45: {  	[spmem:s2] =	stream.indirect.scatter.add.f32 [tilespmem:s26], [sflag:$0xC], $0x80, s8, s19, $0xb8;
	[tilespmem:$0x1E400] =	vst v63  }
0x46: {  	_ =	swait.ge [sflag:s9], $0x2800  }
0x47: {  	s10 =	sadd.s32 $0xFFFFE180, s6;
	[sflag:s9] =	ssyncset.done $0x0  }
0x48: {  	s5 =	sadd.s32 $0x1F00, s10;
	[sflag:s9] =	ssyncadd.s32 $0xFFFFD800  }
0x49: {  	[tilespmem:s3], [sflag:$0x1] =	stream.linear.gather [hbm4b:s5+s3], $0x100, $0x38;
	[tilespmem:$0x1E400] =	vst v63  }
0x4a: {  	_ =	swait.ge [sflag:s18], $0x100  }
0x4b: {  	[sflag:s18] =	ssyncset.done $0x0  }
0x4c: {  	[sflag:s18] =	ssyncadd.s32 $0xFFFFFF00  }
0x4d: {  	[tilespmem:s20], [sflag:$0x5] =	stream.indirect.gather [hbm4b:s7+s19], $0x80, s3, s19, $0xb8;
	[tilespmem:$0x1E400] =	vst v63  }
0x4e: {  	_ =	swait.ge [sflag:s12], $0x2800  }
0x4f: {  	[sflag:s12] =	ssyncset.done $0x0  }
0x50: {  	s5 =	sadd.s32 $0x1F20, s10;
	[sflag:s12] =	ssyncadd.s32 $0xFFFFD800  }
0x51: {  	[tilespmem:s13], [sflag:$0x2] =	stream.linear.gather [hbm4b:s5+s3], $0x100, $0x38;
	[tilespmem:$0x1E400] =	vst v63  }
0x52: {  	_ =	swait.ge [sflag:s21], $0x100  }
0x53: {  	[sflag:s21] =	ssyncset.done $0x0  }
0x54: {  	[sflag:s21] =	ssyncadd.s32 $0xFFFFFF00  }
0x55: {  	[tilespmem:s22], [sflag:$0x6] =	stream.indirect.gather [hbm4b:s7+s19], $0x80, s13, s19, $0xb8;
	[tilespmem:$0x1E400] =	vst v63  }
0x56: {  	_ =	swait.ge [sflag:s14], $0x2800  }
0x57: {  	[sflag:s14] =	ssyncset.done $0x0  }
0x58: {  	s5 =	sadd.s32 $0x1F40, s10;
	[sflag:s14] =	ssyncadd.s32 $0xFFFFD800  }
0x59: {  	[tilespmem:s15], [sflag:$0x3] =	stream.linear.gather [hbm4b:s5+s3], $0x100, $0x38;
	[tilespmem:$0x1E400] =	vst v63  }
0x5a: {  	_ =	swait.ge [sflag:s23], $0x100  }
0x5b: {  	[sflag:s23] =	ssyncset.done $0x0  }
0x5c: {  	[sflag:s23] =	ssyncadd.s32 $0xFFFFFF00  }
0x5d: {  	[tilespmem:s24], [sflag:$0x7] =	stream.indirect.gather [hbm4b:s7+s19], $0x80, s15, s19, $0xb8;
	[tilespmem:$0x1E400] =	vst v63  }
0x5e: {  	_ =	swait.ge [sflag:s16], $0x2800  }
0x5f: {  	[sflag:s16] =	ssyncset.done $0x0  }
0x60: {  	s10 =	sadd.s32 $0x1F60, s10;
	[sflag:s16] =	ssyncadd.s32 $0xFFFFD800  }
0x61: {  	[tilespmem:s17], [sflag:$0x4] =	stream.linear.gather [hbm4b:s10+s3], $0x100, $0x38;
	[tilespmem:$0x1E400] =	vst v63  }
0x62: {  	_ =	swait.ge [sflag:s25], $0x100  }
0x63: {  	[sflag:s25] =	ssyncset.done $0x0  }
0x64: {  	s10 =	simm.s32 $0xFFFFE200;
	[sflag:s25] =	ssyncadd.s32 $0xFFFFFF00  }
.LBB2_2:
0x65: {  	[tilespmem:s26], [sflag:$0x8] =	stream.indirect.gather [hbm4b:s7+s19], $0x80, s17, s19, $0xb8;
	[tilespmem:$0x1E400] =	vst v63  }
0x66: {  	s11 =	smov.u32 s10  }
0x67: {  	p0 =	sne.s32 s10, $0xFFFFFF80;
	s10 =	sadd.s32 $0x80, s10;
	_ =	swait.ge [sflag:s28], $0x2800  }
0x68: {  	[sflag:s28] =	ssyncset.done $0x0  }
0x69: {  	[sflag:s28] =	ssyncadd.s32 $0xFFFFD800  }
0x6a: {  	[spmem:s2] =	stream.indirect.scatter.add.f32 [tilespmem:s20], [sflag:$0x9], $0x80, s29, s19, $0xb8;
	[tilespmem:$0x1E400] =	vst v63  }
0x6b: {  	_ =	swait.ge [sflag:s30], $0x2800  }
0x6c: {  	[sflag:s30] =	ssyncset.done $0x0  }
0x6d: {  	[sflag:s30] =	ssyncadd.s32 $0xFFFFD800  }
0x6e: {  	[spmem:s2] =	stream.indirect.scatter.add.f32 [tilespmem:s22], [sflag:$0xA], $0x80, s31, s19, $0xb8;
	[tilespmem:$0x1E400] =	vst v63  }
0x6f: {  	_ =	swait.ge [sflag:s0], $0x2800  }
0x70: {  	[sflag:s0] =	ssyncset.done $0x0  }
0x71: {  	[sflag:s0] =	ssyncadd.s32 $0xFFFFD800  }
0x72: {  	[spmem:s2] =	stream.indirect.scatter.add.f32 [tilespmem:s24], [sflag:$0xB], $0x80, s1, s19, $0xb8;
	[tilespmem:$0x1E400] =	vst v63  }
0x73: {  	_ =	swait.ge [sflag:s4], $0x2800  }
0x74: {  	[sflag:s4] =	ssyncset.done $0x0  }
0x75: {  	[sflag:s4] =	ssyncadd.s32 $0xFFFFD800  }
0x76: {  	[spmem:s2] =	stream.indirect.scatter.add.f32 [tilespmem:s26], [sflag:$0xC], $0x80, s8, s19, $0xb8;
	[tilespmem:$0x1E400] =	vst v63  }
0x77: {  	_ =	swait.ge [sflag:s9], $0x2800  }
0x78: {  	s11 =	sadd.s32 s11, s6;
	[sflag:s9] =	ssyncset.done $0x0  }
0x79: {  	s5 =	sadd.s32 $0x1F00, s11;
	[sflag:s9] =	ssyncadd.s32 $0xFFFFD800  }
0x7a: {  	[tilespmem:s3], [sflag:$0x1] =	stream.linear.gather [hbm4b:s5+s3], $0x100, $0x38;
	[tilespmem:$0x1E400] =	vst v63  }
0x7b: {  	_ =	swait.ge [sflag:s18], $0x100  }
0x7c: {  	[sflag:s18] =	ssyncset.done $0x0  }
0x7d: {  	[sflag:s18] =	ssyncadd.s32 $0xFFFFFF00  }
0x7e: {  	[tilespmem:s20], [sflag:$0x5] =	stream.indirect.gather [hbm4b:s7+s19], $0x80, s3, s19, $0xb8;
	[tilespmem:$0x1E400] =	vst v63  }
0x7f: {  	_ =	swait.ge [sflag:s12], $0x2800  }
0x80: {  	[sflag:s12] =	ssyncset.done $0x0  }
0x81: {  	s5 =	sadd.s32 $0x1F20, s11;
	[sflag:s12] =	ssyncadd.s32 $0xFFFFD800  }
0x82: {  	[tilespmem:s13], [sflag:$0x2] =	stream.linear.gather [hbm4b:s5+s3], $0x100, $0x38;
	[tilespmem:$0x1E400] =	vst v63  }
0x83: {  	_ =	swait.ge [sflag:s21], $0x100  }
0x84: {  	[sflag:s21] =	ssyncset.done $0x0  }
0x85: {  	[sflag:s21] =	ssyncadd.s32 $0xFFFFFF00  }
0x86: {  	[tilespmem:s22], [sflag:$0x6] =	stream.indirect.gather [hbm4b:s7+s19], $0x80, s13, s19, $0xb8;
	[tilespmem:$0x1E400] =	vst v63  }
0x87: {  	_ =	swait.ge [sflag:s14], $0x2800  }
0x88: {  	[sflag:s14] =	ssyncset.done $0x0  }
0x89: {  	s5 =	sadd.s32 $0x1F40, s11;
	[sflag:s14] =	ssyncadd.s32 $0xFFFFD800  }
0x8a: {  	[tilespmem:s15], [sflag:$0x3] =	stream.linear.gather [hbm4b:s5+s3], $0x100, $0x38;
	[tilespmem:$0x1E400] =	vst v63  }
0x8b: {  	_ =	swait.ge [sflag:s23], $0x100  }
0x8c: {  	[sflag:s23] =	ssyncset.done $0x0  }
0x8d: {  	[sflag:s23] =	ssyncadd.s32 $0xFFFFFF00  }
0x8e: {  	[tilespmem:s24], [sflag:$0x7] =	stream.indirect.gather [hbm4b:s7+s19], $0x80, s15, s19, $0xb8;
	[tilespmem:$0x1E400] =	vst v63  }
0x8f: {  	_ =	swait.ge [sflag:s16], $0x2800  }
0x90: {  	[sflag:s16] =	ssyncset.done $0x0  }
.Ltmp0:
0x91: {  	s5 =	sadd.s32 $0x1F60, s11;
	[sflag:s16] =	ssyncadd.s32 $0xFFFFD800;
	(pc) =	sbr.rel @p0 .LBB2_2-.Ltmp0, $4  }
0x92: {  	[tilespmem:s17], [sflag:$0x4] =	stream.linear.gather [hbm4b:s5+s3], $0x100, $0x38;
	[tilespmem:$0x1E400] =	vst v63  }
0x93: {  	_ =	swait.ge [sflag:s25], $0x100  }
0x94: {  	[sflag:s25] =	ssyncset.done $0x0  }
0x95: {  	[sflag:s25] =	ssyncadd.s32 $0xFFFFFF00  }
0x96: {  	[tilespmem:s26], [sflag:$0x8] =	stream.indirect.gather [hbm4b:s7+s19], $0x80, s17, s19, $0xb8;
	[tilespmem:$0x1E400] =	vst v63  }
0x97: {  	_ =	swait.ge [sflag:s28], $0x2800  }
0x98: {  	[sflag:s28] =	ssyncset.done $0x0  }
0x99: {  	[sflag:s28] =	ssyncadd.s32 $0xFFFFD800  }
0x9a: {  	[spmem:s2] =	stream.indirect.scatter.add.f32 [tilespmem:s20], [sflag:$0x9], $0x80, s29, s19, $0xb8;
	[tilespmem:$0x1E400] =	vst v63  }
0x9b: {  	_ =	swait.ge [sflag:s30], $0x2800  }
0x9c: {  	[sflag:s30] =	ssyncset.done $0x0  }
0x9d: {  	[sflag:s30] =	ssyncadd.s32 $0xFFFFD800  }
0x9e: {  	[spmem:s2] =	stream.indirect.scatter.add.f32 [tilespmem:s22], [sflag:$0xA], $0x80, s31, s19, $0xb8;
	[tilespmem:$0x1E400] =	vst v63  }
0x9f: {  	_ =	swait.ge [sflag:s0], $0x2800  }
0xa0: {  	[sflag:s0] =	ssyncset.done $0x0  }
0xa1: {  	[sflag:s0] =	ssyncadd.s32 $0xFFFFD800  }
0xa2: {  	[spmem:s2] =	stream.indirect.scatter.add.f32 [tilespmem:s24], [sflag:$0xB], $0x80, s1, s19, $0xb8;
	[tilespmem:$0x1E400] =	vst v63  }
0xa3: {  	_ =	swait.ge [sflag:s4], $0x2800  }
0xa4: {  	[sflag:s4] =	ssyncset.done $0x0  }
0xa5: {  	[sflag:s4] =	ssyncadd.s32 $0xFFFFD800  }
0xa6: {  	[spmem:s2] =	stream.indirect.scatter.add.f32 [tilespmem:s26], [sflag:$0xC], $0x80, s8, s19, $0xb8;
	[tilespmem:$0x1E400] =	vst v63  }
0xa7: {  	_ =	swait.ge [sflag:s9], $0x2800  }
0xa8: {  	[sflag:s9] =	ssyncset.done $0x0  }
0xa9: {  	s5 =	sadd.s32 $0x1F00, s6;
	[sflag:s9] =	ssyncadd.s32 $0xFFFFD800  }
0xaa: {  	[tilespmem:s3], [sflag:$0x1] =	stream.linear.gather [hbm4b:s5+s3], $0x100, $0x38;
	[tilespmem:$0x1E400] =	vst v63  }
0xab: {  	_ =	swait.ge [sflag:s18], $0x100  }
0xac: {  	[sflag:s18] =	ssyncset.done $0x0  }
0xad: {  	[sflag:s18] =	ssyncadd.s32 $0xFFFFFF00  }
0xae: {  	[tilespmem:s20], [sflag:$0x5] =	stream.indirect.gather [hbm4b:s7+s19], $0x80, s3, s19, $0xb8;
	[tilespmem:$0x1E400] =	vst v63  }
0xaf: {  	_ =	swait.ge [sflag:s12], $0x2800  }
0xb0: {  	[sflag:s12] =	ssyncset.done $0x0  }
0xb1: {  	s11 =	sadd.s32 $0x1F20, s6;
	[sflag:s12] =	ssyncadd.s32 $0xFFFFD800  }
0xb2: {  	[tilespmem:s13], [sflag:$0x2] =	stream.linear.gather [hbm4b:s11+s3], $0x100, $0x38;
	[tilespmem:$0x1E400] =	vst v63  }
0xb3: {  	_ =	swait.ge [sflag:s21], $0x100  }
0xb4: {  	[sflag:s21] =	ssyncset.done $0x0  }
0xb5: {  	[sflag:s21] =	ssyncadd.s32 $0xFFFFFF00  }
0xb6: {  	[tilespmem:s22], [sflag:$0x6] =	stream.indirect.gather [hbm4b:s7+s19], $0x80, s13, s19, $0xb8;
	[tilespmem:$0x1E400] =	vst v63  }
0xb7: {  	_ =	swait.ge [sflag:s14], $0x2800  }
0xb8: {  	[sflag:s14] =	ssyncset.done $0x0  }
0xb9: {  	[sflag:s14] =	ssyncadd.s32 $0xFFFFD800  }
0xba: {  	_ =	swait.ge [sflag:s16], $0x2800  }
0xbb: {  	[sflag:s16] =	ssyncset.done $0x0  }
0xbc: {  	[sflag:s16] =	ssyncadd.s32 $0xFFFFD800  }
0xbd: {  	_ =	swait.ge [sflag:s28], $0x2800  }
0xbe: {  	[sflag:s28] =	ssyncset.done $0x0  }
0xbf: {  	[sflag:s28] =	ssyncadd.s32 $0xFFFFD800  }
0xc0: {  	[spmem:s2] =	stream.indirect.scatter.add.f32 [tilespmem:s20], [sflag:$0x9], $0x80, s29, s19, $0xb8;
	[tilespmem:$0x1E400] =	vst v63  }
0xc1: {  	_ =	swait.ge [sflag:s30], $0x2800  }
0xc2: {  	[sflag:s30] =	ssyncset.done $0x0  }
0xc3: {  	[sflag:s30] =	ssyncadd.s32 $0xFFFFD800  }
0xc4: {  	[spmem:s2] =	stream.indirect.scatter.add.f32 [tilespmem:s22], [sflag:$0xA], $0x80, s31, s19, $0xb8;
	[tilespmem:$0x1E400] =	vst v63  }
0xc5: {  	_ =	swait.ge [sflag:s9], $0x2800  }
0xc6: {  	[sflag:s9] =	ssyncset.done $0x0  }
0xc7: {  	[sflag:s9] =	ssyncadd.s32 $0xFFFFD800  }
0xc8: {  	_ =	swait.ge [sflag:s12], $0x2800  }
0xc9: {  	[sflag:s12] =	ssyncset.done $0x0  }
0xca: {  	[sflag:s12] =	ssyncadd.s32 $0xFFFFD800  }
0xcb: {  	[bflag:$0x0] =	sbarrier.arrive $0xFFFF  }
0xcc: {  	s10 =	rddreg [dreg:$0x4]  }
0xcd: {  	s5 =	rddreg [dreg:$0x5]  }
0xce: {  	s11 =	rddreg [dreg:$0x7]  }
0xcf: {  	[hbm:s5], [sflag:s10] =	dma.local [spmem:s11], $0x2800  }
0xd0: {  	s5 =	simm.s32 $0xD  }
0xd1: {  	_ =	swait.ge [sflag:s5], $0x2800  }
0xd2: {  	s10 =	rddreg [dreg:$0xb]  }
0xd3: {  	[sflag:s5] =	ssyncset.done $0x0;
	s5 =	rddreg [dreg:$0x6];
	s10 =	sadd.s32 $0x1, s10  }
0xd4: {  	p0 =	sne.s32 s10, s5  }
.Ltmp1:
0xd5: {  	_ = 	snop;
	(pc) =	sbr.rel @p0 .LBB2_1-.Ltmp1, $3  }
0xd6: {  	_ =	sdelay $0x1  }
0xd7: {  	[dreg:$0xb] =	wrdreg s10;
	s5 =	simm.s32 $0xD  }
0xd8: {  	s10 =	rddreg [dreg:$0x4];
	[sflag:s5] =	ssyncadd.s32 $0xFFFFD800  }
0xd9: {  	_ =	sfence.sel $0x180000  }
0xda: {  	[bflag:$0x0] =	sbarrier.arrive $0xFFFF  }
0xdb: {  	_ =	strace $0x9000004A  }
0xdc: {  	s0 =	stileid.u32;
	[bflag:$0x2] =	sbarrier.arrive $0xFFFF  }
0xdd: {  	p0 =	sne.s32 s0, $0x0;
	s0 =	rddreg [dreg:$0x2]  }
0xde: {  	s0 =	sadd.s32 @!p0 $0x100000, s0  }
0xdf: {  	[sflag:s0] =	ssyncadd.tile.s32 @!p0 $0x1;
	_ =	shalt  }
.Lfunc_end2:
_tile_overlayer_lowered:
.L_overlay_start_2:
0xe0: {  	(tag) =	ssettag $0x2  }
0xe1: {  	s0 =	rddreg [dreg:$0x0];
	s2 =	stileid.u32  }
0xe2: {  	s1 =	rddreg [dreg:$0x1];
	p0 =	sne.s32 s2, $0x0  }
0xe3: {  	s3 =	rddreg [dreg:$0x2];
	[bflag:$0x3] =	sbarrier.arrive $0xFFFF;
	s2 =	simm.s32 @!p0 $0x1C0D  }
0xe4: {  	[timem:s3], [sflag:s2] =	dma.local @!p0 [hbm:s0], s1  }
0xe5: {  	s0 =	simm.s32 @!p0 $0xD  }
0xe6: {  	_ =	swait.ge @!p0 [sflag:s0], s1  }
0xe7: {  	s1 =	ssub.s32 @!p0 $0x0, s1;
	[sflag:s0] =	ssyncset.done @!p0 $0x0  }
0xe8: {  	[sflag:s0] =	ssyncadd.s32 @!p0 s1  }
0xe9: {  	[bflag:$0x3] =	sbarrier.arrive $0xFFFF  }
0xea: {  	_ =	shalt  }

// kernel: kernel.15.cloned.1.call-start
scs
__scs_entry_jumppad:
0x0: {  	(pc) =	sbr.rel $0x88, $3  }
0x1: {  	(tag) =	ssettag $0x0;
	lr =	simm.s32 $0x1  }
0x2: {  	[smem:$0x3F88] =	sst lr;
	_ =	strace $0xD0000000  }
0x3: {  	_ = 	snop  }
0x4: {  	_ = 	snop  }
0x5: {  	_ = 	snop  }
0x6: {  	_ = 	snop  }
0x7: {  	_ = 	snop  }
__scs_overlays_trampoline_lowered:
0x8: {  	[smem:$0x3F97] =	sst s0  }
0x9: {  	[smem:$0x3F98] =	sst s1  }
0xa: {  	[smem:$0x3F99] =	sst s2  }
0xb: {  	[smem:$0x3F9A] =	sst s3  }
0xc: {  	[smem:$0x3F9B] =	sst s4  }
0xd: {  	[smem:$0x3F9C] =	sst s5  }
0xe: {  	[smem:$0x3F9D] =	sst s6  }
0xf: {  	[smem:$0x3F9E] =	sst s7  }
0x10: {  	[smem:$0x3F9F] =	sst s8  }
0x11: {  	[smem:$0x3FA0] =	sst s9;
	s0 =	simm.s32 @!p0 $0x0  }
0x12: {  	s1 =	sld [smem:$0x3F86];
	s0 =	simm.s32 @p0 $0x1  }
0x13: {  	[smem:$0x3FA1] =	sst s0;
	s0 =	simm.s32 @!p1 $0x0  }
0x14: {  	s2 =	sld [smem:$0x3F85];
	s0 =	simm.s32 @p1 $0x1  }
0x15: {  	[smem:$0x3FA2] =	sst s0;
	s0 =	simm.s32 @!p2 $0x0  }
0x16: {  	s3 =	sld [smem:$0x3FDB];
	s0 =	simm.s32 @p2 $0x1  }
0x17: {  	s4 =	simm.s32 $0x1BF5;
	[smem:$0x3FA4] =	sst s0  }
0x18: {  	s0 =	sld [smem:$0x3F87];
	_ =	swait.ge [sflag:s4], $0x0  }
0x19: {  	s7 =	sld [smem:$0x3F88]  }
0x1a: {  	s8 =	sadd.s32 $0xFFFFE003, lr  }
0x1b: {  	s9 =	sadd.s32 $0xFFFFFEF7, lr;
	s5 =	simm.s32 $0xFFFFFFFF;
	p2 =	slt.u32 s8, $0xFFFFF086  }
0x1c: {  	p1 =	slt.u32 s9, $0xF7A;
	s5 =	simm.s32 @!p2 $0x0  }
0x1d: {  	s5 =	simm.s32 @p1 $0x1;
	p0 =	seq.s32 s7, s2  }
0x1e: {  	s7 =	smul.u32 @!p0 $0xF7A, s2;
	p2 =	seq.s32 @!p0 s5, $0x0  }
0x1f: {  	s9 =	smul.u32 $0xF7A, s1;
	s8 =	simm.s32 @!p0 $0x1BF5;
	p2 =	por !p2, p0  }
0x20: {  	[sflag:s8] =	ssyncset.s32 @!p0 $0xFFFFF086;
	s6 =	sadd.s32 @!p0 s3, s7;
	s7 =	simm.s32 @!p0 $0x108  }
0x21: {  	s3 =	sadd.s32 s3, s9;
	s6 =	sadd.s32 @!p0 $0x88, s6;
	s7 =	simm.s32 @p2 $0x1082  }
0x22: {  	[simem:s7], [sflag:s8] =	dma.local @!p0 [hbm:s6], $0xF7A  }
0x23: {  	s9 =	sor.u32 $0xD0000000, s2;
	s6 =	simm.s32 $0x108;
	_ =	swait.ge @!p0 [sflag:s8], $0x0  }
0x24: {  	s3 =	sadd.s32 $0x88, s3;
	s6 =	simm.s32 @!p1 $0x1082;
	[sflag:s4] =	ssyncset.s32 $0xFFFFF086  }
0x25: {  	[simem:s6], [sflag:s4] =	dma.local [hbm:s3], $0xF7A  }
0x26: {  	[smem:$0x3F88] =	sst s1;
	(tag) =	ssettag s2;
	_ =	strace s9  }
0x27: {  	s1 =	sld [smem:$0x3F98]  }
0x28: {  	s2 =	sld [smem:$0x3F99]  }
0x29: {  	s4 =	sld [smem:$0x3F9B]  }
0x2a: {  	p0 =	seq.s32 s5, $0x0;
	s5 =	sld [smem:$0x3F9C]  }
0x2b: {  	s6 =	sld [smem:$0x3F9D]  }
0x2c: {  	s7 =	sld [smem:$0x3F9E]  }
0x2d: {  	s3 =	simm.s32 $0x108;
	s8 =	sld [smem:$0x3F9F]  }
0x2e: {  	s3 =	simm.s32 @!p0 $0x1082;
	s9 =	sld [smem:$0x3FA0]  }
0x2f: {  	lr =	sadd.s32 s0, s3;
	s0 =	sld [smem:$0x3F97]  }
0x30: {  	s3 =	sld [smem:$0x3F9A]  }
0x31: {  	[smem:$0x3FA3] =	sst s10  }
0x32: {  	s10 =	sld [smem:$0x3FA1];
	_ =	sdelay $0x3  }
0x33: {  	p0 =	seq.s32 s10, $0x1;
	s10 =	sld [smem:$0x3FA3];
	_ =	sdelay $0x3  }
0x34: {  	[smem:$0x3FA3] =	sst s10  }
0x35: {  	s10 =	sld [smem:$0x3FA2];
	_ =	sdelay $0x3  }
0x36: {  	p1 =	seq.s32 s10, $0x1;
	s10 =	sld [smem:$0x3FA3];
	_ =	sdelay $0x3  }
0x37: {  	[smem:$0x3FA3] =	sst s10  }
0x38: {  	s10 =	sld [smem:$0x3FA4]  }
0x39: {  	_ = 	snop;
	(pc) =	sbr.ind lr, $3  }
0x3a: {  	_ = 	snop  }
0x3b: {  	_ = 	snop  }
0x3c: {  	p2 =	seq.s32 s10, $0x1;
	s10 =	sld [smem:$0x3FA3]  }
0x3d: {  	_ =	shalt  }
0x3e: {  	_ =	shalt  }
0x3f: {  	_ =	shalt  }
0x40: {  	_ =	shalt  }
0x41: {  	_ =	shalt  }
0x42: {  	_ =	shalt  }
0x43: {  	_ =	shalt  }
0x44: {  	_ =	shalt  }
0x45: {  	_ =	shalt  }
0x46: {  	_ =	shalt  }
0x47: {  	_ =	shalt  }
0x48: {  	_ =	shalt  }
0x49: {  	_ =	shalt  }
0x4a: {  	_ =	shalt  }
0x4b: {  	_ =	shalt  }
0x4c: {  	_ =	shalt  }
0x4d: {  	_ =	shalt  }
0x4e: {  	_ =	shalt  }
0x4f: {  	_ =	shalt  }
0x50: {  	_ =	shalt  }
0x51: {  	_ =	shalt  }
0x52: {  	_ =	shalt  }
0x53: {  	_ =	shalt  }
0x54: {  	_ =	shalt  }
0x55: {  	_ =	shalt  }
0x56: {  	_ =	shalt  }
0x57: {  	_ =	shalt  }
0x58: {  	_ =	shalt  }
0x59: {  	_ =	shalt  }
0x5a: {  	_ =	shalt  }
0x5b: {  	_ =	shalt  }
0x5c: {  	_ =	shalt  }
0x5d: {  	_ =	shalt  }
0x5e: {  	_ =	shalt  }
0x5f: {  	_ =	shalt  }
0x60: {  	_ =	shalt  }
0x61: {  	_ =	shalt  }
0x62: {  	_ =	shalt  }
0x63: {  	_ =	shalt  }
0x64: {  	_ =	shalt  }
0x65: {  	_ =	shalt  }
0x66: {  	_ =	shalt  }
0x67: {  	_ =	shalt  }
0x68: {  	_ =	shalt  }
0x69: {  	_ =	shalt  }
0x6a: {  	_ =	shalt  }
0x6b: {  	_ =	shalt  }
0x6c: {  	_ =	shalt  }
0x6d: {  	_ =	shalt  }
0x6e: {  	_ =	shalt  }
0x6f: {  	_ =	shalt  }
0x70: {  	_ =	shalt  }
0x71: {  	_ =	shalt  }
0x72: {  	_ =	shalt  }
0x73: {  	_ =	shalt  }
0x74: {  	_ =	shalt  }
0x75: {  	_ =	shalt  }
0x76: {  	_ =	shalt  }
0x77: {  	_ =	shalt  }
0x78: {  	_ =	shalt  }
0x79: {  	_ =	shalt  }
0x7a: {  	_ =	shalt  }
0x7b: {  	_ =	shalt  }
0x7c: {  	_ =	shalt  }
0x7d: {  	_ =	shalt  }
0x7e: {  	_ =	shalt  }
0x7f: {  	_ =	shalt  }
0x80: {  	_ =	shalt  }
0x81: {  	_ =	shalt  }
0x82: {  	_ =	shalt  }
0x83: {  	_ =	shalt  }
0x84: {  	_ =	shalt  }
0x85: {  	_ =	shalt  }
0x86: {  	_ =	shalt  }
0x87: {  	_ =	shalt  }
.Lfunc_end0:
.L_simem_size_0:
called_computation.2_lowered:
.L_overlay_start_0:
0x88: {  	s2 =	sld [smem:$0x3FD9]  }
0x89: {  	s3 =	sld [smem:$0x3FFE];
	_ =	sdelay $0x1  }
0x8a: {  	s1 =	srdreg.scid  }
0x8b: {  	s0 =	sand.u32 $0x1, s1  }
0x8c: {  	s16 =	sshll.u32 s0, $0xA;
	s2 =	sadd.s32 s3, s2  }
0x8d: {  	s2 =	sadd.s32 s2, s16  }
0x8e: {  	[smem:$0x3FAF] =	sst s2  }
0x8f: {  	_ = 	snop  }
0x90: {  	(tm) =	ssettm $0x1  }
0x91: {  	s17 =	sld [smem:$0x3FFB];
	_ =	sdelay $0x3  }
0x92: {  	_ =	strace s17  }
0x93: {  	s2 =	sld [smem:$0x3FFC];
	_ =	sdelay $0x3  }
0x94: {  	_ =	strace s2  }
0x95: {  	s2 =	sld [smem:$0x3FFD];
	_ =	sdelay $0x3  }
0x96: {  	_ =	strace s2  }
0x97: {  	_ =	strace $0x8FFFFFFF  }
0x98: {  	s18 =	sld [smem:$0x3FDB];
	_ =	sdelay $0x1  }
0x99: {  	s19 =	simm.s32 $_scs_section_size  }
0x9a: {  	s4 =	simm.s32 $_size__tile_overlayer_lowered;
	s5 =	simm.s32 $_tile_overlayer_lowered  }
0x9b: {  	s22 =	simm.s32 $0x1BFF;
	s21 =	sshll.u32 s5, $0x1;
	s2 =	sadd.s32 s19, s18  }
0x9c: {  	s6 =	simm.s32 $0x0;
	s20 =	sshll.u32 s4, $0x1;
	s4 =	sadd.s32 s21, s2  }
0x9d: {  	[timem:s6], [sflag:s22] =	dma.local [hbm:s4], s20  }
0x9e: {  	_ =	swait.ge [sflag:s22], s20  }
0x9f: {  	s3 =	ssub.s32 $0x0, s20;
	[sflag:s22] =	ssyncset.done $0x0  }
0xa0: {  	[sflag:s22] =	ssyncadd.s32 s3;
	_ =	sdelay $0x1  }
0xa1: {  	s23 =	simm.s32 $0x1B8B  }
0xa2: {  	_ =	swait.ge [sflag:s23], $0x1  }
0xa3: {  	[sflag:s23] =	ssyncset.done $0x0  }
0xa4: {  	s25 =	simm.s32 $0x1B8E;
	s24 =	sld [smem:$0x3FFE];
	[sflag:s23] =	ssyncadd.s32 $0xFFFFFFFF  }
0xa5: {  	s26 =	simm.s32 $execute0_lowered;
	[smem:$0x3FD2] =	sst s25  }
0xa6: {  	s4 =	sshll.u32 s26, $0x1;
	_ =	strace $0x8000004C;
	[dreg:$0x1] =	wrdreg $0xFFFFFFFF  }
0xa7: {  	s28 =	simm.s32 $_size_execute0_lowered;
	s2 =	sadd.s32 s2, s4;
	[dreg:$0x0] =	wrdreg $0x0  }
0xa8: {  	s4 =	sshll.u32 s28, $0x1;
	[dreg:$0x2] =	wrdreg s2  }
0xa9: {  	[dreg:$0x3] =	wrdreg s4  }
0xaa: {  	[dreg:$0x4] =	wrdreg $0xC0  }
0xab: {  	_ =	task [dreg:s6], $0x5FFFF  }
0xac: {  	[dreg:$0x1] =	wrdreg $0xFFFFFFFF  }
0xad: {  	[dreg:$0x0] =	wrdreg $0x60  }
0xae: {  	[dreg:$0x2] =	wrdreg s24  }
0xaf: {  	[dreg:$0x3] =	wrdreg $0xA4000  }
0xb0: {  	[dreg:$0x4] =	wrdreg $0x9  }
0xb1: {  	_ =	task.clear_ibuf [dreg:s6], $0x5FFFF;
	_ =	strace $0x9000004C  }
0xb2: {  	s29 =	simm.s32 $0x9;
	_ =	strace $0x8000004E  }
0xb3: {  	_ =	swait.ge [sflag:s29], $0x1  }
0xb4: {  	[sflag:s29] =	ssyncadd.s32 $0xFFFFFFFF  }
0xb5: {  	_ =	strace $0x9000004E  }
0xb6: {  	_ =	sfence  }
0xb7: {  	s30 =	sld [smem:$0x0];
	_ =	sdelay $0x2  }
0xb8: {  	s31 =	sshll.u32 s1, $0xD;
	s1 =	sshrl.u32 s1, $0x2  }
0xb9: {  	s3 =	sand.u32 $0x4000, s31;
	s1 =	sadd.s32 s1, s30  }
0xba: {  	s0 =	sor.u32 s3, s0;
	s1 =	sshll.u32 s1, $0x11  }
0xbb: {  	s0 =	sor.u32 s1, s0  }
0xbc: {  	s0 =	sadd.s32 $0x8F2B, s0  }
0xbd: {  	[sflag:s0] =	ssyncadd.remote.s32 $0x1  }
0xbe: {  	_ =	sfence.sel $0xFFFF  }
0xbf: {  	[dreg:$0x0] =	wrdreg $0xFFFFFFFF;
	(pc) =	sbr.abs _section_cstart, $3  }
0xc0: {  	[dreg:$0x1] =	wrdreg $0xFFFFFFFF  }
0xc1: {  	_ =	task.clear_ibuf [dreg:s6], $0x2FFFF;
	_ =	strace $0x9FFFFFFF  }
0xc2: {  	(tm) =	ssettm $0x7FFFFFFF  }
0xc3: {  	_ =	shalt  }
tec
execute0_lowered:
.L_overlay_start_1:
0x0: {  	(tag) =	ssettag $0x1  }
0x1: {  	s0 =	rddreg [dreg:$0x0];
	s1 =	srdreg.scid  }
0x2: {  	s2 =	rddreg [dreg:$0x1];
	s8 =	stileid.u32;
	s3 =	simm.s32 $0x0  }
0x3: {  	s13 =	simm.s32 $0x100;
	s15 =	simm.s32 $0x200;
	s17 =	simm.s32 $0x300  }
0x4: {  	s18 =	simm.s32 $0x1;
	s28 =	simm.s32 $0x5;
	s29 =	simm.s32 $0x80  }
0x5: {  	s30 =	simm.s32 $0x6;
	s31 =	simm.s32 $0x180;
	s12 =	simm.s32 $0xA  }
0x6: {  	s14 =	simm.s32 $0xB;
	s16 =	simm.s32 $0xC;
	s5 =	smul.u32 $0x1F40, s8  }
0x7: {  	s1 =	sand.u32 $0x1, s1;
	[smem:$0x7FF] =	sst s3;
	s6 =	smul.u32 $0x14000, s8  }
0x8: {  	s19 =	smul.u32 $0x50000, s8;
	s9 =	sadd.s32 $0x25A00, s0;
	s22 =	sshll.u32 s8, $0x6  }
0x9: {  	s8 =	simm.s32 $0x380;
	s4 =	smul.u32 $0x140000, s1;
	_ =	strace $0x8000004D  }
0xa: {  	s1 =	ssub.s32 $0x2, s1;
	[dreg:$0x3] =	wrdreg s9;
	s10 =	sor.u32 $0x1C0D, s22  }
0xb: {  	s22 =	simm.s32 $0x2C00;
	s9 =	simm.s32 $0x9;
	s5 =	sadd.s32 s5, s0  }
0xc: {  	s20 =	sshrl.u32 s1, $0x1;
	s21 =	sshrl.u32 s19, $0x2;
	s19 =	simm.s32 $0x50  }
0xd: {  	[dreg:$0x4] =	wrdreg s10;
	s7 =	sshrl.u32 s4, $0x3;
	s4 =	sadd.s32 s6, s4  }
0xe: {  	s1 =	ssub.s32 s1, s20;
	s6 =	sadd.s32 $0x78200, s5;
	s20 =	simm.s32 $0x400  }
0xf: {  	s5 =	simm.s32 $0x0;
	s7 =	sadd.s32 s7, s0;
	s4 =	sshrl.u32 s4, $0x3  }
0x10: {  	s23 =	smax.u32 s1, $0x1;
	s24 =	sadd.s32 $0x20, s6;
	[dreg:$0xb] =	wrdreg s5  }
0x11: {  	s25 =	sadd.s32 $0x40, s6;
	s26 =	sadd.s32 $0x60, s6;
	[dreg:$0x6] =	wrdreg s23  }
0x12: {  	s1 =	simm.s32 $0x280;
	s0 =	sadd.s32 s4, s0;
	[dreg:$0x8] =	wrdreg s24  }
0x13: {  	s4 =	sadd.s32 s21, s2;
	s7 =	sadd.s32 $0x28200, s7;
	[dreg:$0x9] =	wrdreg s25  }
0x14: {  	[dreg:$0xa] =	wrdreg s26;
	s21 =	simm.s32 $0x2;
	s23 =	simm.s32 $0x3  }
0x15: {  	s24 =	simm.s32 $0x5400;
	s25 =	simm.s32 $0x4;
	s0 =	sadd.s32 $0x97600, s0  }
0x16: {  	s26 =	simm.s32 $0x7C00;
	s11 =	sshrl.u32 s4, $0x3;
	[dreg:$0x5] =	wrdreg s0  }
0x17: {  	s4 =	simm.s32 $0x8;
	s0 =	simm.s32 $0x7;
	[dreg:$0x7] =	wrdreg s11  }
.LBB2_1:
0x18: {  	s5 =	rddreg [dreg:$0x3]  }
0x19: {  	[spmem:s11], [sflag:s10] =	dma.local [hbm:s5], $0x2800  }
0x1a: {  	s10 =	simm.s32 $0xD  }
0x1b: {  	_ =	swait.ge [sflag:s10], $0x2800  }
0x1c: {  	[sflag:s10] =	ssyncset.done $0x0  }
0x1d: {  	[sflag:s10] =	ssyncadd.s32 $0xFFFFD800  }
0x1e: {  	[bflag:$0x0] =	sbarrier.arrive $0xFFFF  }
0x1f: {  	[tilespmem:s3], [sflag:$0x1] =	stream.linear.gather [hbm4b:s6+s3], $0x100, $0x38;
	[tilespmem:$0x1E400] =	vst v63  }
0x20: {  	s11 =	rddreg [dreg:$0x8]  }
0x21: {  	[tilespmem:s13], [sflag:$0x2] =	stream.linear.gather [hbm4b:s11+s3], $0x100, $0x38;
	[tilespmem:$0x1E400] =	vst v63  }
0x22: {  	s10 =	rddreg [dreg:$0x9]  }
0x23: {  	[tilespmem:s15], [sflag:$0x3] =	stream.linear.gather [hbm4b:s10+s3], $0x100, $0x38;
	[tilespmem:$0x1E400] =	vst v63  }
0x24: {  	s11 =	rddreg [dreg:$0xa]  }
0x25: {  	[tilespmem:s17], [sflag:$0x4] =	stream.linear.gather [hbm4b:s11+s3], $0x100, $0x38;
	[tilespmem:$0x1E400] =	vst v63  }
0x26: {  	_ =	swait.ge [sflag:s18], $0x100  }
0x27: {  	[sflag:s18] =	ssyncset.done $0x0  }
0x28: {  	[sflag:s18] =	ssyncadd.s32 $0xFFFFFF00  }
0x29: {  	[tilespmem:s20], [sflag:$0x5] =	stream.indirect.gather [hbm4b:s7+s19], $0x80, s3, s19, $0xb8;
	[tilespmem:$0x1E400] =	vst v63  }
0x2a: {  	_ =	swait.ge [sflag:s21], $0x100  }
0x2b: {  	[sflag:s21] =	ssyncset.done $0x0  }
0x2c: {  	[sflag:s21] =	ssyncadd.s32 $0xFFFFFF00  }
0x2d: {  	[tilespmem:s22], [sflag:$0x6] =	stream.indirect.gather [hbm4b:s7+s19], $0x80, s13, s19, $0xb8;
	[tilespmem:$0x1E400] =	vst v63  }
0x2e: {  	_ =	swait.ge [sflag:s23], $0x100  }
0x2f: {  	[sflag:s23] =	ssyncset.done $0x0  }
0x30: {  	[sflag:s23] =	ssyncadd.s32 $0xFFFFFF00  }
0x31: {  	[tilespmem:s24], [sflag:$0x7] =	stream.indirect.gather [hbm4b:s7+s19], $0x80, s15, s19, $0xb8;
	[tilespmem:$0x1E400] =	vst v63  }
0x32: {  	_ =	swait.ge [sflag:s25], $0x100  }
0x33: {  	[sflag:s25] =	ssyncset.done $0x0  }
0x34: {  	[sflag:s25] =	ssyncadd.s32 $0xFFFFFF00  }
0x35: {  	[tilespmem:s26], [sflag:$0x8] =	stream.indirect.gather [hbm4b:s7+s19], $0x80, s17, s19, $0xb8;
	[tilespmem:$0x1E400] =	vst v63  }
0x36: {  	_ =	swait.ge [sflag:s28], $0x2800  }
0x37: {  	[sflag:s28] =	ssyncset.done $0x0  }
0x38: {  	[sflag:s28] =	ssyncadd.s32 $0xFFFFD800  }
0x39: {  	[spmem:s2] =	stream.indirect.scatter.add.f32 [tilespmem:s20], [sflag:$0x9], $0x80, s29, s19, $0xb8;
	[tilespmem:$0x1E400] =	vst v63  }
0x3a: {  	_ =	swait.ge [sflag:s30], $0x2800  }
0x3b: {  	[sflag:s30] =	ssyncset.done $0x0  }
0x3c: {  	[sflag:s30] =	ssyncadd.s32 $0xFFFFD800  }
0x3d: {  	[spmem:s2] =	stream.indirect.scatter.add.f32 [tilespmem:s22], [sflag:$0xA], $0x80, s31, s19, $0xb8;
	[tilespmem:$0x1E400] =	vst v63  }
0x3e: {  	_ =	swait.ge [sflag:s0], $0x2800  }
0x3f: {  	[sflag:s0] =	ssyncset.done $0x0  }
0x40: {  	[sflag:s0] =	ssyncadd.s32 $0xFFFFD800  }
0x41: {  	[spmem:s2] =	stream.indirect.scatter.add.f32 [tilespmem:s24], [sflag:$0xB], $0x80, s1, s19, $0xb8;
	[tilespmem:$0x1E400] =	vst v63  }
0x42: {  	_ =	swait.ge [sflag:s4], $0x2800  }
0x43: {  	[sflag:s4] =	ssyncset.done $0x0  }
0x44: {  	[sflag:s4] =	ssyncadd.s32 $0xFFFFD800  }
0x45: {  	[spmem:s2] =	stream.indirect.scatter.add.f32 [tilespmem:s26], [sflag:$0xC], $0x80, s8, s19, $0xb8;
	[tilespmem:$0x1E400] =	vst v63  }
0x46: {  	_ =	swait.ge [sflag:s9], $0x2800  }
0x47: {  	s10 =	sadd.s32 $0xFFFFE180, s6;
	[sflag:s9] =	ssyncset.done $0x0  }
0x48: {  	s5 =	sadd.s32 $0x1F00, s10;
	[sflag:s9] =	ssyncadd.s32 $0xFFFFD800  }
0x49: {  	[tilespmem:s3], [sflag:$0x1] =	stream.linear.gather [hbm4b:s5+s3], $0x100, $0x38;
	[tilespmem:$0x1E400] =	vst v63  }
0x4a: {  	_ =	swait.ge [sflag:s18], $0x100  }
0x4b: {  	[sflag:s18] =	ssyncset.done $0x0  }
0x4c: {  	[sflag:s18] =	ssyncadd.s32 $0xFFFFFF00  }
0x4d: {  	[tilespmem:s20], [sflag:$0x5] =	stream.indirect.gather [hbm4b:s7+s19], $0x80, s3, s19, $0xb8;
	[tilespmem:$0x1E400] =	vst v63  }
0x4e: {  	_ =	swait.ge [sflag:s12], $0x2800  }
0x4f: {  	[sflag:s12] =	ssyncset.done $0x0  }
0x50: {  	s5 =	sadd.s32 $0x1F20, s10;
	[sflag:s12] =	ssyncadd.s32 $0xFFFFD800  }
0x51: {  	[tilespmem:s13], [sflag:$0x2] =	stream.linear.gather [hbm4b:s5+s3], $0x100, $0x38;
	[tilespmem:$0x1E400] =	vst v63  }
0x52: {  	_ =	swait.ge [sflag:s21], $0x100  }
0x53: {  	[sflag:s21] =	ssyncset.done $0x0  }
0x54: {  	[sflag:s21] =	ssyncadd.s32 $0xFFFFFF00  }
0x55: {  	[tilespmem:s22], [sflag:$0x6] =	stream.indirect.gather [hbm4b:s7+s19], $0x80, s13, s19, $0xb8;
	[tilespmem:$0x1E400] =	vst v63  }
0x56: {  	_ =	swait.ge [sflag:s14], $0x2800  }
0x57: {  	[sflag:s14] =	ssyncset.done $0x0  }
0x58: {  	s5 =	sadd.s32 $0x1F40, s10;
	[sflag:s14] =	ssyncadd.s32 $0xFFFFD800  }
0x59: {  	[tilespmem:s15], [sflag:$0x3] =	stream.linear.gather [hbm4b:s5+s3], $0x100, $0x38;
	[tilespmem:$0x1E400] =	vst v63  }
0x5a: {  	_ =	swait.ge [sflag:s23], $0x100  }
0x5b: {  	[sflag:s23] =	ssyncset.done $0x0  }
0x5c: {  	[sflag:s23] =	ssyncadd.s32 $0xFFFFFF00  }
0x5d: {  	[tilespmem:s24], [sflag:$0x7] =	stream.indirect.gather [hbm4b:s7+s19], $0x80, s15, s19, $0xb8;
	[tilespmem:$0x1E400] =	vst v63  }
0x5e: {  	_ =	swait.ge [sflag:s16], $0x2800  }
0x5f: {  	[sflag:s16] =	ssyncset.done $0x0  }
0x60: {  	s10 =	sadd.s32 $0x1F60, s10;
	[sflag:s16] =	ssyncadd.s32 $0xFFFFD800  }
0x61: {  	[tilespmem:s17], [sflag:$0x4] =	stream.linear.gather [hbm4b:s10+s3], $0x100, $0x38;
	[tilespmem:$0x1E400] =	vst v63  }
0x62: {  	_ =	swait.ge [sflag:s25], $0x100  }
0x63: {  	[sflag:s25] =	ssyncset.done $0x0  }
0x64: {  	s10 =	simm.s32 $0xFFFFE200;
	[sflag:s25] =	ssyncadd.s32 $0xFFFFFF00  }
.LBB2_2:
0x65: {  	[tilespmem:s26], [sflag:$0x8] =	stream.indirect.gather [hbm4b:s7+s19], $0x80, s17, s19, $0xb8;
	[tilespmem:$0x1E400] =	vst v63  }
0x66: {  	s11 =	smov.u32 s10  }
0x67: {  	p0 =	sne.s32 s10, $0xFFFFFF80;
	s10 =	sadd.s32 $0x80, s10;
	_ =	swait.ge [sflag:s28], $0x2800  }
0x68: {  	[sflag:s28] =	ssyncset.done $0x0  }
0x69: {  	[sflag:s28] =	ssyncadd.s32 $0xFFFFD800  }
0x6a: {  	[spmem:s2] =	stream.indirect.scatter.add.f32 [tilespmem:s20], [sflag:$0x9], $0x80, s29, s19, $0xb8;
	[tilespmem:$0x1E400] =	vst v63  }
0x6b: {  	_ =	swait.ge [sflag:s30], $0x2800  }
0x6c: {  	[sflag:s30] =	ssyncset.done $0x0  }
0x6d: {  	[sflag:s30] =	ssyncadd.s32 $0xFFFFD800  }
0x6e: {  	[spmem:s2] =	stream.indirect.scatter.add.f32 [tilespmem:s22], [sflag:$0xA], $0x80, s31, s19, $0xb8;
	[tilespmem:$0x1E400] =	vst v63  }
0x6f: {  	_ =	swait.ge [sflag:s0], $0x2800  }
0x70: {  	[sflag:s0] =	ssyncset.done $0x0  }
0x71: {  	[sflag:s0] =	ssyncadd.s32 $0xFFFFD800  }
0x72: {  	[spmem:s2] =	stream.indirect.scatter.add.f32 [tilespmem:s24], [sflag:$0xB], $0x80, s1, s19, $0xb8;
	[tilespmem:$0x1E400] =	vst v63  }
0x73: {  	_ =	swait.ge [sflag:s4], $0x2800  }
0x74: {  	[sflag:s4] =	ssyncset.done $0x0  }
0x75: {  	[sflag:s4] =	ssyncadd.s32 $0xFFFFD800  }
0x76: {  	[spmem:s2] =	stream.indirect.scatter.add.f32 [tilespmem:s26], [sflag:$0xC], $0x80, s8, s19, $0xb8;
	[tilespmem:$0x1E400] =	vst v63  }
0x77: {  	_ =	swait.ge [sflag:s9], $0x2800  }
0x78: {  	s11 =	sadd.s32 s11, s6;
	[sflag:s9] =	ssyncset.done $0x0  }
0x79: {  	s5 =	sadd.s32 $0x1F00, s11;
	[sflag:s9] =	ssyncadd.s32 $0xFFFFD800  }
0x7a: {  	[tilespmem:s3], [sflag:$0x1] =	stream.linear.gather [hbm4b:s5+s3], $0x100, $0x38;
	[tilespmem:$0x1E400] =	vst v63  }
0x7b: {  	_ =	swait.ge [sflag:s18], $0x100  }
0x7c: {  	[sflag:s18] =	ssyncset.done $0x0  }
0x7d: {  	[sflag:s18] =	ssyncadd.s32 $0xFFFFFF00  }
0x7e: {  	[tilespmem:s20], [sflag:$0x5] =	stream.indirect.gather [hbm4b:s7+s19], $0x80, s3, s19, $0xb8;
	[tilespmem:$0x1E400] =	vst v63  }
0x7f: {  	_ =	swait.ge [sflag:s12], $0x2800  }
0x80: {  	[sflag:s12] =	ssyncset.done $0x0  }
0x81: {  	s5 =	sadd.s32 $0x1F20, s11;
	[sflag:s12] =	ssyncadd.s32 $0xFFFFD800  }
0x82: {  	[tilespmem:s13], [sflag:$0x2] =	stream.linear.gather [hbm4b:s5+s3], $0x100, $0x38;
	[tilespmem:$0x1E400] =	vst v63  }
0x83: {  	_ =	swait.ge [sflag:s21], $0x100  }
0x84: {  	[sflag:s21] =	ssyncset.done $0x0  }
0x85: {  	[sflag:s21] =	ssyncadd.s32 $0xFFFFFF00  }
0x86: {  	[tilespmem:s22], [sflag:$0x6] =	stream.indirect.gather [hbm4b:s7+s19], $0x80, s13, s19, $0xb8;
	[tilespmem:$0x1E400] =	vst v63  }
0x87: {  	_ =	swait.ge [sflag:s14], $0x2800  }
0x88: {  	[sflag:s14] =	ssyncset.done $0x0  }
0x89: {  	s5 =	sadd.s32 $0x1F40, s11;
	[sflag:s14] =	ssyncadd.s32 $0xFFFFD800  }
0x8a: {  	[tilespmem:s15], [sflag:$0x3] =	stream.linear.gather [hbm4b:s5+s3], $0x100, $0x38;
	[tilespmem:$0x1E400] =	vst v63  }
0x8b: {  	_ =	swait.ge [sflag:s23], $0x100  }
0x8c: {  	[sflag:s23] =	ssyncset.done $0x0  }
0x8d: {  	[sflag:s23] =	ssyncadd.s32 $0xFFFFFF00  }
0x8e: {  	[tilespmem:s24], [sflag:$0x7] =	stream.indirect.gather [hbm4b:s7+s19], $0x80, s15, s19, $0xb8;
	[tilespmem:$0x1E400] =	vst v63  }
0x8f: {  	_ =	swait.ge [sflag:s16], $0x2800  }
0x90: {  	[sflag:s16] =	ssyncset.done $0x0  }
.Ltmp0:
0x91: {  	s5 =	sadd.s32 $0x1F60, s11;
	[sflag:s16] =	ssyncadd.s32 $0xFFFFD800;
	(pc) =	sbr.rel @p0 .LBB2_2-.Ltmp0, $4  }
0x92: {  	[tilespmem:s17], [sflag:$0x4] =	stream.linear.gather [hbm4b:s5+s3], $0x100, $0x38;
	[tilespmem:$0x1E400] =	vst v63  }
0x93: {  	_ =	swait.ge [sflag:s25], $0x100  }
0x94: {  	[sflag:s25] =	ssyncset.done $0x0  }
0x95: {  	[sflag:s25] =	ssyncadd.s32 $0xFFFFFF00  }
0x96: {  	[tilespmem:s26], [sflag:$0x8] =	stream.indirect.gather [hbm4b:s7+s19], $0x80, s17, s19, $0xb8;
	[tilespmem:$0x1E400] =	vst v63  }
0x97: {  	_ =	swait.ge [sflag:s28], $0x2800  }
0x98: {  	[sflag:s28] =	ssyncset.done $0x0  }
0x99: {  	[sflag:s28] =	ssyncadd.s32 $0xFFFFD800  }
0x9a: {  	[spmem:s2] =	stream.indirect.scatter.add.f32 [tilespmem:s20], [sflag:$0x9], $0x80, s29, s19, $0xb8;
	[tilespmem:$0x1E400] =	vst v63  }
0x9b: {  	_ =	swait.ge [sflag:s30], $0x2800  }
0x9c: {  	[sflag:s30] =	ssyncset.done $0x0  }
0x9d: {  	[sflag:s30] =	ssyncadd.s32 $0xFFFFD800  }
0x9e: {  	[spmem:s2] =	stream.indirect.scatter.add.f32 [tilespmem:s22], [sflag:$0xA], $0x80, s31, s19, $0xb8;
	[tilespmem:$0x1E400] =	vst v63  }
0x9f: {  	_ =	swait.ge [sflag:s0], $0x2800  }
0xa0: {  	[sflag:s0] =	ssyncset.done $0x0  }
0xa1: {  	[sflag:s0] =	ssyncadd.s32 $0xFFFFD800  }
0xa2: {  	[spmem:s2] =	stream.indirect.scatter.add.f32 [tilespmem:s24], [sflag:$0xB], $0x80, s1, s19, $0xb8;
	[tilespmem:$0x1E400] =	vst v63  }
0xa3: {  	_ =	swait.ge [sflag:s4], $0x2800  }
0xa4: {  	[sflag:s4] =	ssyncset.done $0x0  }
0xa5: {  	[sflag:s4] =	ssyncadd.s32 $0xFFFFD800  }
0xa6: {  	[spmem:s2] =	stream.indirect.scatter.add.f32 [tilespmem:s26], [sflag:$0xC], $0x80, s8, s19, $0xb8;
	[tilespmem:$0x1E400] =	vst v63  }
0xa7: {  	_ =	swait.ge [sflag:s9], $0x2800  }
0xa8: {  	[sflag:s9] =	ssyncset.done $0x0  }
0xa9: {  	s5 =	sadd.s32 $0x1F00, s6;
	[sflag:s9] =	ssyncadd.s32 $0xFFFFD800  }
0xaa: {  	[tilespmem:s3], [sflag:$0x1] =	stream.linear.gather [hbm4b:s5+s3], $0x100, $0x38;
	[tilespmem:$0x1E400] =	vst v63  }
0xab: {  	_ =	swait.ge [sflag:s18], $0x100  }
0xac: {  	[sflag:s18] =	ssyncset.done $0x0  }
0xad: {  	[sflag:s18] =	ssyncadd.s32 $0xFFFFFF00  }
0xae: {  	[tilespmem:s20], [sflag:$0x5] =	stream.indirect.gather [hbm4b:s7+s19], $0x80, s3, s19, $0xb8;
	[tilespmem:$0x1E400] =	vst v63  }
0xaf: {  	_ =	swait.ge [sflag:s12], $0x2800  }
0xb0: {  	[sflag:s12] =	ssyncset.done $0x0  }
0xb1: {  	s11 =	sadd.s32 $0x1F20, s6;
	[sflag:s12] =	ssyncadd.s32 $0xFFFFD800  }
0xb2: {  	[tilespmem:s13], [sflag:$0x2] =	stream.linear.gather [hbm4b:s11+s3], $0x100, $0x38;
	[tilespmem:$0x1E400] =	vst v63  }
0xb3: {  	_ =	swait.ge [sflag:s21], $0x100  }
0xb4: {  	[sflag:s21] =	ssyncset.done $0x0  }
0xb5: {  	[sflag:s21] =	ssyncadd.s32 $0xFFFFFF00  }
0xb6: {  	[tilespmem:s22], [sflag:$0x6] =	stream.indirect.gather [hbm4b:s7+s19], $0x80, s13, s19, $0xb8;
	[tilespmem:$0x1E400] =	vst v63  }
0xb7: {  	_ =	swait.ge [sflag:s14], $0x2800  }
0xb8: {  	[sflag:s14] =	ssyncset.done $0x0  }
0xb9: {  	[sflag:s14] =	ssyncadd.s32 $0xFFFFD800  }
0xba: {  	_ =	swait.ge [sflag:s16], $0x2800  }
0xbb: {  	[sflag:s16] =	ssyncset.done $0x0  }
0xbc: {  	[sflag:s16] =	ssyncadd.s32 $0xFFFFD800  }
0xbd: {  	_ =	swait.ge [sflag:s28], $0x2800  }
0xbe: {  	[sflag:s28] =	ssyncset.done $0x0  }
0xbf: {  	[sflag:s28] =	ssyncadd.s32 $0xFFFFD800  }
0xc0: {  	[spmem:s2] =	stream.indirect.scatter.add.f32 [tilespmem:s20], [sflag:$0x9], $0x80, s29, s19, $0xb8;
	[tilespmem:$0x1E400] =	vst v63  }
0xc1: {  	_ =	swait.ge [sflag:s30], $0x2800  }
0xc2: {  	[sflag:s30] =	ssyncset.done $0x0  }
0xc3: {  	[sflag:s30] =	ssyncadd.s32 $0xFFFFD800  }
0xc4: {  	[spmem:s2] =	stream.indirect.scatter.add.f32 [tilespmem:s22], [sflag:$0xA], $0x80, s31, s19, $0xb8;
	[tilespmem:$0x1E400] =	vst v63  }
0xc5: {  	_ =	swait.ge [sflag:s9], $0x2800  }
0xc6: {  	[sflag:s9] =	ssyncset.done $0x0  }
0xc7: {  	[sflag:s9] =	ssyncadd.s32 $0xFFFFD800  }
0xc8: {  	_ =	swait.ge [sflag:s12], $0x2800  }
0xc9: {  	[sflag:s12] =	ssyncset.done $0x0  }
0xca: {  	[sflag:s12] =	ssyncadd.s32 $0xFFFFD800  }
0xcb: {  	[bflag:$0x0] =	sbarrier.arrive $0xFFFF  }
0xcc: {  	s10 =	rddreg [dreg:$0x4]  }
0xcd: {  	s5 =	rddreg [dreg:$0x5]  }
0xce: {  	s11 =	rddreg [dreg:$0x7]  }
0xcf: {  	[hbm:s5], [sflag:s10] =	dma.local [spmem:s11], $0x2800  }
0xd0: {  	s5 =	simm.s32 $0xD  }
0xd1: {  	_ =	swait.ge [sflag:s5], $0x2800  }
0xd2: {  	s10 =	rddreg [dreg:$0xb]  }
0xd3: {  	[sflag:s5] =	ssyncset.done $0x0;
	s5 =	rddreg [dreg:$0x6];
	s10 =	sadd.s32 $0x1, s10  }
0xd4: {  	p0 =	sne.s32 s10, s5  }
.Ltmp1:
0xd5: {  	_ = 	snop;
	(pc) =	sbr.rel @p0 .LBB2_1-.Ltmp1, $3  }
0xd6: {  	_ =	sdelay $0x1  }
0xd7: {  	[dreg:$0xb] =	wrdreg s10;
	s5 =	simm.s32 $0xD  }
0xd8: {  	s10 =	rddreg [dreg:$0x4];
	[sflag:s5] =	ssyncadd.s32 $0xFFFFD800  }
0xd9: {  	_ =	sfence.sel $0x180000  }
0xda: {  	[bflag:$0x0] =	sbarrier.arrive $0xFFFF  }
0xdb: {  	_ =	strace $0x9000004D  }
0xdc: {  	s0 =	stileid.u32;
	[bflag:$0x2] =	sbarrier.arrive $0xFFFF  }
0xdd: {  	p0 =	sne.s32 s0, $0x0;
	s0 =	rddreg [dreg:$0x2]  }
0xde: {  	s0 =	sadd.s32 @!p0 $0x100000, s0  }
0xdf: {  	[sflag:s0] =	ssyncadd.tile.s32 @!p0 $0x1;
	_ =	shalt  }
.Lfunc_end2:
_tile_overlayer_lowered:
.L_overlay_start_2:
0xe0: {  	(tag) =	ssettag $0x2  }
0xe1: {  	s0 =	rddreg [dreg:$0x0];
	s2 =	stileid.u32  }
0xe2: {  	s1 =	rddreg [dreg:$0x1];
	p0 =	sne.s32 s2, $0x0  }
0xe3: {  	s3 =	rddreg [dreg:$0x2];
	[bflag:$0x3] =	sbarrier.arrive $0xFFFF;
	s2 =	simm.s32 @!p0 $0x1C0D  }
0xe4: {  	[timem:s3], [sflag:s2] =	dma.local @!p0 [hbm:s0], s1  }
0xe5: {  	s0 =	simm.s32 @!p0 $0xD  }
0xe6: {  	_ =	swait.ge @!p0 [sflag:s0], s1  }
0xe7: {  	s1 =	ssub.s32 @!p0 $0x0, s1;
	[sflag:s0] =	ssyncset.done @!p0 $0x0  }
0xe8: {  	[sflag:s0] =	ssyncadd.s32 @!p0 s1  }
0xe9: {  	[bflag:$0x3] =	sbarrier.arrive $0xFFFF  }
0xea: {  	_ =	shalt  }

// kernel: kernel.9.cloned.1.call-start
scs
__scs_entry_jumppad:
0x0: {  	(pc) =	sbr.rel $0x88, $3  }
0x1: {  	(tag) =	ssettag $0x0;
	lr =	simm.s32 $0x1  }
0x2: {  	[smem:$0x3F88] =	sst lr;
	_ =	strace $0xD0000000  }
0x3: {  	_ = 	snop  }
0x4: {  	_ = 	snop  }
0x5: {  	_ = 	snop  }
0x6: {  	_ = 	snop  }
0x7: {  	_ = 	snop  }
__scs_overlays_trampoline_lowered:
0x8: {  	[smem:$0x3F97] =	sst s0  }
0x9: {  	[smem:$0x3F98] =	sst s1  }
0xa: {  	[smem:$0x3F99] =	sst s2  }
0xb: {  	[smem:$0x3F9A] =	sst s3  }
0xc: {  	[smem:$0x3F9B] =	sst s4  }
0xd: {  	[smem:$0x3F9C] =	sst s5  }
0xe: {  	[smem:$0x3F9D] =	sst s6  }
0xf: {  	[smem:$0x3F9E] =	sst s7  }
0x10: {  	[smem:$0x3F9F] =	sst s8  }
0x11: {  	[smem:$0x3FA0] =	sst s9;
	s0 =	simm.s32 @!p0 $0x0  }
0x12: {  	s1 =	sld [smem:$0x3F86];
	s0 =	simm.s32 @p0 $0x1  }
0x13: {  	[smem:$0x3FA1] =	sst s0;
	s0 =	simm.s32 @!p1 $0x0  }
0x14: {  	s2 =	sld [smem:$0x3F85];
	s0 =	simm.s32 @p1 $0x1  }
0x15: {  	[smem:$0x3FA2] =	sst s0;
	s0 =	simm.s32 @!p2 $0x0  }
0x16: {  	s3 =	sld [smem:$0x3FDB];
	s0 =	simm.s32 @p2 $0x1  }
0x17: {  	s4 =	simm.s32 $0x1BF5;
	[smem:$0x3FA4] =	sst s0  }
0x18: {  	s0 =	sld [smem:$0x3F87];
	_ =	swait.ge [sflag:s4], $0x0  }
0x19: {  	s7 =	sld [smem:$0x3F88]  }
0x1a: {  	s8 =	sadd.s32 $0xFFFFE003, lr  }
0x1b: {  	s9 =	sadd.s32 $0xFFFFFEF7, lr;
	s5 =	simm.s32 $0xFFFFFFFF;
	p2 =	slt.u32 s8, $0xFFFFF086  }
0x1c: {  	p1 =	slt.u32 s9, $0xF7A;
	s5 =	simm.s32 @!p2 $0x0  }
0x1d: {  	s5 =	simm.s32 @p1 $0x1;
	p0 =	seq.s32 s7, s2  }
0x1e: {  	s7 =	smul.u32 @!p0 $0xF7A, s2;
	p2 =	seq.s32 @!p0 s5, $0x0  }
0x1f: {  	s9 =	smul.u32 $0xF7A, s1;
	s8 =	simm.s32 @!p0 $0x1BF5;
	p2 =	por !p2, p0  }
0x20: {  	[sflag:s8] =	ssyncset.s32 @!p0 $0xFFFFF086;
	s6 =	sadd.s32 @!p0 s3, s7;
	s7 =	simm.s32 @!p0 $0x108  }
0x21: {  	s3 =	sadd.s32 s3, s9;
	s6 =	sadd.s32 @!p0 $0x88, s6;
	s7 =	simm.s32 @p2 $0x1082  }
0x22: {  	[simem:s7], [sflag:s8] =	dma.local @!p0 [hbm:s6], $0xF7A  }
0x23: {  	s9 =	sor.u32 $0xD0000000, s2;
	s6 =	simm.s32 $0x108;
	_ =	swait.ge @!p0 [sflag:s8], $0x0  }
0x24: {  	s3 =	sadd.s32 $0x88, s3;
	s6 =	simm.s32 @!p1 $0x1082;
	[sflag:s4] =	ssyncset.s32 $0xFFFFF086  }
0x25: {  	[simem:s6], [sflag:s4] =	dma.local [hbm:s3], $0xF7A  }
0x26: {  	[smem:$0x3F88] =	sst s1;
	(tag) =	ssettag s2;
	_ =	strace s9  }
0x27: {  	s1 =	sld [smem:$0x3F98]  }
0x28: {  	s2 =	sld [smem:$0x3F99]  }
0x29: {  	s4 =	sld [smem:$0x3F9B]  }
0x2a: {  	p0 =	seq.s32 s5, $0x0;
	s5 =	sld [smem:$0x3F9C]  }
0x2b: {  	s6 =	sld [smem:$0x3F9D]  }
0x2c: {  	s7 =	sld [smem:$0x3F9E]  }
0x2d: {  	s3 =	simm.s32 $0x108;
	s8 =	sld [smem:$0x3F9F]  }
0x2e: {  	s3 =	simm.s32 @!p0 $0x1082;
	s9 =	sld [smem:$0x3FA0]  }
0x2f: {  	lr =	sadd.s32 s0, s3;
	s0 =	sld [smem:$0x3F97]  }
0x30: {  	s3 =	sld [smem:$0x3F9A]  }
0x31: {  	[smem:$0x3FA3] =	sst s10  }
0x32: {  	s10 =	sld [smem:$0x3FA1];
	_ =	sdelay $0x3  }
0x33: {  	p0 =	seq.s32 s10, $0x1;
	s10 =	sld [smem:$0x3FA3];
	_ =	sdelay $0x3  }
0x34: {  	[smem:$0x3FA3] =	sst s10  }
0x35: {  	s10 =	sld [smem:$0x3FA2];
	_ =	sdelay $0x3  }
0x36: {  	p1 =	seq.s32 s10, $0x1;
	s10 =	sld [smem:$0x3FA3];
	_ =	sdelay $0x3  }
0x37: {  	[smem:$0x3FA3] =	sst s10  }
0x38: {  	s10 =	sld [smem:$0x3FA4]  }
0x39: {  	_ = 	snop;
	(pc) =	sbr.ind lr, $3  }
0x3a: {  	_ = 	snop  }
0x3b: {  	_ = 	snop  }
0x3c: {  	p2 =	seq.s32 s10, $0x1;
	s10 =	sld [smem:$0x3FA3]  }
0x3d: {  	_ =	shalt  }
0x3e: {  	_ =	shalt  }
0x3f: {  	_ =	shalt  }
0x40: {  	_ =	shalt  }
0x41: {  	_ =	shalt  }
0x42: {  	_ =	shalt  }
0x43: {  	_ =	shalt  }
0x44: {  	_ =	shalt  }
0x45: {  	_ =	shalt  }
0x46: {  	_ =	shalt  }
0x47: {  	_ =	shalt  }
0x48: {  	_ =	shalt  }
0x49: {  	_ =	shalt  }
0x4a: {  	_ =	shalt  }
0x4b: {  	_ =	shalt  }
0x4c: {  	_ =	shalt  }
0x4d: {  	_ =	shalt  }
0x4e: {  	_ =	shalt  }
0x4f: {  	_ =	shalt  }
0x50: {  	_ =	shalt  }
0x51: {  	_ =	shalt  }
0x52: {  	_ =	shalt  }
0x53: {  	_ =	shalt  }
0x54: {  	_ =	shalt  }
0x55: {  	_ =	shalt  }
0x56: {  	_ =	shalt  }
0x57: {  	_ =	shalt  }
0x58: {  	_ =	shalt  }
0x59: {  	_ =	shalt  }
0x5a: {  	_ =	shalt  }
0x5b: {  	_ =	shalt  }
0x5c: {  	_ =	shalt  }
0x5d: {  	_ =	shalt  }
0x5e: {  	_ =	shalt  }
0x5f: {  	_ =	shalt  }
0x60: {  	_ =	shalt  }
0x61: {  	_ =	shalt  }
0x62: {  	_ =	shalt  }
0x63: {  	_ =	shalt  }
0x64: {  	_ =	shalt  }
0x65: {  	_ =	shalt  }
0x66: {  	_ =	shalt  }
0x67: {  	_ =	shalt  }
0x68: {  	_ =	shalt  }
0x69: {  	_ =	shalt  }
0x6a: {  	_ =	shalt  }
0x6b: {  	_ =	shalt  }
0x6c: {  	_ =	shalt  }
0x6d: {  	_ =	shalt  }
0x6e: {  	_ =	shalt  }
0x6f: {  	_ =	shalt  }
0x70: {  	_ =	shalt  }
0x71: {  	_ =	shalt  }
0x72: {  	_ =	shalt  }
0x73: {  	_ =	shalt  }
0x74: {  	_ =	shalt  }
0x75: {  	_ =	shalt  }
0x76: {  	_ =	shalt  }
0x77: {  	_ =	shalt  }
0x78: {  	_ =	shalt  }
0x79: {  	_ =	shalt  }
0x7a: {  	_ =	shalt  }
0x7b: {  	_ =	shalt  }
0x7c: {  	_ =	shalt  }
0x7d: {  	_ =	shalt  }
0x7e: {  	_ =	shalt  }
0x7f: {  	_ =	shalt  }
0x80: {  	_ =	shalt  }
0x81: {  	_ =	shalt  }
0x82: {  	_ =	shalt  }
0x83: {  	_ =	shalt  }
0x84: {  	_ =	shalt  }
0x85: {  	_ =	shalt  }
0x86: {  	_ =	shalt  }
0x87: {  	_ =	shalt  }
.Lfunc_end0:
.L_simem_size_0:
called_computation_lowered:
.L_overlay_start_0:
0x88: {  	s2 =	sld [smem:$0x3FD9]  }
0x89: {  	s3 =	sld [smem:$0x3FFE];
	_ =	sdelay $0x1  }
0x8a: {  	s1 =	srdreg.scid  }
0x8b: {  	s0 =	sand.u32 $0x1, s1  }
0x8c: {  	s17 =	sshll.u32 s0, $0xA;
	s2 =	sadd.s32 s3, s2  }
0x8d: {  	s2 =	sadd.s32 s2, s17  }
0x8e: {  	[smem:$0x3FAF] =	sst s2  }
0x8f: {  	_ = 	snop  }
0x90: {  	s2 =	sld [smem:$0x3FC9];
	(tm) =	ssettm $0x1  }
0x91: {  	s18 =	sld [smem:$0x3FFB];
	_ =	sdelay $0x3  }
0x92: {  	_ =	strace s18  }
0x93: {  	s3 =	sld [smem:$0x3FFC];
	_ =	sdelay $0x3  }
0x94: {  	_ =	strace s3  }
0x95: {  	s3 =	sld [smem:$0x3FFD];
	_ =	sdelay $0x3  }
0x96: {  	_ =	strace s3  }
0x97: {  	_ =	strace $0x8FFFFFFF  }
0x98: {  	s19 =	sld [smem:$0x3FDB];
	_ =	sdelay $0x1  }
0x99: {  	s4 =	simm.s32 $_scs_section_size  }
0x9a: {  	s5 =	simm.s32 $_size__tile_overlayer_lowered;
	s6 =	simm.s32 $_tile_overlayer_lowered  }
0x9b: {  	s22 =	simm.s32 $0x1BFF;
	s21 =	sshll.u32 s6, $0x1;
	s3 =	sadd.s32 s4, s19  }
0x9c: {  	s7 =	simm.s32 $0x0;
	s20 =	sshll.u32 s5, $0x1;
	s5 =	sadd.s32 s21, s3  }
0x9d: {  	[timem:s7], [sflag:s22] =	dma.local [hbm:s5], s20  }
0x9e: {  	_ =	swait.ge [sflag:s22], s20  }
0x9f: {  	s4 =	ssub.s32 $0x0, s20;
	[sflag:s22] =	ssyncset.done $0x0  }
0xa0: {  	[sflag:s22] =	ssyncadd.s32 s4;
	_ =	sdelay $0x1  }
0xa1: {  	s23 =	simm.s32 $0x1B8B  }
0xa2: {  	_ =	swait.ge [sflag:s23], $0x1  }
0xa3: {  	[sflag:s23] =	ssyncset.done $0x0  }
0xa4: {  	s25 =	simm.s32 $0x1B8E;
	s24 =	sld [smem:$0x3FFE];
	[sflag:s23] =	ssyncadd.s32 $0xFFFFFFFF  }
0xa5: {  	s26 =	simm.s32 $execute0_lowered;
	[smem:$0x3FD2] =	sst s25  }
0xa6: {  	s5 =	sshll.u32 s26, $0x1;
	_ =	strace $0x80000046;
	[dreg:$0x1] =	wrdreg $0xFFFFFFFF  }
0xa7: {  	s28 =	simm.s32 $_size_execute0_lowered;
	s3 =	sadd.s32 s3, s5;
	[dreg:$0x0] =	wrdreg $0x0  }
0xa8: {  	s5 =	sshll.u32 s28, $0x1;
	[dreg:$0x2] =	wrdreg s3  }
0xa9: {  	[dreg:$0x3] =	wrdreg s5  }
0xaa: {  	[dreg:$0x4] =	wrdreg $0xC0  }
0xab: {  	_ =	task [dreg:s7], $0x5FFFF  }
0xac: {  	[dreg:$0x1] =	wrdreg $0xFFFFFFFF  }
0xad: {  	[dreg:$0x0] =	wrdreg $0x60  }
0xae: {  	[dreg:$0x2] =	wrdreg s2  }
0xaf: {  	[dreg:$0x3] =	wrdreg s24  }
0xb0: {  	[dreg:$0x4] =	wrdreg $0xA4000  }
0xb1: {  	[dreg:$0x5] =	wrdreg $0x9  }
0xb2: {  	_ =	task.clear_ibuf [dreg:s7], $0x6FFFF;
	_ =	strace $0x90000046  }
0xb3: {  	s29 =	simm.s32 $0x9;
	_ =	strace $0x80000048  }
0xb4: {  	_ =	swait.ge [sflag:s29], $0x1  }
0xb5: {  	[sflag:s29] =	ssyncadd.s32 $0xFFFFFFFF  }
0xb6: {  	_ =	strace $0x90000048  }
0xb7: {  	_ =	sfence  }
0xb8: {  	s30 =	sld [smem:$0x0];
	_ =	sdelay $0x2  }
0xb9: {  	s31 =	sshll.u32 s1, $0xD;
	s1 =	sshrl.u32 s1, $0x2  }
0xba: {  	s3 =	sand.u32 $0x4000, s31;
	s1 =	sadd.s32 s1, s30  }
0xbb: {  	s0 =	sor.u32 s3, s0;
	s1 =	sshll.u32 s1, $0x11  }
0xbc: {  	s0 =	sor.u32 s1, s0  }
0xbd: {  	s0 =	sadd.s32 $0x8F2B, s0  }
0xbe: {  	[sflag:s0] =	ssyncadd.remote.s32 $0x1  }
0xbf: {  	_ =	sfence.sel $0xFFFF  }
0xc0: {  	[dreg:$0x0] =	wrdreg $0xFFFFFFFF;
	(pc) =	sbr.abs _section_cstart, $3  }
0xc1: {  	[dreg:$0x1] =	wrdreg $0xFFFFFFFF  }
0xc2: {  	_ =	task.clear_ibuf [dreg:s7], $0x2FFFF;
	_ =	strace $0x9FFFFFFF  }
0xc3: {  	(tm) =	ssettm $0x7FFFFFFF  }
tec
execute0_lowered:
.L_overlay_start_1:
0x0: {  	(tag) =	ssettag $0x1  }
0x1: {  	s1 =	rddreg [dreg:$0x0]  }
0x2: {  	s0 =	rddreg [dreg:$0x1]  }
0x3: {  	s3 =	rddreg [dreg:$0x2]  }
0x4: {  	s2 =	srdreg.scid;
	s8 =	stileid.u32;
	s4 =	simm.s32 $0x0  }
0x5: {  	s13 =	simm.s32 $0x100;
	s15 =	simm.s32 $0x200;
	s17 =	simm.s32 $0x300  }
0x6: {  	s18 =	simm.s32 $0x1;
	s19 =	simm.s32 $0x50;
	s28 =	simm.s32 $0x5  }
0x7: {  	s29 =	simm.s32 $0x80;
	s30 =	simm.s32 $0x6;
	s31 =	simm.s32 $0x180  }
0x8: {  	s12 =	simm.s32 $0xA;
	s14 =	simm.s32 $0xB;
	s16 =	simm.s32 $0xC  }
0x9: {  	s2 =	sand.u32 $0x1, s2;
	s7 =	smul.u32 $0x14000, s8;
	[smem:$0x7FF] =	sst s4  }
0xa: {  	s20 =	smul.u32 $0x50000, s8;
	s9 =	sadd.s32 $0x25A00, s0;
	s5 =	sshll.u32 s2, $0x4  }
0xb: {  	s6 =	smul.u32 $0x140000, s2;
	_ =	strace $0x80000047;
	[dreg:$0x4] =	wrdreg s9  }
0xc: {  	s2 =	ssub.s32 $0x2, s2;
	s9 =	simm.s32 $0x9;
	s5 =	sor.u32 s8, s5  }
0xd: {  	s21 =	sshrl.u32 s2, $0x1;
	s8 =	sshll.u32 s8, $0x6;
	s5 =	smul.u32 $0xFA0, s5  }
0xe: {  	s6 =	sadd.s32 s7, s6;
	s7 =	sshrl.u32 s20, $0x2;
	s2 =	ssub.s32 s2, s21  }
0xf: {  	s10 =	sor.u32 $0x1C0D, s8;
	s20 =	simm.s32 $0x400;
	s21 =	simm.s32 $0x2  }
0x10: {  	s8 =	simm.s32 $0x380;
	s6 =	sshrl.u32 s6, $0x3;
	s22 =	sadd.s32 s7, s3  }
0x11: {  	s23 =	smax.u32 s2, $0x1;
	[dreg:$0x5] =	wrdreg s10;
	s5 =	sadd.s32 s5, s0  }
0x12: {  	s0 =	sadd.s32 s6, s0;
	[dreg:$0x7] =	wrdreg s23;
	s6 =	simm.s32 $0x0  }
0x13: {  	s2 =	simm.s32 $0x280;
	s11 =	sshrl.u32 s22, $0x3;
	[dreg:$0xc] =	wrdreg s6  }
0x14: {  	s7 =	sadd.s32 $0x6600, s5;
	s0 =	sadd.s32 $0x28200, s0;
	[dreg:$0x8] =	wrdreg s11  }
.Ltmp0:
0x15: {  	[dreg:$0x6] =	wrdreg s0;
	s24 =	sadd.s32 $0x20, s7;
	(pc) =	sbr.rel .LBB2_1-.Ltmp0, $4  }
0x16: {  	s22 =	simm.s32 $0x2C00;
	s25 =	sadd.s32 $0x40, s7;
	[dreg:$0x9] =	wrdreg s24  }
0x17: {  	s23 =	simm.s32 $0x3;
	s26 =	sadd.s32 $0x60, s7;
	[dreg:$0xa] =	wrdreg s25  }
0x18: {  	s5 =	simm.s32 $0x8;
	s0 =	simm.s32 $0x7;
	[dreg:$0xb] =	wrdreg s26  }
0x19: {  	s24 =	simm.s32 $0x5400;
	s25 =	simm.s32 $0x4;
	s26 =	simm.s32 $0x7C00  }
.LBB2_4:
0x1a: {  	_ =	swait.ge [sflag:s14], $0x2800  }
0x1b: {  	[sflag:s14] =	ssyncset.done $0x0  }
0x1c: {  	[sflag:s14] =	ssyncadd.s32 $0xFFFFD800  }
0x1d: {  	_ =	swait.ge [sflag:s16], $0x2800  }
0x1e: {  	[sflag:s16] =	ssyncset.done $0x0  }
0x1f: {  	[sflag:s16] =	ssyncadd.s32 $0xFFFFD800  }
0x20: {  	_ =	swait.ge [sflag:s28], $0x2800  }
0x21: {  	[sflag:s28] =	ssyncset.done $0x0  }
0x22: {  	[sflag:s28] =	ssyncadd.s32 $0xFFFFD800  }
0x23: {  	[spmem:s3] =	stream.indirect.scatter.add.f32 [tilespmem:s20], [sflag:$0x9], $0x80, s29, s19, $0xb8;
	[tilespmem:$0x1E400] =	vst v63  }
0x24: {  	_ =	swait.ge [sflag:s9], $0x2800  }
0x25: {  	[sflag:s9] =	ssyncset.done $0x0  }
0x26: {  	[sflag:s9] =	ssyncadd.s32 $0xFFFFD800  }
0x27: {  	[bflag:$0x0] =	sbarrier.arrive $0xFFFF  }
0x28: {  	s10 =	rddreg [dreg:$0x5]  }
0x29: {  	s6 =	rddreg [dreg:$0x6]  }
0x2a: {  	s11 =	rddreg [dreg:$0x8]  }
0x2b: {  	[hbm:s6], [sflag:s10] =	dma.local [spmem:s11], $0x2800  }
0x2c: {  	s6 =	simm.s32 $0xD  }
0x2d: {  	_ =	swait.ge [sflag:s6], $0x2800  }
0x2e: {  	s10 =	rddreg [dreg:$0xc]  }
0x2f: {  	[sflag:s6] =	ssyncset.done $0x0;
	s6 =	rddreg [dreg:$0x7];
	s10 =	sadd.s32 $0x1, s10  }
0x30: {  	p0 =	sne.s32 s10, s6  }
.Ltmp1:
0x31: {  	_ = 	snop;
	(pc) =	sbr.rel @!p0 .LBB2_5-.Ltmp1, $3  }
0x32: {  	_ =	sdelay $0x1  }
0x33: {  	[dreg:$0xc] =	wrdreg s10;
	s6 =	simm.s32 $0xD  }
0x34: {  	s10 =	rddreg [dreg:$0x5];
	[sflag:s6] =	ssyncadd.s32 $0xFFFFD800  }
.LBB2_1:
0x35: {  	s6 =	rddreg [dreg:$0x4]  }
0x36: {  	[spmem:s11], [sflag:s10] =	dma.local [hbm:s6], $0x2800  }
0x37: {  	s10 =	simm.s32 $0xD  }
0x38: {  	_ =	swait.ge [sflag:s10], $0x2800  }
0x39: {  	[sflag:s10] =	ssyncset.done $0x0  }
0x3a: {  	[sflag:s10] =	ssyncadd.s32 $0xFFFFD800  }
0x3b: {  	[bflag:$0x0] =	sbarrier.arrive $0xFFFF  }
0x3c: {  	[tilespmem:s4], [sflag:$0x1] =	stream.linear.gather [hbm4b:s7+s4], $0x100, $0x38;
	[tilespmem:$0x1E400] =	vst v63  }
0x3d: {  	s11 =	rddreg [dreg:$0x9]  }
0x3e: {  	[tilespmem:s13], [sflag:$0x2] =	stream.linear.gather [hbm4b:s11+s4], $0x100, $0x38;
	[tilespmem:$0x1E400] =	vst v63  }
0x3f: {  	s10 =	rddreg [dreg:$0xa]  }
0x40: {  	[tilespmem:s15], [sflag:$0x3] =	stream.linear.gather [hbm4b:s10+s4], $0x100, $0x38;
	[tilespmem:$0x1E400] =	vst v63  }
0x41: {  	s11 =	rddreg [dreg:$0xb]  }
0x42: {  	[tilespmem:s17], [sflag:$0x4] =	stream.linear.gather [hbm4b:s11+s4], $0x100, $0x38;
	[tilespmem:$0x1E400] =	vst v63  }
0x43: {  	_ =	swait.ge [sflag:s18], $0x100  }
0x44: {  	[sflag:s18] =	ssyncset.done $0x0  }
0x45: {  	[sflag:s18] =	ssyncadd.s32 $0xFFFFFF00  }
0x46: {  	[tilespmem:s20], [sflag:$0x5] =	stream.indirect.gather [hbm4b:s1+s19], $0x80, s4, s19, $0xb8;
	[tilespmem:$0x1E400] =	vst v63  }
0x47: {  	_ =	swait.ge [sflag:s21], $0x100  }
0x48: {  	[sflag:s21] =	ssyncset.done $0x0  }
0x49: {  	[sflag:s21] =	ssyncadd.s32 $0xFFFFFF00  }
0x4a: {  	[tilespmem:s22], [sflag:$0x6] =	stream.indirect.gather [hbm4b:s1+s19], $0x80, s13, s19, $0xb8;
	[tilespmem:$0x1E400] =	vst v63  }
0x4b: {  	_ =	swait.ge [sflag:s23], $0x100  }
0x4c: {  	[sflag:s23] =	ssyncset.done $0x0  }
0x4d: {  	[sflag:s23] =	ssyncadd.s32 $0xFFFFFF00  }
0x4e: {  	[tilespmem:s24], [sflag:$0x7] =	stream.indirect.gather [hbm4b:s1+s19], $0x80, s15, s19, $0xb8;
	[tilespmem:$0x1E400] =	vst v63  }
0x4f: {  	_ =	swait.ge [sflag:s25], $0x100  }
0x50: {  	[sflag:s25] =	ssyncset.done $0x0  }
0x51: {  	s10 =	simm.s32 $0xFFFFF100;
	[sflag:s25] =	ssyncadd.s32 $0xFFFFFF00  }
0x52: {  	[tilespmem:s26], [sflag:$0x8] =	stream.indirect.gather [hbm4b:s1+s19], $0x80, s17, s19, $0xb8;
	[tilespmem:$0x1E400] =	vst v63  }
.LBB2_2:
0x53: {  	_ =	swait.ge [sflag:s28], $0x2800  }
0x54: {  	[sflag:s28] =	ssyncset.done $0x0  }
0x55: {  	[sflag:s28] =	ssyncadd.s32 $0xFFFFD800  }
0x56: {  	[spmem:s3] =	stream.indirect.scatter.add.f32 [tilespmem:s20], [sflag:$0x9], $0x80, s29, s19, $0xb8;
	[tilespmem:$0x1E400] =	vst v63  }
0x57: {  	_ =	swait.ge [sflag:s30], $0x2800  }
0x58: {  	[sflag:s30] =	ssyncset.done $0x0  }
0x59: {  	[sflag:s30] =	ssyncadd.s32 $0xFFFFD800  }
0x5a: {  	[spmem:s3] =	stream.indirect.scatter.add.f32 [tilespmem:s22], [sflag:$0xA], $0x80, s31, s19, $0xb8;
	[tilespmem:$0x1E400] =	vst v63  }
0x5b: {  	_ =	swait.ge [sflag:s0], $0x2800  }
0x5c: {  	[sflag:s0] =	ssyncset.done $0x0  }
0x5d: {  	[sflag:s0] =	ssyncadd.s32 $0xFFFFD800  }
0x5e: {  	[spmem:s3] =	stream.indirect.scatter.add.f32 [tilespmem:s24], [sflag:$0xB], $0x80, s2, s19, $0xb8;
	[tilespmem:$0x1E400] =	vst v63  }
0x5f: {  	_ =	swait.ge [sflag:s5], $0x2800  }
0x60: {  	[sflag:s5] =	ssyncset.done $0x0  }
0x61: {  	[sflag:s5] =	ssyncadd.s32 $0xFFFFD800  }
0x62: {  	[spmem:s3] =	stream.indirect.scatter.add.f32 [tilespmem:s26], [sflag:$0xC], $0x80, s8, s19, $0xb8;
	[tilespmem:$0x1E400] =	vst v63  }
0x63: {  	_ =	swait.ge [sflag:s9], $0x2800  }
0x64: {  	s11 =	sadd.s32 s10, s7;
	[sflag:s9] =	ssyncset.done $0x0  }
0x65: {  	s6 =	sadd.s32 $0xF80, s11;
	[sflag:s9] =	ssyncadd.s32 $0xFFFFD800  }
0x66: {  	[tilespmem:s4], [sflag:$0x1] =	stream.linear.gather [hbm4b:s6+s4], $0x100, $0x38;
	[tilespmem:$0x1E400] =	vst v63  }
0x67: {  	_ =	swait.ge [sflag:s18], $0x100  }
0x68: {  	p0 =	seq.s32 s10, $0x0;
	[sflag:s18] =	ssyncset.done $0x0  }
.Ltmp2:
0x69: {  	[sflag:s18] =	ssyncadd.s32 $0xFFFFFF00;
	(pc) =	sbr.rel @p0 .LBB2_4-.Ltmp2, $4  }
0x6a: {  	[tilespmem:s20], [sflag:$0x5] =	stream.indirect.gather [hbm4b:s1+s19], $0x80, s4, s19, $0xb8;
	[tilespmem:$0x1E400] =	vst v63  }
0x6b: {  	_ =	swait.ge [sflag:s12], $0x2800  }
0x6c: {  	[sflag:s12] =	ssyncset.done $0x0  }
0x6d: {  	[sflag:s12] =	ssyncadd.s32 $0xFFFFD800  }
0x6e: {  	s6 =	sadd.s32 $0xFA0, s11  }
0x6f: {  	[tilespmem:s13], [sflag:$0x2] =	stream.linear.gather [hbm4b:s6+s4], $0x100, $0x38;
	[tilespmem:$0x1E400] =	vst v63  }
0x70: {  	_ =	swait.ge [sflag:s21], $0x100  }
0x71: {  	[sflag:s21] =	ssyncset.done $0x0  }
0x72: {  	[sflag:s21] =	ssyncadd.s32 $0xFFFFFF00  }
0x73: {  	[tilespmem:s22], [sflag:$0x6] =	stream.indirect.gather [hbm4b:s1+s19], $0x80, s13, s19, $0xb8;
	[tilespmem:$0x1E400] =	vst v63  }
0x74: {  	_ =	swait.ge [sflag:s14], $0x2800  }
0x75: {  	[sflag:s14] =	ssyncset.done $0x0  }
0x76: {  	s6 =	sadd.s32 $0xFC0, s11;
	[sflag:s14] =	ssyncadd.s32 $0xFFFFD800  }
0x77: {  	[tilespmem:s15], [sflag:$0x3] =	stream.linear.gather [hbm4b:s6+s4], $0x100, $0x38;
	[tilespmem:$0x1E400] =	vst v63  }
0x78: {  	_ =	swait.ge [sflag:s23], $0x100  }
0x79: {  	[sflag:s23] =	ssyncset.done $0x0  }
0x7a: {  	[sflag:s23] =	ssyncadd.s32 $0xFFFFFF00  }
0x7b: {  	[tilespmem:s24], [sflag:$0x7] =	stream.indirect.gather [hbm4b:s1+s19], $0x80, s15, s19, $0xb8;
	[tilespmem:$0x1E400] =	vst v63  }
0x7c: {  	_ =	swait.ge [sflag:s16], $0x2800  }
0x7d: {  	[sflag:s16] =	ssyncset.done $0x0  }
0x7e: {  	s11 =	sadd.s32 $0xFE0, s11;
	[sflag:s16] =	ssyncadd.s32 $0xFFFFD800  }
0x7f: {  	[tilespmem:s17], [sflag:$0x4] =	stream.linear.gather [hbm4b:s11+s4], $0x100, $0x38;
	[tilespmem:$0x1E400] =	vst v63  }
.Ltmp3:
0x80: {  	_ = 	snop;
	(pc) =	sbr.rel .LBB2_2-.Ltmp3, $4  }
0x81: {  	_ =	swait.ge [sflag:s25], $0x100  }
0x82: {  	[sflag:s25] =	ssyncset.done $0x0  }
0x83: {  	s10 =	sadd.s32 $0x80, s10;
	[sflag:s25] =	ssyncadd.s32 $0xFFFFFF00  }
0x84: {  	[tilespmem:s26], [sflag:$0x8] =	stream.indirect.gather [hbm4b:s1+s19], $0x80, s17, s19, $0xb8;
	[tilespmem:$0x1E400] =	vst v63  }
.LBB2_5:
0x85: {  	_ =	sfence.sel $0x180000  }
0x86: {  	[bflag:$0x0] =	sbarrier.arrive $0xFFFF  }
0x87: {  	_ =	strace $0x90000047  }
0x88: {  	s0 =	stileid.u32;
	[bflag:$0x2] =	sbarrier.arrive $0xFFFF  }
0x89: {  	p0 =	sne.s32 s0, $0x0;
	s0 =	rddreg [dreg:$0x3]  }
0x8a: {  	s0 =	sadd.s32 @!p0 $0x100000, s0  }
0x8b: {  	[sflag:s0] =	ssyncadd.tile.s32 @!p0 $0x1;
	_ =	shalt  }
.Lfunc_end2:
_tile_overlayer_lowered:
.L_overlay_start_2:
0x8c: {  	(tag) =	ssettag $0x2  }
0x8d: {  	s0 =	rddreg [dreg:$0x0];
	s2 =	stileid.u32  }
0x8e: {  	s1 =	rddreg [dreg:$0x1];
	p0 =	sne.s32 s2, $0x0  }
0x8f: {  	s3 =	rddreg [dreg:$0x2];
	[bflag:$0x3] =	sbarrier.arrive $0xFFFF;
	s2 =	simm.s32 @!p0 $0x1C0D  }
0x90: {  	[timem:s3], [sflag:s2] =	dma.local @!p0 [hbm:s0], s1  }
0x91: {  	s0 =	simm.s32 @!p0 $0xD  }
0x92: {  	_ =	swait.ge @!p0 [sflag:s0], s1  }
0x93: {  	s1 =	ssub.s32 @!p0 $0x0, s1;
	[sflag:s0] =	ssyncset.done @!p0 $0x0  }
0x94: {  	[sflag:s0] =	ssyncadd.s32 @!p0 s1  }
0x95: {  	[bflag:$0x3] =	sbarrier.arrive $0xFFFF  }
0x96: {  	_ =	shalt  }

</sc_bundles>
